<compile_context>
chip_gen: v7x
topology: tpu7x:2x2x1
jax: 0.10.2.dev20260603
libtpu: 0.0.44.dev20260713+nightly
codegen_flags: <defaults>
</compile_context>

<pallas_src>
import functools

import jax
import jax.numpy as jnp
from jax import lax
from jax.experimental import pallas as pl
from jax.experimental.pallas import tpu as pltpu
from jax.experimental.pallas import tpu_sc as plsc

_N = 500000
_C = 100
_NBINS = 10

_NSC = 128000
_NTC = _N - _NSC
_NW = 32
_RPW = _NSC // _NW
_CHUNK = 400
_NCH = _RPW // _CHUNK
_GRP = _CHUNK // 16

_BLK = 12000
_NBLKA = _NTC // _BLK
_BN_ROWS = 5000
_BN_COLS = 100
_BN_BLK = 1000


def _rows_kernel(x_ref, tgt_ref, conf_ref, acc_ref):
    xt = jnp.swapaxes(x_ref[...], 0, 1)
    m = jnp.max(xt, axis=0, keepdims=True)
    e = jnp.exp(xt - m)
    s = jnp.sum(e, axis=0, keepdims=True)
    conf_ref[0] = 1.0 / s
    iota = jax.lax.broadcasted_iota(jnp.int32, xt.shape, 0)
    tval = jnp.max(jnp.where(iota == tgt_ref[0], xt, -jnp.inf), axis=0, keepdims=True)
    acc_ref[0] = (tval == m).astype(jnp.float32)


def _sc_rows(x_hbm, tgt_hbm, conf_hbm, acc_hbm, xbuf, tbuf, cbuf, abuf):
    wid = lax.axis_index("s") * 2 + lax.axis_index("c")
    riota = lax.iota(jnp.int32, 16)
    m_a6 = riota < 4
    m_b6 = riota >= 4
    m_b12 = riota < 8
    lane_eq = [riota == j for j in range(16)]
    pos = [16 * k + riota for k in range(13)]
    neg = jnp.float32(-jnp.inf)
    zero16 = jnp.zeros((16,), jnp.float32)

    rot = [jnp.bitwise_and(riota + sh, 15) for sh in (1, 2, 4, 8)]

    def allmax(v):
        for r in rot:
            v = jnp.maximum(v, jnp.take(v, r))
        return v

    def allsum(v):
        for r in rot:
            v = v + jnp.take(v, r)
        return v

    def row_stats(v, masks, krange, poff, tgt_splat):
        ts = tgt_splat + poff
        am = neg * jnp.ones((16,), jnp.float32)
        for k in krange:
            vk = jnp.where(masks[k], v[k], neg) if k in masks else v[k]
            am = jnp.maximum(am, vk)
        m = allmax(am)
        ae = zero16
        tv = neg * jnp.ones((16,), jnp.float32)
        for k in krange:
            e = jnp.exp(v[k] - m)
            if k in masks:
                e = jnp.where(masks[k], e, 0.0)
            ae = ae + e
            tv = jnp.maximum(tv, jnp.where(pos[k] == ts, v[k], neg))
        return m, allsum(ae), allmax(tv)

    def chunk_body(ch, carry):
        obase = wid * _RPW + ch * _CHUNK
        rbase = _NTC + obase
        pltpu.sync_copy(x_hbm.at[pl.ds(rbase * _C, _CHUNK * _C)], xbuf.at[pl.ds(0, _CHUNK * _C)])
        pltpu.sync_copy(tgt_hbm.at[pl.ds(rbase, _CHUNK)], tbuf)

        def group_body(g, carry2):
            tvec = tbuf[pl.ds(g * 16, 16)]
            s_vec = jnp.ones((16,), jnp.float32)
            m_vec = zero16
            t_vec = zero16
            for pr in range(8):
                base = g * 16 * _C + pr * 2 * _C
                v = [xbuf[pl.ds(base + 16 * k, 16)] for k in range(13)]
                ta = jnp.take(tvec, jnp.bitwise_and(riota * 0 + 2 * pr, 15))
                tb = jnp.take(tvec, jnp.bitwise_and(riota * 0 + 2 * pr + 1, 15))
                ma, sa, tva = row_stats(v, {6: m_a6}, range(7), 0, ta)
                mb, sb, tvb = row_stats(v, {6: m_b6, 12: m_b12}, range(6, 13), _C, tb)
                for val, vecidx in ((ma, 0), (mb, 1)):
                    m_vec = jnp.where(lane_eq[2 * pr + vecidx], val, m_vec)
                for val, vecidx in ((sa, 0), (sb, 1)):
                    s_vec = jnp.where(lane_eq[2 * pr + vecidx], val, s_vec)
                for val, vecidx in ((tva, 0), (tvb, 1)):
                    t_vec = jnp.where(lane_eq[2 * pr + vecidx], val, t_vec)
            cbuf[pl.ds(g * 16, 16)] = 1.0 / s_vec
            abuf[pl.ds(g * 16, 16)] = jnp.where(t_vec == m_vec, 1.0, 0.0)
            return carry2

        lax.fori_loop(0, _CHUNK // 16, group_body, 0)
        pltpu.sync_copy(cbuf, conf_hbm.at[pl.ds(obase, _CHUNK)])
        pltpu.sync_copy(abuf, acc_hbm.at[pl.ds(obase, _CHUNK)])
        return carry

    lax.fori_loop(0, _NCH, chunk_body, 0)


def _hist_kernel(bounds_ref, conf_ref, accv_ref, out_ref, cnt_ref, sum_ref, *, nsteps):
    step = pl.program_id(0)

    @pl.when(step == 0)
    def _init():
        cnt_ref[...] = jnp.zeros_like(cnt_ref)
        sum_ref[...] = jnp.zeros_like(sum_ref)

    c = conf_ref[...]
    a = accv_ref[...]
    for i in range(_NBINS):
        lo = bounds_ref[0, i]
        hi = bounds_ref[1, i]
        inside = (c > lo) & (c <= hi)
        insf = inside.astype(jnp.float32)
        cnt_ref[i : i + 1, :] += jnp.sum(insf, axis=0, keepdims=True)
        sum_ref[i : i + 1, :] += jnp.sum(jnp.where(inside, a, 0.0), axis=0, keepdims=True)

    @pl.when(step == nsteps - 1)
    def _fin():
        cr = jnp.sum(cnt_ref[...], axis=1, keepdims=True)
        ar = jnp.sum(sum_ref[...], axis=1, keepdims=True)
        out_ref[...] = jnp.where(cr > 0, ar / jnp.maximum(cr, 1.0), 0.0)


@jax.jit
def kernel(logits, targets):
    tgt32 = targets.astype(jnp.int32)
    tgt_tc = tgt32[:_NTC].reshape(_NBLKA, 1, _BLK)

    conf_tc, acc_tc = pl.pallas_call(
        _rows_kernel,
        grid=(_NBLKA,),
        in_specs=[
            pl.BlockSpec((_BLK, _C), lambda i: (i, 0)),
            pl.BlockSpec((1, 1, _BLK), lambda i: (i, 0, 0)),
        ],
        out_specs=[
            pl.BlockSpec((1, 1, _BLK), lambda i: (i, 0, 0)),
            pl.BlockSpec((1, 1, _BLK), lambda i: (i, 0, 0)),
        ],
        out_shape=[
            jax.ShapeDtypeStruct((_NBLKA, 1, _BLK), jnp.float32),
            jax.ShapeDtypeStruct((_NBLKA, 1, _BLK), jnp.float32),
        ],
    )(logits, tgt_tc)

    sc_kernel = functools.partial(
        pl.kernel,
        mesh=plsc.VectorSubcoreMesh(core_axis_name="c", subcore_axis_name="s"),
        out_type=[
            jax.ShapeDtypeStruct((_NSC,), jnp.float32),
            jax.ShapeDtypeStruct((_NSC,), jnp.float32),
        ],
        scratch_types=[
            pltpu.VMEM((_CHUNK * _C + 16,), jnp.float32),
            pltpu.VMEM((_CHUNK,), jnp.int32),
            pltpu.VMEM((_CHUNK,), jnp.float32),
            pltpu.VMEM((_CHUNK,), jnp.float32),
        ],
    )(_sc_rows)
    conf_sc, acc_sc = sc_kernel(logits.reshape(_N * _C), tgt32)

    conf = jnp.concatenate([conf_tc.reshape(_NTC), conf_sc])
    accv = jnp.concatenate([acc_tc.reshape(_NTC), acc_sc])

    interval = jnp.linspace(0.0, 1.0, _NBINS + 1)
    bounds = jnp.zeros((2, _NBINS), jnp.float32)
    bounds = bounds.at[0, :].set(interval[:-1]).at[1, :].set(interval[1:])

    nsteps_b = _BN_ROWS // _BN_BLK
    out = pl.pallas_call(
        functools.partial(_hist_kernel, nsteps=nsteps_b),
        grid=(nsteps_b,),
        in_specs=[
            pl.BlockSpec(memory_space=pltpu.SMEM),
            pl.BlockSpec((_BN_BLK, _BN_COLS), lambda i: (i, 0)),
            pl.BlockSpec((_BN_BLK, _BN_COLS), lambda i: (i, 0)),
        ],
        out_specs=pl.BlockSpec((16, 1), lambda i: (0, 0)),
        out_shape=jax.ShapeDtypeStruct((16, 1), jnp.float32),
        scratch_shapes=[
            pltpu.VMEM((16, _BN_COLS), jnp.float32),
            pltpu.VMEM((16, _BN_COLS), jnp.float32),
        ],
    )(bounds, conf.reshape(_BN_ROWS, _BN_COLS), accv.reshape(_BN_ROWS, _BN_COLS))

    return out[:_NBINS, :]

# --- scband reference (transcript-rebuilt; emitter-appended) ---
"""Pipeline reference for scband-calibration-curve-9337258901736 (READ-ONLY COPY).

The authoritative reference and input builder live on the scoring server;
editing this copy changes nothing except your own understanding.
"""

import jax, jax.numpy as jnp
import numpy as np

NUMBER_BINS = 10

def setup_inputs(seed: int = 0) -> dict:
    key = jax.random.key(seed)
    k1, k2 = jax.random.split(key)
    logits = jax.random.normal(k1, (500000, 100), dtype=jnp.float32)
    targets = jax.random.randint(k2, (500000,), 0, 100, dtype=jnp.int64)
    return {"logits": logits, "targets": targets}

def reference(logits, targets):
    interval = jnp.linspace(0.0, 1.0, NUMBER_BINS + 1)
    lower = interval[:-1]
    upper = interval[1:]
    all_softmaxes = jax.nn.softmax(logits, axis=1)
    confidences = jnp.max(all_softmaxes, axis=1)
    preds = jnp.argmax(all_softmaxes, axis=1)
    accuracies = (preds == targets).astype(jnp.float32)
    # inside_bin[i, n] = conf[n] > lower[i] and conf[n] <= upper[i]
    inside = (confidences[None, :] > lower[:, None]) & (confidences[None, :] <= upper[:, None])
    inside_f = inside.astype(jnp.float32)
    sum_in_bin = jnp.sum(inside_f, axis=1)
    sum_acc_in_bin = inside_f @ accuracies
    values = jnp.where(sum_in_bin > 0, sum_acc_in_bin / jnp.maximum(sum_in_bin, 1.0), 0.0)
    return values[:, None]

if __name__ == "__main__":
    import jax
    _d = setup_inputs()
    print(jax.jit(kernel)(*tuple(_d.values())))

</pallas_src>

<mosaic_0001>
#map = affine_map<(d0, d1) -> (0)>
module attributes {stable_mosaic.version = 14 : i64} {
  func.func @_sc_rows(%arg0: i32, %arg1: i32, %arg2: memref<50000000xf32, #tpu.memory_space<hbm>>, %arg3: memref<500000xi32, #tpu.memory_space<hbm>>, %arg4: memref<128000xf32, #tpu.memory_space<hbm>>, %arg5: memref<128000xf32, #tpu.memory_space<hbm>>, %arg6: memref<40016xf32, #tpu.memory_space<vmem>>, %arg7: memref<400xi32, #tpu.memory_space<vmem>>, %arg8: memref<400xf32, #tpu.memory_space<vmem>>, %arg9: memref<400xf32, #tpu.memory_space<vmem>>) attributes {dimension_semantics = [#tpu.dimension_semantics<core_parallel>, #tpu.dimension_semantics<subcore_parallel>], iteration_bounds = array<i64: 2, 16>, scalar_prefetch = 0 : i64, scratch_operands = 4 : i64, tpu.core_type = #tpu.core_type<sc_vector_subcore>, window_params = [{transform_indices = #map}, {transform_indices = #map}, {transform_indices = #map}, {transform_indices = #map}]} {
    %mul3A = arith.constant 2 : i32
    %mul3A_0 = arith.muli %arg1, %mul3A : i32
    %add3A = arith.addi %mul3A_0, %arg0 : i32
    %iota3A = tpu.iota {dimensions = array<i32: 0>} : vector<16xi32>
    %lt3A = arith.constant 4 : i32
    %lt3A_1 = vector.broadcast %lt3A : i32 to vector<16xi32>
    %lt3A_2 = arith.cmpi slt, %iota3A, %lt3A_1 : vector<16xi32>
    %ge3A = arith.constant 4 : i32
    %ge3A_3 = vector.broadcast %ge3A : i32 to vector<16xi32>
    %ge3A_4 = arith.cmpi sge, %iota3A, %ge3A_3 : vector<16xi32>
    %lt3A_5 = arith.constant 8 : i32
    %lt3A_6 = vector.broadcast %lt3A_5 : i32 to vector<16xi32>
    %lt3A_7 = arith.cmpi slt, %iota3A, %lt3A_6 : vector<16xi32>
    %eq3A = arith.constant 0 : i32
    %eq3A_8 = vector.broadcast %eq3A : i32 to vector<16xi32>
    %eq3A_9 = arith.cmpi eq, %iota3A, %eq3A_8 : vector<16xi32>
    %eq3A_10 = arith.constant 1 : i32
    %eq3A_11 = vector.broadcast %eq3A_10 : i32 to vector<16xi32>
    %eq3A_12 = arith.cmpi eq, %iota3A, %eq3A_11 : vector<16xi32>
    %eq3A_13 = arith.constant 2 : i32
    %eq3A_14 = vector.broadcast %eq3A_13 : i32 to vector<16xi32>
    %eq3A_15 = arith.cmpi eq, %iota3A, %eq3A_14 : vector<16xi32>
    %eq3A_16 = arith.constant 3 : i32
    %eq3A_17 = vector.broadcast %eq3A_16 : i32 to vector<16xi32>
    %eq3A_18 = arith.cmpi eq, %iota3A, %eq3A_17 : vector<16xi32>
    %eq3A_19 = arith.constant 4 : i32
    %eq3A_20 = vector.broadcast %eq3A_19 : i32 to vector<16xi32>
    %eq3A_21 = arith.cmpi eq, %iota3A, %eq3A_20 : vector<16xi32>
    %eq3A_22 = arith.constant 5 : i32
    %eq3A_23 = vector.broadcast %eq3A_22 : i32 to vector<16xi32>
    %eq3A_24 = arith.cmpi eq, %iota3A, %eq3A_23 : vector<16xi32>
    %eq3A_25 = arith.constant 6 : i32
    %eq3A_26 = vector.broadcast %eq3A_25 : i32 to vector<16xi32>
    %eq3A_27 = arith.cmpi eq, %iota3A, %eq3A_26 : vector<16xi32>
    %eq3A_28 = arith.constant 7 : i32
    %eq3A_29 = vector.broadcast %eq3A_28 : i32 to vector<16xi32>
    %eq3A_30 = arith.cmpi eq, %iota3A, %eq3A_29 : vector<16xi32>
    %eq3A_31 = arith.constant 8 : i32
    %eq3A_32 = vector.broadcast %eq3A_31 : i32 to vector<16xi32>
    %eq3A_33 = arith.cmpi eq, %iota3A, %eq3A_32 : vector<16xi32>
    %eq3A_34 = arith.constant 9 : i32
    %eq3A_35 = vector.broadcast %eq3A_34 : i32 to vector<16xi32>
    %eq3A_36 = arith.cmpi eq, %iota3A, %eq3A_35 : vector<16xi32>
    %eq3A_37 = arith.constant 10 : i32
    %eq3A_38 = vector.broadcast %eq3A_37 : i32 to vector<16xi32>
    %eq3A_39 = arith.cmpi eq, %iota3A, %eq3A_38 : vector<16xi32>
    %eq3A_40 = arith.constant 11 : i32
    %eq3A_41 = vector.broadcast %eq3A_40 : i32 to vector<16xi32>
    %eq3A_42 = arith.cmpi eq, %iota3A, %eq3A_41 : vector<16xi32>
    %eq3A_43 = arith.constant 12 : i32
    %eq3A_44 = vector.broadcast %eq3A_43 : i32 to vector<16xi32>
    %eq3A_45 = arith.cmpi eq, %iota3A, %eq3A_44 : vector<16xi32>
    %eq3A_46 = arith.constant 13 : i32
    %eq3A_47 = vector.broadcast %eq3A_46 : i32 to vector<16xi32>
    %eq3A_48 = arith.cmpi eq, %iota3A, %eq3A_47 : vector<16xi32>
    %eq3A_49 = arith.constant 14 : i32
    %eq3A_50 = vector.broadcast %eq3A_49 : i32 to vector<16xi32>
    %eq3A_51 = arith.cmpi eq, %iota3A, %eq3A_50 : vector<16xi32>
    %eq3A_52 = arith.constant 15 : i32
    %eq3A_53 = vector.broadcast %eq3A_52 : i32 to vector<16xi32>
    %eq3A_54 = arith.cmpi eq, %iota3A, %eq3A_53 : vector<16xi32>
    %add3A_55 = arith.constant 0 : i32
    %add3A_56 = vector.broadcast %add3A_55 : i32 to vector<16xi32>
    %add3A_57 = arith.addi %add3A_56, %iota3A : vector<16xi32>
    %add3A_58 = arith.constant 16 : i32
    %add3A_59 = vector.broadcast %add3A_58 : i32 to vector<16xi32>
    %add3A_60 = arith.addi %add3A_59, %iota3A : vector<16xi32>
    %add3A_61 = arith.constant 32 : i32
    %add3A_62 = vector.broadcast %add3A_61 : i32 to vector<16xi32>
    %add3A_63 = arith.addi %add3A_62, %iota3A : vector<16xi32>
    %add3A_64 = arith.constant 48 : i32
    %add3A_65 = vector.broadcast %add3A_64 : i32 to vector<16xi32>
    %add3A_66 = arith.addi %add3A_65, %iota3A : vector<16xi32>
    %add3A_67 = arith.constant 64 : i32
    %add3A_68 = vector.broadcast %add3A_67 : i32 to vector<16xi32>
    %add3A_69 = arith.addi %add3A_68, %iota3A : vector<16xi32>
    %add3A_70 = arith.constant 80 : i32
    %add3A_71 = vector.broadcast %add3A_70 : i32 to vector<16xi32>
    %add3A_72 = arith.addi %add3A_71, %iota3A : vector<16xi32>
    %add3A_73 = arith.constant 96 : i32
    %add3A_74 = vector.broadcast %add3A_73 : i32 to vector<16xi32>
    %add3A_75 = arith.addi %add3A_74, %iota3A : vector<16xi32>
    %add3A_76 = arith.constant 112 : i32
    %add3A_77 = vector.broadcast %add3A_76 : i32 to vector<16xi32>
    %add3A_78 = arith.addi %add3A_77, %iota3A : vector<16xi32>
    %add3A_79 = arith.constant 128 : i32
    %add3A_80 = vector.broadcast %add3A_79 : i32 to vector<16xi32>
    %add3A_81 = arith.addi %add3A_80, %iota3A : vector<16xi32>
    %add3A_82 = arith.constant 144 : i32
    %add3A_83 = vector.broadcast %add3A_82 : i32 to vector<16xi32>
    %add3A_84 = arith.addi %add3A_83, %iota3A : vector<16xi32>
    %add3A_85 = arith.constant 160 : i32
    %add3A_86 = vector.broadcast %add3A_85 : i32 to vector<16xi32>
    %add3A_87 = arith.addi %add3A_86, %iota3A : vector<16xi32>
    %add3A_88 = arith.constant 176 : i32
    %add3A_89 = vector.broadcast %add3A_88 : i32 to vector<16xi32>
    %add3A_90 = arith.addi %add3A_89, %iota3A : vector<16xi32>
    %add3A_91 = arith.constant 192 : i32
    %add3A_92 = vector.broadcast %add3A_91 : i32 to vector<16xi32>
    %add3A_93 = arith.addi %add3A_92, %iota3A : vector<16xi32>
    %broadcast_in_dim3A = arith.constant 0.000000e+00 : f32
    %broadcast_in_dim3A_94 = vector.broadcast %broadcast_in_dim3A : f32 to vector<16xf32>
    %add3A_95 = arith.constant 1 : i32
    %add3A_96 = vector.broadcast %add3A_95 : i32 to vector<16xi32>
    %add3A_97 = arith.addi %iota3A, %add3A_96 : vector<16xi32>
    %and3A = arith.constant 15 : i32
    %and3A_98 = vector.broadcast %and3A : i32 to vector<16xi32>
    %and3A_99 = arith.andi %add3A_97, %and3A_98 : vector<16xi32>
    %add3A_100 = arith.constant 2 : i32
    %add3A_101 = vector.broadcast %add3A_100 : i32 to vector<16xi32>
    %add3A_102 = arith.addi %iota3A, %add3A_101 : vector<16xi32>
    %and3A_103 = arith.constant 15 : i32
    %and3A_104 = vector.broadcast %and3A_103 : i32 to vector<16xi32>
    %and3A_105 = arith.andi %add3A_102, %and3A_104 : vector<16xi32>
    %add3A_106 = arith.constant 4 : i32
    %add3A_107 = vector.broadcast %add3A_106 : i32 to vector<16xi32>
    %add3A_108 = arith.addi %iota3A, %add3A_107 : vector<16xi32>
    %and3A_109 = arith.constant 15 : i32
    %and3A_110 = vector.broadcast %and3A_109 : i32 to vector<16xi32>
    %and3A_111 = arith.andi %add3A_108, %and3A_110 : vector<16xi32>
    %add3A_112 = arith.constant 8 : i32
    %add3A_113 = vector.broadcast %add3A_112 : i32 to vector<16xi32>
    %add3A_114 = arith.addi %iota3A, %add3A_113 : vector<16xi32>
    %and3A_115 = arith.constant 15 : i32
    %and3A_116 = vector.broadcast %and3A_115 : i32 to vector<16xi32>
    %and3A_117 = arith.andi %add3A_114, %and3A_116 : vector<16xi32>
    %scan3A = arith.constant 0 : i32
    %scan3A_118 = arith.constant 0xFF800000 : f32
    %scan3A_119 = arith.constant 0 : i32
    %scan3A_120 = arith.constant 10 : i32
    %scan3A_121 = arith.addi %scan3A_119, %scan3A_120 : i32
    %scan3A_122 = arith.constant 1 : i32
    scf.for %scan3A_124 = %scan3A_119 to %scan3A_121 step %scan3A_122  : i32 {
      %mul3A_125 = arith.constant 4000 : i32
      %mul3A_126 = arith.muli %add3A, %mul3A_125 : i32
      %mul3A_127 = arith.constant 400 : i32
      %mul3A_128 = arith.muli %scan3A_124, %mul3A_127 : i32
      %add3A_129 = arith.addi %mul3A_126, %mul3A_128 : i32
      %add3A_130 = arith.constant 372000 : i32
      %add3A_131 = arith.addi %add3A_130, %add3A_129 : i32
      %mul3A_132 = arith.constant 100 : i32
      %mul3A_133 = arith.muli %add3A_131, %mul3A_132 : i32
      "tpu.region"() ({
        %run_scoped3A = tpu.sem_alloc : memref<!tpu.dma_semaphore, #tpu.memory_space<semaphore_mem>>
        %dma_start3A = arith.constant 0 : i32
        %dma_start3A_140 = tpu.memref_slice %arg6[%dma_start3A] : memref<40016xf32, #tpu.memory_space<vmem>> -> memref<40000xf32, #tpu.memory_space<vmem>>
        %dma_start3A_141 = tpu.memref_slice %arg2[%mul3A_133] : memref<50000000xf32, #tpu.memory_space<hbm>> -> memref<40000xf32, #tpu.memory_space<hbm>>
        %dma_start3A_142 = arith.constant 0 : i32
        %dma_start3A_143 = tpu.memref_slice %arg6[%dma_start3A_142] : memref<40016xf32, #tpu.memory_space<vmem>> -> memref<40000xf32, #tpu.memory_space<vmem>>
        %dma_start3A_144 = tpu.memref_slice %arg2[%mul3A_133] : memref<50000000xf32, #tpu.memory_space<hbm>> -> memref<40000xf32, #tpu.memory_space<hbm>>
        tpu.enqueue_dma source(%dma_start3A_144 : memref<40000xf32, #tpu.memory_space<hbm>>) target(%dma_start3A_143 : memref<40000xf32, #tpu.memory_space<vmem>>) target_semaphore(%run_scoped3A : memref<!tpu.dma_semaphore, #tpu.memory_space<semaphore_mem>>)
        %dma_wait3A = arith.constant 0 : i32
        %dma_wait3A_145 = tpu.memref_slice %arg6[%dma_wait3A] : memref<40016xf32, #tpu.memory_space<vmem>> -> memref<40000xf32, #tpu.memory_space<vmem>>
        %dma_wait3A_146 = tpu.memref_slice %arg2[%mul3A_133] : memref<50000000xf32, #tpu.memory_space<hbm>> -> memref<40000xf32, #tpu.memory_space<hbm>>
        %dma_wait3A_147 = arith.constant 0 : i32
        %dma_wait3A_148 = tpu.memref_slice %arg6[%dma_wait3A_147] : memref<40016xf32, #tpu.memory_space<vmem>> -> memref<40000xf32, #tpu.memory_space<vmem>>
        %dma_wait3A_149 = tpu.memref_slice %arg2[%mul3A_133] : memref<50000000xf32, #tpu.memory_space<hbm>> -> memref<40000xf32, #tpu.memory_space<hbm>>
        tpu.wait_dma2 semaphore(%run_scoped3A : memref<!tpu.dma_semaphore, #tpu.memory_space<semaphore_mem>>) src(%dma_wait3A_149 : memref<40000xf32, #tpu.memory_space<hbm>>) dst(%dma_wait3A_148 : memref<40000xf32, #tpu.memory_space<vmem>>)
        tpu.yield
      }) : () -> ()
      "tpu.region"() ({
        %run_scoped3A = tpu.sem_alloc : memref<!tpu.dma_semaphore, #tpu.memory_space<semaphore_mem>>
        %dma_start3A = tpu.memref_slice %arg3[%add3A_131] : memref<500000xi32, #tpu.memory_space<hbm>> -> memref<400xi32, #tpu.memory_space<hbm>>
        %dma_start3A_140 = tpu.memref_slice %arg3[%add3A_131] : memref<500000xi32, #tpu.memory_space<hbm>> -> memref<400xi32, #tpu.memory_space<hbm>>
        tpu.enqueue_dma source(%dma_start3A_140 : memref<400xi32, #tpu.memory_space<hbm>>) target(%arg7 : memref<400xi32, #tpu.memory_space<vmem>>) target_semaphore(%run_scoped3A : memref<!tpu.dma_semaphore, #tpu.memory_space<semaphore_mem>>)
        %dma_wait3A = tpu.memref_slice %arg3[%add3A_131] : memref<500000xi32, #tpu.memory_space<hbm>> -> memref<400xi32, #tpu.memory_space<hbm>>
        %dma_wait3A_141 = tpu.memref_slice %arg3[%add3A_131] : memref<500000xi32, #tpu.memory_space<hbm>> -> memref<400xi32, #tpu.memory_space<hbm>>
        tpu.wait_dma2 semaphore(%run_scoped3A : memref<!tpu.dma_semaphore, #tpu.memory_space<semaphore_mem>>) src(%dma_wait3A_141 : memref<400xi32, #tpu.memory_space<hbm>>) dst(%arg7 : memref<400xi32, #tpu.memory_space<vmem>>)
        tpu.yield
      }) : () -> ()
      %scan3A_134 = arith.constant 0 : i32
      %scan3A_135 = arith.constant 0 : i32
      %scan3A_136 = arith.constant 25 : i32
      %scan3A_137 = arith.addi %scan3A_135, %scan3A_136 : i32
      %scan3A_138 = arith.constant 1 : i32
      scf.for %scan3A_140 = %scan3A_135 to %scan3A_137 step %scan3A_138  : i32 {
        %mul3A_141 = arith.constant 16 : i32
        %mul3A_142 = arith.muli %scan3A_140, %mul3A_141 : i32
        %get3A = arith.index_cast %mul3A_142 : i32 to index
        %get3A_143 = tpu.vector_load %arg7[%get3A] {strides = array<i32>} : memref<400xi32, #tpu.memory_space<vmem>>, vector<16xi32>,
        %get3A_144 = vector.shape_cast %get3A_143 : vector<16xi32> to vector<16xi32>
        %broadcast_in_dim3A_145 = arith.constant 1.000000e+00 : f32
        %broadcast_in_dim3A_146 = vector.broadcast %broadcast_in_dim3A_145 : f32 to vector<16xf32>
        %mul3A_147 = arith.constant 16 : i32
        %mul3A_148 = arith.muli %scan3A_140, %mul3A_147 : i32
        %mul3A_149 = arith.constant 100 : i32
        %mul3A_150 = arith.muli %mul3A_148, %mul3A_149 : i32
        %add3A_151 = arith.constant 0 : i32
        %add3A_152 = arith.addi %mul3A_150, %add3A_151 : i32
        %add3A_153 = arith.constant 0 : i32
        %add3A_154 = arith.addi %add3A_152, %add3A_153 : i32
        %get3A_155 = arith.index_cast %add3A_154 : i32 to index
        %get3A_156 = tpu.vector_load %arg6[%get3A_155] {strides = array<i32>} : memref<40016xf32, #tpu.memory_space<vmem>>, vector<16xf32>,
        %get3A_157 = vector.shape_cast %get3A_156 : vector<16xf32> to vector<16xf32>
        %add3A_158 = arith.constant 16 : i32
        %add3A_159 = arith.addi %add3A_152, %add3A_158 : i32
        %get3A_160 = arith.index_cast %add3A_159 : i32 to index
        %get3A_161 = tpu.vector_load %arg6[%get3A_160] {strides = array<i32>} : memref<40016xf32, #tpu.memory_space<vmem>>, vector<16xf32>,
        %get3A_162 = vector.shape_cast %get3A_161 : vector<16xf32> to vector<16xf32>
        %add3A_163 = arith.constant 32 : i32
        %add3A_164 = arith.addi %add3A_152, %add3A_163 : i32
        %get3A_165 = arith.index_cast %add3A_164 : i32 to index
        %get3A_166 = tpu.vector_load %arg6[%get3A_165] {strides = array<i32>} : memref<40016xf32, #tpu.memory_space<vmem>>, vector<16xf32>,
        %get3A_167 = vector.shape_cast %get3A_166 : vector<16xf32> to vector<16xf32>
        %add3A_168 = arith.constant 48 : i32
        %add3A_169 = arith.addi %add3A_152, %add3A_168 : i32
        %get3A_170 = arith.index_cast %add3A_169 : i32 to index
        %get3A_171 = tpu.vector_load %arg6[%get3A_170] {strides = array<i32>} : memref<40016xf32, #tpu.memory_space<vmem>>, vector<16xf32>,
        %get3A_172 = vector.shape_cast %get3A_171 : vector<16xf32> to vector<16xf32>
        %add3A_173 = arith.constant 64 : i32
        %add3A_174 = arith.addi %add3A_152, %add3A_173 : i32
        %get3A_175 = arith.index_cast %add3A_174 : i32 to index
        %get3A_176 = tpu.vector_load %arg6[%get3A_175] {strides = array<i32>} : memref<40016xf32, #tpu.memory_space<vmem>>, vector<16xf32>,
        %get3A_177 = vector.shape_cast %get3A_176 : vector<16xf32> to vector<16xf32>
        %add3A_178 = arith.constant 80 : i32
        %add3A_179 = arith.addi %add3A_152, %add3A_178 : i32
        %get3A_180 = arith.index_cast %add3A_179 : i32 to index
        %get3A_181 = tpu.vector_load %arg6[%get3A_180] {strides = array<i32>} : memref<40016xf32, #tpu.memory_space<vmem>>, vector<16xf32>,
        %get3A_182 = vector.shape_cast %get3A_181 : vector<16xf32> to vector<16xf32>
        %add3A_183 = arith.constant 96 : i32
        %add3A_184 = arith.addi %add3A_152, %add3A_183 : i32
        %get3A_185 = arith.index_cast %add3A_184 : i32 to index
        %get3A_186 = tpu.vector_load %arg6[%get3A_185] {strides = array<i32>} : memref<40016xf32, #tpu.memory_space<vmem>>, vector<16xf32>,
        %get3A_187 = vector.shape_cast %get3A_186 : vector<16xf32> to vector<16xf32>
        %add3A_188 = arith.constant 112 : i32
        %add3A_189 = arith.addi %add3A_152, %add3A_188 : i32
        %get3A_190 = arith.index_cast %add3A_189 : i32 to index
        %get3A_191 = tpu.vector_load %arg6[%get3A_190] {strides = array<i32>} : memref<40016xf32, #tpu.memory_space<vmem>>, vector<16xf32>,
        %get3A_192 = vector.shape_cast %get3A_191 : vector<16xf32> to vector<16xf32>
        %add3A_193 = arith.constant 128 : i32
        %add3A_194 = arith.addi %add3A_152, %add3A_193 : i32
        %get3A_195 = arith.index_cast %add3A_194 : i32 to index
        %get3A_196 = tpu.vector_load %arg6[%get3A_195] {strides = array<i32>} : memref<40016xf32, #tpu.memory_space<vmem>>, vector<16xf32>,
        %get3A_197 = vector.shape_cast %get3A_196 : vector<16xf32> to vector<16xf32>
        %add3A_198 = arith.constant 144 : i32
        %add3A_199 = arith.addi %add3A_152, %add3A_198 : i32
        %get3A_200 = arith.index_cast %add3A_199 : i32 to index
        %get3A_201 = tpu.vector_load %arg6[%get3A_200] {strides = array<i32>} : memref<40016xf32, #tpu.memory_space<vmem>>, vector<16xf32>,
        %get3A_202 = vector.shape_cast %get3A_201 : vector<16xf32> to vector<16xf32>
        %add3A_203 = arith.constant 160 : i32
        %add3A_204 = arith.addi %add3A_152, %add3A_203 : i32
        %get3A_205 = arith.index_cast %add3A_204 : i32 to index
        %get3A_206 = tpu.vector_load %arg6[%get3A_205] {strides = array<i32>} : memref<40016xf32, #tpu.memory_space<vmem>>, vector<16xf32>,
        %get3A_207 = vector.shape_cast %get3A_206 : vector<16xf32> to vector<16xf32>
        %add3A_208 = arith.constant 176 : i32
        %add3A_209 = arith.addi %add3A_152, %add3A_208 : i32
        %get3A_210 = arith.index_cast %add3A_209 : i32 to index
        %get3A_211 = tpu.vector_load %arg6[%get3A_210] {strides = array<i32>} : memref<40016xf32, #tpu.memory_space<vmem>>, vector<16xf32>,
        %get3A_212 = vector.shape_cast %get3A_211 : vector<16xf32> to vector<16xf32>
        %add3A_213 = arith.constant 192 : i32
        %add3A_214 = arith.addi %add3A_152, %add3A_213 : i32
        %get3A_215 = arith.index_cast %add3A_214 : i32 to index
        %get3A_216 = tpu.vector_load %arg6[%get3A_215] {strides = array<i32>} : memref<40016xf32, #tpu.memory_space<vmem>>, vector<16xf32>,
        %get3A_217 = vector.shape_cast %get3A_216 : vector<16xf32> to vector<16xf32>
        %mul3A_218 = arith.constant 0 : i32
        %mul3A_219 = vector.broadcast %mul3A_218 : i32 to vector<16xi32>
        %mul3A_220 = arith.muli %iota3A, %mul3A_219 : vector<16xi32>
        %add3A_221 = arith.constant 0 : i32
        %add3A_222 = vector.broadcast %add3A_221 : i32 to vector<16xi32>
        %add3A_223 = arith.addi %mul3A_220, %add3A_222 : vector<16xi32>
        %and3A_224 = arith.constant 15 : i32
        %and3A_225 = vector.broadcast %and3A_224 : i32 to vector<16xi32>
        %and3A_226 = arith.andi %add3A_223, %and3A_225 : vector<16xi32>
        %lt3A_227 = arith.constant 0 : i32
        %lt3A_228 = vector.broadcast %lt3A_227 : i32 to vector<16xi32>
        %lt3A_229 = arith.cmpi slt, %and3A_226, %lt3A_228 : vector<16xi32>
        %add3A_230 = arith.constant 16 : i32
        %add3A_231 = vector.broadcast %add3A_230 : i32 to vector<16xi32>
        %add3A_232 = arith.addi %and3A_226, %add3A_231 : vector<16xi32>
        %select_n3A = arith.select %lt3A_229, %add3A_232, %and3A_226 : vector<16xi1>, vector<16xi32>
        %broadcast_in_dim3A_233 = vector.shape_cast %select_n3A : vector<16xi32> to vector<16x1xi32>
        %gather3A = vector.shape_cast %broadcast_in_dim3A_233 : vector<16x1xi32> to vector<16xi32>
        %gather3A_234 = tpu.dynamic_gather %get3A_144[%gather3A] in [0] : vector<16xi32>, vector<16xi32> -> vector<16xi32>
        %mul3A_235 = arith.constant 0 : i32
        %mul3A_236 = vector.broadcast %mul3A_235 : i32 to vector<16xi32>
        %mul3A_237 = arith.muli %iota3A, %mul3A_236 : vector<16xi32>
        %add3A_238 = arith.constant 0 : i32
        %add3A_239 = vector.broadcast %add3A_238 : i32 to vector<16xi32>
        %add3A_240 = arith.addi %mul3A_237, %add3A_239 : vector<16xi32>
        %add3A_241 = arith.constant 1 : i32
        %add3A_242 = vector.broadcast %add3A_241 : i32 to vector<16xi32>
        %add3A_243 = arith.addi %add3A_240, %add3A_242 : vector<16xi32>
        %and3A_244 = arith.constant 15 : i32
        %and3A_245 = vector.broadcast %and3A_244 : i32 to vector<16xi32>
        %and3A_246 = arith.andi %add3A_243, %and3A_245 : vector<16xi32>
        %lt3A_247 = arith.constant 0 : i32
        %lt3A_248 = vector.broadcast %lt3A_247 : i32 to vector<16xi32>
        %lt3A_249 = arith.cmpi slt, %and3A_246, %lt3A_248 : vector<16xi32>
        %add3A_250 = arith.constant 16 : i32
        %add3A_251 = vector.broadcast %add3A_250 : i32 to vector<16xi32>
        %add3A_252 = arith.addi %and3A_246, %add3A_251 : vector<16xi32>
        %select_n3A_253 = arith.select %lt3A_249, %add3A_252, %and3A_246 : vector<16xi1>, vector<16xi32>
        %broadcast_in_dim3A_254 = vector.shape_cast %select_n3A_253 : vector<16xi32> to vector<16x1xi32>
        %gather3A_255 = vector.shape_cast %broadcast_in_dim3A_254 : vector<16x1xi32> to vector<16xi32>
        %gather3A_256 = tpu.dynamic_gather %get3A_144[%gather3A_255] in [0] : vector<16xi32>, vector<16xi32> -> vector<16xi32>
        %add3A_257 = arith.constant 0 : i32
        %add3A_258 = vector.broadcast %add3A_257 : i32 to vector<16xi32>
        %add3A_259 = arith.addi %gather3A_234, %add3A_258 : vector<16xi32>
        %broadcast_in_dim3A_260 = arith.constant 1.000000e+00 : f32
        %broadcast_in_dim3A_261 = vector.broadcast %broadcast_in_dim3A_260 : f32 to vector<16xf32>
        %mul3A_262 = vector.broadcast %scan3A_118 : f32 to vector<16xf32>
        %mul3A_263 = arith.mulf %mul3A_262, %broadcast_in_dim3A_261 : vector<16xf32>
        %max3A = arith.maximumf %mul3A_263, %get3A_157 : vector<16xf32>
        %max3A_264 = arith.maximumf %max3A, %get3A_162 : vector<16xf32>
        %max3A_265 = arith.maximumf %max3A_264, %get3A_167 : vector<16xf32>
        %max3A_266 = arith.maximumf %max3A_265, %get3A_172 : vector<16xf32>
        %max3A_267 = arith.maximumf %max3A_266, %get3A_177 : vector<16xf32>
        %max3A_268 = arith.maximumf %max3A_267, %get3A_182 : vector<16xf32>
        %broadcast_in_dim3A_269 = vector.broadcast %scan3A_118 : f32 to vector<16xf32>
        %select_n3A_270 = arith.select %lt3A_2, %get3A_187, %broadcast_in_dim3A_269 : vector<16xi1>, vector<16xf32>
        %max3A_271 = arith.maximumf %max3A_268, %select_n3A_270 : vector<16xf32>
        %lt3A_272 = arith.constant 0 : i32
        %lt3A_273 = vector.broadcast %lt3A_272 : i32 to vector<16xi32>
        %lt3A_274 = arith.cmpi slt, %and3A_99, %lt3A_273 : vector<16xi32>
        %add3A_275 = arith.constant 16 : i32
        %add3A_276 = vector.broadcast %add3A_275 : i32 to vector<16xi32>
        %add3A_277 = arith.addi %and3A_99, %add3A_276 : vector<16xi32>
        %select_n3A_278 = arith.select %lt3A_274, %add3A_277, %and3A_99 : vector<16xi1>, vector<16xi32>
        %broadcast_in_dim3A_279 = vector.shape_cast %select_n3A_278 : vector<16xi32> to vector<16x1xi32>
        %gather3A_280 = vector.shape_cast %broadcast_in_dim3A_279 : vector<16x1xi32> to vector<16xi32>
        %gather3A_281 = tpu.dynamic_gather %max3A_271[%gather3A_280] in [0] : vector<16xf32>, vector<16xi32> -> vector<16xf32>
        %max3A_282 = arith.maximumf %max3A_271, %gather3A_281 : vector<16xf32>
        %lt3A_283 = arith.constant 0 : i32
        %lt3A_284 = vector.broadcast %lt3A_283 : i32 to vector<16xi32>
        %lt3A_285 = arith.cmpi slt, %and3A_105, %lt3A_284 : vector<16xi32>
        %add3A_286 = arith.constant 16 : i32
        %add3A_287 = vector.broadcast %add3A_286 : i32 to vector<16xi32>
        %add3A_288 = arith.addi %and3A_105, %add3A_287 : vector<16xi32>
        %select_n3A_289 = arith.select %lt3A_285, %add3A_288, %and3A_105 : vector<16xi1>, vector<16xi32>
        %broadcast_in_dim3A_290 = vector.shape_cast %select_n3A_289 : vector<16xi32> to vector<16x1xi32>
        %gather3A_291 = vector.shape_cast %broadcast_in_dim3A_290 : vector<16x1xi32> to vector<16xi32>
        %gather3A_292 = tpu.dynamic_gather %max3A_282[%gather3A_291] in [0] : vector<16xf32>, vector<16xi32> -> vector<16xf32>
        %max3A_293 = arith.maximumf %max3A_282, %gather3A_292 : vector<16xf32>
        %lt3A_294 = arith.constant 0 : i32
        %lt3A_295 = vector.broadcast %lt3A_294 : i32 to vector<16xi32>
        %lt3A_296 = arith.cmpi slt, %and3A_111, %lt3A_295 : vector<16xi32>
        %add3A_297 = arith.constant 16 : i32
        %add3A_298 = vector.broadcast %add3A_297 : i32 to vector<16xi32>
        %add3A_299 = arith.addi %and3A_111, %add3A_298 : vector<16xi32>
        %select_n3A_300 = arith.select %lt3A_296, %add3A_299, %and3A_111 : vector<16xi1>, vector<16xi32>
        %broadcast_in_dim3A_301 = vector.shape_cast %select_n3A_300 : vector<16xi32> to vector<16x1xi32>
        %gather3A_302 = vector.shape_cast %broadcast_in_dim3A_301 : vector<16x1xi32> to vector<16xi32>
        %gather3A_303 = tpu.dynamic_gather %max3A_293[%gather3A_302] in [0] : vector<16xf32>, vector<16xi32> -> vector<16xf32>
        %max3A_304 = arith.maximumf %max3A_293, %gather3A_303 : vector<16xf32>
        %lt3A_305 = arith.constant 0 : i32
        %lt3A_306 = vector.broadcast %lt3A_305 : i32 to vector<16xi32>
        %lt3A_307 = arith.cmpi slt, %and3A_117, %lt3A_306 : vector<16xi32>
        %add3A_308 = arith.constant 16 : i32
        %add3A_309 = vector.broadcast %add3A_308 : i32 to vector<16xi32>
        %add3A_310 = arith.addi %and3A_117, %add3A_309 : vector<16xi32>
        %select_n3A_311 = arith.select %lt3A_307, %add3A_310, %and3A_117 : vector<16xi1>, vector<16xi32>
        %broadcast_in_dim3A_312 = vector.shape_cast %select_n3A_311 : vector<16xi32> to vector<16x1xi32>
        %gather3A_313 = vector.shape_cast %broadcast_in_dim3A_312 : vector<16x1xi32> to vector<16xi32>
        %gather3A_314 = tpu.dynamic_gather %max3A_304[%gather3A_313] in [0] : vector<16xf32>, vector<16xi32> -> vector<16xf32>
        %max3A_315 = arith.maximumf %max3A_304, %gather3A_314 : vector<16xf32>
        %broadcast_in_dim3A_316 = arith.constant 1.000000e+00 : f32
        %broadcast_in_dim3A_317 = vector.broadcast %broadcast_in_dim3A_316 : f32 to vector<16xf32>
        %mul3A_318 = vector.broadcast %scan3A_118 : f32 to vector<16xf32>
        %mul3A_319 = arith.mulf %mul3A_318, %broadcast_in_dim3A_317 : vector<16xf32>
        %sub3A = arith.subf %get3A_157, %max3A_315 : vector<16xf32>
        %exp3A = math.exp %sub3A : vector<16xf32>
        %add3A_320 = arith.addf %broadcast_in_dim3A_94, %exp3A : vector<16xf32>
        %eq3A_321 = arith.cmpi eq, %add3A_57, %add3A_259 : vector<16xi32>
        %broadcast_in_dim3A_322 = vector.broadcast %scan3A_118 : f32 to vector<16xf32>
        %select_n3A_323 = arith.select %eq3A_321, %get3A_157, %broadcast_in_dim3A_322 : vector<16xi1>, vector<16xf32>
        %max3A_324 = arith.maximumf %mul3A_319, %select_n3A_323 : vector<16xf32>
        %sub3A_325 = arith.subf %get3A_162, %max3A_315 : vector<16xf32>
        %exp3A_326 = math.exp %sub3A_325 : vector<16xf32>
        %add3A_327 = arith.addf %add3A_320, %exp3A_326 : vector<16xf32>
        %eq3A_328 = arith.cmpi eq, %add3A_60, %add3A_259 : vector<16xi32>
        %broadcast_in_dim3A_329 = vector.broadcast %scan3A_118 : f32 to vector<16xf32>
        %select_n3A_330 = arith.select %eq3A_328, %get3A_162, %broadcast_in_dim3A_329 : vector<16xi1>, vector<16xf32>
        %max3A_331 = arith.maximumf %max3A_324, %select_n3A_330 : vector<16xf32>
        %sub3A_332 = arith.subf %get3A_167, %max3A_315 : vector<16xf32>
        %exp3A_333 = math.exp %sub3A_332 : vector<16xf32>
        %add3A_334 = arith.addf %add3A_327, %exp3A_333 : vector<16xf32>
        %eq3A_335 = arith.cmpi eq, %add3A_63, %add3A_259 : vector<16xi32>
        %broadcast_in_dim3A_336 = vector.broadcast %scan3A_118 : f32 to vector<16xf32>
        %select_n3A_337 = arith.select %eq3A_335, %get3A_167, %broadcast_in_dim3A_336 : vector<16xi1>, vector<16xf32>
        %max3A_338 = arith.maximumf %max3A_331, %select_n3A_337 : vector<16xf32>
        %sub3A_339 = arith.subf %get3A_172, %max3A_315 : vector<16xf32>
        %exp3A_340 = math.exp %sub3A_339 : vector<16xf32>
        %add3A_341 = arith.addf %add3A_334, %exp3A_340 : vector<16xf32>
        %eq3A_342 = arith.cmpi eq, %add3A_66, %add3A_259 : vector<16xi32>
        %broadcast_in_dim3A_343 = vector.broadcast %scan3A_118 : f32 to vector<16xf32>
        %select_n3A_344 = arith.select %eq3A_342, %get3A_172, %broadcast_in_dim3A_343 : vector<16xi1>, vector<16xf32>
        %max3A_345 = arith.maximumf %max3A_338, %select_n3A_344 : vector<16xf32>
        %sub3A_346 = arith.subf %get3A_177, %max3A_315 : vector<16xf32>
        %exp3A_347 = math.exp %sub3A_346 : vector<16xf32>
        %add3A_348 = arith.addf %add3A_341, %exp3A_347 : vector<16xf32>
        %eq3A_349 = arith.cmpi eq, %add3A_69, %add3A_259 : vector<16xi32>
        %broadcast_in_dim3A_350 = vector.broadcast %scan3A_118 : f32 to vector<16xf32>
        %select_n3A_351 = arith.select %eq3A_349, %get3A_177, %broadcast_in_dim3A_350 : vector<16xi1>, vector<16xf32>
        %max3A_352 = arith.maximumf %max3A_345, %select_n3A_351 : vector<16xf32>
        %sub3A_353 = arith.subf %get3A_182, %max3A_315 : vector<16xf32>
        %exp3A_354 = math.exp %sub3A_353 : vector<16xf32>
        %add3A_355 = arith.addf %add3A_348, %exp3A_354 : vector<16xf32>
        %eq3A_356 = arith.cmpi eq, %add3A_72, %add3A_259 : vector<16xi32>
        %broadcast_in_dim3A_357 = vector.broadcast %scan3A_118 : f32 to vector<16xf32>
        %select_n3A_358 = arith.select %eq3A_356, %get3A_182, %broadcast_in_dim3A_357 : vector<16xi1>, vector<16xf32>
        %max3A_359 = arith.maximumf %max3A_352, %select_n3A_358 : vector<16xf32>
        %sub3A_360 = arith.subf %get3A_187, %max3A_315 : vector<16xf32>
        %exp3A_361 = math.exp %sub3A_360 : vector<16xf32>
        %jit3A = arith.constant 0.000000e+00 : f32
        %broadcast_in_dim3A_362 = vector.broadcast %jit3A : f32 to vector<16xf32>
        %select_n3A_363 = arith.select %lt3A_2, %exp3A_361, %broadcast_in_dim3A_362 : vector<16xi1>, vector<16xf32>
        %add3A_364 = arith.addf %add3A_355, %select_n3A_363 : vector<16xf32>
        %eq3A_365 = arith.cmpi eq, %add3A_75, %add3A_259 : vector<16xi32>
        %broadcast_in_dim3A_366 = vector.broadcast %scan3A_118 : f32 to vector<16xf32>
        %select_n3A_367 = arith.select %eq3A_365, %get3A_187, %broadcast_in_dim3A_366 : vector<16xi1>, vector<16xf32>
        %max3A_368 = arith.maximumf %max3A_359, %select_n3A_367 : vector<16xf32>
        %lt3A_369 = arith.constant 0 : i32
        %lt3A_370 = vector.broadcast %lt3A_369 : i32 to vector<16xi32>
        %lt3A_371 = arith.cmpi slt, %and3A_99, %lt3A_370 : vector<16xi32>
        %add3A_372 = arith.constant 16 : i32
        %add3A_373 = vector.broadcast %add3A_372 : i32 to vector<16xi32>
        %add3A_374 = arith.addi %and3A_99, %add3A_373 : vector<16xi32>
        %select_n3A_375 = arith.select %lt3A_371, %add3A_374, %and3A_99 : vector<16xi1>, vector<16xi32>
        %broadcast_in_dim3A_376 = vector.shape_cast %select_n3A_375 : vector<16xi32> to vector<16x1xi32>
        %gather3A_377 = vector.shape_cast %broadcast_in_dim3A_376 : vector<16x1xi32> to vector<16xi32>
        %gather3A_378 = tpu.dynamic_gather %add3A_364[%gather3A_377] in [0] : vector<16xf32>, vector<16xi32> -> vector<16xf32>
        %add3A_379 = arith.addf %add3A_364, %gather3A_378 : vector<16xf32>
        %lt3A_380 = arith.constant 0 : i32
        %lt3A_381 = vector.broadcast %lt3A_380 : i32 to vector<16xi32>
        %lt3A_382 = arith.cmpi slt, %and3A_105, %lt3A_381 : vector<16xi32>
        %add3A_383 = arith.constant 16 : i32
        %add3A_384 = vector.broadcast %add3A_383 : i32 to vector<16xi32>
        %add3A_385 = arith.addi %and3A_105, %add3A_384 : vector<16xi32>
        %select_n3A_386 = arith.select %lt3A_382, %add3A_385, %and3A_105 : vector<16xi1>, vector<16xi32>
        %broadcast_in_dim3A_387 = vector.shape_cast %select_n3A_386 : vector<16xi32> to vector<16x1xi32>
        %gather3A_388 = vector.shape_cast %broadcast_in_dim3A_387 : vector<16x1xi32> to vector<16xi32>
        %gather3A_389 = tpu.dynamic_gather %add3A_379[%gather3A_388] in [0] : vector<16xf32>, vector<16xi32> -> vector<16xf32>
        %add3A_390 = arith.addf %add3A_379, %gather3A_389 : vector<16xf32>
        %lt3A_391 = arith.constant 0 : i32
        %lt3A_392 = vector.broadcast %lt3A_391 : i32 to vector<16xi32>
        %lt3A_393 = arith.cmpi slt, %and3A_111, %lt3A_392 : vector<16xi32>
        %add3A_394 = arith.constant 16 : i32
        %add3A_395 = vector.broadcast %add3A_394 : i32 to vector<16xi32>
        %add3A_396 = arith.addi %and3A_111, %add3A_395 : vector<16xi32>
        %select_n3A_397 = arith.select %lt3A_393, %add3A_396, %and3A_111 : vector<16xi1>, vector<16xi32>
        %broadcast_in_dim3A_398 = vector.shape_cast %select_n3A_397 : vector<16xi32> to vector<16x1xi32>
        %gather3A_399 = vector.shape_cast %broadcast_in_dim3A_398 : vector<16x1xi32> to vector<16xi32>
        %gather3A_400 = tpu.dynamic_gather %add3A_390[%gather3A_399] in [0] : vector<16xf32>, vector<16xi32> -> vector<16xf32>
        %add3A_401 = arith.addf %add3A_390, %gather3A_400 : vector<16xf32>
        %lt3A_402 = arith.constant 0 : i32
        %lt3A_403 = vector.broadcast %lt3A_402 : i32 to vector<16xi32>
        %lt3A_404 = arith.cmpi slt, %and3A_117, %lt3A_403 : vector<16xi32>
        %add3A_405 = arith.constant 16 : i32
        %add3A_406 = vector.broadcast %add3A_405 : i32 to vector<16xi32>
        %add3A_407 = arith.addi %and3A_117, %add3A_406 : vector<16xi32>
        %select_n3A_408 = arith.select %lt3A_404, %add3A_407, %and3A_117 : vector<16xi1>, vector<16xi32>
        %broadcast_in_dim3A_409 = vector.shape_cast %select_n3A_408 : vector<16xi32> to vector<16x1xi32>
        %gather3A_410 = vector.shape_cast %broadcast_in_dim3A_409 : vector<16x1xi32> to vector<16xi32>
        %gather3A_411 = tpu.dynamic_gather %add3A_401[%gather3A_410] in [0] : vector<16xf32>, vector<16xi32> -> vector<16xf32>
        %add3A_412 = arith.addf %add3A_401, %gather3A_411 : vector<16xf32>
        %lt3A_413 = arith.constant 0 : i32
        %lt3A_414 = vector.broadcast %lt3A_413 : i32 to vector<16xi32>
        %lt3A_415 = arith.cmpi slt, %and3A_99, %lt3A_414 : vector<16xi32>
        %add3A_416 = arith.constant 16 : i32
        %add3A_417 = vector.broadcast %add3A_416 : i32 to vector<16xi32>
        %add3A_418 = arith.addi %and3A_99, %add3A_417 : vector<16xi32>
        %select_n3A_419 = arith.select %lt3A_415, %add3A_418, %and3A_99 : vector<16xi1>, vector<16xi32>
        %broadcast_in_dim3A_420 = vector.shape_cast %select_n3A_419 : vector<16xi32> to vector<16x1xi32>
        %gather3A_421 = vector.shape_cast %broadcast_in_dim3A_420 : vector<16x1xi32> to vector<16xi32>
        %gather3A_422 = tpu.dynamic_gather %max3A_368[%gather3A_421] in [0] : vector<16xf32>, vector<16xi32> -> vector<16xf32>
        %max3A_423 = arith.maximumf %max3A_368, %gather3A_422 : vector<16xf32>
        %lt3A_424 = arith.constant 0 : i32
        %lt3A_425 = vector.broadcast %lt3A_424 : i32 to vector<16xi32>
        %lt3A_426 = arith.cmpi slt, %and3A_105, %lt3A_425 : vector<16xi32>
        %add3A_427 = arith.constant 16 : i32
        %add3A_428 = vector.broadcast %add3A_427 : i32 to vector<16xi32>
        %add3A_429 = arith.addi %and3A_105, %add3A_428 : vector<16xi32>
        %select_n3A_430 = arith.select %lt3A_426, %add3A_429, %and3A_105 : vector<16xi1>, vector<16xi32>
        %broadcast_in_dim3A_431 = vector.shape_cast %select_n3A_430 : vector<16xi32> to vector<16x1xi32>
        %gather3A_432 = vector.shape_cast %broadcast_in_dim3A_431 : vector<16x1xi32> to vector<16xi32>
        %gather3A_433 = tpu.dynamic_gather %max3A_423[%gather3A_432] in [0] : vector<16xf32>, vector<16xi32> -> vector<16xf32>
        %max3A_434 = arith.maximumf %max3A_423, %gather3A_433 : vector<16xf32>
        %lt3A_435 = arith.constant 0 : i32
        %lt3A_436 = vector.broadcast %lt3A_435 : i32 to vector<16xi32>
        %lt3A_437 = arith.cmpi slt, %and3A_111, %lt3A_436 : vector<16xi32>
        %add3A_438 = arith.constant 16 : i32
        %add3A_439 = vector.broadcast %add3A_438 : i32 to vector<16xi32>
        %add3A_440 = arith.addi %and3A_111, %add3A_439 : vector<16xi32>
        %select_n3A_441 = arith.select %lt3A_437, %add3A_440, %and3A_111 : vector<16xi1>, vector<16xi32>
        %broadcast_in_dim3A_442 = vector.shape_cast %select_n3A_441 : vector<16xi32> to vector<16x1xi32>
        %gather3A_443 = vector.shape_cast %broadcast_in_dim3A_442 : vector<16x1xi32> to vector<16xi32>
        %gather3A_444 = tpu.dynamic_gather %max3A_434[%gather3A_443] in [0] : vector<16xf32>, vector<16xi32> -> vector<16xf32>
        %max3A_445 = arith.maximumf %max3A_434, %gather3A_444 : vector<16xf32>
        %lt3A_446 = arith.constant 0 : i32
        %lt3A_447 = vector.broadcast %lt3A_446 : i32 to vector<16xi32>
        %lt3A_448 = arith.cmpi slt, %and3A_117, %lt3A_447 : vector<16xi32>
        %add3A_449 = arith.constant 16 : i32
        %add3A_450 = vector.broadcast %add3A_449 : i32 to vector<16xi32>
        %add3A_451 = arith.addi %and3A_117, %add3A_450 : vector<16xi32>
        %select_n3A_452 = arith.select %lt3A_448, %add3A_451, %and3A_117 : vector<16xi1>, vector<16xi32>
        %broadcast_in_dim3A_453 = vector.shape_cast %select_n3A_452 : vector<16xi32> to vector<16x1xi32>
        %gather3A_454 = vector.shape_cast %broadcast_in_dim3A_453 : vector<16x1xi32> to vector<16xi32>
        %gather3A_455 = tpu.dynamic_gather %max3A_445[%gather3A_454] in [0] : vector<16xf32>, vector<16xi32> -> vector<16xf32>
        %max3A_456 = arith.maximumf %max3A_445, %gather3A_455 : vector<16xf32>
        %add3A_457 = arith.constant 100 : i32
        %add3A_458 = vector.broadcast %add3A_457 : i32 to vector<16xi32>
        %add3A_459 = arith.addi %gather3A_256, %add3A_458 : vector<16xi32>
        %broadcast_in_dim3A_460 = arith.constant 1.000000e+00 : f32
        %broadcast_in_dim3A_461 = vector.broadcast %broadcast_in_dim3A_460 : f32 to vector<16xf32>
        %mul3A_462 = vector.broadcast %scan3A_118 : f32 to vector<16xf32>
        %mul3A_463 = arith.mulf %mul3A_462, %broadcast_in_dim3A_461 : vector<16xf32>
        %broadcast_in_dim3A_464 = vector.broadcast %scan3A_118 : f32 to vector<16xf32>
        %select_n3A_465 = arith.select %ge3A_4, %get3A_187, %broadcast_in_dim3A_464 : vector<16xi1>, vector<16xf32>
        %max3A_466 = arith.maximumf %mul3A_463, %select_n3A_465 : vector<16xf32>
        %max3A_467 = arith.maximumf %max3A_466, %get3A_192 : vector<16xf32>
        %max3A_468 = arith.maximumf %max3A_467, %get3A_197 : vector<16xf32>
        %max3A_469 = arith.maximumf %max3A_468, %get3A_202 : vector<16xf32>
        %max3A_470 = arith.maximumf %max3A_469, %get3A_207 : vector<16xf32>
        %max3A_471 = arith.maximumf %max3A_470, %get3A_212 : vector<16xf32>
        %broadcast_in_dim3A_472 = vector.broadcast %scan3A_118 : f32 to vector<16xf32>
        %select_n3A_473 = arith.select %lt3A_7, %get3A_217, %broadcast_in_dim3A_472 : vector<16xi1>, vector<16xf32>
        %max3A_474 = arith.maximumf %max3A_471, %select_n3A_473 : vector<16xf32>
        %lt3A_475 = arith.constant 0 : i32
        %lt3A_476 = vector.broadcast %lt3A_475 : i32 to vector<16xi32>
        %lt3A_477 = arith.cmpi slt, %and3A_99, %lt3A_476 : vector<16xi32>
        %add3A_478 = arith.constant 16 : i32
        %add3A_479 = vector.broadcast %add3A_478 : i32 to vector<16xi32>
        %add3A_480 = arith.addi %and3A_99, %add3A_479 : vector<16xi32>
        %select_n3A_481 = arith.select %lt3A_477, %add3A_480, %and3A_99 : vector<16xi1>, vector<16xi32>
        %broadcast_in_dim3A_482 = vector.shape_cast %select_n3A_481 : vector<16xi32> to vector<16x1xi32>
        %gather3A_483 = vector.shape_cast %broadcast_in_dim3A_482 : vector<16x1xi32> to vector<16xi32>
        %gather3A_484 = tpu.dynamic_gather %max3A_474[%gather3A_483] in [0] : vector<16xf32>, vector<16xi32> -> vector<16xf32>
        %max3A_485 = arith.maximumf %max3A_474, %gather3A_484 : vector<16xf32>
        %lt3A_486 = arith.constant 0 : i32
        %lt3A_487 = vector.broadcast %lt3A_486 : i32 to vector<16xi32>
        %lt3A_488 = arith.cmpi slt, %and3A_105, %lt3A_487 : vector<16xi32>
        %add3A_489 = arith.constant 16 : i32
        %add3A_490 = vector.broadcast %add3A_489 : i32 to vector<16xi32>
        %add3A_491 = arith.addi %and3A_105, %add3A_490 : vector<16xi32>
        %select_n3A_492 = arith.select %lt3A_488, %add3A_491, %and3A_105 : vector<16xi1>, vector<16xi32>
        %broadcast_in_dim3A_493 = vector.shape_cast %select_n3A_492 : vector<16xi32> to vector<16x1xi32>
        %gather3A_494 = vector.shape_cast %broadcast_in_dim3A_493 : vector<16x1xi32> to vector<16xi32>
        %gather3A_495 = tpu.dynamic_gather %max3A_485[%gather3A_494] in [0] : vector<16xf32>, vector<16xi32> -> vector<16xf32>
        %max3A_496 = arith.maximumf %max3A_485, %gather3A_495 : vector<16xf32>
        %lt3A_497 = arith.constant 0 : i32
        %lt3A_498 = vector.broadcast %lt3A_497 : i32 to vector<16xi32>
        %lt3A_499 = arith.cmpi slt, %and3A_111, %lt3A_498 : vector<16xi32>
        %add3A_500 = arith.constant 16 : i32
        %add3A_501 = vector.broadcast %add3A_500 : i32 to vector<16xi32>
        %add3A_502 = arith.addi %and3A_111, %add3A_501 : vector<16xi32>
        %select_n3A_503 = arith.select %lt3A_499, %add3A_502, %and3A_111 : vector<16xi1>, vector<16xi32>
        %broadcast_in_dim3A_504 = vector.shape_cast %select_n3A_503 : vector<16xi32> to vector<16x1xi32>
        %gather3A_505 = vector.shape_cast %broadcast_in_dim3A_504 : vector<16x1xi32> to vector<16xi32>
        %gather3A_506 = tpu.dynamic_gather %max3A_496[%gather3A_505] in [0] : vector<16xf32>, vector<16xi32> -> vector<16xf32>
        %max3A_507 = arith.maximumf %max3A_496, %gather3A_506 : vector<16xf32>
        %lt3A_508 = arith.constant 0 : i32
        %lt3A_509 = vector.broadcast %lt3A_508 : i32 to vector<16xi32>
        %lt3A_510 = arith.cmpi slt, %and3A_117, %lt3A_509 : vector<16xi32>
        %add3A_511 = arith.constant 16 : i32
        %add3A_512 = vector.broadcast %add3A_511 : i32 to vector<16xi32>
        %add3A_513 = arith.addi %and3A_117, %add3A_512 : vector<16xi32>
        %select_n3A_514 = arith.select %lt3A_510, %add3A_513, %and3A_117 : vector<16xi1>, vector<16xi32>
        %broadcast_in_dim3A_515 = vector.shape_cast %select_n3A_514 : vector<16xi32> to vector<16x1xi32>
        %gather3A_516 = vector.shape_cast %broadcast_in_dim3A_515 : vector<16x1xi32> to vector<16xi32>
        %gather3A_517 = tpu.dynamic_gather %max3A_507[%gather3A_516] in [0] : vector<16xf32>, vector<16xi32> -> vector<16xf32>
        %max3A_518 = arith.maximumf %max3A_507, %gather3A_517 : vector<16xf32>
        %broadcast_in_dim3A_519 = arith.constant 1.000000e+00 : f32
        %broadcast_in_dim3A_520 = vector.broadcast %broadcast_in_dim3A_519 : f32 to vector<16xf32>
        %mul3A_521 = vector.broadcast %scan3A_118 : f32 to vector<16xf32>
        %mul3A_522 = arith.mulf %mul3A_521, %broadcast_in_dim3A_520 : vector<16xf32>
        %sub3A_523 = arith.subf %get3A_187, %max3A_518 : vector<16xf32>
        %exp3A_524 = math.exp %sub3A_523 : vector<16xf32>
        %jit3A_525 = arith.constant 0.000000e+00 : f32
        %broadcast_in_dim3A_526 = vector.broadcast %jit3A_525 : f32 to vector<16xf32>
        %select_n3A_527 = arith.select %ge3A_4, %exp3A_524, %broadcast_in_dim3A_526 : vector<16xi1>, vector<16xf32>
        %add3A_528 = arith.addf %broadcast_in_dim3A_94, %select_n3A_527 : vector<16xf32>
        %eq3A_529 = arith.cmpi eq, %add3A_75, %add3A_459 : vector<16xi32>
        %broadcast_in_dim3A_530 = vector.broadcast %scan3A_118 : f32 to vector<16xf32>
        %select_n3A_531 = arith.select %eq3A_529, %get3A_187, %broadcast_in_dim3A_530 : vector<16xi1>, vector<16xf32>
        %max3A_532 = arith.maximumf %mul3A_522, %select_n3A_531 : vector<16xf32>
        %sub3A_533 = arith.subf %get3A_192, %max3A_518 : vector<16xf32>
        %exp3A_534 = math.exp %sub3A_533 : vector<16xf32>
        %add3A_535 = arith.addf %add3A_528, %exp3A_534 : vector<16xf32>
        %eq3A_536 = arith.cmpi eq, %add3A_78, %add3A_459 : vector<16xi32>
        %broadcast_in_dim3A_537 = vector.broadcast %scan3A_118 : f32 to vector<16xf32>
        %select_n3A_538 = arith.select %eq3A_536, %get3A_192, %broadcast_in_dim3A_537 : vector<16xi1>, vector<16xf32>
        %max3A_539 = arith.maximumf %max3A_532, %select_n3A_538 : vector<16xf32>
        %sub3A_540 = arith.subf %get3A_197, %max3A_518 : vector<16xf32>
        %exp3A_541 = math.exp %sub3A_540 : vector<16xf32>
        %add3A_542 = arith.addf %add3A_535, %exp3A_541 : vector<16xf32>
        %eq3A_543 = arith.cmpi eq, %add3A_81, %add3A_459 : vector<16xi32>
        %broadcast_in_dim3A_544 = vector.broadcast %scan3A_118 : f32 to vector<16xf32>
        %select_n3A_545 = arith.select %eq3A_543, %get3A_197, %broadcast_in_dim3A_544 : vector<16xi1>, vector<16xf32>
        %max3A_546 = arith.maximumf %max3A_539, %select_n3A_545 : vector<16xf32>
        %sub3A_547 = arith.subf %get3A_202, %max3A_518 : vector<16xf32>
        %exp3A_548 = math.exp %sub3A_547 : vector<16xf32>
        %add3A_549 = arith.addf %add3A_542, %exp3A_548 : vector<16xf32>
        %eq3A_550 = arith.cmpi eq, %add3A_84, %add3A_459 : vector<16xi32>
        %broadcast_in_dim3A_551 = vector.broadcast %scan3A_118 : f32 to vector<16xf32>
        %select_n3A_552 = arith.select %eq3A_550, %get3A_202, %broadcast_in_dim3A_551 : vector<16xi1>, vector<16xf32>
        %max3A_553 = arith.maximumf %max3A_546, %select_n3A_552 : vector<16xf32>
        %sub3A_554 = arith.subf %get3A_207, %max3A_518 : vector<16xf32>
        %exp3A_555 = math.exp %sub3A_554 : vector<16xf32>
        %add3A_556 = arith.addf %add3A_549, %exp3A_555 : vector<16xf32>
        %eq3A_557 = arith.cmpi eq, %add3A_87, %add3A_459 : vector<16xi32>
        %broadcast_in_dim3A_558 = vector.broadcast %scan3A_118 : f32 to vector<16xf32>
        %select_n3A_559 = arith.select %eq3A_557, %get3A_207, %broadcast_in_dim3A_558 : vector<16xi1>, vector<16xf32>
        %max3A_560 = arith.maximumf %max3A_553, %select_n3A_559 : vector<16xf32>
        %sub3A_561 = arith.subf %get3A_212, %max3A_518 : vector<16xf32>
        %exp3A_562 = math.exp %sub3A_561 : vector<16xf32>
        %add3A_563 = arith.addf %add3A_556, %exp3A_562 : vector<16xf32>
        %eq3A_564 = arith.cmpi eq, %add3A_90, %add3A_459 : vector<16xi32>
        %broadcast_in_dim3A_565 = vector.broadcast %scan3A_118 : f32 to vector<16xf32>
        %select_n3A_566 = arith.select %eq3A_564, %get3A_212, %broadcast_in_dim3A_565 : vector<16xi1>, vector<16xf32>
        %max3A_567 = arith.maximumf %max3A_560, %select_n3A_566 : vector<16xf32>
        %sub3A_568 = arith.subf %get3A_217, %max3A_518 : vector<16xf32>
        %exp3A_569 = math.exp %sub3A_568 : vector<16xf32>
        %jit3A_570 = arith.constant 0.000000e+00 : f32
        %broadcast_in_dim3A_571 = vector.broadcast %jit3A_570 : f32 to vector<16xf32>
        %select_n3A_572 = arith.select %lt3A_7, %exp3A_569, %broadcast_in_dim3A_571 : vector<16xi1>, vector<16xf32>
        %add3A_573 = arith.addf %add3A_563, %select_n3A_572 : vector<16xf32>
        %eq3A_574 = arith.cmpi eq, %add3A_93, %add3A_459 : vector<16xi32>
        %broadcast_in_dim3A_575 = vector.broadcast %scan3A_118 : f32 to vector<16xf32>
        %select_n3A_576 = arith.select %eq3A_574, %get3A_217, %broadcast_in_dim3A_575 : vector<16xi1>, vector<16xf32>
        %max3A_577 = arith.maximumf %max3A_567, %select_n3A_576 : vector<16xf32>
        %lt3A_578 = arith.constant 0 : i32
        %lt3A_579 = vector.broadcast %lt3A_578 : i32 to vector<16xi32>
        %lt3A_580 = arith.cmpi slt, %and3A_99, %lt3A_579 : vector<16xi32>
        %add3A_581 = arith.constant 16 : i32
        %add3A_582 = vector.broadcast %add3A_581 : i32 to vector<16xi32>
        %add3A_583 = arith.addi %and3A_99, %add3A_582 : vector<16xi32>
        %select_n3A_584 = arith.select %lt3A_580, %add3A_583, %and3A_99 : vector<16xi1>, vector<16xi32>
        %broadcast_in_dim3A_585 = vector.shape_cast %select_n3A_584 : vector<16xi32> to vector<16x1xi32>
        %gather3A_586 = vector.shape_cast %broadcast_in_dim3A_585 : vector<16x1xi32> to vector<16xi32>
        %gather3A_587 = tpu.dynamic_gather %add3A_573[%gather3A_586] in [0] : vector<16xf32>, vector<16xi32> -> vector<16xf32>
        %add3A_588 = arith.addf %add3A_573, %gather3A_587 : vector<16xf32>
        %lt3A_589 = arith.constant 0 : i32
        %lt3A_590 = vector.broadcast %lt3A_589 : i32 to vector<16xi32>
        %lt3A_591 = arith.cmpi slt, %and3A_105, %lt3A_590 : vector<16xi32>
        %add3A_592 = arith.constant 16 : i32
        %add3A_593 = vector.broadcast %add3A_592 : i32 to vector<16xi32>
        %add3A_594 = arith.addi %and3A_105, %add3A_593 : vector<16xi32>
        %select_n3A_595 = arith.select %lt3A_591, %add3A_594, %and3A_105 : vector<16xi1>, vector<16xi32>
        %broadcast_in_dim3A_596 = vector.shape_cast %select_n3A_595 : vector<16xi32> to vector<16x1xi32>
        %gather3A_597 = vector.shape_cast %broadcast_in_dim3A_596 : vector<16x1xi32> to vector<16xi32>
        %gather3A_598 = tpu.dynamic_gather %add3A_588[%gather3A_597] in [0] : vector<16xf32>, vector<16xi32> -> vector<16xf32>
        %add3A_599 = arith.addf %add3A_588, %gather3A_598 : vector<16xf32>
        %lt3A_600 = arith.constant 0 : i32
        %lt3A_601 = vector.broadcast %lt3A_600 : i32 to vector<16xi32>
        %lt3A_602 = arith.cmpi slt, %and3A_111, %lt3A_601 : vector<16xi32>
        %add3A_603 = arith.constant 16 : i32
        %add3A_604 = vector.broadcast %add3A_603 : i32 to vector<16xi32>
        %add3A_605 = arith.addi %and3A_111, %add3A_604 : vector<16xi32>
        %select_n3A_606 = arith.select %lt3A_602, %add3A_605, %and3A_111 : vector<16xi1>, vector<16xi32>
        %broadcast_in_dim3A_607 = vector.shape_cast %select_n3A_606 : vector<16xi32> to vector<16x1xi32>
        %gather3A_608 = vector.shape_cast %broadcast_in_dim3A_607 : vector<16x1xi32> to vector<16xi32>
        %gather3A_609 = tpu.dynamic_gather %add3A_599[%gather3A_608] in [0] : vector<16xf32>, vector<16xi32> -> vector<16xf32>
        %add3A_610 = arith.addf %add3A_599, %gather3A_609 : vector<16xf32>
        %lt3A_611 = arith.constant 0 : i32
        %lt3A_612 = vector.broadcast %lt3A_611 : i32 to vector<16xi32>
        %lt3A_613 = arith.cmpi slt, %and3A_117, %lt3A_612 : vector<16xi32>
        %add3A_614 = arith.constant 16 : i32
        %add3A_615 = vector.broadcast %add3A_614 : i32 to vector<16xi32>
        %add3A_616 = arith.addi %and3A_117, %add3A_615 : vector<16xi32>
        %select_n3A_617 = arith.select %lt3A_613, %add3A_616, %and3A_117 : vector<16xi1>, vector<16xi32>
        %broadcast_in_dim3A_618 = vector.shape_cast %select_n3A_617 : vector<16xi32> to vector<16x1xi32>
        %gather3A_619 = vector.shape_cast %broadcast_in_dim3A_618 : vector<16x1xi32> to vector<16xi32>
        %gather3A_620 = tpu.dynamic_gather %add3A_610[%gather3A_619] in [0] : vector<16xf32>, vector<16xi32> -> vector<16xf32>
        %add3A_621 = arith.addf %add3A_610, %gather3A_620 : vector<16xf32>
        %lt3A_622 = arith.constant 0 : i32
        %lt3A_623 = vector.broadcast %lt3A_622 : i32 to vector<16xi32>
        %lt3A_624 = arith.cmpi slt, %and3A_99, %lt3A_623 : vector<16xi32>
        %add3A_625 = arith.constant 16 : i32
        %add3A_626 = vector.broadcast %add3A_625 : i32 to vector<16xi32>
        %add3A_627 = arith.addi %and3A_99, %add3A_626 : vector<16xi32>
        %select_n3A_628 = arith.select %lt3A_624, %add3A_627, %and3A_99 : vector<16xi1>, vector<16xi32>
        %broadcast_in_dim3A_629 = vector.shape_cast %select_n3A_628 : vector<16xi32> to vector<16x1xi32>
        %gather3A_630 = vector.shape_cast %broadcast_in_dim3A_629 : vector<16x1xi32> to vector<16xi32>
        %gather3A_631 = tpu.dynamic_gather %max3A_577[%gather3A_630] in [0] : vector<16xf32>, vector<16xi32> -> vector<16xf32>
        %max3A_632 = arith.maximumf %max3A_577, %gather3A_631 : vector<16xf32>
        %lt3A_633 = arith.constant 0 : i32
        %lt3A_634 = vector.broadcast %lt3A_633 : i32 to vector<16xi32>
        %lt3A_635 = arith.cmpi slt, %and3A_105, %lt3A_634 : vector<16xi32>
        %add3A_636 = arith.constant 16 : i32
        %add3A_637 = vector.broadcast %add3A_636 : i32 to vector<16xi32>
        %add3A_638 = arith.addi %and3A_105, %add3A_637 : vector<16xi32>
        %select_n3A_639 = arith.select %lt3A_635, %add3A_638, %and3A_105 : vector<16xi1>, vector<16xi32>
        %broadcast_in_dim3A_640 = vector.shape_cast %select_n3A_639 : vector<16xi32> to vector<16x1xi32>
        %gather3A_641 = vector.shape_cast %broadcast_in_dim3A_640 : vector<16x1xi32> to vector<16xi32>
        %gather3A_642 = tpu.dynamic_gather %max3A_632[%gather3A_641] in [0] : vector<16xf32>, vector<16xi32> -> vector<16xf32>
        %max3A_643 = arith.maximumf %max3A_632, %gather3A_642 : vector<16xf32>
        %lt3A_644 = arith.constant 0 : i32
        %lt3A_645 = vector.broadcast %lt3A_644 : i32 to vector<16xi32>
        %lt3A_646 = arith.cmpi slt, %and3A_111, %lt3A_645 : vector<16xi32>
        %add3A_647 = arith.constant 16 : i32
        %add3A_648 = vector.broadcast %add3A_647 : i32 to vector<16xi32>
        %add3A_649 = arith.addi %and3A_111, %add3A_648 : vector<16xi32>
        %select_n3A_650 = arith.select %lt3A_646, %add3A_649, %and3A_111 : vector<16xi1>, vector<16xi32>
        %broadcast_in_dim3A_651 = vector.shape_cast %select_n3A_650 : vector<16xi32> to vector<16x1xi32>
        %gather3A_652 = vector.shape_cast %broadcast_in_dim3A_651 : vector<16x1xi32> to vector<16xi32>
        %gather3A_653 = tpu.dynamic_gather %max3A_643[%gather3A_652] in [0] : vector<16xf32>, vector<16xi32> -> vector<16xf32>
        %max3A_654 = arith.maximumf %max3A_643, %gather3A_653 : vector<16xf32>
        %lt3A_655 = arith.constant 0 : i32
        %lt3A_656 = vector.broadcast %lt3A_655 : i32 to vector<16xi32>
        %lt3A_657 = arith.cmpi slt, %and3A_117, %lt3A_656 : vector<16xi32>
        %add3A_658 = arith.constant 16 : i32
        %add3A_659 = vector.broadcast %add3A_658 : i32 to vector<16xi32>
        %add3A_660 = arith.addi %and3A_117, %add3A_659 : vector<16xi32>
        %select_n3A_661 = arith.select %lt3A_657, %add3A_660, %and3A_117 : vector<16xi1>, vector<16xi32>
        %broadcast_in_dim3A_662 = vector.shape_cast %select_n3A_661 : vector<16xi32> to vector<16x1xi32>
        %gather3A_663 = vector.shape_cast %broadcast_in_dim3A_662 : vector<16x1xi32> to vector<16xi32>
        %gather3A_664 = tpu.dynamic_gather %max3A_654[%gather3A_663] in [0] : vector<16xf32>, vector<16xi32> -> vector<16xf32>
        %max3A_665 = arith.maximumf %max3A_654, %gather3A_664 : vector<16xf32>
        %select_n3A_666 = arith.select %eq3A_9, %max3A_315, %broadcast_in_dim3A_94 : vector<16xi1>, vector<16xf32>
        %select_n3A_667 = arith.select %eq3A_12, %max3A_518, %select_n3A_666 : vector<16xi1>, vector<16xf32>
        %select_n3A_668 = arith.select %eq3A_9, %add3A_412, %broadcast_in_dim3A_146 : vector<16xi1>, vector<16xf32>
        %select_n3A_669 = arith.select %eq3A_12, %add3A_621, %select_n3A_668 : vector<16xi1>, vector<16xf32>
        %select_n3A_670 = arith.select %eq3A_9, %max3A_456, %broadcast_in_dim3A_94 : vector<16xi1>, vector<16xf32>
        %select_n3A_671 = arith.select %eq3A_12, %max3A_665, %select_n3A_670 : vector<16xi1>, vector<16xf32>
        %mul3A_672 = arith.constant 16 : i32
        %mul3A_673 = arith.muli %scan3A_140, %mul3A_672 : i32
        %mul3A_674 = arith.constant 100 : i32
        %mul3A_675 = arith.muli %mul3A_673, %mul3A_674 : i32
        %add3A_676 = arith.constant 200 : i32
        %add3A_677 = arith.addi %mul3A_675, %add3A_676 : i32
        %add3A_678 = arith.constant 0 : i32
        %add3A_679 = arith.addi %add3A_677, %add3A_678 : i32
        %get3A_680 = arith.index_cast %add3A_679 : i32 to index
        %get3A_681 = tpu.vector_load %arg6[%get3A_680] {strides = array<i32>} : memref<40016xf32, #tpu.memory_space<vmem>>, vector<16xf32>,
        %get3A_682 = vector.shape_cast %get3A_681 : vector<16xf32> to vector<16xf32>
        %add3A_683 = arith.constant 16 : i32
        %add3A_684 = arith.addi %add3A_677, %add3A_683 : i32
        %get3A_685 = arith.index_cast %add3A_684 : i32 to index
        %get3A_686 = tpu.vector_load %arg6[%get3A_685] {strides = array<i32>} : memref<40016xf32, #tpu.memory_space<vmem>>, vector<16xf32>,
        %get3A_687 = vector.shape_cast %get3A_686 : vector<16xf32> to vector<16xf32>
        %add3A_688 = arith.constant 32 : i32
        %add3A_689 = arith.addi %add3A_677, %add3A_688 : i32
        %get3A_690 = arith.index_cast %add3A_689 : i32 to index
        %get3A_691 = tpu.vector_load %arg6[%get3A_690] {strides = array<i32>} : memref<40016xf32, #tpu.memory_space<vmem>>, vector<16xf32>,
        %get3A_692 = vector.shape_cast %get3A_691 : vector<16xf32> to vector<16xf32>
        %add3A_693 = arith.constant 48 : i32
        %add3A_694 = arith.addi %add3A_677, %add3A_693 : i32
        %get3A_695 = arith.index_cast %add3A_694 : i32 to index
        %get3A_696 = tpu.vector_load %arg6[%get3A_695] {strides = array<i32>} : memref<40016xf32, #tpu.memory_space<vmem>>, vector<16xf32>,
        %get3A_697 = vector.shape_cast %get3A_696 : vector<16xf32> to vector<16xf32>
        %add3A_698 = arith.constant 64 : i32
        %add3A_699 = arith.addi %add3A_677, %add3A_698 : i32
        %get3A_700 = arith.index_cast %add3A_699 : i32 to index
        %get3A_701 = tpu.vector_load %arg6[%get3A_700] {strides = array<i32>} : memref<40016xf32, #tpu.memory_space<vmem>>, vector<16xf32>,
        %get3A_702 = vector.shape_cast %get3A_701 : vector<16xf32> to vector<16xf32>
        %add3A_703 = arith.constant 80 : i32
        %add3A_704 = arith.addi %add3A_677, %add3A_703 : i32
        %get3A_705 = arith.index_cast %add3A_704 : i32 to index
        %get3A_706 = tpu.vector_load %arg6[%get3A_705] {strides = array<i32>} : memref<40016xf32, #tpu.memory_space<vmem>>, vector<16xf32>,
        %get3A_707 = vector.shape_cast %get3A_706 : vector<16xf32> to vector<16xf32>
        %add3A_708 = arith.constant 96 : i32
        %add3A_709 = arith.addi %add3A_677, %add3A_708 : i32
        %get3A_710 = arith.index_cast %add3A_709 : i32 to index
        %get3A_711 = tpu.vector_load %arg6[%get3A_710] {strides = array<i32>} : memref<40016xf32, #tpu.memory_space<vmem>>, vector<16xf32>,
        %get3A_712 = vector.shape_cast %get3A_711 : vector<16xf32> to vector<16xf32>
        %add3A_713 = arith.constant 112 : i32
        %add3A_714 = arith.addi %add3A_677, %add3A_713 : i32
        %get3A_715 = arith.index_cast %add3A_714 : i32 to index
        %get3A_716 = tpu.vector_load %arg6[%get3A_715] {strides = array<i32>} : memref<40016xf32, #tpu.memory_space<vmem>>, vector<16xf32>,
        %get3A_717 = vector.shape_cast %get3A_716 : vector<16xf32> to vector<16xf32>
        %add3A_718 = arith.constant 128 : i32
        %add3A_719 = arith.addi %add3A_677, %add3A_718 : i32
        %get3A_720 = arith.index_cast %add3A_719 : i32 to index
        %get3A_721 = tpu.vector_load %arg6[%get3A_720] {strides = array<i32>} : memref<40016xf32, #tpu.memory_space<vmem>>, vector<16xf32>,
        %get3A_722 = vector.shape_cast %get3A_721 : vector<16xf32> to vector<16xf32>
        %add3A_723 = arith.constant 144 : i32
        %add3A_724 = arith.addi %add3A_677, %add3A_723 : i32
        %get3A_725 = arith.index_cast %add3A_724 : i32 to index
        %get3A_726 = tpu.vector_load %arg6[%get3A_725] {strides = array<i32>} : memref<40016xf32, #tpu.memory_space<vmem>>, vector<16xf32>,
        %get3A_727 = vector.shape_cast %get3A_726 : vector<16xf32> to vector<16xf32>
        %add3A_728 = arith.constant 160 : i32
        %add3A_729 = arith.addi %add3A_677, %add3A_728 : i32
        %get3A_730 = arith.index_cast %add3A_729 : i32 to index
        %get3A_731 = tpu.vector_load %arg6[%get3A_730] {strides = array<i32>} : memref<40016xf32, #tpu.memory_space<vmem>>, vector<16xf32>,
        %get3A_732 = vector.shape_cast %get3A_731 : vector<16xf32> to vector<16xf32>
        %add3A_733 = arith.constant 176 : i32
        %add3A_734 = arith.addi %add3A_677, %add3A_733 : i32
        %get3A_735 = arith.index_cast %add3A_734 : i32 to index
        %get3A_736 = tpu.vector_load %arg6[%get3A_735] {strides = array<i32>} : memref<40016xf32, #tpu.memory_space<vmem>>, vector<16xf32>,
        %get3A_737 = vector.shape_cast %get3A_736 : vector<16xf32> to vector<16xf32>
        %add3A_738 = arith.constant 192 : i32
        %add3A_739 = arith.addi %add3A_677, %add3A_738 : i32
        %get3A_740 = arith.index_cast %add3A_739 : i32 to index
        %get3A_741 = tpu.vector_load %arg6[%get3A_740] {strides = array<i32>} : memref<40016xf32, #tpu.memory_space<vmem>>, vector<16xf32>,
        %get3A_742 = vector.shape_cast %get3A_741 : vector<16xf32> to vector<16xf32>
        %mul3A_743 = arith.constant 0 : i32
        %mul3A_744 = vector.broadcast %mul3A_743 : i32 to vector<16xi32>
        %mul3A_745 = arith.muli %iota3A, %mul3A_744 : vector<16xi32>
        %add3A_746 = arith.constant 2 : i32
        %add3A_747 = vector.broadcast %add3A_746 : i32 to vector<16xi32>
        %add3A_748 = arith.addi %mul3A_745, %add3A_747 : vector<16xi32>
        %and3A_749 = arith.constant 15 : i32
        %and3A_750 = vector.broadcast %and3A_749 : i32 to vector<16xi32>
        %and3A_751 = arith.andi %add3A_748, %and3A_750 : vector<16xi32>
        %lt3A_752 = arith.constant 0 : i32
        %lt3A_753 = vector.broadcast %lt3A_752 : i32 to vector<16xi32>
        %lt3A_754 = arith.cmpi slt, %and3A_751, %lt3A_753 : vector<16xi32>
        %add3A_755 = arith.constant 16 : i32
        %add3A_756 = vector.broadcast %add3A_755 : i32 to vector<16xi32>
        %add3A_757 = arith.addi %and3A_751, %add3A_756 : vector<16xi32>
        %select_n3A_758 = arith.select %lt3A_754, %add3A_757, %and3A_751 : vector<16xi1>, vector<16xi32>
        %broadcast_in_dim3A_759 = vector.shape_cast %select_n3A_758 : vector<16xi32> to vector<16x1xi32>
        %gather3A_760 = vector.shape_cast %broadcast_in_dim3A_759 : vector<16x1xi32> to vector<16xi32>
        %gather3A_761 = tpu.dynamic_gather %get3A_144[%gather3A_760] in [0] : vector<16xi32>, vector<16xi32> -> vector<16xi32>
        %mul3A_762 = arith.constant 0 : i32
        %mul3A_763 = vector.broadcast %mul3A_762 : i32 to vector<16xi32>
        %mul3A_764 = arith.muli %iota3A, %mul3A_763 : vector<16xi32>
        %add3A_765 = arith.constant 2 : i32
        %add3A_766 = vector.broadcast %add3A_765 : i32 to vector<16xi32>
        %add3A_767 = arith.addi %mul3A_764, %add3A_766 : vector<16xi32>
        %add3A_768 = arith.constant 1 : i32
        %add3A_769 = vector.broadcast %add3A_768 : i32 to vector<16xi32>
        %add3A_770 = arith.addi %add3A_767, %add3A_769 : vector<16xi32>
        %and3A_771 = arith.constant 15 : i32
        %and3A_772 = vector.broadcast %and3A_771 : i32 to vector<16xi32>
        %and3A_773 = arith.andi %add3A_770, %and3A_772 : vector<16xi32>
        %lt3A_774 = arith.constant 0 : i32
        %lt3A_775 = vector.broadcast %lt3A_774 : i32 to vector<16xi32>
        %lt3A_776 = arith.cmpi slt, %and3A_773, %lt3A_775 : vector<16xi32>
        %add3A_777 = arith.constant 16 : i32
        %add3A_778 = vector.broadcast %add3A_777 : i32 to vector<16xi32>
        %add3A_779 = arith.addi %and3A_773, %add3A_778 : vector<16xi32>
        %select_n3A_780 = arith.select %lt3A_776, %add3A_779, %and3A_773 : vector<16xi1>, vector<16xi32>
        %broadcast_in_dim3A_781 = vector.shape_cast %select_n3A_780 : vector<16xi32> to vector<16x1xi32>
        %gather3A_782 = vector.shape_cast %broadcast_in_dim3A_781 : vector<16x1xi32> to vector<16xi32>
        %gather3A_783 = tpu.dynamic_gather %get3A_144[%gather3A_782] in [0] : vector<16xi32>, vector<16xi32> -> vector<16xi32>
        %add3A_784 = arith.constant 0 : i32
        %add3A_785 = vector.broadcast %add3A_784 : i32 to vector<16xi32>
        %add3A_786 = arith.addi %gather3A_761, %add3A_785 : vector<16xi32>
        %broadcast_in_dim3A_787 = arith.constant 1.000000e+00 : f32
        %broadcast_in_dim3A_788 = vector.broadcast %broadcast_in_dim3A_787 : f32 to vector<16xf32>
        %mul3A_789 = vector.broadcast %scan3A_118 : f32 to vector<16xf32>
        %mul3A_790 = arith.mulf %mul3A_789, %broadcast_in_dim3A_788 : vector<16xf32>
        %max3A_791 = arith.maximumf %mul3A_790, %get3A_682 : vector<16xf32>
        %max3A_792 = arith.maximumf %max3A_791, %get3A_687 : vector<16xf32>
        %max3A_793 = arith.maximumf %max3A_792, %get3A_692 : vector<16xf32>
        %max3A_794 = arith.maximumf %max3A_793, %get3A_697 : vector<16xf32>
        %max3A_795 = arith.maximumf %max3A_794, %get3A_702 : vector<16xf32>
        %max3A_796 = arith.maximumf %max3A_795, %get3A_707 : vector<16xf32>
        %broadcast_in_dim3A_797 = vector.broadcast %scan3A_118 : f32 to vector<16xf32>
        %select_n3A_798 = arith.select %lt3A_2, %get3A_712, %broadcast_in_dim3A_797 : vector<16xi1>, vector<16xf32>
        %max3A_799 = arith.maximumf %max3A_796, %select_n3A_798 : vector<16xf32>
        %lt3A_800 = arith.constant 0 : i32
        %lt3A_801 = vector.broadcast %lt3A_800 : i32 to vector<16xi32>
        %lt3A_802 = arith.cmpi slt, %and3A_99, %lt3A_801 : vector<16xi32>
        %add3A_803 = arith.constant 16 : i32
        %add3A_804 = vector.broadcast %add3A_803 : i32 to vector<16xi32>
        %add3A_805 = arith.addi %and3A_99, %add3A_804 : vector<16xi32>
        %select_n3A_806 = arith.select %lt3A_802, %add3A_805, %and3A_99 : vector<16xi1>, vector<16xi32>
        %broadcast_in_dim3A_807 = vector.shape_cast %select_n3A_806 : vector<16xi32> to vector<16x1xi32>
        %gather3A_808 = vector.shape_cast %broadcast_in_dim3A_807 : vector<16x1xi32> to vector<16xi32>
        %gather3A_809 = tpu.dynamic_gather %max3A_799[%gather3A_808] in [0] : vector<16xf32>, vector<16xi32> -> vector<16xf32>
        %max3A_810 = arith.maximumf %max3A_799, %gather3A_809 : vector<16xf32>
        %lt3A_811 = arith.constant 0 : i32
        %lt3A_812 = vector.broadcast %lt3A_811 : i32 to vector<16xi32>
        %lt3A_813 = arith.cmpi slt, %and3A_105, %lt3A_812 : vector<16xi32>
        %add3A_814 = arith.constant 16 : i32
        %add3A_815 = vector.broadcast %add3A_814 : i32 to vector<16xi32>
        %add3A_816 = arith.addi %and3A_105, %add3A_815 : vector<16xi32>
        %select_n3A_817 = arith.select %lt3A_813, %add3A_816, %and3A_105 : vector<16xi1>, vector<16xi32>
        %broadcast_in_dim3A_818 = vector.shape_cast %select_n3A_817 : vector<16xi32> to vector<16x1xi32>
        %gather3A_819 = vector.shape_cast %broadcast_in_dim3A_818 : vector<16x1xi32> to vector<16xi32>
        %gather3A_820 = tpu.dynamic_gather %max3A_810[%gather3A_819] in [0] : vector<16xf32>, vector<16xi32> -> vector<16xf32>
        %max3A_821 = arith.maximumf %max3A_810, %gather3A_820 : vector<16xf32>
        %lt3A_822 = arith.constant 0 : i32
        %lt3A_823 = vector.broadcast %lt3A_822 : i32 to vector<16xi32>
        %lt3A_824 = arith.cmpi slt, %and3A_111, %lt3A_823 : vector<16xi32>
        %add3A_825 = arith.constant 16 : i32
        %add3A_826 = vector.broadcast %add3A_825 : i32 to vector<16xi32>
        %add3A_827 = arith.addi %and3A_111, %add3A_826 : vector<16xi32>
        %select_n3A_828 = arith.select %lt3A_824, %add3A_827, %and3A_111 : vector<16xi1>, vector<16xi32>
        %broadcast_in_dim3A_829 = vector.shape_cast %select_n3A_828 : vector<16xi32> to vector<16x1xi32>
        %gather3A_830 = vector.shape_cast %broadcast_in_dim3A_829 : vector<16x1xi32> to vector<16xi32>
        %gather3A_831 = tpu.dynamic_gather %max3A_821[%gather3A_830] in [0] : vector<16xf32>, vector<16xi32> -> vector<16xf32>
        %max3A_832 = arith.maximumf %max3A_821, %gather3A_831 : vector<16xf32>
        %lt3A_833 = arith.constant 0 : i32
        %lt3A_834 = vector.broadcast %lt3A_833 : i32 to vector<16xi32>
        %lt3A_835 = arith.cmpi slt, %and3A_117, %lt3A_834 : vector<16xi32>
        %add3A_836 = arith.constant 16 : i32
        %add3A_837 = vector.broadcast %add3A_836 : i32 to vector<16xi32>
        %add3A_838 = arith.addi %and3A_117, %add3A_837 : vector<16xi32>
        %select_n3A_839 = arith.select %lt3A_835, %add3A_838, %and3A_117 : vector<16xi1>, vector<16xi32>
        %broadcast_in_dim3A_840 = vector.shape_cast %select_n3A_839 : vector<16xi32> to vector<16x1xi32>
        %gather3A_841 = vector.shape_cast %broadcast_in_dim3A_840 : vector<16x1xi32> to vector<16xi32>
        %gather3A_842 = tpu.dynamic_gather %max3A_832[%gather3A_841] in [0] : vector<16xf32>, vector<16xi32> -> vector<16xf32>
        %max3A_843 = arith.maximumf %max3A_832, %gather3A_842 : vector<16xf32>
        %broadcast_in_dim3A_844 = arith.constant 1.000000e+00 : f32
        %broadcast_in_dim3A_845 = vector.broadcast %broadcast_in_dim3A_844 : f32 to vector<16xf32>
        %mul3A_846 = vector.broadcast %scan3A_118 : f32 to vector<16xf32>
        %mul3A_847 = arith.mulf %mul3A_846, %broadcast_in_dim3A_845 : vector<16xf32>
        %sub3A_848 = arith.subf %get3A_682, %max3A_843 : vector<16xf32>
        %exp3A_849 = math.exp %sub3A_848 : vector<16xf32>
        %add3A_850 = arith.addf %broadcast_in_dim3A_94, %exp3A_849 : vector<16xf32>
        %eq3A_851 = arith.cmpi eq, %add3A_57, %add3A_786 : vector<16xi32>
        %broadcast_in_dim3A_852 = vector.broadcast %scan3A_118 : f32 to vector<16xf32>
        %select_n3A_853 = arith.select %eq3A_851, %get3A_682, %broadcast_in_dim3A_852 : vector<16xi1>, vector<16xf32>
        %max3A_854 = arith.maximumf %mul3A_847, %select_n3A_853 : vector<16xf32>
        %sub3A_855 = arith.subf %get3A_687, %max3A_843 : vector<16xf32>
        %exp3A_856 = math.exp %sub3A_855 : vector<16xf32>
        %add3A_857 = arith.addf %add3A_850, %exp3A_856 : vector<16xf32>
        %eq3A_858 = arith.cmpi eq, %add3A_60, %add3A_786 : vector<16xi32>
        %broadcast_in_dim3A_859 = vector.broadcast %scan3A_118 : f32 to vector<16xf32>
        %select_n3A_860 = arith.select %eq3A_858, %get3A_687, %broadcast_in_dim3A_859 : vector<16xi1>, vector<16xf32>
        %max3A_861 = arith.maximumf %max3A_854, %select_n3A_860 : vector<16xf32>
        %sub3A_862 = arith.subf %get3A_692, %max3A_843 : vector<16xf32>
        %exp3A_863 = math.exp %sub3A_862 : vector<16xf32>
        %add3A_864 = arith.addf %add3A_857, %exp3A_863 : vector<16xf32>
        %eq3A_865 = arith.cmpi eq, %add3A_63, %add3A_786 : vector<16xi32>
        %broadcast_in_dim3A_866 = vector.broadcast %scan3A_118 : f32 to vector<16xf32>
        %select_n3A_867 = arith.select %eq3A_865, %get3A_692, %broadcast_in_dim3A_866 : vector<16xi1>, vector<16xf32>
        %max3A_868 = arith.maximumf %max3A_861, %select_n3A_867 : vector<16xf32>
        %sub3A_869 = arith.subf %get3A_697, %max3A_843 : vector<16xf32>
        %exp3A_870 = math.exp %sub3A_869 : vector<16xf32>
        %add3A_871 = arith.addf %add3A_864, %exp3A_870 : vector<16xf32>
        %eq3A_872 = arith.cmpi eq, %add3A_66, %add3A_786 : vector<16xi32>
        %broadcast_in_dim3A_873 = vector.broadcast %scan3A_118 : f32 to vector<16xf32>
        %select_n3A_874 = arith.select %eq3A_872, %get3A_697, %broadcast_in_dim3A_873 : vector<16xi1>, vector<16xf32>
        %max3A_875 = arith.maximumf %max3A_868, %select_n3A_874 : vector<16xf32>
        %sub3A_876 = arith.subf %get3A_702, %max3A_843 : vector<16xf32>
        %exp3A_877 = math.exp %sub3A_876 : vector<16xf32>
        %add3A_878 = arith.addf %add3A_871, %exp3A_877 : vector<16xf32>
        %eq3A_879 = arith.cmpi eq, %add3A_69, %add3A_786 : vector<16xi32>
        %broadcast_in_dim3A_880 = vector.broadcast %scan3A_118 : f32 to vector<16xf32>
        %select_n3A_881 = arith.select %eq3A_879, %get3A_702, %broadcast_in_dim3A_880 : vector<16xi1>, vector<16xf32>
        %max3A_882 = arith.maximumf %max3A_875, %select_n3A_881 : vector<16xf32>
        %sub3A_883 = arith.subf %get3A_707, %max3A_843 : vector<16xf32>
        %exp3A_884 = math.exp %sub3A_883 : vector<16xf32>
        %add3A_885 = arith.addf %add3A_878, %exp3A_884 : vector<16xf32>
        %eq3A_886 = arith.cmpi eq, %add3A_72, %add3A_786 : vector<16xi32>
        %broadcast_in_dim3A_887 = vector.broadcast %scan3A_118 : f32 to vector<16xf32>
        %select_n3A_888 = arith.select %eq3A_886, %get3A_707, %broadcast_in_dim3A_887 : vector<16xi1>, vector<16xf32>
        %max3A_889 = arith.maximumf %max3A_882, %select_n3A_888 : vector<16xf32>
        %sub3A_890 = arith.subf %get3A_712, %max3A_843 : vector<16xf32>
        %exp3A_891 = math.exp %sub3A_890 : vector<16xf32>
        %jit3A_892 = arith.constant 0.000000e+00 : f32
        %broadcast_in_dim3A_893 = vector.broadcast %jit3A_892 : f32 to vector<16xf32>
        %select_n3A_894 = arith.select %lt3A_2, %exp3A_891, %broadcast_in_dim3A_893 : vector<16xi1>, vector<16xf32>
        %add3A_895 = arith.addf %add3A_885, %select_n3A_894 : vector<16xf32>
        %eq3A_896 = arith.cmpi eq, %add3A_75, %add3A_786 : vector<16xi32>
        %broadcast_in_dim3A_897 = vector.broadcast %scan3A_118 : f32 to vector<16xf32>
        %select_n3A_898 = arith.select %eq3A_896, %get3A_712, %broadcast_in_dim3A_897 : vector<16xi1>, vector<16xf32>
        %max3A_899 = arith.maximumf %max3A_889, %select_n3A_898 : vector<16xf32>
        %lt3A_900 = arith.constant 0 : i32
        %lt3A_901 = vector.broadcast %lt3A_900 : i32 to vector<16xi32>
        %lt3A_902 = arith.cmpi slt, %and3A_99, %lt3A_901 : vector<16xi32>
        %add3A_903 = arith.constant 16 : i32
        %add3A_904 = vector.broadcast %add3A_903 : i32 to vector<16xi32>
        %add3A_905 = arith.addi %and3A_99, %add3A_904 : vector<16xi32>
        %select_n3A_906 = arith.select %lt3A_902, %add3A_905, %and3A_99 : vector<16xi1>, vector<16xi32>
        %broadcast_in_dim3A_907 = vector.shape_cast %select_n3A_906 : vector<16xi32> to vector<16x1xi32>
        %gather3A_908 = vector.shape_cast %broadcast_in_dim3A_907 : vector<16x1xi32> to vector<16xi32>
        %gather3A_909 = tpu.dynamic_gather %add3A_895[%gather3A_908] in [0] : vector<16xf32>, vector<16xi32> -> vector<16xf32>
        %add3A_910 = arith.addf %add3A_895, %gather3A_909 : vector<16xf32>
        %lt3A_911 = arith.constant 0 : i32
        %lt3A_912 = vector.broadcast %lt3A_911 : i32 to vector<16xi32>
        %lt3A_913 = arith.cmpi slt, %and3A_105, %lt3A_912 : vector<16xi32>
        %add3A_914 = arith.constant 16 : i32
        %add3A_915 = vector.broadcast %add3A_914 : i32 to vector<16xi32>
        %add3A_916 = arith.addi %and3A_105, %add3A_915 : vector<16xi32>
        %select_n3A_917 = arith.select %lt3A_913, %add3A_916, %and3A_105 : vector<16xi1>, vector<16xi32>
        %broadcast_in_dim3A_918 = vector.shape_cast %select_n3A_917 : vector<16xi32> to vector<16x1xi32>
        %gather3A_919 = vector.shape_cast %broadcast_in_dim3A_918 : vector<16x1xi32> to vector<16xi32>
        %gather3A_920 = tpu.dynamic_gather %add3A_910[%gather3A_919] in [0] : vector<16xf32>, vector<16xi32> -> vector<16xf32>
        %add3A_921 = arith.addf %add3A_910, %gather3A_920 : vector<16xf32>
        %lt3A_922 = arith.constant 0 : i32
        %lt3A_923 = vector.broadcast %lt3A_922 : i32 to vector<16xi32>
        %lt3A_924 = arith.cmpi slt, %and3A_111, %lt3A_923 : vector<16xi32>
        %add3A_925 = arith.constant 16 : i32
        %add3A_926 = vector.broadcast %add3A_925 : i32 to vector<16xi32>
        %add3A_927 = arith.addi %and3A_111, %add3A_926 : vector<16xi32>
        %select_n3A_928 = arith.select %lt3A_924, %add3A_927, %and3A_111 : vector<16xi1>, vector<16xi32>
        %broadcast_in_dim3A_929 = vector.shape_cast %select_n3A_928 : vector<16xi32> to vector<16x1xi32>
        %gather3A_930 = vector.shape_cast %broadcast_in_dim3A_929 : vector<16x1xi32> to vector<16xi32>
        %gather3A_931 = tpu.dynamic_gather %add3A_921[%gather3A_930] in [0] : vector<16xf32>, vector<16xi32> -> vector<16xf32>
        %add3A_932 = arith.addf %add3A_921, %gather3A_931 : vector<16xf32>
        %lt3A_933 = arith.constant 0 : i32
        %lt3A_934 = vector.broadcast %lt3A_933 : i32 to vector<16xi32>
        %lt3A_935 = arith.cmpi slt, %and3A_117, %lt3A_934 : vector<16xi32>
        %add3A_936 = arith.constant 16 : i32
        %add3A_937 = vector.broadcast %add3A_936 : i32 to vector<16xi32>
        %add3A_938 = arith.addi %and3A_117, %add3A_937 : vector<16xi32>
        %select_n3A_939 = arith.select %lt3A_935, %add3A_938, %and3A_117 : vector<16xi1>, vector<16xi32>
        %broadcast_in_dim3A_940 = vector.shape_cast %select_n3A_939 : vector<16xi32> to vector<16x1xi32>
        %gather3A_941 = vector.shape_cast %broadcast_in_dim3A_940 : vector<16x1xi32> to vector<16xi32>
        %gather3A_942 = tpu.dynamic_gather %add3A_932[%gather3A_941] in [0] : vector<16xf32>, vector<16xi32> -> vector<16xf32>
        %add3A_943 = arith.addf %add3A_932, %gather3A_942 : vector<16xf32>
        %lt3A_944 = arith.constant 0 : i32
        %lt3A_945 = vector.broadcast %lt3A_944 : i32 to vector<16xi32>
        %lt3A_946 = arith.cmpi slt, %and3A_99, %lt3A_945 : vector<16xi32>
        %add3A_947 = arith.constant 16 : i32
        %add3A_948 = vector.broadcast %add3A_947 : i32 to vector<16xi32>
        %add3A_949 = arith.addi %and3A_99, %add3A_948 : vector<16xi32>
        %select_n3A_950 = arith.select %lt3A_946, %add3A_949, %and3A_99 : vector<16xi1>, vector<16xi32>
        %broadcast_in_dim3A_951 = vector.shape_cast %select_n3A_950 : vector<16xi32> to vector<16x1xi32>
        %gather3A_952 = vector.shape_cast %broadcast_in_dim3A_951 : vector<16x1xi32> to vector<16xi32>
        %gather3A_953 = tpu.dynamic_gather %max3A_899[%gather3A_952] in [0] : vector<16xf32>, vector<16xi32> -> vector<16xf32>
        %max3A_954 = arith.maximumf %max3A_899, %gather3A_953 : vector<16xf32>
        %lt3A_955 = arith.constant 0 : i32
        %lt3A_956 = vector.broadcast %lt3A_955 : i32 to vector<16xi32>
        %lt3A_957 = arith.cmpi slt, %and3A_105, %lt3A_956 : vector<16xi32>
        %add3A_958 = arith.constant 16 : i32
        %add3A_959 = vector.broadcast %add3A_958 : i32 to vector<16xi32>
        %add3A_960 = arith.addi %and3A_105, %add3A_959 : vector<16xi32>
        %select_n3A_961 = arith.select %lt3A_957, %add3A_960, %and3A_105 : vector<16xi1>, vector<16xi32>
        %broadcast_in_dim3A_962 = vector.shape_cast %select_n3A_961 : vector<16xi32> to vector<16x1xi32>
        %gather3A_963 = vector.shape_cast %broadcast_in_dim3A_962 : vector<16x1xi32> to vector<16xi32>
        %gather3A_964 = tpu.dynamic_gather %max3A_954[%gather3A_963] in [0] : vector<16xf32>, vector<16xi32> -> vector<16xf32>
        %max3A_965 = arith.maximumf %max3A_954, %gather3A_964 : vector<16xf32>
        %lt3A_966 = arith.constant 0 : i32
        %lt3A_967 = vector.broadcast %lt3A_966 : i32 to vector<16xi32>
        %lt3A_968 = arith.cmpi slt, %and3A_111, %lt3A_967 : vector<16xi32>
        %add3A_969 = arith.constant 16 : i32
        %add3A_970 = vector.broadcast %add3A_969 : i32 to vector<16xi32>
        %add3A_971 = arith.addi %and3A_111, %add3A_970 : vector<16xi32>
        %select_n3A_972 = arith.select %lt3A_968, %add3A_971, %and3A_111 : vector<16xi1>, vector<16xi32>
        %broadcast_in_dim3A_973 = vector.shape_cast %select_n3A_972 : vector<16xi32> to vector<16x1xi32>
        %gather3A_974 = vector.shape_cast %broadcast_in_dim3A_973 : vector<16x1xi32> to vector<16xi32>
        %gather3A_975 = tpu.dynamic_gather %max3A_965[%gather3A_974] in [0] : vector<16xf32>, vector<16xi32> -> vector<16xf32>
        %max3A_976 = arith.maximumf %max3A_965, %gather3A_975 : vector<16xf32>
        %lt3A_977 = arith.constant 0 : i32
        %lt3A_978 = vector.broadcast %lt3A_977 : i32 to vector<16xi32>
        %lt3A_979 = arith.cmpi slt, %and3A_117, %lt3A_978 : vector<16xi32>
        %add3A_980 = arith.constant 16 : i32
        %add3A_981 = vector.broadcast %add3A_980 : i32 to vector<16xi32>
        %add3A_982 = arith.addi %and3A_117, %add3A_981 : vector<16xi32>
        %select_n3A_983 = arith.select %lt3A_979, %add3A_982, %and3A_117 : vector<16xi1>, vector<16xi32>
        %broadcast_in_dim3A_984 = vector.shape_cast %select_n3A_983 : vector<16xi32> to vector<16x1xi32>
        %gather3A_985 = vector.shape_cast %broadcast_in_dim3A_984 : vector<16x1xi32> to vector<16xi32>
        %gather3A_986 = tpu.dynamic_gather %max3A_976[%gather3A_985] in [0] : vector<16xf32>, vector<16xi32> -> vector<16xf32>
        %max3A_987 = arith.maximumf %max3A_976, %gather3A_986 : vector<16xf32>
        %add3A_988 = arith.constant 100 : i32
        %add3A_989 = vector.broadcast %add3A_988 : i32 to vector<16xi32>
        %add3A_990 = arith.addi %gather3A_783, %add3A_989 : vector<16xi32>
        %broadcast_in_dim3A_991 = arith.constant 1.000000e+00 : f32
        %broadcast_in_dim3A_992 = vector.broadcast %broadcast_in_dim3A_991 : f32 to vector<16xf32>
        %mul3A_993 = vector.broadcast %scan3A_118 : f32 to vector<16xf32>
        %mul3A_994 = arith.mulf %mul3A_993, %broadcast_in_dim3A_992 : vector<16xf32>
        %broadcast_in_dim3A_995 = vector.broadcast %scan3A_118 : f32 to vector<16xf32>
        %select_n3A_996 = arith.select %ge3A_4, %get3A_712, %broadcast_in_dim3A_995 : vector<16xi1>, vector<16xf32>
        %max3A_997 = arith.maximumf %mul3A_994, %select_n3A_996 : vector<16xf32>
        %max3A_998 = arith.maximumf %max3A_997, %get3A_717 : vector<16xf32>
        %max3A_999 = arith.maximumf %max3A_998, %get3A_722 : vector<16xf32>
        %max3A_1000 = arith.maximumf %max3A_999, %get3A_727 : vector<16xf32>
        %max3A_1001 = arith.maximumf %max3A_1000, %get3A_732 : vector<16xf32>
        %max3A_1002 = arith.maximumf %max3A_1001, %get3A_737 : vector<16xf32>
        %broadcast_in_dim3A_1003 = vector.broadcast %scan3A_118 : f32 to vector<16xf32>
        %select_n3A_1004 = arith.select %lt3A_7, %get3A_742, %broadcast_in_dim3A_1003 : vector<16xi1>, vector<16xf32>
        %max3A_1005 = arith.maximumf %max3A_1002, %select_n3A_1004 : vector<16xf32>
        %lt3A_1006 = arith.constant 0 : i32
        %lt3A_1007 = vector.broadcast %lt3A_1006 : i32 to vector<16xi32>
        %lt3A_1008 = arith.cmpi slt, %and3A_99, %lt3A_1007 : vector<16xi32>
        %add3A_1009 = arith.constant 16 : i32
        %add3A_1010 = vector.broadcast %add3A_1009 : i32 to vector<16xi32>
        %add3A_1011 = arith.addi %and3A_99, %add3A_1010 : vector<16xi32>
        %select_n3A_1012 = arith.select %lt3A_1008, %add3A_1011, %and3A_99 : vector<16xi1>, vector<16xi32>
        %broadcast_in_dim3A_1013 = vector.shape_cast %select_n3A_1012 : vector<16xi32> to vector<16x1xi32>
        %gather3A_1014 = vector.shape_cast %broadcast_in_dim3A_1013 : vector<16x1xi32> to vector<16xi32>
        %gather3A_1015 = tpu.dynamic_gather %max3A_1005[%gather3A_1014] in [0] : vector<16xf32>, vector<16xi32> -> vector<16xf32>
        %max3A_1016 = arith.maximumf %max3A_1005, %gather3A_1015 : vector<16xf32>
        %lt3A_1017 = arith.constant 0 : i32
        %lt3A_1018 = vector.broadcast %lt3A_1017 : i32 to vector<16xi32>
        %lt3A_1019 = arith.cmpi slt, %and3A_105, %lt3A_1018 : vector<16xi32>
        %add3A_1020 = arith.constant 16 : i32
        %add3A_1021 = vector.broadcast %add3A_1020 : i32 to vector<16xi32>
        %add3A_1022 = arith.addi %and3A_105, %add3A_1021 : vector<16xi32>
        %select_n3A_1023 = arith.select %lt3A_1019, %add3A_1022, %and3A_105 : vector<16xi1>, vector<16xi32>
        %broadcast_in_dim3A_1024 = vector.shape_cast %select_n3A_1023 : vector<16xi32> to vector<16x1xi32>
        %gather3A_1025 = vector.shape_cast %broadcast_in_dim3A_1024 : vector<16x1xi32> to vector<16xi32>
        %gather3A_1026 = tpu.dynamic_gather %max3A_1016[%gather3A_1025] in [0] : vector<16xf32>, vector<16xi32> -> vector<16xf32>
        %max3A_1027 = arith.maximumf %max3A_1016, %gather3A_1026 : vector<16xf32>
        %lt3A_1028 = arith.constant 0 : i32
        %lt3A_1029 = vector.broadcast %lt3A_1028 : i32 to vector<16xi32>
        %lt3A_1030 = arith.cmpi slt, %and3A_111, %lt3A_1029 : vector<16xi32>
        %add3A_1031 = arith.constant 16 : i32
        %add3A_1032 = vector.broadcast %add3A_1031 : i32 to vector<16xi32>
        %add3A_1033 = arith.addi %and3A_111, %add3A_1032 : vector<16xi32>
        %select_n3A_1034 = arith.select %lt3A_1030, %add3A_1033, %and3A_111 : vector<16xi1>, vector<16xi32>
        %broadcast_in_dim3A_1035 = vector.shape_cast %select_n3A_1034 : vector<16xi32> to vector<16x1xi32>
        %gather3A_1036 = vector.shape_cast %broadcast_in_dim3A_1035 : vector<16x1xi32> to vector<16xi32>
        %gather3A_1037 = tpu.dynamic_gather %max3A_1027[%gather3A_1036] in [0] : vector<16xf32>, vector<16xi32> -> vector<16xf32>
        %max3A_1038 = arith.maximumf %max3A_1027, %gather3A_1037 : vector<16xf32>
        %lt3A_1039 = arith.constant 0 : i32
        %lt3A_1040 = vector.broadcast %lt3A_1039 : i32 to vector<16xi32>
        %lt3A_1041 = arith.cmpi slt, %and3A_117, %lt3A_1040 : vector<16xi32>
        %add3A_1042 = arith.constant 16 : i32
        %add3A_1043 = vector.broadcast %add3A_1042 : i32 to vector<16xi32>
        %add3A_1044 = arith.addi %and3A_117, %add3A_1043 : vector<16xi32>
        %select_n3A_1045 = arith.select %lt3A_1041, %add3A_1044, %and3A_117 : vector<16xi1>, vector<16xi32>
        %broadcast_in_dim3A_1046 = vector.shape_cast %select_n3A_1045 : vector<16xi32> to vector<16x1xi32>
        %gather3A_1047 = vector.shape_cast %broadcast_in_dim3A_1046 : vector<16x1xi32> to vector<16xi32>
        %gather3A_1048 = tpu.dynamic_gather %max3A_1038[%gather3A_1047] in [0] : vector<16xf32>, vector<16xi32> -> vector<16xf32>
        %max3A_1049 = arith.maximumf %max3A_1038, %gather3A_1048 : vector<16xf32>
        %broadcast_in_dim3A_1050 = arith.constant 1.000000e+00 : f32
        %broadcast_in_dim3A_1051 = vector.broadcast %broadcast_in_dim3A_1050 : f32 to vector<16xf32>
        %mul3A_1052 = vector.broadcast %scan3A_118 : f32 to vector<16xf32>
        %mul3A_1053 = arith.mulf %mul3A_1052, %broadcast_in_dim3A_1051 : vector<16xf32>
        %sub3A_1054 = arith.subf %get3A_712, %max3A_1049 : vector<16xf32>
        %exp3A_1055 = math.exp %sub3A_1054 : vector<16xf32>
        %jit3A_1056 = arith.constant 0.000000e+00 : f32
        %broadcast_in_dim3A_1057 = vector.broadcast %jit3A_1056 : f32 to vector<16xf32>
        %select_n3A_1058 = arith.select %ge3A_4, %exp3A_1055, %broadcast_in_dim3A_1057 : vector<16xi1>, vector<16xf32>
        %add3A_1059 = arith.addf %broadcast_in_dim3A_94, %select_n3A_1058 : vector<16xf32>
        %eq3A_1060 = arith.cmpi eq, %add3A_75, %add3A_990 : vector<16xi32>
        %broadcast_in_dim3A_1061 = vector.broadcast %scan3A_118 : f32 to vector<16xf32>
        %select_n3A_1062 = arith.select %eq3A_1060, %get3A_712, %broadcast_in_dim3A_1061 : vector<16xi1>, vector<16xf32>
        %max3A_1063 = arith.maximumf %mul3A_1053, %select_n3A_1062 : vector<16xf32>
        %sub3A_1064 = arith.subf %get3A_717, %max3A_1049 : vector<16xf32>
        %exp3A_1065 = math.exp %sub3A_1064 : vector<16xf32>
        %add3A_1066 = arith.addf %add3A_1059, %exp3A_1065 : vector<16xf32>
        %eq3A_1067 = arith.cmpi eq, %add3A_78, %add3A_990 : vector<16xi32>
        %broadcast_in_dim3A_1068 = vector.broadcast %scan3A_118 : f32 to vector<16xf32>
        %select_n3A_1069 = arith.select %eq3A_1067, %get3A_717, %broadcast_in_dim3A_1068 : vector<16xi1>, vector<16xf32>
        %max3A_1070 = arith.maximumf %max3A_1063, %select_n3A_1069 : vector<16xf32>
        %sub3A_1071 = arith.subf %get3A_722, %max3A_1049 : vector<16xf32>
        %exp3A_1072 = math.exp %sub3A_1071 : vector<16xf32>
        %add3A_1073 = arith.addf %add3A_1066, %exp3A_1072 : vector<16xf32>
        %eq3A_1074 = arith.cmpi eq, %add3A_81, %add3A_990 : vector<16xi32>
        %broadcast_in_dim3A_1075 = vector.broadcast %scan3A_118 : f32 to vector<16xf32>
        %select_n3A_1076 = arith.select %eq3A_1074, %get3A_722, %broadcast_in_dim3A_1075 : vector<16xi1>, vector<16xf32>
        %max3A_1077 = arith.maximumf %max3A_1070, %select_n3A_1076 : vector<16xf32>
        %sub3A_1078 = arith.subf %get3A_727, %max3A_1049 : vector<16xf32>
        %exp3A_1079 = math.exp %sub3A_1078 : vector<16xf32>
        %add3A_1080 = arith.addf %add3A_1073, %exp3A_1079 : vector<16xf32>
        %eq3A_1081 = arith.cmpi eq, %add3A_84, %add3A_990 : vector<16xi32>
        %broadcast_in_dim3A_1082 = vector.broadcast %scan3A_118 : f32 to vector<16xf32>
        %select_n3A_1083 = arith.select %eq3A_1081, %get3A_727, %broadcast_in_dim3A_1082 : vector<16xi1>, vector<16xf32>
        %max3A_1084 = arith.maximumf %max3A_1077, %select_n3A_1083 : vector<16xf32>
        %sub3A_1085 = arith.subf %get3A_732, %max3A_1049 : vector<16xf32>
        %exp3A_1086 = math.exp %sub3A_1085 : vector<16xf32>
        %add3A_1087 = arith.addf %add3A_1080, %exp3A_1086 : vector<16xf32>
        %eq3A_1088 = arith.cmpi eq, %add3A_87, %add3A_990 : vector<16xi32>
        %broadcast_in_dim3A_1089 = vector.broadcast %scan3A_118 : f32 to vector<16xf32>
        %select_n3A_1090 = arith.select %eq3A_1088, %get3A_732, %broadcast_in_dim3A_1089 : vector<16xi1>, vector<16xf32>
        %max3A_1091 = arith.maximumf %max3A_1084, %select_n3A_1090 : vector<16xf32>
        %sub3A_1092 = arith.subf %get3A_737, %max3A_1049 : vector<16xf32>
        %exp3A_1093 = math.exp %sub3A_1092 : vector<16xf32>
        %add3A_1094 = arith.addf %add3A_1087, %exp3A_1093 : vector<16xf32>
        %eq3A_1095 = arith.cmpi eq, %add3A_90, %add3A_990 : vector<16xi32>
        %broadcast_in_dim3A_1096 = vector.broadcast %scan3A_118 : f32 to vector<16xf32>
        %select_n3A_1097 = arith.select %eq3A_1095, %get3A_737, %broadcast_in_dim3A_1096 : vector<16xi1>, vector<16xf32>
        %max3A_1098 = arith.maximumf %max3A_1091, %select_n3A_1097 : vector<16xf32>
        %sub3A_1099 = arith.subf %get3A_742, %max3A_1049 : vector<16xf32>
        %exp3A_1100 = math.exp %sub3A_1099 : vector<16xf32>
        %jit3A_1101 = arith.constant 0.000000e+00 : f32
        %broadcast_in_dim3A_1102 = vector.broadcast %jit3A_1101 : f32 to vector<16xf32>
        %select_n3A_1103 = arith.select %lt3A_7, %exp3A_1100, %broadcast_in_dim3A_1102 : vector<16xi1>, vector<16xf32>
        %add3A_1104 = arith.addf %add3A_1094, %select_n3A_1103 : vector<16xf32>
        %eq3A_1105 = arith.cmpi eq, %add3A_93, %add3A_990 : vector<16xi32>
        %broadcast_in_dim3A_1106 = vector.broadcast %scan3A_118 : f32 to vector<16xf32>
        %select_n3A_1107 = arith.select %eq3A_1105, %get3A_742, %broadcast_in_dim3A_1106 : vector<16xi1>, vector<16xf32>
        %max3A_1108 = arith.maximumf %max3A_1098, %select_n3A_1107 : vector<16xf32>
        %lt3A_1109 = arith.constant 0 : i32
        %lt3A_1110 = vector.broadcast %lt3A_1109 : i32 to vector<16xi32>
        %lt3A_1111 = arith.cmpi slt, %and3A_99, %lt3A_1110 : vector<16xi32>
        %add3A_1112 = arith.constant 16 : i32
        %add3A_1113 = vector.broadcast %add3A_1112 : i32 to vector<16xi32>
        %add3A_1114 = arith.addi %and3A_99, %add3A_1113 : vector<16xi32>
        %select_n3A_1115 = arith.select %lt3A_1111, %add3A_1114, %and3A_99 : vector<16xi1>, vector<16xi32>
        %broadcast_in_dim3A_1116 = vector.shape_cast %select_n3A_1115 : vector<16xi32> to vector<16x1xi32>
        %gather3A_1117 = vector.shape_cast %broadcast_in_dim3A_1116 : vector<16x1xi32> to vector<16xi32>
        %gather3A_1118 = tpu.dynamic_gather %add3A_1104[%gather3A_1117] in [0] : vector<16xf32>, vector<16xi32> -> vector<16xf32>
        %add3A_1119 = arith.addf %add3A_1104, %gather3A_1118 : vector<16xf32>
        %lt3A_1120 = arith.constant 0 : i32
        %lt3A_1121 = vector.broadcast %lt3A_1120 : i32 to vector<16xi32>
        %lt3A_1122 = arith.cmpi slt, %and3A_105, %lt3A_1121 : vector<16xi32>
        %add3A_1123 = arith.constant 16 : i32
        %add3A_1124 = vector.broadcast %add3A_1123 : i32 to vector<16xi32>
        %add3A_1125 = arith.addi %and3A_105, %add3A_1124 : vector<16xi32>
        %select_n3A_1126 = arith.select %lt3A_1122, %add3A_1125, %and3A_105 : vector<16xi1>, vector<16xi32>
        %broadcast_in_dim3A_1127 = vector.shape_cast %select_n3A_1126 : vector<16xi32> to vector<16x1xi32>
        %gather3A_1128 = vector.shape_cast %broadcast_in_dim3A_1127 : vector<16x1xi32> to vector<16xi32>
        %gather3A_1129 = tpu.dynamic_gather %add3A_1119[%gather3A_1128] in [0] : vector<16xf32>, vector<16xi32> -> vector<16xf32>
        %add3A_1130 = arith.addf %add3A_1119, %gather3A_1129 : vector<16xf32>
        %lt3A_1131 = arith.constant 0 : i32
        %lt3A_1132 = vector.broadcast %lt3A_1131 : i32 to vector<16xi32>
        %lt3A_1133 = arith.cmpi slt, %and3A_111, %lt3A_1132 : vector<16xi32>
        %add3A_1134 = arith.constant 16 : i32
        %add3A_1135 = vector.broadcast %add3A_1134 : i32 to vector<16xi32>
        %add3A_1136 = arith.addi %and3A_111, %add3A_1135 : vector<16xi32>
        %select_n3A_1137 = arith.select %lt3A_1133, %add3A_1136, %and3A_111 : vector<16xi1>, vector<16xi32>
        %broadcast_in_dim3A_1138 = vector.shape_cast %select_n3A_1137 : vector<16xi32> to vector<16x1xi32>
        %gather3A_1139 = vector.shape_cast %broadcast_in_dim3A_1138 : vector<16x1xi32> to vector<16xi32>
        %gather3A_1140 = tpu.dynamic_gather %add3A_1130[%gather3A_1139] in [0] : vector<16xf32>, vector<16xi32> -> vector<16xf32>
        %add3A_1141 = arith.addf %add3A_1130, %gather3A_1140 : vector<16xf32>
        %lt3A_1142 = arith.constant 0 : i32
        %lt3A_1143 = vector.broadcast %lt3A_1142 : i32 to vector<16xi32>
        %lt3A_1144 = arith.cmpi slt, %and3A_117, %lt3A_1143 : vector<16xi32>
        %add3A_1145 = arith.constant 16 : i32
        %add3A_1146 = vector.broadcast %add3A_1145 : i32 to vector<16xi32>
        %add3A_1147 = arith.addi %and3A_117, %add3A_1146 : vector<16xi32>
        %select_n3A_1148 = arith.select %lt3A_1144, %add3A_1147, %and3A_117 : vector<16xi1>, vector<16xi32>
        %broadcast_in_dim3A_1149 = vector.shape_cast %select_n3A_1148 : vector<16xi32> to vector<16x1xi32>
        %gather3A_1150 = vector.shape_cast %broadcast_in_dim3A_1149 : vector<16x1xi32> to vector<16xi32>
        %gather3A_1151 = tpu.dynamic_gather %add3A_1141[%gather3A_1150] in [0] : vector<16xf32>, vector<16xi32> -> vector<16xf32>
        %add3A_1152 = arith.addf %add3A_1141, %gather3A_1151 : vector<16xf32>
        %lt3A_1153 = arith.constant 0 : i32
        %lt3A_1154 = vector.broadcast %lt3A_1153 : i32 to vector<16xi32>
        %lt3A_1155 = arith.cmpi slt, %and3A_99, %lt3A_1154 : vector<16xi32>
        %add3A_1156 = arith.constant 16 : i32
        %add3A_1157 = vector.broadcast %add3A_1156 : i32 to vector<16xi32>
        %add3A_1158 = arith.addi %and3A_99, %add3A_1157 : vector<16xi32>
        %select_n3A_1159 = arith.select %lt3A_1155, %add3A_1158, %and3A_99 : vector<16xi1>, vector<16xi32>
        %broadcast_in_dim3A_1160 = vector.shape_cast %select_n3A_1159 : vector<16xi32> to vector<16x1xi32>
        %gather3A_1161 = vector.shape_cast %broadcast_in_dim3A_1160 : vector<16x1xi32> to vector<16xi32>
        %gather3A_1162 = tpu.dynamic_gather %max3A_1108[%gather3A_1161] in [0] : vector<16xf32>, vector<16xi32> -> vector<16xf32>
        %max3A_1163 = arith.maximumf %max3A_1108, %gather3A_1162 : vector<16xf32>
        %lt3A_1164 = arith.constant 0 : i32
        %lt3A_1165 = vector.broadcast %lt3A_1164 : i32 to vector<16xi32>
        %lt3A_1166 = arith.cmpi slt, %and3A_105, %lt3A_1165 : vector<16xi32>
        %add3A_1167 = arith.constant 16 : i32
        %add3A_1168 = vector.broadcast %add3A_1167 : i32 to vector<16xi32>
        %add3A_1169 = arith.addi %and3A_105, %add3A_1168 : vector<16xi32>
        %select_n3A_1170 = arith.select %lt3A_1166, %add3A_1169, %and3A_105 : vector<16xi1>, vector<16xi32>
        %broadcast_in_dim3A_1171 = vector.shape_cast %select_n3A_1170 : vector<16xi32> to vector<16x1xi32>
        %gather3A_1172 = vector.shape_cast %broadcast_in_dim3A_1171 : vector<16x1xi32> to vector<16xi32>
        %gather3A_1173 = tpu.dynamic_gather %max3A_1163[%gather3A_1172] in [0] : vector<16xf32>, vector<16xi32> -> vector<16xf32>
        %max3A_1174 = arith.maximumf %max3A_1163, %gather3A_1173 : vector<16xf32>
        %lt3A_1175 = arith.constant 0 : i32
        %lt3A_1176 = vector.broadcast %lt3A_1175 : i32 to vector<16xi32>
        %lt3A_1177 = arith.cmpi slt, %and3A_111, %lt3A_1176 : vector<16xi32>
        %add3A_1178 = arith.constant 16 : i32
        %add3A_1179 = vector.broadcast %add3A_1178 : i32 to vector<16xi32>
        %add3A_1180 = arith.addi %and3A_111, %add3A_1179 : vector<16xi32>
        %select_n3A_1181 = arith.select %lt3A_1177, %add3A_1180, %and3A_111 : vector<16xi1>, vector<16xi32>
        %broadcast_in_dim3A_1182 = vector.shape_cast %select_n3A_1181 : vector<16xi32> to vector<16x1xi32>
        %gather3A_1183 = vector.shape_cast %broadcast_in_dim3A_1182 : vector<16x1xi32> to vector<16xi32>
        %gather3A_1184 = tpu.dynamic_gather %max3A_1174[%gather3A_1183] in [0] : vector<16xf32>, vector<16xi32> -> vector<16xf32>
        %max3A_1185 = arith.maximumf %max3A_1174, %gather3A_1184 : vector<16xf32>
        %lt3A_1186 = arith.constant 0 : i32
        %lt3A_1187 = vector.broadcast %lt3A_1186 : i32 to vector<16xi32>
        %lt3A_1188 = arith.cmpi slt, %and3A_117, %lt3A_1187 : vector<16xi32>
        %add3A_1189 = arith.constant 16 : i32
        %add3A_1190 = vector.broadcast %add3A_1189 : i32 to vector<16xi32>
        %add3A_1191 = arith.addi %and3A_117, %add3A_1190 : vector<16xi32>
        %select_n3A_1192 = arith.select %lt3A_1188, %add3A_1191, %and3A_117 : vector<16xi1>, vector<16xi32>
        %broadcast_in_dim3A_1193 = vector.shape_cast %select_n3A_1192 : vector<16xi32> to vector<16x1xi32>
        %gather3A_1194 = vector.shape_cast %broadcast_in_dim3A_1193 : vector<16x1xi32> to vector<16xi32>
        %gather3A_1195 = tpu.dynamic_gather %max3A_1185[%gather3A_1194] in [0] : vector<16xf32>, vector<16xi32> -> vector<16xf32>
        %max3A_1196 = arith.maximumf %max3A_1185, %gather3A_1195 : vector<16xf32>
        %select_n3A_1197 = arith.select %eq3A_15, %max3A_843, %select_n3A_667 : vector<16xi1>, vector<16xf32>
        %select_n3A_1198 = arith.select %eq3A_18, %max3A_1049, %select_n3A_1197 : vector<16xi1>, vector<16xf32>
        %select_n3A_1199 = arith.select %eq3A_15, %add3A_943, %select_n3A_669 : vector<16xi1>, vector<16xf32>
        %select_n3A_1200 = arith.select %eq3A_18, %add3A_1152, %select_n3A_1199 : vector<16xi1>, vector<16xf32>
        %select_n3A_1201 = arith.select %eq3A_15, %max3A_987, %select_n3A_671 : vector<16xi1>, vector<16xf32>
        %select_n3A_1202 = arith.select %eq3A_18, %max3A_1196, %select_n3A_1201 : vector<16xi1>, vector<16xf32>
        %mul3A_1203 = arith.constant 16 : i32
        %mul3A_1204 = arith.muli %scan3A_140, %mul3A_1203 : i32
        %mul3A_1205 = arith.constant 100 : i32
        %mul3A_1206 = arith.muli %mul3A_1204, %mul3A_1205 : i32
        %add3A_1207 = arith.constant 400 : i32
        %add3A_1208 = arith.addi %mul3A_1206, %add3A_1207 : i32
        %add3A_1209 = arith.constant 0 : i32
        %add3A_1210 = arith.addi %add3A_1208, %add3A_1209 : i32
        %get3A_1211 = arith.index_cast %add3A_1210 : i32 to index
        %get3A_1212 = tpu.vector_load %arg6[%get3A_1211] {strides = array<i32>} : memref<40016xf32, #tpu.memory_space<vmem>>, vector<16xf32>,
        %get3A_1213 = vector.shape_cast %get3A_1212 : vector<16xf32> to vector<16xf32>
        %add3A_1214 = arith.constant 16 : i32
        %add3A_1215 = arith.addi %add3A_1208, %add3A_1214 : i32
        %get3A_1216 = arith.index_cast %add3A_1215 : i32 to index
        %get3A_1217 = tpu.vector_load %arg6[%get3A_1216] {strides = array<i32>} : memref<40016xf32, #tpu.memory_space<vmem>>, vector<16xf32>,
        %get3A_1218 = vector.shape_cast %get3A_1217 : vector<16xf32> to vector<16xf32>
        %add3A_1219 = arith.constant 32 : i32
        %add3A_1220 = arith.addi %add3A_1208, %add3A_1219 : i32
        %get3A_1221 = arith.index_cast %add3A_1220 : i32 to index
        %get3A_1222 = tpu.vector_load %arg6[%get3A_1221] {strides = array<i32>} : memref<40016xf32, #tpu.memory_space<vmem>>, vector<16xf32>,
        %get3A_1223 = vector.shape_cast %get3A_1222 : vector<16xf32> to vector<16xf32>
        %add3A_1224 = arith.constant 48 : i32
        %add3A_1225 = arith.addi %add3A_1208, %add3A_1224 : i32
        %get3A_1226 = arith.index_cast %add3A_1225 : i32 to index
        %get3A_1227 = tpu.vector_load %arg6[%get3A_1226] {strides = array<i32>} : memref<40016xf32, #tpu.memory_space<vmem>>, vector<16xf32>,
        %get3A_1228 = vector.shape_cast %get3A_1227 : vector<16xf32> to vector<16xf32>
        %add3A_1229 = arith.constant 64 : i32
        %add3A_1230 = arith.addi %add3A_1208, %add3A_1229 : i32
        %get3A_1231 = arith.index_cast %add3A_1230 : i32 to index
        %get3A_1232 = tpu.vector_load %arg6[%get3A_1231] {strides = array<i32>} : memref<40016xf32, #tpu.memory_space<vmem>>, vector<16xf32>,
        %get3A_1233 = vector.shape_cast %get3A_1232 : vector<16xf32> to vector<16xf32>
        %add3A_1234 = arith.constant 80 : i32
        %add3A_1235 = arith.addi %add3A_1208, %add3A_1234 : i32
        %get3A_1236 = arith.index_cast %add3A_1235 : i32 to index
        %get3A_1237 = tpu.vector_load %arg6[%get3A_1236] {strides = array<i32>} : memref<40016xf32, #tpu.memory_space<vmem>>, vector<16xf32>,
        %get3A_1238 = vector.shape_cast %get3A_1237 : vector<16xf32> to vector<16xf32>
        %add3A_1239 = arith.constant 96 : i32
        %add3A_1240 = arith.addi %add3A_1208, %add3A_1239 : i32
        %get3A_1241 = arith.index_cast %add3A_1240 : i32 to index
        %get3A_1242 = tpu.vector_load %arg6[%get3A_1241] {strides = array<i32>} : memref<40016xf32, #tpu.memory_space<vmem>>, vector<16xf32>,
        %get3A_1243 = vector.shape_cast %get3A_1242 : vector<16xf32> to vector<16xf32>
        %add3A_1244 = arith.constant 112 : i32
        %add3A_1245 = arith.addi %add3A_1208, %add3A_1244 : i32
        %get3A_1246 = arith.index_cast %add3A_1245 : i32 to index
        %get3A_1247 = tpu.vector_load %arg6[%get3A_1246] {strides = array<i32>} : memref<40016xf32, #tpu.memory_space<vmem>>, vector<16xf32>,
        %get3A_1248 = vector.shape_cast %get3A_1247 : vector<16xf32> to vector<16xf32>
        %add3A_1249 = arith.constant 128 : i32
        %add3A_1250 = arith.addi %add3A_1208, %add3A_1249 : i32
        %get3A_1251 = arith.index_cast %add3A_1250 : i32 to index
        %get3A_1252 = tpu.vector_load %arg6[%get3A_1251] {strides = array<i32>} : memref<40016xf32, #tpu.memory_space<vmem>>, vector<16xf32>,
        %get3A_1253 = vector.shape_cast %get3A_1252 : vector<16xf32> to vector<16xf32>
        %add3A_1254 = arith.constant 144 : i32
        %add3A_1255 = arith.addi %add3A_1208, %add3A_1254 : i32
        %get3A_1256 = arith.index_cast %add3A_1255 : i32 to index
        %get3A_1257 = tpu.vector_load %arg6[%get3A_1256] {strides = array<i32>} : memref<40016xf32, #tpu.memory_space<vmem>>, vector<16xf32>,
        %get3A_1258 = vector.shape_cast %get3A_1257 : vector<16xf32> to vector<16xf32>
        %add3A_1259 = arith.constant 160 : i32
        %add3A_1260 = arith.addi %add3A_1208, %add3A_1259 : i32
        %get3A_1261 = arith.index_cast %add3A_1260 : i32 to index
        %get3A_1262 = tpu.vector_load %arg6[%get3A_1261] {strides = array<i32>} : memref<40016xf32, #tpu.memory_space<vmem>>, vector<16xf32>,
        %get3A_1263 = vector.shape_cast %get3A_1262 : vector<16xf32> to vector<16xf32>
        %add3A_1264 = arith.constant 176 : i32
        %add3A_1265 = arith.addi %add3A_1208, %add3A_1264 : i32
        %get3A_1266 = arith.index_cast %add3A_1265 : i32 to index
        %get3A_1267 = tpu.vector_load %arg6[%get3A_1266] {strides = array<i32>} : memref<40016xf32, #tpu.memory_space<vmem>>, vector<16xf32>,
        %get3A_1268 = vector.shape_cast %get3A_1267 : vector<16xf32> to vector<16xf32>
        %add3A_1269 = arith.constant 192 : i32
        %add3A_1270 = arith.addi %add3A_1208, %add3A_1269 : i32
        %get3A_1271 = arith.index_cast %add3A_1270 : i32 to index
        %get3A_1272 = tpu.vector_load %arg6[%get3A_1271] {strides = array<i32>} : memref<40016xf32, #tpu.memory_space<vmem>>, vector<16xf32>,
        %get3A_1273 = vector.shape_cast %get3A_1272 : vector<16xf32> to vector<16xf32>
        %mul3A_1274 = arith.constant 0 : i32
        %mul3A_1275 = vector.broadcast %mul3A_1274 : i32 to vector<16xi32>
        %mul3A_1276 = arith.muli %iota3A, %mul3A_1275 : vector<16xi32>
        %add3A_1277 = arith.constant 4 : i32
        %add3A_1278 = vector.broadcast %add3A_1277 : i32 to vector<16xi32>
        %add3A_1279 = arith.addi %mul3A_1276, %add3A_1278 : vector<16xi32>
        %and3A_1280 = arith.constant 15 : i32
        %and3A_1281 = vector.broadcast %and3A_1280 : i32 to vector<16xi32>
        %and3A_1282 = arith.andi %add3A_1279, %and3A_1281 : vector<16xi32>
        %lt3A_1283 = arith.constant 0 : i32
        %lt3A_1284 = vector.broadcast %lt3A_1283 : i32 to vector<16xi32>
        %lt3A_1285 = arith.cmpi slt, %and3A_1282, %lt3A_1284 : vector<16xi32>
        %add3A_1286 = arith.constant 16 : i32
        %add3A_1287 = vector.broadcast %add3A_1286 : i32 to vector<16xi32>
        %add3A_1288 = arith.addi %and3A_1282, %add3A_1287 : vector<16xi32>
        %select_n3A_1289 = arith.select %lt3A_1285, %add3A_1288, %and3A_1282 : vector<16xi1>, vector<16xi32>
        %broadcast_in_dim3A_1290 = vector.shape_cast %select_n3A_1289 : vector<16xi32> to vector<16x1xi32>
        %gather3A_1291 = vector.shape_cast %broadcast_in_dim3A_1290 : vector<16x1xi32> to vector<16xi32>
        %gather3A_1292 = tpu.dynamic_gather %get3A_144[%gather3A_1291] in [0] : vector<16xi32>, vector<16xi32> -> vector<16xi32>
        %mul3A_1293 = arith.constant 0 : i32
        %mul3A_1294 = vector.broadcast %mul3A_1293 : i32 to vector<16xi32>
        %mul3A_1295 = arith.muli %iota3A, %mul3A_1294 : vector<16xi32>
        %add3A_1296 = arith.constant 4 : i32
        %add3A_1297 = vector.broadcast %add3A_1296 : i32 to vector<16xi32>
        %add3A_1298 = arith.addi %mul3A_1295, %add3A_1297 : vector<16xi32>
        %add3A_1299 = arith.constant 1 : i32
        %add3A_1300 = vector.broadcast %add3A_1299 : i32 to vector<16xi32>
        %add3A_1301 = arith.addi %add3A_1298, %add3A_1300 : vector<16xi32>
        %and3A_1302 = arith.constant 15 : i32
        %and3A_1303 = vector.broadcast %and3A_1302 : i32 to vector<16xi32>
        %and3A_1304 = arith.andi %add3A_1301, %and3A_1303 : vector<16xi32>
        %lt3A_1305 = arith.constant 0 : i32
        %lt3A_1306 = vector.broadcast %lt3A_1305 : i32 to vector<16xi32>
        %lt3A_1307 = arith.cmpi slt, %and3A_1304, %lt3A_1306 : vector<16xi32>
        %add3A_1308 = arith.constant 16 : i32
        %add3A_1309 = vector.broadcast %add3A_1308 : i32 to vector<16xi32>
        %add3A_1310 = arith.addi %and3A_1304, %add3A_1309 : vector<16xi32>
        %select_n3A_1311 = arith.select %lt3A_1307, %add3A_1310, %and3A_1304 : vector<16xi1>, vector<16xi32>
        %broadcast_in_dim3A_1312 = vector.shape_cast %select_n3A_1311 : vector<16xi32> to vector<16x1xi32>
        %gather3A_1313 = vector.shape_cast %broadcast_in_dim3A_1312 : vector<16x1xi32> to vector<16xi32>
        %gather3A_1314 = tpu.dynamic_gather %get3A_144[%gather3A_1313] in [0] : vector<16xi32>, vector<16xi32> -> vector<16xi32>
        %add3A_1315 = arith.constant 0 : i32
        %add3A_1316 = vector.broadcast %add3A_1315 : i32 to vector<16xi32>
        %add3A_1317 = arith.addi %gather3A_1292, %add3A_1316 : vector<16xi32>
        %broadcast_in_dim3A_1318 = arith.constant 1.000000e+00 : f32
        %broadcast_in_dim3A_1319 = vector.broadcast %broadcast_in_dim3A_1318 : f32 to vector<16xf32>
        %mul3A_1320 = vector.broadcast %scan3A_118 : f32 to vector<16xf32>
        %mul3A_1321 = arith.mulf %mul3A_1320, %broadcast_in_dim3A_1319 : vector<16xf32>
        %max3A_1322 = arith.maximumf %mul3A_1321, %get3A_1213 : vector<16xf32>
        %max3A_1323 = arith.maximumf %max3A_1322, %get3A_1218 : vector<16xf32>
        %max3A_1324 = arith.maximumf %max3A_1323, %get3A_1223 : vector<16xf32>
        %max3A_1325 = arith.maximumf %max3A_1324, %get3A_1228 : vector<16xf32>
        %max3A_1326 = arith.maximumf %max3A_1325, %get3A_1233 : vector<16xf32>
        %max3A_1327 = arith.maximumf %max3A_1326, %get3A_1238 : vector<16xf32>
        %broadcast_in_dim3A_1328 = vector.broadcast %scan3A_118 : f32 to vector<16xf32>
        %select_n3A_1329 = arith.select %lt3A_2, %get3A_1243, %broadcast_in_dim3A_1328 : vector<16xi1>, vector<16xf32>
        %max3A_1330 = arith.maximumf %max3A_1327, %select_n3A_1329 : vector<16xf32>
        %lt3A_1331 = arith.constant 0 : i32
        %lt3A_1332 = vector.broadcast %lt3A_1331 : i32 to vector<16xi32>
        %lt3A_1333 = arith.cmpi slt, %and3A_99, %lt3A_1332 : vector<16xi32>
        %add3A_1334 = arith.constant 16 : i32
        %add3A_1335 = vector.broadcast %add3A_1334 : i32 to vector<16xi32>
        %add3A_1336 = arith.addi %and3A_99, %add3A_1335 : vector<16xi32>
        %select_n3A_1337 = arith.select %lt3A_1333, %add3A_1336, %and3A_99 : vector<16xi1>, vector<16xi32>
        %broadcast_in_dim3A_1338 = vector.shape_cast %select_n3A_1337 : vector<16xi32> to vector<16x1xi32>
        %gather3A_1339 = vector.shape_cast %broadcast_in_dim3A_1338 : vector<16x1xi32> to vector<16xi32>
        %gather3A_1340 = tpu.dynamic_gather %max3A_1330[%gather3A_1339] in [0] : vector<16xf32>, vector<16xi32> -> vector<16xf32>
        %max3A_1341 = arith.maximumf %max3A_1330, %gather3A_1340 : vector<16xf32>
        %lt3A_1342 = arith.constant 0 : i32
        %lt3A_1343 = vector.broadcast %lt3A_1342 : i32 to vector<16xi32>
        %lt3A_1344 = arith.cmpi slt, %and3A_105, %lt3A_1343 : vector<16xi32>
        %add3A_1345 = arith.constant 16 : i32
        %add3A_1346 = vector.broadcast %add3A_1345 : i32 to vector<16xi32>
        %add3A_1347 = arith.addi %and3A_105, %add3A_1346 : vector<16xi32>
        %select_n3A_1348 = arith.select %lt3A_1344, %add3A_1347, %and3A_105 : vector<16xi1>, vector<16xi32>
        %broadcast_in_dim3A_1349 = vector.shape_cast %select_n3A_1348 : vector<16xi32> to vector<16x1xi32>
        %gather3A_1350 = vector.shape_cast %broadcast_in_dim3A_1349 : vector<16x1xi32> to vector<16xi32>
        %gather3A_1351 = tpu.dynamic_gather %max3A_1341[%gather3A_1350] in [0] : vector<16xf32>, vector<16xi32> -> vector<16xf32>
        %max3A_1352 = arith.maximumf %max3A_1341, %gather3A_1351 : vector<16xf32>
        %lt3A_1353 = arith.constant 0 : i32
        %lt3A_1354 = vector.broadcast %lt3A_1353 : i32 to vector<16xi32>
        %lt3A_1355 = arith.cmpi slt, %and3A_111, %lt3A_1354 : vector<16xi32>
        %add3A_1356 = arith.constant 16 : i32
        %add3A_1357 = vector.broadcast %add3A_1356 : i32 to vector<16xi32>
        %add3A_1358 = arith.addi %and3A_111, %add3A_1357 : vector<16xi32>
        %select_n3A_1359 = arith.select %lt3A_1355, %add3A_1358, %and3A_111 : vector<16xi1>, vector<16xi32>
        %broadcast_in_dim3A_1360 = vector.shape_cast %select_n3A_1359 : vector<16xi32> to vector<16x1xi32>
        %gather3A_1361 = vector.shape_cast %broadcast_in_dim3A_1360 : vector<16x1xi32> to vector<16xi32>
        %gather3A_1362 = tpu.dynamic_gather %max3A_1352[%gather3A_1361] in [0] : vector<16xf32>, vector<16xi32> -> vector<16xf32>
        %max3A_1363 = arith.maximumf %max3A_1352, %gather3A_1362 : vector<16xf32>
        %lt3A_1364 = arith.constant 0 : i32
        %lt3A_1365 = vector.broadcast %lt3A_1364 : i32 to vector<16xi32>
        %lt3A_1366 = arith.cmpi slt, %and3A_117, %lt3A_1365 : vector<16xi32>
        %add3A_1367 = arith.constant 16 : i32
        %add3A_1368 = vector.broadcast %add3A_1367 : i32 to vector<16xi32>
        %add3A_1369 = arith.addi %and3A_117, %add3A_1368 : vector<16xi32>
        %select_n3A_1370 = arith.select %lt3A_1366, %add3A_1369, %and3A_117 : vector<16xi1>, vector<16xi32>
        %broadcast_in_dim3A_1371 = vector.shape_cast %select_n3A_1370 : vector<16xi32> to vector<16x1xi32>
        %gather3A_1372 = vector.shape_cast %broadcast_in_dim3A_1371 : vector<16x1xi32> to vector<16xi32>
        %gather3A_1373 = tpu.dynamic_gather %max3A_1363[%gather3A_1372] in [0] : vector<16xf32>, vector<16xi32> -> vector<16xf32>
        %max3A_1374 = arith.maximumf %max3A_1363, %gather3A_1373 : vector<16xf32>
        %broadcast_in_dim3A_1375 = arith.constant 1.000000e+00 : f32
        %broadcast_in_dim3A_1376 = vector.broadcast %broadcast_in_dim3A_1375 : f32 to vector<16xf32>
        %mul3A_1377 = vector.broadcast %scan3A_118 : f32 to vector<16xf32>
        %mul3A_1378 = arith.mulf %mul3A_1377, %broadcast_in_dim3A_1376 : vector<16xf32>
        %sub3A_1379 = arith.subf %get3A_1213, %max3A_1374 : vector<16xf32>
        %exp3A_1380 = math.exp %sub3A_1379 : vector<16xf32>
        %add3A_1381 = arith.addf %broadcast_in_dim3A_94, %exp3A_1380 : vector<16xf32>
        %eq3A_1382 = arith.cmpi eq, %add3A_57, %add3A_1317 : vector<16xi32>
        %broadcast_in_dim3A_1383 = vector.broadcast %scan3A_118 : f32 to vector<16xf32>
        %select_n3A_1384 = arith.select %eq3A_1382, %get3A_1213, %broadcast_in_dim3A_1383 : vector<16xi1>, vector<16xf32>
        %max3A_1385 = arith.maximumf %mul3A_1378, %select_n3A_1384 : vector<16xf32>
        %sub3A_1386 = arith.subf %get3A_1218, %max3A_1374 : vector<16xf32>
        %exp3A_1387 = math.exp %sub3A_1386 : vector<16xf32>
        %add3A_1388 = arith.addf %add3A_1381, %exp3A_1387 : vector<16xf32>
        %eq3A_1389 = arith.cmpi eq, %add3A_60, %add3A_1317 : vector<16xi32>
        %broadcast_in_dim3A_1390 = vector.broadcast %scan3A_118 : f32 to vector<16xf32>
        %select_n3A_1391 = arith.select %eq3A_1389, %get3A_1218, %broadcast_in_dim3A_1390 : vector<16xi1>, vector<16xf32>
        %max3A_1392 = arith.maximumf %max3A_1385, %select_n3A_1391 : vector<16xf32>
        %sub3A_1393 = arith.subf %get3A_1223, %max3A_1374 : vector<16xf32>
        %exp3A_1394 = math.exp %sub3A_1393 : vector<16xf32>
        %add3A_1395 = arith.addf %add3A_1388, %exp3A_1394 : vector<16xf32>
        %eq3A_1396 = arith.cmpi eq, %add3A_63, %add3A_1317 : vector<16xi32>
        %broadcast_in_dim3A_1397 = vector.broadcast %scan3A_118 : f32 to vector<16xf32>
        %select_n3A_1398 = arith.select %eq3A_1396, %get3A_1223, %broadcast_in_dim3A_1397 : vector<16xi1>, vector<16xf32>
        %max3A_1399 = arith.maximumf %max3A_1392, %select_n3A_1398 : vector<16xf32>
        %sub3A_1400 = arith.subf %get3A_1228, %max3A_1374 : vector<16xf32>
        %exp3A_1401 = math.exp %sub3A_1400 : vector<16xf32>
        %add3A_1402 = arith.addf %add3A_1395, %exp3A_1401 : vector<16xf32>
        %eq3A_1403 = arith.cmpi eq, %add3A_66, %add3A_1317 : vector<16xi32>
        %broadcast_in_dim3A_1404 = vector.broadcast %scan3A_118 : f32 to vector<16xf32>
        %select_n3A_1405 = arith.select %eq3A_1403, %get3A_1228, %broadcast_in_dim3A_1404 : vector<16xi1>, vector<16xf32>
        %max3A_1406 = arith.maximumf %max3A_1399, %select_n3A_1405 : vector<16xf32>
        %sub3A_1407 = arith.subf %get3A_1233, %max3A_1374 : vector<16xf32>
        %exp3A_1408 = math.exp %sub3A_1407 : vector<16xf32>
        %add3A_1409 = arith.addf %add3A_1402, %exp3A_1408 : vector<16xf32>
        %eq3A_1410 = arith.cmpi eq, %add3A_69, %add3A_1317 : vector<16xi32>
        %broadcast_in_dim3A_1411 = vector.broadcast %scan3A_118 : f32 to vector<16xf32>
        %select_n3A_1412 = arith.select %eq3A_1410, %get3A_1233, %broadcast_in_dim3A_1411 : vector<16xi1>, vector<16xf32>
        %max3A_1413 = arith.maximumf %max3A_1406, %select_n3A_1412 : vector<16xf32>
        %sub3A_1414 = arith.subf %get3A_1238, %max3A_1374 : vector<16xf32>
        %exp3A_1415 = math.exp %sub3A_1414 : vector<16xf32>
        %add3A_1416 = arith.addf %add3A_1409, %exp3A_1415 : vector<16xf32>
        %eq3A_1417 = arith.cmpi eq, %add3A_72, %add3A_1317 : vector<16xi32>
        %broadcast_in_dim3A_1418 = vector.broadcast %scan3A_118 : f32 to vector<16xf32>
        %select_n3A_1419 = arith.select %eq3A_1417, %get3A_1238, %broadcast_in_dim3A_1418 : vector<16xi1>, vector<16xf32>
        %max3A_1420 = arith.maximumf %max3A_1413, %select_n3A_1419 : vector<16xf32>
        %sub3A_1421 = arith.subf %get3A_1243, %max3A_1374 : vector<16xf32>
        %exp3A_1422 = math.exp %sub3A_1421 : vector<16xf32>
        %jit3A_1423 = arith.constant 0.000000e+00 : f32
        %broadcast_in_dim3A_1424 = vector.broadcast %jit3A_1423 : f32 to vector<16xf32>
        %select_n3A_1425 = arith.select %lt3A_2, %exp3A_1422, %broadcast_in_dim3A_1424 : vector<16xi1>, vector<16xf32>
        %add3A_1426 = arith.addf %add3A_1416, %select_n3A_1425 : vector<16xf32>
        %eq3A_1427 = arith.cmpi eq, %add3A_75, %add3A_1317 : vector<16xi32>
        %broadcast_in_dim3A_1428 = vector.broadcast %scan3A_118 : f32 to vector<16xf32>
        %select_n3A_1429 = arith.select %eq3A_1427, %get3A_1243, %broadcast_in_dim3A_1428 : vector<16xi1>, vector<16xf32>
        %max3A_1430 = arith.maximumf %max3A_1420, %select_n3A_1429 : vector<16xf32>
        %lt3A_1431 = arith.constant 0 : i32
        %lt3A_1432 = vector.broadcast %lt3A_1431 : i32 to vector<16xi32>
        %lt3A_1433 = arith.cmpi slt, %and3A_99, %lt3A_1432 : vector<16xi32>
        %add3A_1434 = arith.constant 16 : i32
        %add3A_1435 = vector.broadcast %add3A_1434 : i32 to vector<16xi32>
        %add3A_1436 = arith.addi %and3A_99, %add3A_1435 : vector<16xi32>
        %select_n3A_1437 = arith.select %lt3A_1433, %add3A_1436, %and3A_99 : vector<16xi1>, vector<16xi32>
        %broadcast_in_dim3A_1438 = vector.shape_cast %select_n3A_1437 : vector<16xi32> to vector<16x1xi32>
        %gather3A_1439 = vector.shape_cast %broadcast_in_dim3A_1438 : vector<16x1xi32> to vector<16xi32>
        %gather3A_1440 = tpu.dynamic_gather %add3A_1426[%gather3A_1439] in [0] : vector<16xf32>, vector<16xi32> -> vector<16xf32>
        %add3A_1441 = arith.addf %add3A_1426, %gather3A_1440 : vector<16xf32>
        %lt3A_1442 = arith.constant 0 : i32
        %lt3A_1443 = vector.broadcast %lt3A_1442 : i32 to vector<16xi32>
        %lt3A_1444 = arith.cmpi slt, %and3A_105, %lt3A_1443 : vector<16xi32>
        %add3A_1445 = arith.constant 16 : i32
        %add3A_1446 = vector.broadcast %add3A_1445 : i32 to vector<16xi32>
        %add3A_1447 = arith.addi %and3A_105, %add3A_1446 : vector<16xi32>
        %select_n3A_1448 = arith.select %lt3A_1444, %add3A_1447, %and3A_105 : vector<16xi1>, vector<16xi32>
        %broadcast_in_dim3A_1449 = vector.shape_cast %select_n3A_1448 : vector<16xi32> to vector<16x1xi32>
        %gather3A_1450 = vector.shape_cast %broadcast_in_dim3A_1449 : vector<16x1xi32> to vector<16xi32>
        %gather3A_1451 = tpu.dynamic_gather %add3A_1441[%gather3A_1450] in [0] : vector<16xf32>, vector<16xi32> -> vector<16xf32>
        %add3A_1452 = arith.addf %add3A_1441, %gather3A_1451 : vector<16xf32>
        %lt3A_1453 = arith.constant 0 : i32
        %lt3A_1454 = vector.broadcast %lt3A_1453 : i32 to vector<16xi32>
        %lt3A_1455 = arith.cmpi slt, %and3A_111, %lt3A_1454 : vector<16xi32>
        %add3A_1456 = arith.constant 16 : i32
        %add3A_1457 = vector.broadcast %add3A_1456 : i32 to vector<16xi32>
        %add3A_1458 = arith.addi %and3A_111, %add3A_1457 : vector<16xi32>
        %select_n3A_1459 = arith.select %lt3A_1455, %add3A_1458, %and3A_111 : vector<16xi1>, vector<16xi32>
        %broadcast_in_dim3A_1460 = vector.shape_cast %select_n3A_1459 : vector<16xi32> to vector<16x1xi32>
        %gather3A_1461 = vector.shape_cast %broadcast_in_dim3A_1460 : vector<16x1xi32> to vector<16xi32>
        %gather3A_1462 = tpu.dynamic_gather %add3A_1452[%gather3A_1461] in [0] : vector<16xf32>, vector<16xi32> -> vector<16xf32>
        %add3A_1463 = arith.addf %add3A_1452, %gather3A_1462 : vector<16xf32>
        %lt3A_1464 = arith.constant 0 : i32
        %lt3A_1465 = vector.broadcast %lt3A_1464 : i32 to vector<16xi32>
        %lt3A_1466 = arith.cmpi slt, %and3A_117, %lt3A_1465 : vector<16xi32>
        %add3A_1467 = arith.constant 16 : i32
        %add3A_1468 = vector.broadcast %add3A_1467 : i32 to vector<16xi32>
        %add3A_1469 = arith.addi %and3A_117, %add3A_1468 : vector<16xi32>
        %select_n3A_1470 = arith.select %lt3A_1466, %add3A_1469, %and3A_117 : vector<16xi1>, vector<16xi32>
        %broadcast_in_dim3A_1471 = vector.shape_cast %select_n3A_1470 : vector<16xi32> to vector<16x1xi32>
        %gather3A_1472 = vector.shape_cast %broadcast_in_dim3A_1471 : vector<16x1xi32> to vector<16xi32>
        %gather3A_1473 = tpu.dynamic_gather %add3A_1463[%gather3A_1472] in [0] : vector<16xf32>, vector<16xi32> -> vector<16xf32>
        %add3A_1474 = arith.addf %add3A_1463, %gather3A_1473 : vector<16xf32>
        %lt3A_1475 = arith.constant 0 : i32
        %lt3A_1476 = vector.broadcast %lt3A_1475 : i32 to vector<16xi32>
        %lt3A_1477 = arith.cmpi slt, %and3A_99, %lt3A_1476 : vector<16xi32>
        %add3A_1478 = arith.constant 16 : i32
        %add3A_1479 = vector.broadcast %add3A_1478 : i32 to vector<16xi32>
        %add3A_1480 = arith.addi %and3A_99, %add3A_1479 : vector<16xi32>
        %select_n3A_1481 = arith.select %lt3A_1477, %add3A_1480, %and3A_99 : vector<16xi1>, vector<16xi32>
        %broadcast_in_dim3A_1482 = vector.shape_cast %select_n3A_1481 : vector<16xi32> to vector<16x1xi32>
        %gather3A_1483 = vector.shape_cast %broadcast_in_dim3A_1482 : vector<16x1xi32> to vector<16xi32>
        %gather3A_1484 = tpu.dynamic_gather %max3A_1430[%gather3A_1483] in [0] : vector<16xf32>, vector<16xi32> -> vector<16xf32>
        %max3A_1485 = arith.maximumf %max3A_1430, %gather3A_1484 : vector<16xf32>
        %lt3A_1486 = arith.constant 0 : i32
        %lt3A_1487 = vector.broadcast %lt3A_1486 : i32 to vector<16xi32>
        %lt3A_1488 = arith.cmpi slt, %and3A_105, %lt3A_1487 : vector<16xi32>
        %add3A_1489 = arith.constant 16 : i32
        %add3A_1490 = vector.broadcast %add3A_1489 : i32 to vector<16xi32>
        %add3A_1491 = arith.addi %and3A_105, %add3A_1490 : vector<16xi32>
        %select_n3A_1492 = arith.select %lt3A_1488, %add3A_1491, %and3A_105 : vector<16xi1>, vector<16xi32>
        %broadcast_in_dim3A_1493 = vector.shape_cast %select_n3A_1492 : vector<16xi32> to vector<16x1xi32>
        %gather3A_1494 = vector.shape_cast %broadcast_in_dim3A_1493 : vector<16x1xi32> to vector<16xi32>
        %gather3A_1495 = tpu.dynamic_gather %max3A_1485[%gather3A_1494] in [0] : vector<16xf32>, vector<16xi32> -> vector<16xf32>
        %max3A_1496 = arith.maximumf %max3A_1485, %gather3A_1495 : vector<16xf32>
        %lt3A_1497 = arith.constant 0 : i32
        %lt3A_1498 = vector.broadcast %lt3A_1497 : i32 to vector<16xi32>
        %lt3A_1499 = arith.cmpi slt, %and3A_111, %lt3A_1498 : vector<16xi32>
        %add3A_1500 = arith.constant 16 : i32
        %add3A_1501 = vector.broadcast %add3A_1500 : i32 to vector<16xi32>
        %add3A_1502 = arith.addi %and3A_111, %add3A_1501 : vector<16xi32>
        %select_n3A_1503 = arith.select %lt3A_1499, %add3A_1502, %and3A_111 : vector<16xi1>, vector<16xi32>
        %broadcast_in_dim3A_1504 = vector.shape_cast %select_n3A_1503 : vector<16xi32> to vector<16x1xi32>
        %gather3A_1505 = vector.shape_cast %broadcast_in_dim3A_1504 : vector<16x1xi32> to vector<16xi32>
        %gather3A_1506 = tpu.dynamic_gather %max3A_1496[%gather3A_1505] in [0] : vector<16xf32>, vector<16xi32> -> vector<16xf32>
        %max3A_1507 = arith.maximumf %max3A_1496, %gather3A_1506 : vector<16xf32>
        %lt3A_1508 = arith.constant 0 : i32
        %lt3A_1509 = vector.broadcast %lt3A_1508 : i32 to vector<16xi32>
        %lt3A_1510 = arith.cmpi slt, %and3A_117, %lt3A_1509 : vector<16xi32>
        %add3A_1511 = arith.constant 16 : i32
        %add3A_1512 = vector.broadcast %add3A_1511 : i32 to vector<16xi32>
        %add3A_1513 = arith.addi %and3A_117, %add3A_1512 : vector<16xi32>
        %select_n3A_1514 = arith.select %lt3A_1510, %add3A_1513, %and3A_117 : vector<16xi1>, vector<16xi32>
        %broadcast_in_dim3A_1515 = vector.shape_cast %select_n3A_1514 : vector<16xi32> to vector<16x1xi32>
        %gather3A_1516 = vector.shape_cast %broadcast_in_dim3A_1515 : vector<16x1xi32> to vector<16xi32>
        %gather3A_1517 = tpu.dynamic_gather %max3A_1507[%gather3A_1516] in [0] : vector<16xf32>, vector<16xi32> -> vector<16xf32>
        %max3A_1518 = arith.maximumf %max3A_1507, %gather3A_1517 : vector<16xf32>
        %add3A_1519 = arith.constant 100 : i32
        %add3A_1520 = vector.broadcast %add3A_1519 : i32 to vector<16xi32>
        %add3A_1521 = arith.addi %gather3A_1314, %add3A_1520 : vector<16xi32>
        %broadcast_in_dim3A_1522 = arith.constant 1.000000e+00 : f32
        %broadcast_in_dim3A_1523 = vector.broadcast %broadcast_in_dim3A_1522 : f32 to vector<16xf32>
        %mul3A_1524 = vector.broadcast %scan3A_118 : f32 to vector<16xf32>
        %mul3A_1525 = arith.mulf %mul3A_1524, %broadcast_in_dim3A_1523 : vector<16xf32>
        %broadcast_in_dim3A_1526 = vector.broadcast %scan3A_118 : f32 to vector<16xf32>
        %select_n3A_1527 = arith.select %ge3A_4, %get3A_1243, %broadcast_in_dim3A_1526 : vector<16xi1>, vector<16xf32>
        %max3A_1528 = arith.maximumf %mul3A_1525, %select_n3A_1527 : vector<16xf32>
        %max3A_1529 = arith.maximumf %max3A_1528, %get3A_1248 : vector<16xf32>
        %max3A_1530 = arith.maximumf %max3A_1529, %get3A_1253 : vector<16xf32>
        %max3A_1531 = arith.maximumf %max3A_1530, %get3A_1258 : vector<16xf32>
        %max3A_1532 = arith.maximumf %max3A_1531, %get3A_1263 : vector<16xf32>
        %max3A_1533 = arith.maximumf %max3A_1532, %get3A_1268 : vector<16xf32>
        %broadcast_in_dim3A_1534 = vector.broadcast %scan3A_118 : f32 to vector<16xf32>
        %select_n3A_1535 = arith.select %lt3A_7, %get3A_1273, %broadcast_in_dim3A_1534 : vector<16xi1>, vector<16xf32>
        %max3A_1536 = arith.maximumf %max3A_1533, %select_n3A_1535 : vector<16xf32>
        %lt3A_1537 = arith.constant 0 : i32
        %lt3A_1538 = vector.broadcast %lt3A_1537 : i32 to vector<16xi32>
        %lt3A_1539 = arith.cmpi slt, %and3A_99, %lt3A_1538 : vector<16xi32>
        %add3A_1540 = arith.constant 16 : i32
        %add3A_1541 = vector.broadcast %add3A_1540 : i32 to vector<16xi32>
        %add3A_1542 = arith.addi %and3A_99, %add3A_1541 : vector<16xi32>
        %select_n3A_1543 = arith.select %lt3A_1539, %add3A_1542, %and3A_99 : vector<16xi1>, vector<16xi32>
        %broadcast_in_dim3A_1544 = vector.shape_cast %select_n3A_1543 : vector<16xi32> to vector<16x1xi32>
        %gather3A_1545 = vector.shape_cast %broadcast_in_dim3A_1544 : vector<16x1xi32> to vector<16xi32>
        %gather3A_1546 = tpu.dynamic_gather %max3A_1536[%gather3A_1545] in [0] : vector<16xf32>, vector<16xi32> -> vector<16xf32>
        %max3A_1547 = arith.maximumf %max3A_1536, %gather3A_1546 : vector<16xf32>
        %lt3A_1548 = arith.constant 0 : i32
        %lt3A_1549 = vector.broadcast %lt3A_1548 : i32 to vector<16xi32>
        %lt3A_1550 = arith.cmpi slt, %and3A_105, %lt3A_1549 : vector<16xi32>
        %add3A_1551 = arith.constant 16 : i32
        %add3A_1552 = vector.broadcast %add3A_1551 : i32 to vector<16xi32>
        %add3A_1553 = arith.addi %and3A_105, %add3A_1552 : vector<16xi32>
        %select_n3A_1554 = arith.select %lt3A_1550, %add3A_1553, %and3A_105 : vector<16xi1>, vector<16xi32>
        %broadcast_in_dim3A_1555 = vector.shape_cast %select_n3A_1554 : vector<16xi32> to vector<16x1xi32>
        %gather3A_1556 = vector.shape_cast %broadcast_in_dim3A_1555 : vector<16x1xi32> to vector<16xi32>
        %gather3A_1557 = tpu.dynamic_gather %max3A_1547[%gather3A_1556] in [0] : vector<16xf32>, vector<16xi32> -> vector<16xf32>
        %max3A_1558 = arith.maximumf %max3A_1547, %gather3A_1557 : vector<16xf32>
        %lt3A_1559 = arith.constant 0 : i32
        %lt3A_1560 = vector.broadcast %lt3A_1559 : i32 to vector<16xi32>
        %lt3A_1561 = arith.cmpi slt, %and3A_111, %lt3A_1560 : vector<16xi32>
        %add3A_1562 = arith.constant 16 : i32
        %add3A_1563 = vector.broadcast %add3A_1562 : i32 to vector<16xi32>
        %add3A_1564 = arith.addi %and3A_111, %add3A_1563 : vector<16xi32>
        %select_n3A_1565 = arith.select %lt3A_1561, %add3A_1564, %and3A_111 : vector<16xi1>, vector<16xi32>
        %broadcast_in_dim3A_1566 = vector.shape_cast %select_n3A_1565 : vector<16xi32> to vector<16x1xi32>
        %gather3A_1567 = vector.shape_cast %broadcast_in_dim3A_1566 : vector<16x1xi32> to vector<16xi32>
        %gather3A_1568 = tpu.dynamic_gather %max3A_1558[%gather3A_1567] in [0] : vector<16xf32>, vector<16xi32> -> vector<16xf32>
        %max3A_1569 = arith.maximumf %max3A_1558, %gather3A_1568 : vector<16xf32>
        %lt3A_1570 = arith.constant 0 : i32
        %lt3A_1571 = vector.broadcast %lt3A_1570 : i32 to vector<16xi32>
        %lt3A_1572 = arith.cmpi slt, %and3A_117, %lt3A_1571 : vector<16xi32>
        %add3A_1573 = arith.constant 16 : i32
        %add3A_1574 = vector.broadcast %add3A_1573 : i32 to vector<16xi32>
        %add3A_1575 = arith.addi %and3A_117, %add3A_1574 : vector<16xi32>
        %select_n3A_1576 = arith.select %lt3A_1572, %add3A_1575, %and3A_117 : vector<16xi1>, vector<16xi32>
        %broadcast_in_dim3A_1577 = vector.shape_cast %select_n3A_1576 : vector<16xi32> to vector<16x1xi32>
        %gather3A_1578 = vector.shape_cast %broadcast_in_dim3A_1577 : vector<16x1xi32> to vector<16xi32>
        %gather3A_1579 = tpu.dynamic_gather %max3A_1569[%gather3A_1578] in [0] : vector<16xf32>, vector<16xi32> -> vector<16xf32>
        %max3A_1580 = arith.maximumf %max3A_1569, %gather3A_1579 : vector<16xf32>
        %broadcast_in_dim3A_1581 = arith.constant 1.000000e+00 : f32
        %broadcast_in_dim3A_1582 = vector.broadcast %broadcast_in_dim3A_1581 : f32 to vector<16xf32>
        %mul3A_1583 = vector.broadcast %scan3A_118 : f32 to vector<16xf32>
        %mul3A_1584 = arith.mulf %mul3A_1583, %broadcast_in_dim3A_1582 : vector<16xf32>
        %sub3A_1585 = arith.subf %get3A_1243, %max3A_1580 : vector<16xf32>
        %exp3A_1586 = math.exp %sub3A_1585 : vector<16xf32>
        %jit3A_1587 = arith.constant 0.000000e+00 : f32
        %broadcast_in_dim3A_1588 = vector.broadcast %jit3A_1587 : f32 to vector<16xf32>
        %select_n3A_1589 = arith.select %ge3A_4, %exp3A_1586, %broadcast_in_dim3A_1588 : vector<16xi1>, vector<16xf32>
        %add3A_1590 = arith.addf %broadcast_in_dim3A_94, %select_n3A_1589 : vector<16xf32>
        %eq3A_1591 = arith.cmpi eq, %add3A_75, %add3A_1521 : vector<16xi32>
        %broadcast_in_dim3A_1592 = vector.broadcast %scan3A_118 : f32 to vector<16xf32>
        %select_n3A_1593 = arith.select %eq3A_1591, %get3A_1243, %broadcast_in_dim3A_1592 : vector<16xi1>, vector<16xf32>
        %max3A_1594 = arith.maximumf %mul3A_1584, %select_n3A_1593 : vector<16xf32>
        %sub3A_1595 = arith.subf %get3A_1248, %max3A_1580 : vector<16xf32>
        %exp3A_1596 = math.exp %sub3A_1595 : vector<16xf32>
        %add3A_1597 = arith.addf %add3A_1590, %exp3A_1596 : vector<16xf32>
        %eq3A_1598 = arith.cmpi eq, %add3A_78, %add3A_1521 : vector<16xi32>
        %broadcast_in_dim3A_1599 = vector.broadcast %scan3A_118 : f32 to vector<16xf32>
        %select_n3A_1600 = arith.select %eq3A_1598, %get3A_1248, %broadcast_in_dim3A_1599 : vector<16xi1>, vector<16xf32>
        %max3A_1601 = arith.maximumf %max3A_1594, %select_n3A_1600 : vector<16xf32>
        %sub3A_1602 = arith.subf %get3A_1253, %max3A_1580 : vector<16xf32>
        %exp3A_1603 = math.exp %sub3A_1602 : vector<16xf32>
        %add3A_1604 = arith.addf %add3A_1597, %exp3A_1603 : vector<16xf32>
        %eq3A_1605 = arith.cmpi eq, %add3A_81, %add3A_1521 : vector<16xi32>
        %broadcast_in_dim3A_1606 = vector.broadcast %scan3A_118 : f32 to vector<16xf32>
        %select_n3A_1607 = arith.select %eq3A_1605, %get3A_1253, %broadcast_in_dim3A_1606 : vector<16xi1>, vector<16xf32>
        %max3A_1608 = arith.maximumf %max3A_1601, %select_n3A_1607 : vector<16xf32>
        %sub3A_1609 = arith.subf %get3A_1258, %max3A_1580 : vector<16xf32>
        %exp3A_1610 = math.exp %sub3A_1609 : vector<16xf32>
        %add3A_1611 = arith.addf %add3A_1604, %exp3A_1610 : vector<16xf32>
        %eq3A_1612 = arith.cmpi eq, %add3A_84, %add3A_1521 : vector<16xi32>
        %broadcast_in_dim3A_1613 = vector.broadcast %scan3A_118 : f32 to vector<16xf32>
        %select_n3A_1614 = arith.select %eq3A_1612, %get3A_1258, %broadcast_in_dim3A_1613 : vector<16xi1>, vector<16xf32>
        %max3A_1615 = arith.maximumf %max3A_1608, %select_n3A_1614 : vector<16xf32>
        %sub3A_1616 = arith.subf %get3A_1263, %max3A_1580 : vector<16xf32>
        %exp3A_1617 = math.exp %sub3A_1616 : vector<16xf32>
        %add3A_1618 = arith.addf %add3A_1611, %exp3A_1617 : vector<16xf32>
        %eq3A_1619 = arith.cmpi eq, %add3A_87, %add3A_1521 : vector<16xi32>
        %broadcast_in_dim3A_1620 = vector.broadcast %scan3A_118 : f32 to vector<16xf32>
        %select_n3A_1621 = arith.select %eq3A_1619, %get3A_1263, %broadcast_in_dim3A_1620 : vector<16xi1>, vector<16xf32>
        %max3A_1622 = arith.maximumf %max3A_1615, %select_n3A_1621 : vector<16xf32>
        %sub3A_1623 = arith.subf %get3A_1268, %max3A_1580 : vector<16xf32>
        %exp3A_1624 = math.exp %sub3A_1623 : vector<16xf32>
        %add3A_1625 = arith.addf %add3A_1618, %exp3A_1624 : vector<16xf32>
        %eq3A_1626 = arith.cmpi eq, %add3A_90, %add3A_1521 : vector<16xi32>
        %broadcast_in_dim3A_1627 = vector.broadcast %scan3A_118 : f32 to vector<16xf32>
        %select_n3A_1628 = arith.select %eq3A_1626, %get3A_1268, %broadcast_in_dim3A_1627 : vector<16xi1>, vector<16xf32>
        %max3A_1629 = arith.maximumf %max3A_1622, %select_n3A_1628 : vector<16xf32>
        %sub3A_1630 = arith.subf %get3A_1273, %max3A_1580 : vector<16xf32>
        %exp3A_1631 = math.exp %sub3A_1630 : vector<16xf32>
        %jit3A_1632 = arith.constant 0.000000e+00 : f32
        %broadcast_in_dim3A_1633 = vector.broadcast %jit3A_1632 : f32 to vector<16xf32>
        %select_n3A_1634 = arith.select %lt3A_7, %exp3A_1631, %broadcast_in_dim3A_1633 : vector<16xi1>, vector<16xf32>
        %add3A_1635 = arith.addf %add3A_1625, %select_n3A_1634 : vector<16xf32>
        %eq3A_1636 = arith.cmpi eq, %add3A_93, %add3A_1521 : vector<16xi32>
        %broadcast_in_dim3A_1637 = vector.broadcast %scan3A_118 : f32 to vector<16xf32>
        %select_n3A_1638 = arith.select %eq3A_1636, %get3A_1273, %broadcast_in_dim3A_1637 : vector<16xi1>, vector<16xf32>
        %max3A_1639 = arith.maximumf %max3A_1629, %select_n3A_1638 : vector<16xf32>
        %lt3A_1640 = arith.constant 0 : i32
        %lt3A_1641 = vector.broadcast %lt3A_1640 : i32 to vector<16xi32>
        %lt3A_1642 = arith.cmpi slt, %and3A_99, %lt3A_1641 : vector<16xi32>
        %add3A_1643 = arith.constant 16 : i32
        %add3A_1644 = vector.broadcast %add3A_1643 : i32 to vector<16xi32>
        %add3A_1645 = arith.addi %and3A_99, %add3A_1644 : vector<16xi32>
        %select_n3A_1646 = arith.select %lt3A_1642, %add3A_1645, %and3A_99 : vector<16xi1>, vector<16xi32>
        %broadcast_in_dim3A_1647 = vector.shape_cast %select_n3A_1646 : vector<16xi32> to vector<16x1xi32>
        %gather3A_1648 = vector.shape_cast %broadcast_in_dim3A_1647 : vector<16x1xi32> to vector<16xi32>
        %gather3A_1649 = tpu.dynamic_gather %add3A_1635[%gather3A_1648] in [0] : vector<16xf32>, vector<16xi32> -> vector<16xf32>
        %add3A_1650 = arith.addf %add3A_1635, %gather3A_1649 : vector<16xf32>
        %lt3A_1651 = arith.constant 0 : i32
        %lt3A_1652 = vector.broadcast %lt3A_1651 : i32 to vector<16xi32>
        %lt3A_1653 = arith.cmpi slt, %and3A_105, %lt3A_1652 : vector<16xi32>
        %add3A_1654 = arith.constant 16 : i32
        %add3A_1655 = vector.broadcast %add3A_1654 : i32 to vector<16xi32>
        %add3A_1656 = arith.addi %and3A_105, %add3A_1655 : vector<16xi32>
        %select_n3A_1657 = arith.select %lt3A_1653, %add3A_1656, %and3A_105 : vector<16xi1>, vector<16xi32>
        %broadcast_in_dim3A_1658 = vector.shape_cast %select_n3A_1657 : vector<16xi32> to vector<16x1xi32>
        %gather3A_1659 = vector.shape_cast %broadcast_in_dim3A_1658 : vector<16x1xi32> to vector<16xi32>
        %gather3A_1660 = tpu.dynamic_gather %add3A_1650[%gather3A_1659] in [0] : vector<16xf32>, vector<16xi32> -> vector<16xf32>
        %add3A_1661 = arith.addf %add3A_1650, %gather3A_1660 : vector<16xf32>
        %lt3A_1662 = arith.constant 0 : i32
        %lt3A_1663 = vector.broadcast %lt3A_1662 : i32 to vector<16xi32>
        %lt3A_1664 = arith.cmpi slt, %and3A_111, %lt3A_1663 : vector<16xi32>
        %add3A_1665 = arith.constant 16 : i32
        %add3A_1666 = vector.broadcast %add3A_1665 : i32 to vector<16xi32>
        %add3A_1667 = arith.addi %and3A_111, %add3A_1666 : vector<16xi32>
        %select_n3A_1668 = arith.select %lt3A_1664, %add3A_1667, %and3A_111 : vector<16xi1>, vector<16xi32>
        %broadcast_in_dim3A_1669 = vector.shape_cast %select_n3A_1668 : vector<16xi32> to vector<16x1xi32>
        %gather3A_1670 = vector.shape_cast %broadcast_in_dim3A_1669 : vector<16x1xi32> to vector<16xi32>
        %gather3A_1671 = tpu.dynamic_gather %add3A_1661[%gather3A_1670] in [0] : vector<16xf32>, vector<16xi32> -> vector<16xf32>
        %add3A_1672 = arith.addf %add3A_1661, %gather3A_1671 : vector<16xf32>
        %lt3A_1673 = arith.constant 0 : i32
        %lt3A_1674 = vector.broadcast %lt3A_1673 : i32 to vector<16xi32>
        %lt3A_1675 = arith.cmpi slt, %and3A_117, %lt3A_1674 : vector<16xi32>
        %add3A_1676 = arith.constant 16 : i32
        %add3A_1677 = vector.broadcast %add3A_1676 : i32 to vector<16xi32>
        %add3A_1678 = arith.addi %and3A_117, %add3A_1677 : vector<16xi32>
        %select_n3A_1679 = arith.select %lt3A_1675, %add3A_1678, %and3A_117 : vector<16xi1>, vector<16xi32>
        %broadcast_in_dim3A_1680 = vector.shape_cast %select_n3A_1679 : vector<16xi32> to vector<16x1xi32>
        %gather3A_1681 = vector.shape_cast %broadcast_in_dim3A_1680 : vector<16x1xi32> to vector<16xi32>
        %gather3A_1682 = tpu.dynamic_gather %add3A_1672[%gather3A_1681] in [0] : vector<16xf32>, vector<16xi32> -> vector<16xf32>
        %add3A_1683 = arith.addf %add3A_1672, %gather3A_1682 : vector<16xf32>
        %lt3A_1684 = arith.constant 0 : i32
        %lt3A_1685 = vector.broadcast %lt3A_1684 : i32 to vector<16xi32>
        %lt3A_1686 = arith.cmpi slt, %and3A_99, %lt3A_1685 : vector<16xi32>
        %add3A_1687 = arith.constant 16 : i32
        %add3A_1688 = vector.broadcast %add3A_1687 : i32 to vector<16xi32>
        %add3A_1689 = arith.addi %and3A_99, %add3A_1688 : vector<16xi32>
        %select_n3A_1690 = arith.select %lt3A_1686, %add3A_1689, %and3A_99 : vector<16xi1>, vector<16xi32>
        %broadcast_in_dim3A_1691 = vector.shape_cast %select_n3A_1690 : vector<16xi32> to vector<16x1xi32>
        %gather3A_1692 = vector.shape_cast %broadcast_in_dim3A_1691 : vector<16x1xi32> to vector<16xi32>
        %gather3A_1693 = tpu.dynamic_gather %max3A_1639[%gather3A_1692] in [0] : vector<16xf32>, vector<16xi32> -> vector<16xf32>
        %max3A_1694 = arith.maximumf %max3A_1639, %gather3A_1693 : vector<16xf32>
        %lt3A_1695 = arith.constant 0 : i32
        %lt3A_1696 = vector.broadcast %lt3A_1695 : i32 to vector<16xi32>
        %lt3A_1697 = arith.cmpi slt, %and3A_105, %lt3A_1696 : vector<16xi32>
        %add3A_1698 = arith.constant 16 : i32
        %add3A_1699 = vector.broadcast %add3A_1698 : i32 to vector<16xi32>
        %add3A_1700 = arith.addi %and3A_105, %add3A_1699 : vector<16xi32>
        %select_n3A_1701 = arith.select %lt3A_1697, %add3A_1700, %and3A_105 : vector<16xi1>, vector<16xi32>
        %broadcast_in_dim3A_1702 = vector.shape_cast %select_n3A_1701 : vector<16xi32> to vector<16x1xi32>
        %gather3A_1703 = vector.shape_cast %broadcast_in_dim3A_1702 : vector<16x1xi32> to vector<16xi32>
        %gather3A_1704 = tpu.dynamic_gather %max3A_1694[%gather3A_1703] in [0] : vector<16xf32>, vector<16xi32> -> vector<16xf32>
        %max3A_1705 = arith.maximumf %max3A_1694, %gather3A_1704 : vector<16xf32>
        %lt3A_1706 = arith.constant 0 : i32
        %lt3A_1707 = vector.broadcast %lt3A_1706 : i32 to vector<16xi32>
        %lt3A_1708 = arith.cmpi slt, %and3A_111, %lt3A_1707 : vector<16xi32>
        %add3A_1709 = arith.constant 16 : i32
        %add3A_1710 = vector.broadcast %add3A_1709 : i32 to vector<16xi32>
        %add3A_1711 = arith.addi %and3A_111, %add3A_1710 : vector<16xi32>
        %select_n3A_1712 = arith.select %lt3A_1708, %add3A_1711, %and3A_111 : vector<16xi1>, vector<16xi32>
        %broadcast_in_dim3A_1713 = vector.shape_cast %select_n3A_1712 : vector<16xi32> to vector<16x1xi32>
        %gather3A_1714 = vector.shape_cast %broadcast_in_dim3A_1713 : vector<16x1xi32> to vector<16xi32>
        %gather3A_1715 = tpu.dynamic_gather %max3A_1705[%gather3A_1714] in [0] : vector<16xf32>, vector<16xi32> -> vector<16xf32>
        %max3A_1716 = arith.maximumf %max3A_1705, %gather3A_1715 : vector<16xf32>
        %lt3A_1717 = arith.constant 0 : i32
        %lt3A_1718 = vector.broadcast %lt3A_1717 : i32 to vector<16xi32>
        %lt3A_1719 = arith.cmpi slt, %and3A_117, %lt3A_1718 : vector<16xi32>
        %add3A_1720 = arith.constant 16 : i32
        %add3A_1721 = vector.broadcast %add3A_1720 : i32 to vector<16xi32>
        %add3A_1722 = arith.addi %and3A_117, %add3A_1721 : vector<16xi32>
        %select_n3A_1723 = arith.select %lt3A_1719, %add3A_1722, %and3A_117 : vector<16xi1>, vector<16xi32>
        %broadcast_in_dim3A_1724 = vector.shape_cast %select_n3A_1723 : vector<16xi32> to vector<16x1xi32>
        %gather3A_1725 = vector.shape_cast %broadcast_in_dim3A_1724 : vector<16x1xi32> to vector<16xi32>
        %gather3A_1726 = tpu.dynamic_gather %max3A_1716[%gather3A_1725] in [0] : vector<16xf32>, vector<16xi32> -> vector<16xf32>
        %max3A_1727 = arith.maximumf %max3A_1716, %gather3A_1726 : vector<16xf32>
        %select_n3A_1728 = arith.select %eq3A_21, %max3A_1374, %select_n3A_1198 : vector<16xi1>, vector<16xf32>
        %select_n3A_1729 = arith.select %eq3A_24, %max3A_1580, %select_n3A_1728 : vector<16xi1>, vector<16xf32>
        %select_n3A_1730 = arith.select %eq3A_21, %add3A_1474, %select_n3A_1200 : vector<16xi1>, vector<16xf32>
        %select_n3A_1731 = arith.select %eq3A_24, %add3A_1683, %select_n3A_1730 : vector<16xi1>, vector<16xf32>
        %select_n3A_1732 = arith.select %eq3A_21, %max3A_1518, %select_n3A_1202 : vector<16xi1>, vector<16xf32>
        %select_n3A_1733 = arith.select %eq3A_24, %max3A_1727, %select_n3A_1732 : vector<16xi1>, vector<16xf32>
        %mul3A_1734 = arith.constant 16 : i32
        %mul3A_1735 = arith.muli %scan3A_140, %mul3A_1734 : i32
        %mul3A_1736 = arith.constant 100 : i32
        %mul3A_1737 = arith.muli %mul3A_1735, %mul3A_1736 : i32
        %add3A_1738 = arith.constant 600 : i32
        %add3A_1739 = arith.addi %mul3A_1737, %add3A_1738 : i32
        %add3A_1740 = arith.constant 0 : i32
        %add3A_1741 = arith.addi %add3A_1739, %add3A_1740 : i32
        %get3A_1742 = arith.index_cast %add3A_1741 : i32 to index
        %get3A_1743 = tpu.vector_load %arg6[%get3A_1742] {strides = array<i32>} : memref<40016xf32, #tpu.memory_space<vmem>>, vector<16xf32>,
        %get3A_1744 = vector.shape_cast %get3A_1743 : vector<16xf32> to vector<16xf32>
        %add3A_1745 = arith.constant 16 : i32
        %add3A_1746 = arith.addi %add3A_1739, %add3A_1745 : i32
        %get3A_1747 = arith.index_cast %add3A_1746 : i32 to index
        %get3A_1748 = tpu.vector_load %arg6[%get3A_1747] {strides = array<i32>} : memref<40016xf32, #tpu.memory_space<vmem>>, vector<16xf32>,
        %get3A_1749 = vector.shape_cast %get3A_1748 : vector<16xf32> to vector<16xf32>
        %add3A_1750 = arith.constant 32 : i32
        %add3A_1751 = arith.addi %add3A_1739, %add3A_1750 : i32
        %get3A_1752 = arith.index_cast %add3A_1751 : i32 to index
        %get3A_1753 = tpu.vector_load %arg6[%get3A_1752] {strides = array<i32>} : memref<40016xf32, #tpu.memory_space<vmem>>, vector<16xf32>,
        %get3A_1754 = vector.shape_cast %get3A_1753 : vector<16xf32> to vector<16xf32>
        %add3A_1755 = arith.constant 48 : i32
        %add3A_1756 = arith.addi %add3A_1739, %add3A_1755 : i32
        %get3A_1757 = arith.index_cast %add3A_1756 : i32 to index
        %get3A_1758 = tpu.vector_load %arg6[%get3A_1757] {strides = array<i32>} : memref<40016xf32, #tpu.memory_space<vmem>>, vector<16xf32>,
        %get3A_1759 = vector.shape_cast %get3A_1758 : vector<16xf32> to vector<16xf32>
        %add3A_1760 = arith.constant 64 : i32
        %add3A_1761 = arith.addi %add3A_1739, %add3A_1760 : i32
        %get3A_1762 = arith.index_cast %add3A_1761 : i32 to index
        %get3A_1763 = tpu.vector_load %arg6[%get3A_1762] {strides = array<i32>} : memref<40016xf32, #tpu.memory_space<vmem>>, vector<16xf32>,
        %get3A_1764 = vector.shape_cast %get3A_1763 : vector<16xf32> to vector<16xf32>
        %add3A_1765 = arith.constant 80 : i32
        %add3A_1766 = arith.addi %add3A_1739, %add3A_1765 : i32
        %get3A_1767 = arith.index_cast %add3A_1766 : i32 to index
        %get3A_1768 = tpu.vector_load %arg6[%get3A_1767] {strides = array<i32>} : memref<40016xf32, #tpu.memory_space<vmem>>, vector<16xf32>,
        %get3A_1769 = vector.shape_cast %get3A_1768 : vector<16xf32> to vector<16xf32>
        %add3A_1770 = arith.constant 96 : i32
        %add3A_1771 = arith.addi %add3A_1739, %add3A_1770 : i32
        %get3A_1772 = arith.index_cast %add3A_1771 : i32 to index
        %get3A_1773 = tpu.vector_load %arg6[%get3A_1772] {strides = array<i32>} : memref<40016xf32, #tpu.memory_space<vmem>>, vector<16xf32>,
        %get3A_1774 = vector.shape_cast %get3A_1773 : vector<16xf32> to vector<16xf32>
        %add3A_1775 = arith.constant 112 : i32
        %add3A_1776 = arith.addi %add3A_1739, %add3A_1775 : i32
        %get3A_1777 = arith.index_cast %add3A_1776 : i32 to index
        %get3A_1778 = tpu.vector_load %arg6[%get3A_1777] {strides = array<i32>} : memref<40016xf32, #tpu.memory_space<vmem>>, vector<16xf32>,
        %get3A_1779 = vector.shape_cast %get3A_1778 : vector<16xf32> to vector<16xf32>
        %add3A_1780 = arith.constant 128 : i32
        %add3A_1781 = arith.addi %add3A_1739, %add3A_1780 : i32
        %get3A_1782 = arith.index_cast %add3A_1781 : i32 to index
        %get3A_1783 = tpu.vector_load %arg6[%get3A_1782] {strides = array<i32>} : memref<40016xf32, #tpu.memory_space<vmem>>, vector<16xf32>,
        %get3A_1784 = vector.shape_cast %get3A_1783 : vector<16xf32> to vector<16xf32>
        %add3A_1785 = arith.constant 144 : i32
        %add3A_1786 = arith.addi %add3A_1739, %add3A_1785 : i32
        %get3A_1787 = arith.index_cast %add3A_1786 : i32 to index
        %get3A_1788 = tpu.vector_load %arg6[%get3A_1787] {strides = array<i32>} : memref<40016xf32, #tpu.memory_space<vmem>>, vector<16xf32>,
        %get3A_1789 = vector.shape_cast %get3A_1788 : vector<16xf32> to vector<16xf32>
        %add3A_1790 = arith.constant 160 : i32
        %add3A_1791 = arith.addi %add3A_1739, %add3A_1790 : i32
        %get3A_1792 = arith.index_cast %add3A_1791 : i32 to index
        %get3A_1793 = tpu.vector_load %arg6[%get3A_1792] {strides = array<i32>} : memref<40016xf32, #tpu.memory_space<vmem>>, vector<16xf32>,
        %get3A_1794 = vector.shape_cast %get3A_1793 : vector<16xf32> to vector<16xf32>
        %add3A_1795 = arith.constant 176 : i32
        %add3A_1796 = arith.addi %add3A_1739, %add3A_1795 : i32
        %get3A_1797 = arith.index_cast %add3A_1796 : i32 to index
        %get3A_1798 = tpu.vector_load %arg6[%get3A_1797] {strides = array<i32>} : memref<40016xf32, #tpu.memory_space<vmem>>, vector<16xf32>,
        %get3A_1799 = vector.shape_cast %get3A_1798 : vector<16xf32> to vector<16xf32>
        %add3A_1800 = arith.constant 192 : i32
        %add3A_1801 = arith.addi %add3A_1739, %add3A_1800 : i32
        %get3A_1802 = arith.index_cast %add3A_1801 : i32 to index
        %get3A_1803 = tpu.vector_load %arg6[%get3A_1802] {strides = array<i32>} : memref<40016xf32, #tpu.memory_space<vmem>>, vector<16xf32>,
        %get3A_1804 = vector.shape_cast %get3A_1803 : vector<16xf32> to vector<16xf32>
        %mul3A_1805 = arith.constant 0 : i32
        %mul3A_1806 = vector.broadcast %mul3A_1805 : i32 to vector<16xi32>
        %mul3A_1807 = arith.muli %iota3A, %mul3A_1806 : vector<16xi32>
        %add3A_1808 = arith.constant 6 : i32
        %add3A_1809 = vector.broadcast %add3A_1808 : i32 to vector<16xi32>
        %add3A_1810 = arith.addi %mul3A_1807, %add3A_1809 : vector<16xi32>
        %and3A_1811 = arith.constant 15 : i32
        %and3A_1812 = vector.broadcast %and3A_1811 : i32 to vector<16xi32>
        %and3A_1813 = arith.andi %add3A_1810, %and3A_1812 : vector<16xi32>
        %lt3A_1814 = arith.constant 0 : i32
        %lt3A_1815 = vector.broadcast %lt3A_1814 : i32 to vector<16xi32>
        %lt3A_1816 = arith.cmpi slt, %and3A_1813, %lt3A_1815 : vector<16xi32>
        %add3A_1817 = arith.constant 16 : i32
        %add3A_1818 = vector.broadcast %add3A_1817 : i32 to vector<16xi32>
        %add3A_1819 = arith.addi %and3A_1813, %add3A_1818 : vector<16xi32>
        %select_n3A_1820 = arith.select %lt3A_1816, %add3A_1819, %and3A_1813 : vector<16xi1>, vector<16xi32>
        %broadcast_in_dim3A_1821 = vector.shape_cast %select_n3A_1820 : vector<16xi32> to vector<16x1xi32>
        %gather3A_1822 = vector.shape_cast %broadcast_in_dim3A_1821 : vector<16x1xi32> to vector<16xi32>
        %gather3A_1823 = tpu.dynamic_gather %get3A_144[%gather3A_1822] in [0] : vector<16xi32>, vector<16xi32> -> vector<16xi32>
        %mul3A_1824 = arith.constant 0 : i32
        %mul3A_1825 = vector.broadcast %mul3A_1824 : i32 to vector<16xi32>
        %mul3A_1826 = arith.muli %iota3A, %mul3A_1825 : vector<16xi32>
        %add3A_1827 = arith.constant 6 : i32
        %add3A_1828 = vector.broadcast %add3A_1827 : i32 to vector<16xi32>
        %add3A_1829 = arith.addi %mul3A_1826, %add3A_1828 : vector<16xi32>
        %add3A_1830 = arith.constant 1 : i32
        %add3A_1831 = vector.broadcast %add3A_1830 : i32 to vector<16xi32>
        %add3A_1832 = arith.addi %add3A_1829, %add3A_1831 : vector<16xi32>
        %and3A_1833 = arith.constant 15 : i32
        %and3A_1834 = vector.broadcast %and3A_1833 : i32 to vector<16xi32>
        %and3A_1835 = arith.andi %add3A_1832, %and3A_1834 : vector<16xi32>
        %lt3A_1836 = arith.constant 0 : i32
        %lt3A_1837 = vector.broadcast %lt3A_1836 : i32 to vector<16xi32>
        %lt3A_1838 = arith.cmpi slt, %and3A_1835, %lt3A_1837 : vector<16xi32>
        %add3A_1839 = arith.constant 16 : i32
        %add3A_1840 = vector.broadcast %add3A_1839 : i32 to vector<16xi32>
        %add3A_1841 = arith.addi %and3A_1835, %add3A_1840 : vector<16xi32>
        %select_n3A_1842 = arith.select %lt3A_1838, %add3A_1841, %and3A_1835 : vector<16xi1>, vector<16xi32>
        %broadcast_in_dim3A_1843 = vector.shape_cast %select_n3A_1842 : vector<16xi32> to vector<16x1xi32>
        %gather3A_1844 = vector.shape_cast %broadcast_in_dim3A_1843 : vector<16x1xi32> to vector<16xi32>
        %gather3A_1845 = tpu.dynamic_gather %get3A_144[%gather3A_1844] in [0] : vector<16xi32>, vector<16xi32> -> vector<16xi32>
        %add3A_1846 = arith.constant 0 : i32
        %add3A_1847 = vector.broadcast %add3A_1846 : i32 to vector<16xi32>
        %add3A_1848 = arith.addi %gather3A_1823, %add3A_1847 : vector<16xi32>
        %broadcast_in_dim3A_1849 = arith.constant 1.000000e+00 : f32
        %broadcast_in_dim3A_1850 = vector.broadcast %broadcast_in_dim3A_1849 : f32 to vector<16xf32>
        %mul3A_1851 = vector.broadcast %scan3A_118 : f32 to vector<16xf32>
        %mul3A_1852 = arith.mulf %mul3A_1851, %broadcast_in_dim3A_1850 : vector<16xf32>
        %max3A_1853 = arith.maximumf %mul3A_1852, %get3A_1744 : vector<16xf32>
        %max3A_1854 = arith.maximumf %max3A_1853, %get3A_1749 : vector<16xf32>
        %max3A_1855 = arith.maximumf %max3A_1854, %get3A_1754 : vector<16xf32>
        %max3A_1856 = arith.maximumf %max3A_1855, %get3A_1759 : vector<16xf32>
        %max3A_1857 = arith.maximumf %max3A_1856, %get3A_1764 : vector<16xf32>
        %max3A_1858 = arith.maximumf %max3A_1857, %get3A_1769 : vector<16xf32>
        %broadcast_in_dim3A_1859 = vector.broadcast %scan3A_118 : f32 to vector<16xf32>
        %select_n3A_1860 = arith.select %lt3A_2, %get3A_1774, %broadcast_in_dim3A_1859 : vector<16xi1>, vector<16xf32>
        %max3A_1861 = arith.maximumf %max3A_1858, %select_n3A_1860 : vector<16xf32>
        %lt3A_1862 = arith.constant 0 : i32
        %lt3A_1863 = vector.broadcast %lt3A_1862 : i32 to vector<16xi32>
        %lt3A_1864 = arith.cmpi slt, %and3A_99, %lt3A_1863 : vector<16xi32>
        %add3A_1865 = arith.constant 16 : i32
        %add3A_1866 = vector.broadcast %add3A_1865 : i32 to vector<16xi32>
        %add3A_1867 = arith.addi %and3A_99, %add3A_1866 : vector<16xi32>
        %select_n3A_1868 = arith.select %lt3A_1864, %add3A_1867, %and3A_99 : vector<16xi1>, vector<16xi32>
        %broadcast_in_dim3A_1869 = vector.shape_cast %select_n3A_1868 : vector<16xi32> to vector<16x1xi32>
        %gather3A_1870 = vector.shape_cast %broadcast_in_dim3A_1869 : vector<16x1xi32> to vector<16xi32>
        %gather3A_1871 = tpu.dynamic_gather %max3A_1861[%gather3A_1870] in [0] : vector<16xf32>, vector<16xi32> -> vector<16xf32>
        %max3A_1872 = arith.maximumf %max3A_1861, %gather3A_1871 : vector<16xf32>
        %lt3A_1873 = arith.constant 0 : i32
        %lt3A_1874 = vector.broadcast %lt3A_1873 : i32 to vector<16xi32>
        %lt3A_1875 = arith.cmpi slt, %and3A_105, %lt3A_1874 : vector<16xi32>
        %add3A_1876 = arith.constant 16 : i32
        %add3A_1877 = vector.broadcast %add3A_1876 : i32 to vector<16xi32>
        %add3A_1878 = arith.addi %and3A_105, %add3A_1877 : vector<16xi32>
        %select_n3A_1879 = arith.select %lt3A_1875, %add3A_1878, %and3A_105 : vector<16xi1>, vector<16xi32>
        %broadcast_in_dim3A_1880 = vector.shape_cast %select_n3A_1879 : vector<16xi32> to vector<16x1xi32>
        %gather3A_1881 = vector.shape_cast %broadcast_in_dim3A_1880 : vector<16x1xi32> to vector<16xi32>
        %gather3A_1882 = tpu.dynamic_gather %max3A_1872[%gather3A_1881] in [0] : vector<16xf32>, vector<16xi32> -> vector<16xf32>
        %max3A_1883 = arith.maximumf %max3A_1872, %gather3A_1882 : vector<16xf32>
        %lt3A_1884 = arith.constant 0 : i32
        %lt3A_1885 = vector.broadcast %lt3A_1884 : i32 to vector<16xi32>
        %lt3A_1886 = arith.cmpi slt, %and3A_111, %lt3A_1885 : vector<16xi32>
        %add3A_1887 = arith.constant 16 : i32
        %add3A_1888 = vector.broadcast %add3A_1887 : i32 to vector<16xi32>
        %add3A_1889 = arith.addi %and3A_111, %add3A_1888 : vector<16xi32>
        %select_n3A_1890 = arith.select %lt3A_1886, %add3A_1889, %and3A_111 : vector<16xi1>, vector<16xi32>
        %broadcast_in_dim3A_1891 = vector.shape_cast %select_n3A_1890 : vector<16xi32> to vector<16x1xi32>
        %gather3A_1892 = vector.shape_cast %broadcast_in_dim3A_1891 : vector<16x1xi32> to vector<16xi32>
        %gather3A_1893 = tpu.dynamic_gather %max3A_1883[%gather3A_1892] in [0] : vector<16xf32>, vector<16xi32> -> vector<16xf32>
        %max3A_1894 = arith.maximumf %max3A_1883, %gather3A_1893 : vector<16xf32>
        %lt3A_1895 = arith.constant 0 : i32
        %lt3A_1896 = vector.broadcast %lt3A_1895 : i32 to vector<16xi32>
        %lt3A_1897 = arith.cmpi slt, %and3A_117, %lt3A_1896 : vector<16xi32>
        %add3A_1898 = arith.constant 16 : i32
        %add3A_1899 = vector.broadcast %add3A_1898 : i32 to vector<16xi32>
        %add3A_1900 = arith.addi %and3A_117, %add3A_1899 : vector<16xi32>
        %select_n3A_1901 = arith.select %lt3A_1897, %add3A_1900, %and3A_117 : vector<16xi1>, vector<16xi32>
        %broadcast_in_dim3A_1902 = vector.shape_cast %select_n3A_1901 : vector<16xi32> to vector<16x1xi32>
        %gather3A_1903 = vector.shape_cast %broadcast_in_dim3A_1902 : vector<16x1xi32> to vector<16xi32>
        %gather3A_1904 = tpu.dynamic_gather %max3A_1894[%gather3A_1903] in [0] : vector<16xf32>, vector<16xi32> -> vector<16xf32>
        %max3A_1905 = arith.maximumf %max3A_1894, %gather3A_1904 : vector<16xf32>
        %broadcast_in_dim3A_1906 = arith.constant 1.000000e+00 : f32
        %broadcast_in_dim3A_1907 = vector.broadcast %broadcast_in_dim3A_1906 : f32 to vector<16xf32>
        %mul3A_1908 = vector.broadcast %scan3A_118 : f32 to vector<16xf32>
        %mul3A_1909 = arith.mulf %mul3A_1908, %broadcast_in_dim3A_1907 : vector<16xf32>
        %sub3A_1910 = arith.subf %get3A_1744, %max3A_1905 : vector<16xf32>
        %exp3A_1911 = math.exp %sub3A_1910 : vector<16xf32>
        %add3A_1912 = arith.addf %broadcast_in_dim3A_94, %exp3A_1911 : vector<16xf32>
        %eq3A_1913 = arith.cmpi eq, %add3A_57, %add3A_1848 : vector<16xi32>
        %broadcast_in_dim3A_1914 = vector.broadcast %scan3A_118 : f32 to vector<16xf32>
        %select_n3A_1915 = arith.select %eq3A_1913, %get3A_1744, %broadcast_in_dim3A_1914 : vector<16xi1>, vector<16xf32>
        %max3A_1916 = arith.maximumf %mul3A_1909, %select_n3A_1915 : vector<16xf32>
        %sub3A_1917 = arith.subf %get3A_1749, %max3A_1905 : vector<16xf32>
        %exp3A_1918 = math.exp %sub3A_1917 : vector<16xf32>
        %add3A_1919 = arith.addf %add3A_1912, %exp3A_1918 : vector<16xf32>
        %eq3A_1920 = arith.cmpi eq, %add3A_60, %add3A_1848 : vector<16xi32>
        %broadcast_in_dim3A_1921 = vector.broadcast %scan3A_118 : f32 to vector<16xf32>
        %select_n3A_1922 = arith.select %eq3A_1920, %get3A_1749, %broadcast_in_dim3A_1921 : vector<16xi1>, vector<16xf32>
        %max3A_1923 = arith.maximumf %max3A_1916, %select_n3A_1922 : vector<16xf32>
        %sub3A_1924 = arith.subf %get3A_1754, %max3A_1905 : vector<16xf32>
        %exp3A_1925 = math.exp %sub3A_1924 : vector<16xf32>
        %add3A_1926 = arith.addf %add3A_1919, %exp3A_1925 : vector<16xf32>
        %eq3A_1927 = arith.cmpi eq, %add3A_63, %add3A_1848 : vector<16xi32>
        %broadcast_in_dim3A_1928 = vector.broadcast %scan3A_118 : f32 to vector<16xf32>
        %select_n3A_1929 = arith.select %eq3A_1927, %get3A_1754, %broadcast_in_dim3A_1928 : vector<16xi1>, vector<16xf32>
        %max3A_1930 = arith.maximumf %max3A_1923, %select_n3A_1929 : vector<16xf32>
        %sub3A_1931 = arith.subf %get3A_1759, %max3A_1905 : vector<16xf32>
        %exp3A_1932 = math.exp %sub3A_1931 : vector<16xf32>
        %add3A_1933 = arith.addf %add3A_1926, %exp3A_1932 : vector<16xf32>
        %eq3A_1934 = arith.cmpi eq, %add3A_66, %add3A_1848 : vector<16xi32>
        %broadcast_in_dim3A_1935 = vector.broadcast %scan3A_118 : f32 to vector<16xf32>
        %select_n3A_1936 = arith.select %eq3A_1934, %get3A_1759, %broadcast_in_dim3A_1935 : vector<16xi1>, vector<16xf32>
        %max3A_1937 = arith.maximumf %max3A_1930, %select_n3A_1936 : vector<16xf32>
        %sub3A_1938 = arith.subf %get3A_1764, %max3A_1905 : vector<16xf32>
        %exp3A_1939 = math.exp %sub3A_1938 : vector<16xf32>
        %add3A_1940 = arith.addf %add3A_1933, %exp3A_1939 : vector<16xf32>
        %eq3A_1941 = arith.cmpi eq, %add3A_69, %add3A_1848 : vector<16xi32>
        %broadcast_in_dim3A_1942 = vector.broadcast %scan3A_118 : f32 to vector<16xf32>
        %select_n3A_1943 = arith.select %eq3A_1941, %get3A_1764, %broadcast_in_dim3A_1942 : vector<16xi1>, vector<16xf32>
        %max3A_1944 = arith.maximumf %max3A_1937, %select_n3A_1943 : vector<16xf32>
        %sub3A_1945 = arith.subf %get3A_1769, %max3A_1905 : vector<16xf32>
        %exp3A_1946 = math.exp %sub3A_1945 : vector<16xf32>
        %add3A_1947 = arith.addf %add3A_1940, %exp3A_1946 : vector<16xf32>
        %eq3A_1948 = arith.cmpi eq, %add3A_72, %add3A_1848 : vector<16xi32>
        %broadcast_in_dim3A_1949 = vector.broadcast %scan3A_118 : f32 to vector<16xf32>
        %select_n3A_1950 = arith.select %eq3A_1948, %get3A_1769, %broadcast_in_dim3A_1949 : vector<16xi1>, vector<16xf32>
        %max3A_1951 = arith.maximumf %max3A_1944, %select_n3A_1950 : vector<16xf32>
        %sub3A_1952 = arith.subf %get3A_1774, %max3A_1905 : vector<16xf32>
        %exp3A_1953 = math.exp %sub3A_1952 : vector<16xf32>
        %jit3A_1954 = arith.constant 0.000000e+00 : f32
        %broadcast_in_dim3A_1955 = vector.broadcast %jit3A_1954 : f32 to vector<16xf32>
        %select_n3A_1956 = arith.select %lt3A_2, %exp3A_1953, %broadcast_in_dim3A_1955 : vector<16xi1>, vector<16xf32>
        %add3A_1957 = arith.addf %add3A_1947, %select_n3A_1956 : vector<16xf32>
        %eq3A_1958 = arith.cmpi eq, %add3A_75, %add3A_1848 : vector<16xi32>
        %broadcast_in_dim3A_1959 = vector.broadcast %scan3A_118 : f32 to vector<16xf32>
        %select_n3A_1960 = arith.select %eq3A_1958, %get3A_1774, %broadcast_in_dim3A_1959 : vector<16xi1>, vector<16xf32>
        %max3A_1961 = arith.maximumf %max3A_1951, %select_n3A_1960 : vector<16xf32>
        %lt3A_1962 = arith.constant 0 : i32
        %lt3A_1963 = vector.broadcast %lt3A_1962 : i32 to vector<16xi32>
        %lt3A_1964 = arith.cmpi slt, %and3A_99, %lt3A_1963 : vector<16xi32>
        %add3A_1965 = arith.constant 16 : i32
        %add3A_1966 = vector.broadcast %add3A_1965 : i32 to vector<16xi32>
        %add3A_1967 = arith.addi %and3A_99, %add3A_1966 : vector<16xi32>
        %select_n3A_1968 = arith.select %lt3A_1964, %add3A_1967, %and3A_99 : vector<16xi1>, vector<16xi32>
        %broadcast_in_dim3A_1969 = vector.shape_cast %select_n3A_1968 : vector<16xi32> to vector<16x1xi32>
        %gather3A_1970 = vector.shape_cast %broadcast_in_dim3A_1969 : vector<16x1xi32> to vector<16xi32>
        %gather3A_1971 = tpu.dynamic_gather %add3A_1957[%gather3A_1970] in [0] : vector<16xf32>, vector<16xi32> -> vector<16xf32>
        %add3A_1972 = arith.addf %add3A_1957, %gather3A_1971 : vector<16xf32>
        %lt3A_1973 = arith.constant 0 : i32
        %lt3A_1974 = vector.broadcast %lt3A_1973 : i32 to vector<16xi32>
        %lt3A_1975 = arith.cmpi slt, %and3A_105, %lt3A_1974 : vector<16xi32>
        %add3A_1976 = arith.constant 16 : i32
        %add3A_1977 = vector.broadcast %add3A_1976 : i32 to vector<16xi32>
        %add3A_1978 = arith.addi %and3A_105, %add3A_1977 : vector<16xi32>
        %select_n3A_1979 = arith.select %lt3A_1975, %add3A_1978, %and3A_105 : vector<16xi1>, vector<16xi32>
        %broadcast_in_dim3A_1980 = vector.shape_cast %select_n3A_1979 : vector<16xi32> to vector<16x1xi32>
        %gather3A_1981 = vector.shape_cast %broadcast_in_dim3A_1980 : vector<16x1xi32> to vector<16xi32>
        %gather3A_1982 = tpu.dynamic_gather %add3A_1972[%gather3A_1981] in [0] : vector<16xf32>, vector<16xi32> -> vector<16xf32>
        %add3A_1983 = arith.addf %add3A_1972, %gather3A_1982 : vector<16xf32>
        %lt3A_1984 = arith.constant 0 : i32
        %lt3A_1985 = vector.broadcast %lt3A_1984 : i32 to vector<16xi32>
        %lt3A_1986 = arith.cmpi slt, %and3A_111, %lt3A_1985 : vector<16xi32>
        %add3A_1987 = arith.constant 16 : i32
        %add3A_1988 = vector.broadcast %add3A_1987 : i32 to vector<16xi32>
        %add3A_1989 = arith.addi %and3A_111, %add3A_1988 : vector<16xi32>
        %select_n3A_1990 = arith.select %lt3A_1986, %add3A_1989, %and3A_111 : vector<16xi1>, vector<16xi32>
        %broadcast_in_dim3A_1991 = vector.shape_cast %select_n3A_1990 : vector<16xi32> to vector<16x1xi32>
        %gather3A_1992 = vector.shape_cast %broadcast_in_dim3A_1991 : vector<16x1xi32> to vector<16xi32>
        %gather3A_1993 = tpu.dynamic_gather %add3A_1983[%gather3A_1992] in [0] : vector<16xf32>, vector<16xi32> -> vector<16xf32>
        %add3A_1994 = arith.addf %add3A_1983, %gather3A_1993 : vector<16xf32>
        %lt3A_1995 = arith.constant 0 : i32
        %lt3A_1996 = vector.broadcast %lt3A_1995 : i32 to vector<16xi32>
        %lt3A_1997 = arith.cmpi slt, %and3A_117, %lt3A_1996 : vector<16xi32>
        %add3A_1998 = arith.constant 16 : i32
        %add3A_1999 = vector.broadcast %add3A_1998 : i32 to vector<16xi32>
        %add3A_2000 = arith.addi %and3A_117, %add3A_1999 : vector<16xi32>
        %select_n3A_2001 = arith.select %lt3A_1997, %add3A_2000, %and3A_117 : vector<16xi1>, vector<16xi32>
        %broadcast_in_dim3A_2002 = vector.shape_cast %select_n3A_2001 : vector<16xi32> to vector<16x1xi32>
        %gather3A_2003 = vector.shape_cast %broadcast_in_dim3A_2002 : vector<16x1xi32> to vector<16xi32>
        %gather3A_2004 = tpu.dynamic_gather %add3A_1994[%gather3A_2003] in [0] : vector<16xf32>, vector<16xi32> -> vector<16xf32>
        %add3A_2005 = arith.addf %add3A_1994, %gather3A_2004 : vector<16xf32>
        %lt3A_2006 = arith.constant 0 : i32
        %lt3A_2007 = vector.broadcast %lt3A_2006 : i32 to vector<16xi32>
        %lt3A_2008 = arith.cmpi slt, %and3A_99, %lt3A_2007 : vector<16xi32>
        %add3A_2009 = arith.constant 16 : i32
        %add3A_2010 = vector.broadcast %add3A_2009 : i32 to vector<16xi32>
        %add3A_2011 = arith.addi %and3A_99, %add3A_2010 : vector<16xi32>
        %select_n3A_2012 = arith.select %lt3A_2008, %add3A_2011, %and3A_99 : vector<16xi1>, vector<16xi32>
        %broadcast_in_dim3A_2013 = vector.shape_cast %select_n3A_2012 : vector<16xi32> to vector<16x1xi32>
        %gather3A_2014 = vector.shape_cast %broadcast_in_dim3A_2013 : vector<16x1xi32> to vector<16xi32>
        %gather3A_2015 = tpu.dynamic_gather %max3A_1961[%gather3A_2014] in [0] : vector<16xf32>, vector<16xi32> -> vector<16xf32>
        %max3A_2016 = arith.maximumf %max3A_1961, %gather3A_2015 : vector<16xf32>
        %lt3A_2017 = arith.constant 0 : i32
        %lt3A_2018 = vector.broadcast %lt3A_2017 : i32 to vector<16xi32>
        %lt3A_2019 = arith.cmpi slt, %and3A_105, %lt3A_2018 : vector<16xi32>
        %add3A_2020 = arith.constant 16 : i32
        %add3A_2021 = vector.broadcast %add3A_2020 : i32 to vector<16xi32>
        %add3A_2022 = arith.addi %and3A_105, %add3A_2021 : vector<16xi32>
        %select_n3A_2023 = arith.select %lt3A_2019, %add3A_2022, %and3A_105 : vector<16xi1>, vector<16xi32>
        %broadcast_in_dim3A_2024 = vector.shape_cast %select_n3A_2023 : vector<16xi32> to vector<16x1xi32>
        %gather3A_2025 = vector.shape_cast %broadcast_in_dim3A_2024 : vector<16x1xi32> to vector<16xi32>
        %gather3A_2026 = tpu.dynamic_gather %max3A_2016[%gather3A_2025] in [0] : vector<16xf32>, vector<16xi32> -> vector<16xf32>
        %max3A_2027 = arith.maximumf %max3A_2016, %gather3A_2026 : vector<16xf32>
        %lt3A_2028 = arith.constant 0 : i32
        %lt3A_2029 = vector.broadcast %lt3A_2028 : i32 to vector<16xi32>
        %lt3A_2030 = arith.cmpi slt, %and3A_111, %lt3A_2029 : vector<16xi32>
        %add3A_2031 = arith.constant 16 : i32
        %add3A_2032 = vector.broadcast %add3A_2031 : i32 to vector<16xi32>
        %add3A_2033 = arith.addi %and3A_111, %add3A_2032 : vector<16xi32>
        %select_n3A_2034 = arith.select %lt3A_2030, %add3A_2033, %and3A_111 : vector<16xi1>, vector<16xi32>
        %broadcast_in_dim3A_2035 = vector.shape_cast %select_n3A_2034 : vector<16xi32> to vector<16x1xi32>
        %gather3A_2036 = vector.shape_cast %broadcast_in_dim3A_2035 : vector<16x1xi32> to vector<16xi32>
        %gather3A_2037 = tpu.dynamic_gather %max3A_2027[%gather3A_2036] in [0] : vector<16xf32>, vector<16xi32> -> vector<16xf32>
        %max3A_2038 = arith.maximumf %max3A_2027, %gather3A_2037 : vector<16xf32>
        %lt3A_2039 = arith.constant 0 : i32
        %lt3A_2040 = vector.broadcast %lt3A_2039 : i32 to vector<16xi32>
        %lt3A_2041 = arith.cmpi slt, %and3A_117, %lt3A_2040 : vector<16xi32>
        %add3A_2042 = arith.constant 16 : i32
        %add3A_2043 = vector.broadcast %add3A_2042 : i32 to vector<16xi32>
        %add3A_2044 = arith.addi %and3A_117, %add3A_2043 : vector<16xi32>
        %select_n3A_2045 = arith.select %lt3A_2041, %add3A_2044, %and3A_117 : vector<16xi1>, vector<16xi32>
        %broadcast_in_dim3A_2046 = vector.shape_cast %select_n3A_2045 : vector<16xi32> to vector<16x1xi32>
        %gather3A_2047 = vector.shape_cast %broadcast_in_dim3A_2046 : vector<16x1xi32> to vector<16xi32>
        %gather3A_2048 = tpu.dynamic_gather %max3A_2038[%gather3A_2047] in [0] : vector<16xf32>, vector<16xi32> -> vector<16xf32>
        %max3A_2049 = arith.maximumf %max3A_2038, %gather3A_2048 : vector<16xf32>
        %add3A_2050 = arith.constant 100 : i32
        %add3A_2051 = vector.broadcast %add3A_2050 : i32 to vector<16xi32>
        %add3A_2052 = arith.addi %gather3A_1845, %add3A_2051 : vector<16xi32>
        %broadcast_in_dim3A_2053 = arith.constant 1.000000e+00 : f32
        %broadcast_in_dim3A_2054 = vector.broadcast %broadcast_in_dim3A_2053 : f32 to vector<16xf32>
        %mul3A_2055 = vector.broadcast %scan3A_118 : f32 to vector<16xf32>
        %mul3A_2056 = arith.mulf %mul3A_2055, %broadcast_in_dim3A_2054 : vector<16xf32>
        %broadcast_in_dim3A_2057 = vector.broadcast %scan3A_118 : f32 to vector<16xf32>
        %select_n3A_2058 = arith.select %ge3A_4, %get3A_1774, %broadcast_in_dim3A_2057 : vector<16xi1>, vector<16xf32>
        %max3A_2059 = arith.maximumf %mul3A_2056, %select_n3A_2058 : vector<16xf32>
        %max3A_2060 = arith.maximumf %max3A_2059, %get3A_1779 : vector<16xf32>
        %max3A_2061 = arith.maximumf %max3A_2060, %get3A_1784 : vector<16xf32>
        %max3A_2062 = arith.maximumf %max3A_2061, %get3A_1789 : vector<16xf32>
        %max3A_2063 = arith.maximumf %max3A_2062, %get3A_1794 : vector<16xf32>
        %max3A_2064 = arith.maximumf %max3A_2063, %get3A_1799 : vector<16xf32>
        %broadcast_in_dim3A_2065 = vector.broadcast %scan3A_118 : f32 to vector<16xf32>
        %select_n3A_2066 = arith.select %lt3A_7, %get3A_1804, %broadcast_in_dim3A_2065 : vector<16xi1>, vector<16xf32>
        %max3A_2067 = arith.maximumf %max3A_2064, %select_n3A_2066 : vector<16xf32>
        %lt3A_2068 = arith.constant 0 : i32
        %lt3A_2069 = vector.broadcast %lt3A_2068 : i32 to vector<16xi32>
        %lt3A_2070 = arith.cmpi slt, %and3A_99, %lt3A_2069 : vector<16xi32>
        %add3A_2071 = arith.constant 16 : i32
        %add3A_2072 = vector.broadcast %add3A_2071 : i32 to vector<16xi32>
        %add3A_2073 = arith.addi %and3A_99, %add3A_2072 : vector<16xi32>
        %select_n3A_2074 = arith.select %lt3A_2070, %add3A_2073, %and3A_99 : vector<16xi1>, vector<16xi32>
        %broadcast_in_dim3A_2075 = vector.shape_cast %select_n3A_2074 : vector<16xi32> to vector<16x1xi32>
        %gather3A_2076 = vector.shape_cast %broadcast_in_dim3A_2075 : vector<16x1xi32> to vector<16xi32>
        %gather3A_2077 = tpu.dynamic_gather %max3A_2067[%gather3A_2076] in [0] : vector<16xf32>, vector<16xi32> -> vector<16xf32>
        %max3A_2078 = arith.maximumf %max3A_2067, %gather3A_2077 : vector<16xf32>
        %lt3A_2079 = arith.constant 0 : i32
        %lt3A_2080 = vector.broadcast %lt3A_2079 : i32 to vector<16xi32>
        %lt3A_2081 = arith.cmpi slt, %and3A_105, %lt3A_2080 : vector<16xi32>
        %add3A_2082 = arith.constant 16 : i32
        %add3A_2083 = vector.broadcast %add3A_2082 : i32 to vector<16xi32>
        %add3A_2084 = arith.addi %and3A_105, %add3A_2083 : vector<16xi32>
        %select_n3A_2085 = arith.select %lt3A_2081, %add3A_2084, %and3A_105 : vector<16xi1>, vector<16xi32>
        %broadcast_in_dim3A_2086 = vector.shape_cast %select_n3A_2085 : vector<16xi32> to vector<16x1xi32>
        %gather3A_2087 = vector.shape_cast %broadcast_in_dim3A_2086 : vector<16x1xi32> to vector<16xi32>
        %gather3A_2088 = tpu.dynamic_gather %max3A_2078[%gather3A_2087] in [0] : vector<16xf32>, vector<16xi32> -> vector<16xf32>
        %max3A_2089 = arith.maximumf %max3A_2078, %gather3A_2088 : vector<16xf32>
        %lt3A_2090 = arith.constant 0 : i32
        %lt3A_2091 = vector.broadcast %lt3A_2090 : i32 to vector<16xi32>
        %lt3A_2092 = arith.cmpi slt, %and3A_111, %lt3A_2091 : vector<16xi32>
        %add3A_2093 = arith.constant 16 : i32
        %add3A_2094 = vector.broadcast %add3A_2093 : i32 to vector<16xi32>
        %add3A_2095 = arith.addi %and3A_111, %add3A_2094 : vector<16xi32>
        %select_n3A_2096 = arith.select %lt3A_2092, %add3A_2095, %and3A_111 : vector<16xi1>, vector<16xi32>
        %broadcast_in_dim3A_2097 = vector.shape_cast %select_n3A_2096 : vector<16xi32> to vector<16x1xi32>
        %gather3A_2098 = vector.shape_cast %broadcast_in_dim3A_2097 : vector<16x1xi32> to vector<16xi32>
        %gather3A_2099 = tpu.dynamic_gather %max3A_2089[%gather3A_2098] in [0] : vector<16xf32>, vector<16xi32> -> vector<16xf32>
        %max3A_2100 = arith.maximumf %max3A_2089, %gather3A_2099 : vector<16xf32>
        %lt3A_2101 = arith.constant 0 : i32
        %lt3A_2102 = vector.broadcast %lt3A_2101 : i32 to vector<16xi32>
        %lt3A_2103 = arith.cmpi slt, %and3A_117, %lt3A_2102 : vector<16xi32>
        %add3A_2104 = arith.constant 16 : i32
        %add3A_2105 = vector.broadcast %add3A_2104 : i32 to vector<16xi32>
        %add3A_2106 = arith.addi %and3A_117, %add3A_2105 : vector<16xi32>
        %select_n3A_2107 = arith.select %lt3A_2103, %add3A_2106, %and3A_117 : vector<16xi1>, vector<16xi32>
        %broadcast_in_dim3A_2108 = vector.shape_cast %select_n3A_2107 : vector<16xi32> to vector<16x1xi32>
        %gather3A_2109 = vector.shape_cast %broadcast_in_dim3A_2108 : vector<16x1xi32> to vector<16xi32>
        %gather3A_2110 = tpu.dynamic_gather %max3A_2100[%gather3A_2109] in [0] : vector<16xf32>, vector<16xi32> -> vector<16xf32>
        %max3A_2111 = arith.maximumf %max3A_2100, %gather3A_2110 : vector<16xf32>
        %broadcast_in_dim3A_2112 = arith.constant 1.000000e+00 : f32
        %broadcast_in_dim3A_2113 = vector.broadcast %broadcast_in_dim3A_2112 : f32 to vector<16xf32>
        %mul3A_2114 = vector.broadcast %scan3A_118 : f32 to vector<16xf32>
        %mul3A_2115 = arith.mulf %mul3A_2114, %broadcast_in_dim3A_2113 : vector<16xf32>
        %sub3A_2116 = arith.subf %get3A_1774, %max3A_2111 : vector<16xf32>
        %exp3A_2117 = math.exp %sub3A_2116 : vector<16xf32>
        %jit3A_2118 = arith.constant 0.000000e+00 : f32
        %broadcast_in_dim3A_2119 = vector.broadcast %jit3A_2118 : f32 to vector<16xf32>
        %select_n3A_2120 = arith.select %ge3A_4, %exp3A_2117, %broadcast_in_dim3A_2119 : vector<16xi1>, vector<16xf32>
        %add3A_2121 = arith.addf %broadcast_in_dim3A_94, %select_n3A_2120 : vector<16xf32>
        %eq3A_2122 = arith.cmpi eq, %add3A_75, %add3A_2052 : vector<16xi32>
        %broadcast_in_dim3A_2123 = vector.broadcast %scan3A_118 : f32 to vector<16xf32>
        %select_n3A_2124 = arith.select %eq3A_2122, %get3A_1774, %broadcast_in_dim3A_2123 : vector<16xi1>, vector<16xf32>
        %max3A_2125 = arith.maximumf %mul3A_2115, %select_n3A_2124 : vector<16xf32>
        %sub3A_2126 = arith.subf %get3A_1779, %max3A_2111 : vector<16xf32>
        %exp3A_2127 = math.exp %sub3A_2126 : vector<16xf32>
        %add3A_2128 = arith.addf %add3A_2121, %exp3A_2127 : vector<16xf32>
        %eq3A_2129 = arith.cmpi eq, %add3A_78, %add3A_2052 : vector<16xi32>
        %broadcast_in_dim3A_2130 = vector.broadcast %scan3A_118 : f32 to vector<16xf32>
        %select_n3A_2131 = arith.select %eq3A_2129, %get3A_1779, %broadcast_in_dim3A_2130 : vector<16xi1>, vector<16xf32>
        %max3A_2132 = arith.maximumf %max3A_2125, %select_n3A_2131 : vector<16xf32>
        %sub3A_2133 = arith.subf %get3A_1784, %max3A_2111 : vector<16xf32>
        %exp3A_2134 = math.exp %sub3A_2133 : vector<16xf32>
        %add3A_2135 = arith.addf %add3A_2128, %exp3A_2134 : vector<16xf32>
        %eq3A_2136 = arith.cmpi eq, %add3A_81, %add3A_2052 : vector<16xi32>
        %broadcast_in_dim3A_2137 = vector.broadcast %scan3A_118 : f32 to vector<16xf32>
        %select_n3A_2138 = arith.select %eq3A_2136, %get3A_1784, %broadcast_in_dim3A_2137 : vector<16xi1>, vector<16xf32>
        %max3A_2139 = arith.maximumf %max3A_2132, %select_n3A_2138 : vector<16xf32>
        %sub3A_2140 = arith.subf %get3A_1789, %max3A_2111 : vector<16xf32>
        %exp3A_2141 = math.exp %sub3A_2140 : vector<16xf32>
        %add3A_2142 = arith.addf %add3A_2135, %exp3A_2141 : vector<16xf32>
        %eq3A_2143 = arith.cmpi eq, %add3A_84, %add3A_2052 : vector<16xi32>
        %broadcast_in_dim3A_2144 = vector.broadcast %scan3A_118 : f32 to vector<16xf32>
        %select_n3A_2145 = arith.select %eq3A_2143, %get3A_1789, %broadcast_in_dim3A_2144 : vector<16xi1>, vector<16xf32>
        %max3A_2146 = arith.maximumf %max3A_2139, %select_n3A_2145 : vector<16xf32>
        %sub3A_2147 = arith.subf %get3A_1794, %max3A_2111 : vector<16xf32>
        %exp3A_2148 = math.exp %sub3A_2147 : vector<16xf32>
        %add3A_2149 = arith.addf %add3A_2142, %exp3A_2148 : vector<16xf32>
        %eq3A_2150 = arith.cmpi eq, %add3A_87, %add3A_2052 : vector<16xi32>
        %broadcast_in_dim3A_2151 = vector.broadcast %scan3A_118 : f32 to vector<16xf32>
        %select_n3A_2152 = arith.select %eq3A_2150, %get3A_1794, %broadcast_in_dim3A_2151 : vector<16xi1>, vector<16xf32>
        %max3A_2153 = arith.maximumf %max3A_2146, %select_n3A_2152 : vector<16xf32>
        %sub3A_2154 = arith.subf %get3A_1799, %max3A_2111 : vector<16xf32>
        %exp3A_2155 = math.exp %sub3A_2154 : vector<16xf32>
        %add3A_2156 = arith.addf %add3A_2149, %exp3A_2155 : vector<16xf32>
        %eq3A_2157 = arith.cmpi eq, %add3A_90, %add3A_2052 : vector<16xi32>
        %broadcast_in_dim3A_2158 = vector.broadcast %scan3A_118 : f32 to vector<16xf32>
        %select_n3A_2159 = arith.select %eq3A_2157, %get3A_1799, %broadcast_in_dim3A_2158 : vector<16xi1>, vector<16xf32>
        %max3A_2160 = arith.maximumf %max3A_2153, %select_n3A_2159 : vector<16xf32>
        %sub3A_2161 = arith.subf %get3A_1804, %max3A_2111 : vector<16xf32>
        %exp3A_2162 = math.exp %sub3A_2161 : vector<16xf32>
        %jit3A_2163 = arith.constant 0.000000e+00 : f32
        %broadcast_in_dim3A_2164 = vector.broadcast %jit3A_2163 : f32 to vector<16xf32>
        %select_n3A_2165 = arith.select %lt3A_7, %exp3A_2162, %broadcast_in_dim3A_2164 : vector<16xi1>, vector<16xf32>
        %add3A_2166 = arith.addf %add3A_2156, %select_n3A_2165 : vector<16xf32>
        %eq3A_2167 = arith.cmpi eq, %add3A_93, %add3A_2052 : vector<16xi32>
        %broadcast_in_dim3A_2168 = vector.broadcast %scan3A_118 : f32 to vector<16xf32>
        %select_n3A_2169 = arith.select %eq3A_2167, %get3A_1804, %broadcast_in_dim3A_2168 : vector<16xi1>, vector<16xf32>
        %max3A_2170 = arith.maximumf %max3A_2160, %select_n3A_2169 : vector<16xf32>
        %lt3A_2171 = arith.constant 0 : i32
        %lt3A_2172 = vector.broadcast %lt3A_2171 : i32 to vector<16xi32>
        %lt3A_2173 = arith.cmpi slt, %and3A_99, %lt3A_2172 : vector<16xi32>
        %add3A_2174 = arith.constant 16 : i32
        %add3A_2175 = vector.broadcast %add3A_2174 : i32 to vector<16xi32>
        %add3A_2176 = arith.addi %and3A_99, %add3A_2175 : vector<16xi32>
        %select_n3A_2177 = arith.select %lt3A_2173, %add3A_2176, %and3A_99 : vector<16xi1>, vector<16xi32>
        %broadcast_in_dim3A_2178 = vector.shape_cast %select_n3A_2177 : vector<16xi32> to vector<16x1xi32>
        %gather3A_2179 = vector.shape_cast %broadcast_in_dim3A_2178 : vector<16x1xi32> to vector<16xi32>
        %gather3A_2180 = tpu.dynamic_gather %add3A_2166[%gather3A_2179] in [0] : vector<16xf32>, vector<16xi32> -> vector<16xf32>
        %add3A_2181 = arith.addf %add3A_2166, %gather3A_2180 : vector<16xf32>
        %lt3A_2182 = arith.constant 0 : i32
        %lt3A_2183 = vector.broadcast %lt3A_2182 : i32 to vector<16xi32>
        %lt3A_2184 = arith.cmpi slt, %and3A_105, %lt3A_2183 : vector<16xi32>
        %add3A_2185 = arith.constant 16 : i32
        %add3A_2186 = vector.broadcast %add3A_2185 : i32 to vector<16xi32>
        %add3A_2187 = arith.addi %and3A_105, %add3A_2186 : vector<16xi32>
        %select_n3A_2188 = arith.select %lt3A_2184, %add3A_2187, %and3A_105 : vector<16xi1>, vector<16xi32>
        %broadcast_in_dim3A_2189 = vector.shape_cast %select_n3A_2188 : vector<16xi32> to vector<16x1xi32>
        %gather3A_2190 = vector.shape_cast %broadcast_in_dim3A_2189 : vector<16x1xi32> to vector<16xi32>
        %gather3A_2191 = tpu.dynamic_gather %add3A_2181[%gather3A_2190] in [0] : vector<16xf32>, vector<16xi32> -> vector<16xf32>
        %add3A_2192 = arith.addf %add3A_2181, %gather3A_2191 : vector<16xf32>
        %lt3A_2193 = arith.constant 0 : i32
        %lt3A_2194 = vector.broadcast %lt3A_2193 : i32 to vector<16xi32>
        %lt3A_2195 = arith.cmpi slt, %and3A_111, %lt3A_2194 : vector<16xi32>
        %add3A_2196 = arith.constant 16 : i32
        %add3A_2197 = vector.broadcast %add3A_2196 : i32 to vector<16xi32>
        %add3A_2198 = arith.addi %and3A_111, %add3A_2197 : vector<16xi32>
        %select_n3A_2199 = arith.select %lt3A_2195, %add3A_2198, %and3A_111 : vector<16xi1>, vector<16xi32>
        %broadcast_in_dim3A_2200 = vector.shape_cast %select_n3A_2199 : vector<16xi32> to vector<16x1xi32>
        %gather3A_2201 = vector.shape_cast %broadcast_in_dim3A_2200 : vector<16x1xi32> to vector<16xi32>
        %gather3A_2202 = tpu.dynamic_gather %add3A_2192[%gather3A_2201] in [0] : vector<16xf32>, vector<16xi32> -> vector<16xf32>
        %add3A_2203 = arith.addf %add3A_2192, %gather3A_2202 : vector<16xf32>
        %lt3A_2204 = arith.constant 0 : i32
        %lt3A_2205 = vector.broadcast %lt3A_2204 : i32 to vector<16xi32>
        %lt3A_2206 = arith.cmpi slt, %and3A_117, %lt3A_2205 : vector<16xi32>
        %add3A_2207 = arith.constant 16 : i32
        %add3A_2208 = vector.broadcast %add3A_2207 : i32 to vector<16xi32>
        %add3A_2209 = arith.addi %and3A_117, %add3A_2208 : vector<16xi32>
        %select_n3A_2210 = arith.select %lt3A_2206, %add3A_2209, %and3A_117 : vector<16xi1>, vector<16xi32>
        %broadcast_in_dim3A_2211 = vector.shape_cast %select_n3A_2210 : vector<16xi32> to vector<16x1xi32>
        %gather3A_2212 = vector.shape_cast %broadcast_in_dim3A_2211 : vector<16x1xi32> to vector<16xi32>
        %gather3A_2213 = tpu.dynamic_gather %add3A_2203[%gather3A_2212] in [0] : vector<16xf32>, vector<16xi32> -> vector<16xf32>
        %add3A_2214 = arith.addf %add3A_2203, %gather3A_2213 : vector<16xf32>
        %lt3A_2215 = arith.constant 0 : i32
        %lt3A_2216 = vector.broadcast %lt3A_2215 : i32 to vector<16xi32>
        %lt3A_2217 = arith.cmpi slt, %and3A_99, %lt3A_2216 : vector<16xi32>
        %add3A_2218 = arith.constant 16 : i32
        %add3A_2219 = vector.broadcast %add3A_2218 : i32 to vector<16xi32>
        %add3A_2220 = arith.addi %and3A_99, %add3A_2219 : vector<16xi32>
        %select_n3A_2221 = arith.select %lt3A_2217, %add3A_2220, %and3A_99 : vector<16xi1>, vector<16xi32>
        %broadcast_in_dim3A_2222 = vector.shape_cast %select_n3A_2221 : vector<16xi32> to vector<16x1xi32>
        %gather3A_2223 = vector.shape_cast %broadcast_in_dim3A_2222 : vector<16x1xi32> to vector<16xi32>
        %gather3A_2224 = tpu.dynamic_gather %max3A_2170[%gather3A_2223] in [0] : vector<16xf32>, vector<16xi32> -> vector<16xf32>
        %max3A_2225 = arith.maximumf %max3A_2170, %gather3A_2224 : vector<16xf32>
        %lt3A_2226 = arith.constant 0 : i32
        %lt3A_2227 = vector.broadcast %lt3A_2226 : i32 to vector<16xi32>
        %lt3A_2228 = arith.cmpi slt, %and3A_105, %lt3A_2227 : vector<16xi32>
        %add3A_2229 = arith.constant 16 : i32
        %add3A_2230 = vector.broadcast %add3A_2229 : i32 to vector<16xi32>
        %add3A_2231 = arith.addi %and3A_105, %add3A_2230 : vector<16xi32>
        %select_n3A_2232 = arith.select %lt3A_2228, %add3A_2231, %and3A_105 : vector<16xi1>, vector<16xi32>
        %broadcast_in_dim3A_2233 = vector.shape_cast %select_n3A_2232 : vector<16xi32> to vector<16x1xi32>
        %gather3A_2234 = vector.shape_cast %broadcast_in_dim3A_2233 : vector<16x1xi32> to vector<16xi32>
        %gather3A_2235 = tpu.dynamic_gather %max3A_2225[%gather3A_2234] in [0] : vector<16xf32>, vector<16xi32> -> vector<16xf32>
        %max3A_2236 = arith.maximumf %max3A_2225, %gather3A_2235 : vector<16xf32>
        %lt3A_2237 = arith.constant 0 : i32
        %lt3A_2238 = vector.broadcast %lt3A_2237 : i32 to vector<16xi32>
        %lt3A_2239 = arith.cmpi slt, %and3A_111, %lt3A_2238 : vector<16xi32>
        %add3A_2240 = arith.constant 16 : i32
        %add3A_2241 = vector.broadcast %add3A_2240 : i32 to vector<16xi32>
        %add3A_2242 = arith.addi %and3A_111, %add3A_2241 : vector<16xi32>
        %select_n3A_2243 = arith.select %lt3A_2239, %add3A_2242, %and3A_111 : vector<16xi1>, vector<16xi32>
        %broadcast_in_dim3A_2244 = vector.shape_cast %select_n3A_2243 : vector<16xi32> to vector<16x1xi32>
        %gather3A_2245 = vector.shape_cast %broadcast_in_dim3A_2244 : vector<16x1xi32> to vector<16xi32>
        %gather3A_2246 = tpu.dynamic_gather %max3A_2236[%gather3A_2245] in [0] : vector<16xf32>, vector<16xi32> -> vector<16xf32>
        %max3A_2247 = arith.maximumf %max3A_2236, %gather3A_2246 : vector<16xf32>
        %lt3A_2248 = arith.constant 0 : i32
        %lt3A_2249 = vector.broadcast %lt3A_2248 : i32 to vector<16xi32>
        %lt3A_2250 = arith.cmpi slt, %and3A_117, %lt3A_2249 : vector<16xi32>
        %add3A_2251 = arith.constant 16 : i32
        %add3A_2252 = vector.broadcast %add3A_2251 : i32 to vector<16xi32>
        %add3A_2253 = arith.addi %and3A_117, %add3A_2252 : vector<16xi32>
        %select_n3A_2254 = arith.select %lt3A_2250, %add3A_2253, %and3A_117 : vector<16xi1>, vector<16xi32>
        %broadcast_in_dim3A_2255 = vector.shape_cast %select_n3A_2254 : vector<16xi32> to vector<16x1xi32>
        %gather3A_2256 = vector.shape_cast %broadcast_in_dim3A_2255 : vector<16x1xi32> to vector<16xi32>
        %gather3A_2257 = tpu.dynamic_gather %max3A_2247[%gather3A_2256] in [0] : vector<16xf32>, vector<16xi32> -> vector<16xf32>
        %max3A_2258 = arith.maximumf %max3A_2247, %gather3A_2257 : vector<16xf32>
        %select_n3A_2259 = arith.select %eq3A_27, %max3A_1905, %select_n3A_1729 : vector<16xi1>, vector<16xf32>
        %select_n3A_2260 = arith.select %eq3A_30, %max3A_2111, %select_n3A_2259 : vector<16xi1>, vector<16xf32>
        %select_n3A_2261 = arith.select %eq3A_27, %add3A_2005, %select_n3A_1731 : vector<16xi1>, vector<16xf32>
        %select_n3A_2262 = arith.select %eq3A_30, %add3A_2214, %select_n3A_2261 : vector<16xi1>, vector<16xf32>
        %select_n3A_2263 = arith.select %eq3A_27, %max3A_2049, %select_n3A_1733 : vector<16xi1>, vector<16xf32>
        %select_n3A_2264 = arith.select %eq3A_30, %max3A_2258, %select_n3A_2263 : vector<16xi1>, vector<16xf32>
        %mul3A_2265 = arith.constant 16 : i32
        %mul3A_2266 = arith.muli %scan3A_140, %mul3A_2265 : i32
        %mul3A_2267 = arith.constant 100 : i32
        %mul3A_2268 = arith.muli %mul3A_2266, %mul3A_2267 : i32
        %add3A_2269 = arith.constant 800 : i32
        %add3A_2270 = arith.addi %mul3A_2268, %add3A_2269 : i32
        %add3A_2271 = arith.constant 0 : i32
        %add3A_2272 = arith.addi %add3A_2270, %add3A_2271 : i32
        %get3A_2273 = arith.index_cast %add3A_2272 : i32 to index
        %get3A_2274 = tpu.vector_load %arg6[%get3A_2273] {strides = array<i32>} : memref<40016xf32, #tpu.memory_space<vmem>>, vector<16xf32>,
        %get3A_2275 = vector.shape_cast %get3A_2274 : vector<16xf32> to vector<16xf32>
        %add3A_2276 = arith.constant 16 : i32
        %add3A_2277 = arith.addi %add3A_2270, %add3A_2276 : i32
        %get3A_2278 = arith.index_cast %add3A_2277 : i32 to index
        %get3A_2279 = tpu.vector_load %arg6[%get3A_2278] {strides = array<i32>} : memref<40016xf32, #tpu.memory_space<vmem>>, vector<16xf32>,
        %get3A_2280 = vector.shape_cast %get3A_2279 : vector<16xf32> to vector<16xf32>
        %add3A_2281 = arith.constant 32 : i32
        %add3A_2282 = arith.addi %add3A_2270, %add3A_2281 : i32
        %get3A_2283 = arith.index_cast %add3A_2282 : i32 to index
        %get3A_2284 = tpu.vector_load %arg6[%get3A_2283] {strides = array<i32>} : memref<40016xf32, #tpu.memory_space<vmem>>, vector<16xf32>,
        %get3A_2285 = vector.shape_cast %get3A_2284 : vector<16xf32> to vector<16xf32>
        %add3A_2286 = arith.constant 48 : i32
        %add3A_2287 = arith.addi %add3A_2270, %add3A_2286 : i32
        %get3A_2288 = arith.index_cast %add3A_2287 : i32 to index
        %get3A_2289 = tpu.vector_load %arg6[%get3A_2288] {strides = array<i32>} : memref<40016xf32, #tpu.memory_space<vmem>>, vector<16xf32>,
        %get3A_2290 = vector.shape_cast %get3A_2289 : vector<16xf32> to vector<16xf32>
        %add3A_2291 = arith.constant 64 : i32
        %add3A_2292 = arith.addi %add3A_2270, %add3A_2291 : i32
        %get3A_2293 = arith.index_cast %add3A_2292 : i32 to index
        %get3A_2294 = tpu.vector_load %arg6[%get3A_2293] {strides = array<i32>} : memref<40016xf32, #tpu.memory_space<vmem>>, vector<16xf32>,
        %get3A_2295 = vector.shape_cast %get3A_2294 : vector<16xf32> to vector<16xf32>
        %add3A_2296 = arith.constant 80 : i32
        %add3A_2297 = arith.addi %add3A_2270, %add3A_2296 : i32
        %get3A_2298 = arith.index_cast %add3A_2297 : i32 to index
        %get3A_2299 = tpu.vector_load %arg6[%get3A_2298] {strides = array<i32>} : memref<40016xf32, #tpu.memory_space<vmem>>, vector<16xf32>,
        %get3A_2300 = vector.shape_cast %get3A_2299 : vector<16xf32> to vector<16xf32>
        %add3A_2301 = arith.constant 96 : i32
        %add3A_2302 = arith.addi %add3A_2270, %add3A_2301 : i32
        %get3A_2303 = arith.index_cast %add3A_2302 : i32 to index
        %get3A_2304 = tpu.vector_load %arg6[%get3A_2303] {strides = array<i32>} : memref<40016xf32, #tpu.memory_space<vmem>>, vector<16xf32>,
        %get3A_2305 = vector.shape_cast %get3A_2304 : vector<16xf32> to vector<16xf32>
        %add3A_2306 = arith.constant 112 : i32
        %add3A_2307 = arith.addi %add3A_2270, %add3A_2306 : i32
        %get3A_2308 = arith.index_cast %add3A_2307 : i32 to index
        %get3A_2309 = tpu.vector_load %arg6[%get3A_2308] {strides = array<i32>} : memref<40016xf32, #tpu.memory_space<vmem>>, vector<16xf32>,
        %get3A_2310 = vector.shape_cast %get3A_2309 : vector<16xf32> to vector<16xf32>
        %add3A_2311 = arith.constant 128 : i32
        %add3A_2312 = arith.addi %add3A_2270, %add3A_2311 : i32
        %get3A_2313 = arith.index_cast %add3A_2312 : i32 to index
        %get3A_2314 = tpu.vector_load %arg6[%get3A_2313] {strides = array<i32>} : memref<40016xf32, #tpu.memory_space<vmem>>, vector<16xf32>,
        %get3A_2315 = vector.shape_cast %get3A_2314 : vector<16xf32> to vector<16xf32>
        %add3A_2316 = arith.constant 144 : i32
        %add3A_2317 = arith.addi %add3A_2270, %add3A_2316 : i32
        %get3A_2318 = arith.index_cast %add3A_2317 : i32 to index
        %get3A_2319 = tpu.vector_load %arg6[%get3A_2318] {strides = array<i32>} : memref<40016xf32, #tpu.memory_space<vmem>>, vector<16xf32>,
        %get3A_2320 = vector.shape_cast %get3A_2319 : vector<16xf32> to vector<16xf32>
        %add3A_2321 = arith.constant 160 : i32
        %add3A_2322 = arith.addi %add3A_2270, %add3A_2321 : i32
        %get3A_2323 = arith.index_cast %add3A_2322 : i32 to index
        %get3A_2324 = tpu.vector_load %arg6[%get3A_2323] {strides = array<i32>} : memref<40016xf32, #tpu.memory_space<vmem>>, vector<16xf32>,
        %get3A_2325 = vector.shape_cast %get3A_2324 : vector<16xf32> to vector<16xf32>
        %add3A_2326 = arith.constant 176 : i32
        %add3A_2327 = arith.addi %add3A_2270, %add3A_2326 : i32
        %get3A_2328 = arith.index_cast %add3A_2327 : i32 to index
        %get3A_2329 = tpu.vector_load %arg6[%get3A_2328] {strides = array<i32>} : memref<40016xf32, #tpu.memory_space<vmem>>, vector<16xf32>,
        %get3A_2330 = vector.shape_cast %get3A_2329 : vector<16xf32> to vector<16xf32>
        %add3A_2331 = arith.constant 192 : i32
        %add3A_2332 = arith.addi %add3A_2270, %add3A_2331 : i32
        %get3A_2333 = arith.index_cast %add3A_2332 : i32 to index
        %get3A_2334 = tpu.vector_load %arg6[%get3A_2333] {strides = array<i32>} : memref<40016xf32, #tpu.memory_space<vmem>>, vector<16xf32>,
        %get3A_2335 = vector.shape_cast %get3A_2334 : vector<16xf32> to vector<16xf32>
        %mul3A_2336 = arith.constant 0 : i32
        %mul3A_2337 = vector.broadcast %mul3A_2336 : i32 to vector<16xi32>
        %mul3A_2338 = arith.muli %iota3A, %mul3A_2337 : vector<16xi32>
        %add3A_2339 = arith.constant 8 : i32
        %add3A_2340 = vector.broadcast %add3A_2339 : i32 to vector<16xi32>
        %add3A_2341 = arith.addi %mul3A_2338, %add3A_2340 : vector<16xi32>
        %and3A_2342 = arith.constant 15 : i32
        %and3A_2343 = vector.broadcast %and3A_2342 : i32 to vector<16xi32>
        %and3A_2344 = arith.andi %add3A_2341, %and3A_2343 : vector<16xi32>
        %lt3A_2345 = arith.constant 0 : i32
        %lt3A_2346 = vector.broadcast %lt3A_2345 : i32 to vector<16xi32>
        %lt3A_2347 = arith.cmpi slt, %and3A_2344, %lt3A_2346 : vector<16xi32>
        %add3A_2348 = arith.constant 16 : i32
        %add3A_2349 = vector.broadcast %add3A_2348 : i32 to vector<16xi32>
        %add3A_2350 = arith.addi %and3A_2344, %add3A_2349 : vector<16xi32>
        %select_n3A_2351 = arith.select %lt3A_2347, %add3A_2350, %and3A_2344 : vector<16xi1>, vector<16xi32>
        %broadcast_in_dim3A_2352 = vector.shape_cast %select_n3A_2351 : vector<16xi32> to vector<16x1xi32>
        %gather3A_2353 = vector.shape_cast %broadcast_in_dim3A_2352 : vector<16x1xi32> to vector<16xi32>
        %gather3A_2354 = tpu.dynamic_gather %get3A_144[%gather3A_2353] in [0] : vector<16xi32>, vector<16xi32> -> vector<16xi32>
        %mul3A_2355 = arith.constant 0 : i32
        %mul3A_2356 = vector.broadcast %mul3A_2355 : i32 to vector<16xi32>
        %mul3A_2357 = arith.muli %iota3A, %mul3A_2356 : vector<16xi32>
        %add3A_2358 = arith.constant 8 : i32
        %add3A_2359 = vector.broadcast %add3A_2358 : i32 to vector<16xi32>
        %add3A_2360 = arith.addi %mul3A_2357, %add3A_2359 : vector<16xi32>
        %add3A_2361 = arith.constant 1 : i32
        %add3A_2362 = vector.broadcast %add3A_2361 : i32 to vector<16xi32>
        %add3A_2363 = arith.addi %add3A_2360, %add3A_2362 : vector<16xi32>
        %and3A_2364 = arith.constant 15 : i32
        %and3A_2365 = vector.broadcast %and3A_2364 : i32 to vector<16xi32>
        %and3A_2366 = arith.andi %add3A_2363, %and3A_2365 : vector<16xi32>
        %lt3A_2367 = arith.constant 0 : i32
        %lt3A_2368 = vector.broadcast %lt3A_2367 : i32 to vector<16xi32>
        %lt3A_2369 = arith.cmpi slt, %and3A_2366, %lt3A_2368 : vector<16xi32>
        %add3A_2370 = arith.constant 16 : i32
        %add3A_2371 = vector.broadcast %add3A_2370 : i32 to vector<16xi32>
        %add3A_2372 = arith.addi %and3A_2366, %add3A_2371 : vector<16xi32>
        %select_n3A_2373 = arith.select %lt3A_2369, %add3A_2372, %and3A_2366 : vector<16xi1>, vector<16xi32>
        %broadcast_in_dim3A_2374 = vector.shape_cast %select_n3A_2373 : vector<16xi32> to vector<16x1xi32>
        %gather3A_2375 = vector.shape_cast %broadcast_in_dim3A_2374 : vector<16x1xi32> to vector<16xi32>
        %gather3A_2376 = tpu.dynamic_gather %get3A_144[%gather3A_2375] in [0] : vector<16xi32>, vector<16xi32> -> vector<16xi32>
        %add3A_2377 = arith.constant 0 : i32
        %add3A_2378 = vector.broadcast %add3A_2377 : i32 to vector<16xi32>
        %add3A_2379 = arith.addi %gather3A_2354, %add3A_2378 : vector<16xi32>
        %broadcast_in_dim3A_2380 = arith.constant 1.000000e+00 : f32
        %broadcast_in_dim3A_2381 = vector.broadcast %broadcast_in_dim3A_2380 : f32 to vector<16xf32>
        %mul3A_2382 = vector.broadcast %scan3A_118 : f32 to vector<16xf32>
        %mul3A_2383 = arith.mulf %mul3A_2382, %broadcast_in_dim3A_2381 : vector<16xf32>
        %max3A_2384 = arith.maximumf %mul3A_2383, %get3A_2275 : vector<16xf32>
        %max3A_2385 = arith.maximumf %max3A_2384, %get3A_2280 : vector<16xf32>
        %max3A_2386 = arith.maximumf %max3A_2385, %get3A_2285 : vector<16xf32>
        %max3A_2387 = arith.maximumf %max3A_2386, %get3A_2290 : vector<16xf32>
        %max3A_2388 = arith.maximumf %max3A_2387, %get3A_2295 : vector<16xf32>
        %max3A_2389 = arith.maximumf %max3A_2388, %get3A_2300 : vector<16xf32>
        %broadcast_in_dim3A_2390 = vector.broadcast %scan3A_118 : f32 to vector<16xf32>
        %select_n3A_2391 = arith.select %lt3A_2, %get3A_2305, %broadcast_in_dim3A_2390 : vector<16xi1>, vector<16xf32>
        %max3A_2392 = arith.maximumf %max3A_2389, %select_n3A_2391 : vector<16xf32>
        %lt3A_2393 = arith.constant 0 : i32
        %lt3A_2394 = vector.broadcast %lt3A_2393 : i32 to vector<16xi32>
        %lt3A_2395 = arith.cmpi slt, %and3A_99, %lt3A_2394 : vector<16xi32>
        %add3A_2396 = arith.constant 16 : i32
        %add3A_2397 = vector.broadcast %add3A_2396 : i32 to vector<16xi32>
        %add3A_2398 = arith.addi %and3A_99, %add3A_2397 : vector<16xi32>
        %select_n3A_2399 = arith.select %lt3A_2395, %add3A_2398, %and3A_99 : vector<16xi1>, vector<16xi32>
        %broadcast_in_dim3A_2400 = vector.shape_cast %select_n3A_2399 : vector<16xi32> to vector<16x1xi32>
        %gather3A_2401 = vector.shape_cast %broadcast_in_dim3A_2400 : vector<16x1xi32> to vector<16xi32>
        %gather3A_2402 = tpu.dynamic_gather %max3A_2392[%gather3A_2401] in [0] : vector<16xf32>, vector<16xi32> -> vector<16xf32>
        %max3A_2403 = arith.maximumf %max3A_2392, %gather3A_2402 : vector<16xf32>
        %lt3A_2404 = arith.constant 0 : i32
        %lt3A_2405 = vector.broadcast %lt3A_2404 : i32 to vector<16xi32>
        %lt3A_2406 = arith.cmpi slt, %and3A_105, %lt3A_2405 : vector<16xi32>
        %add3A_2407 = arith.constant 16 : i32
        %add3A_2408 = vector.broadcast %add3A_2407 : i32 to vector<16xi32>
        %add3A_2409 = arith.addi %and3A_105, %add3A_2408 : vector<16xi32>
        %select_n3A_2410 = arith.select %lt3A_2406, %add3A_2409, %and3A_105 : vector<16xi1>, vector<16xi32>
        %broadcast_in_dim3A_2411 = vector.shape_cast %select_n3A_2410 : vector<16xi32> to vector<16x1xi32>
        %gather3A_2412 = vector.shape_cast %broadcast_in_dim3A_2411 : vector<16x1xi32> to vector<16xi32>
        %gather3A_2413 = tpu.dynamic_gather %max3A_2403[%gather3A_2412] in [0] : vector<16xf32>, vector<16xi32> -> vector<16xf32>
        %max3A_2414 = arith.maximumf %max3A_2403, %gather3A_2413 : vector<16xf32>
        %lt3A_2415 = arith.constant 0 : i32
        %lt3A_2416 = vector.broadcast %lt3A_2415 : i32 to vector<16xi32>
        %lt3A_2417 = arith.cmpi slt, %and3A_111, %lt3A_2416 : vector<16xi32>
        %add3A_2418 = arith.constant 16 : i32
        %add3A_2419 = vector.broadcast %add3A_2418 : i32 to vector<16xi32>
        %add3A_2420 = arith.addi %and3A_111, %add3A_2419 : vector<16xi32>
        %select_n3A_2421 = arith.select %lt3A_2417, %add3A_2420, %and3A_111 : vector<16xi1>, vector<16xi32>
        %broadcast_in_dim3A_2422 = vector.shape_cast %select_n3A_2421 : vector<16xi32> to vector<16x1xi32>
        %gather3A_2423 = vector.shape_cast %broadcast_in_dim3A_2422 : vector<16x1xi32> to vector<16xi32>
        %gather3A_2424 = tpu.dynamic_gather %max3A_2414[%gather3A_2423] in [0] : vector<16xf32>, vector<16xi32> -> vector<16xf32>
        %max3A_2425 = arith.maximumf %max3A_2414, %gather3A_2424 : vector<16xf32>
        %lt3A_2426 = arith.constant 0 : i32
        %lt3A_2427 = vector.broadcast %lt3A_2426 : i32 to vector<16xi32>
        %lt3A_2428 = arith.cmpi slt, %and3A_117, %lt3A_2427 : vector<16xi32>
        %add3A_2429 = arith.constant 16 : i32
        %add3A_2430 = vector.broadcast %add3A_2429 : i32 to vector<16xi32>
        %add3A_2431 = arith.addi %and3A_117, %add3A_2430 : vector<16xi32>
        %select_n3A_2432 = arith.select %lt3A_2428, %add3A_2431, %and3A_117 : vector<16xi1>, vector<16xi32>
        %broadcast_in_dim3A_2433 = vector.shape_cast %select_n3A_2432 : vector<16xi32> to vector<16x1xi32>
        %gather3A_2434 = vector.shape_cast %broadcast_in_dim3A_2433 : vector<16x1xi32> to vector<16xi32>
        %gather3A_2435 = tpu.dynamic_gather %max3A_2425[%gather3A_2434] in [0] : vector<16xf32>, vector<16xi32> -> vector<16xf32>
        %max3A_2436 = arith.maximumf %max3A_2425, %gather3A_2435 : vector<16xf32>
        %broadcast_in_dim3A_2437 = arith.constant 1.000000e+00 : f32
        %broadcast_in_dim3A_2438 = vector.broadcast %broadcast_in_dim3A_2437 : f32 to vector<16xf32>
        %mul3A_2439 = vector.broadcast %scan3A_118 : f32 to vector<16xf32>
        %mul3A_2440 = arith.mulf %mul3A_2439, %broadcast_in_dim3A_2438 : vector<16xf32>
        %sub3A_2441 = arith.subf %get3A_2275, %max3A_2436 : vector<16xf32>
        %exp3A_2442 = math.exp %sub3A_2441 : vector<16xf32>
        %add3A_2443 = arith.addf %broadcast_in_dim3A_94, %exp3A_2442 : vector<16xf32>
        %eq3A_2444 = arith.cmpi eq, %add3A_57, %add3A_2379 : vector<16xi32>
        %broadcast_in_dim3A_2445 = vector.broadcast %scan3A_118 : f32 to vector<16xf32>
        %select_n3A_2446 = arith.select %eq3A_2444, %get3A_2275, %broadcast_in_dim3A_2445 : vector<16xi1>, vector<16xf32>
        %max3A_2447 = arith.maximumf %mul3A_2440, %select_n3A_2446 : vector<16xf32>
        %sub3A_2448 = arith.subf %get3A_2280, %max3A_2436 : vector<16xf32>
        %exp3A_2449 = math.exp %sub3A_2448 : vector<16xf32>
        %add3A_2450 = arith.addf %add3A_2443, %exp3A_2449 : vector<16xf32>
        %eq3A_2451 = arith.cmpi eq, %add3A_60, %add3A_2379 : vector<16xi32>
        %broadcast_in_dim3A_2452 = vector.broadcast %scan3A_118 : f32 to vector<16xf32>
        %select_n3A_2453 = arith.select %eq3A_2451, %get3A_2280, %broadcast_in_dim3A_2452 : vector<16xi1>, vector<16xf32>
        %max3A_2454 = arith.maximumf %max3A_2447, %select_n3A_2453 : vector<16xf32>
        %sub3A_2455 = arith.subf %get3A_2285, %max3A_2436 : vector<16xf32>
        %exp3A_2456 = math.exp %sub3A_2455 : vector<16xf32>
        %add3A_2457 = arith.addf %add3A_2450, %exp3A_2456 : vector<16xf32>
        %eq3A_2458 = arith.cmpi eq, %add3A_63, %add3A_2379 : vector<16xi32>
        %broadcast_in_dim3A_2459 = vector.broadcast %scan3A_118 : f32 to vector<16xf32>
        %select_n3A_2460 = arith.select %eq3A_2458, %get3A_2285, %broadcast_in_dim3A_2459 : vector<16xi1>, vector<16xf32>
        %max3A_2461 = arith.maximumf %max3A_2454, %select_n3A_2460 : vector<16xf32>
        %sub3A_2462 = arith.subf %get3A_2290, %max3A_2436 : vector<16xf32>
        %exp3A_2463 = math.exp %sub3A_2462 : vector<16xf32>
        %add3A_2464 = arith.addf %add3A_2457, %exp3A_2463 : vector<16xf32>
        %eq3A_2465 = arith.cmpi eq, %add3A_66, %add3A_2379 : vector<16xi32>
        %broadcast_in_dim3A_2466 = vector.broadcast %scan3A_118 : f32 to vector<16xf32>
        %select_n3A_2467 = arith.select %eq3A_2465, %get3A_2290, %broadcast_in_dim3A_2466 : vector<16xi1>, vector<16xf32>
        %max3A_2468 = arith.maximumf %max3A_2461, %select_n3A_2467 : vector<16xf32>
        %sub3A_2469 = arith.subf %get3A_2295, %max3A_2436 : vector<16xf32>
        %exp3A_2470 = math.exp %sub3A_2469 : vector<16xf32>
        %add3A_2471 = arith.addf %add3A_2464, %exp3A_2470 : vector<16xf32>
        %eq3A_2472 = arith.cmpi eq, %add3A_69, %add3A_2379 : vector<16xi32>
        %broadcast_in_dim3A_2473 = vector.broadcast %scan3A_118 : f32 to vector<16xf32>
        %select_n3A_2474 = arith.select %eq3A_2472, %get3A_2295, %broadcast_in_dim3A_2473 : vector<16xi1>, vector<16xf32>
        %max3A_2475 = arith.maximumf %max3A_2468, %select_n3A_2474 : vector<16xf32>
        %sub3A_2476 = arith.subf %get3A_2300, %max3A_2436 : vector<16xf32>
        %exp3A_2477 = math.exp %sub3A_2476 : vector<16xf32>
        %add3A_2478 = arith.addf %add3A_2471, %exp3A_2477 : vector<16xf32>
        %eq3A_2479 = arith.cmpi eq, %add3A_72, %add3A_2379 : vector<16xi32>
        %broadcast_in_dim3A_2480 = vector.broadcast %scan3A_118 : f32 to vector<16xf32>
        %select_n3A_2481 = arith.select %eq3A_2479, %get3A_2300, %broadcast_in_dim3A_2480 : vector<16xi1>, vector<16xf32>
        %max3A_2482 = arith.maximumf %max3A_2475, %select_n3A_2481 : vector<16xf32>
        %sub3A_2483 = arith.subf %get3A_2305, %max3A_2436 : vector<16xf32>
        %exp3A_2484 = math.exp %sub3A_2483 : vector<16xf32>
        %jit3A_2485 = arith.constant 0.000000e+00 : f32
        %broadcast_in_dim3A_2486 = vector.broadcast %jit3A_2485 : f32 to vector<16xf32>
        %select_n3A_2487 = arith.select %lt3A_2, %exp3A_2484, %broadcast_in_dim3A_2486 : vector<16xi1>, vector<16xf32>
        %add3A_2488 = arith.addf %add3A_2478, %select_n3A_2487 : vector<16xf32>
        %eq3A_2489 = arith.cmpi eq, %add3A_75, %add3A_2379 : vector<16xi32>
        %broadcast_in_dim3A_2490 = vector.broadcast %scan3A_118 : f32 to vector<16xf32>
        %select_n3A_2491 = arith.select %eq3A_2489, %get3A_2305, %broadcast_in_dim3A_2490 : vector<16xi1>, vector<16xf32>
        %max3A_2492 = arith.maximumf %max3A_2482, %select_n3A_2491 : vector<16xf32>
        %lt3A_2493 = arith.constant 0 : i32
        %lt3A_2494 = vector.broadcast %lt3A_2493 : i32 to vector<16xi32>
        %lt3A_2495 = arith.cmpi slt, %and3A_99, %lt3A_2494 : vector<16xi32>
        %add3A_2496 = arith.constant 16 : i32
        %add3A_2497 = vector.broadcast %add3A_2496 : i32 to vector<16xi32>
        %add3A_2498 = arith.addi %and3A_99, %add3A_2497 : vector<16xi32>
        %select_n3A_2499 = arith.select %lt3A_2495, %add3A_2498, %and3A_99 : vector<16xi1>, vector<16xi32>
        %broadcast_in_dim3A_2500 = vector.shape_cast %select_n3A_2499 : vector<16xi32> to vector<16x1xi32>
        %gather3A_2501 = vector.shape_cast %broadcast_in_dim3A_2500 : vector<16x1xi32> to vector<16xi32>
        %gather3A_2502 = tpu.dynamic_gather %add3A_2488[%gather3A_2501] in [0] : vector<16xf32>, vector<16xi32> -> vector<16xf32>
        %add3A_2503 = arith.addf %add3A_2488, %gather3A_2502 : vector<16xf32>
        %lt3A_2504 = arith.constant 0 : i32
        %lt3A_2505 = vector.broadcast %lt3A_2504 : i32 to vector<16xi32>
        %lt3A_2506 = arith.cmpi slt, %and3A_105, %lt3A_2505 : vector<16xi32>
        %add3A_2507 = arith.constant 16 : i32
        %add3A_2508 = vector.broadcast %add3A_2507 : i32 to vector<16xi32>
        %add3A_2509 = arith.addi %and3A_105, %add3A_2508 : vector<16xi32>
        %select_n3A_2510 = arith.select %lt3A_2506, %add3A_2509, %and3A_105 : vector<16xi1>, vector<16xi32>
        %broadcast_in_dim3A_2511 = vector.shape_cast %select_n3A_2510 : vector<16xi32> to vector<16x1xi32>
        %gather3A_2512 = vector.shape_cast %broadcast_in_dim3A_2511 : vector<16x1xi32> to vector<16xi32>
        %gather3A_2513 = tpu.dynamic_gather %add3A_2503[%gather3A_2512] in [0] : vector<16xf32>, vector<16xi32> -> vector<16xf32>
        %add3A_2514 = arith.addf %add3A_2503, %gather3A_2513 : vector<16xf32>
        %lt3A_2515 = arith.constant 0 : i32
        %lt3A_2516 = vector.broadcast %lt3A_2515 : i32 to vector<16xi32>
        %lt3A_2517 = arith.cmpi slt, %and3A_111, %lt3A_2516 : vector<16xi32>
        %add3A_2518 = arith.constant 16 : i32
        %add3A_2519 = vector.broadcast %add3A_2518 : i32 to vector<16xi32>
        %add3A_2520 = arith.addi %and3A_111, %add3A_2519 : vector<16xi32>
        %select_n3A_2521 = arith.select %lt3A_2517, %add3A_2520, %and3A_111 : vector<16xi1>, vector<16xi32>
        %broadcast_in_dim3A_2522 = vector.shape_cast %select_n3A_2521 : vector<16xi32> to vector<16x1xi32>
        %gather3A_2523 = vector.shape_cast %broadcast_in_dim3A_2522 : vector<16x1xi32> to vector<16xi32>
        %gather3A_2524 = tpu.dynamic_gather %add3A_2514[%gather3A_2523] in [0] : vector<16xf32>, vector<16xi32> -> vector<16xf32>
        %add3A_2525 = arith.addf %add3A_2514, %gather3A_2524 : vector<16xf32>
        %lt3A_2526 = arith.constant 0 : i32
        %lt3A_2527 = vector.broadcast %lt3A_2526 : i32 to vector<16xi32>
        %lt3A_2528 = arith.cmpi slt, %and3A_117, %lt3A_2527 : vector<16xi32>
        %add3A_2529 = arith.constant 16 : i32
        %add3A_2530 = vector.broadcast %add3A_2529 : i32 to vector<16xi32>
        %add3A_2531 = arith.addi %and3A_117, %add3A_2530 : vector<16xi32>
        %select_n3A_2532 = arith.select %lt3A_2528, %add3A_2531, %and3A_117 : vector<16xi1>, vector<16xi32>
        %broadcast_in_dim3A_2533 = vector.shape_cast %select_n3A_2532 : vector<16xi32> to vector<16x1xi32>
        %gather3A_2534 = vector.shape_cast %broadcast_in_dim3A_2533 : vector<16x1xi32> to vector<16xi32>
        %gather3A_2535 = tpu.dynamic_gather %add3A_2525[%gather3A_2534] in [0] : vector<16xf32>, vector<16xi32> -> vector<16xf32>
        %add3A_2536 = arith.addf %add3A_2525, %gather3A_2535 : vector<16xf32>
        %lt3A_2537 = arith.constant 0 : i32
        %lt3A_2538 = vector.broadcast %lt3A_2537 : i32 to vector<16xi32>
        %lt3A_2539 = arith.cmpi slt, %and3A_99, %lt3A_2538 : vector<16xi32>
        %add3A_2540 = arith.constant 16 : i32
        %add3A_2541 = vector.broadcast %add3A_2540 : i32 to vector<16xi32>
        %add3A_2542 = arith.addi %and3A_99, %add3A_2541 : vector<16xi32>
        %select_n3A_2543 = arith.select %lt3A_2539, %add3A_2542, %and3A_99 : vector<16xi1>, vector<16xi32>
        %broadcast_in_dim3A_2544 = vector.shape_cast %select_n3A_2543 : vector<16xi32> to vector<16x1xi32>
        %gather3A_2545 = vector.shape_cast %broadcast_in_dim3A_2544 : vector<16x1xi32> to vector<16xi32>
        %gather3A_2546 = tpu.dynamic_gather %max3A_2492[%gather3A_2545] in [0] : vector<16xf32>, vector<16xi32> -> vector<16xf32>
        %max3A_2547 = arith.maximumf %max3A_2492, %gather3A_2546 : vector<16xf32>
        %lt3A_2548 = arith.constant 0 : i32
        %lt3A_2549 = vector.broadcast %lt3A_2548 : i32 to vector<16xi32>
        %lt3A_2550 = arith.cmpi slt, %and3A_105, %lt3A_2549 : vector<16xi32>
        %add3A_2551 = arith.constant 16 : i32
        %add3A_2552 = vector.broadcast %add3A_2551 : i32 to vector<16xi32>
        %add3A_2553 = arith.addi %and3A_105, %add3A_2552 : vector<16xi32>
        %select_n3A_2554 = arith.select %lt3A_2550, %add3A_2553, %and3A_105 : vector<16xi1>, vector<16xi32>
        %broadcast_in_dim3A_2555 = vector.shape_cast %select_n3A_2554 : vector<16xi32> to vector<16x1xi32>
        %gather3A_2556 = vector.shape_cast %broadcast_in_dim3A_2555 : vector<16x1xi32> to vector<16xi32>
        %gather3A_2557 = tpu.dynamic_gather %max3A_2547[%gather3A_2556] in [0] : vector<16xf32>, vector<16xi32> -> vector<16xf32>
        %max3A_2558 = arith.maximumf %max3A_2547, %gather3A_2557 : vector<16xf32>
        %lt3A_2559 = arith.constant 0 : i32
        %lt3A_2560 = vector.broadcast %lt3A_2559 : i32 to vector<16xi32>
        %lt3A_2561 = arith.cmpi slt, %and3A_111, %lt3A_2560 : vector<16xi32>
        %add3A_2562 = arith.constant 16 : i32
        %add3A_2563 = vector.broadcast %add3A_2562 : i32 to vector<16xi32>
        %add3A_2564 = arith.addi %and3A_111, %add3A_2563 : vector<16xi32>
        %select_n3A_2565 = arith.select %lt3A_2561, %add3A_2564, %and3A_111 : vector<16xi1>, vector<16xi32>
        %broadcast_in_dim3A_2566 = vector.shape_cast %select_n3A_2565 : vector<16xi32> to vector<16x1xi32>
        %gather3A_2567 = vector.shape_cast %broadcast_in_dim3A_2566 : vector<16x1xi32> to vector<16xi32>
        %gather3A_2568 = tpu.dynamic_gather %max3A_2558[%gather3A_2567] in [0] : vector<16xf32>, vector<16xi32> -> vector<16xf32>
        %max3A_2569 = arith.maximumf %max3A_2558, %gather3A_2568 : vector<16xf32>
        %lt3A_2570 = arith.constant 0 : i32
        %lt3A_2571 = vector.broadcast %lt3A_2570 : i32 to vector<16xi32>
        %lt3A_2572 = arith.cmpi slt, %and3A_117, %lt3A_2571 : vector<16xi32>
        %add3A_2573 = arith.constant 16 : i32
        %add3A_2574 = vector.broadcast %add3A_2573 : i32 to vector<16xi32>
        %add3A_2575 = arith.addi %and3A_117, %add3A_2574 : vector<16xi32>
        %select_n3A_2576 = arith.select %lt3A_2572, %add3A_2575, %and3A_117 : vector<16xi1>, vector<16xi32>
        %broadcast_in_dim3A_2577 = vector.shape_cast %select_n3A_2576 : vector<16xi32> to vector<16x1xi32>
        %gather3A_2578 = vector.shape_cast %broadcast_in_dim3A_2577 : vector<16x1xi32> to vector<16xi32>
        %gather3A_2579 = tpu.dynamic_gather %max3A_2569[%gather3A_2578] in [0] : vector<16xf32>, vector<16xi32> -> vector<16xf32>
        %max3A_2580 = arith.maximumf %max3A_2569, %gather3A_2579 : vector<16xf32>
        %add3A_2581 = arith.constant 100 : i32
        %add3A_2582 = vector.broadcast %add3A_2581 : i32 to vector<16xi32>
        %add3A_2583 = arith.addi %gather3A_2376, %add3A_2582 : vector<16xi32>
        %broadcast_in_dim3A_2584 = arith.constant 1.000000e+00 : f32
        %broadcast_in_dim3A_2585 = vector.broadcast %broadcast_in_dim3A_2584 : f32 to vector<16xf32>
        %mul3A_2586 = vector.broadcast %scan3A_118 : f32 to vector<16xf32>
        %mul3A_2587 = arith.mulf %mul3A_2586, %broadcast_in_dim3A_2585 : vector<16xf32>
        %broadcast_in_dim3A_2588 = vector.broadcast %scan3A_118 : f32 to vector<16xf32>
        %select_n3A_2589 = arith.select %ge3A_4, %get3A_2305, %broadcast_in_dim3A_2588 : vector<16xi1>, vector<16xf32>
        %max3A_2590 = arith.maximumf %mul3A_2587, %select_n3A_2589 : vector<16xf32>
        %max3A_2591 = arith.maximumf %max3A_2590, %get3A_2310 : vector<16xf32>
        %max3A_2592 = arith.maximumf %max3A_2591, %get3A_2315 : vector<16xf32>
        %max3A_2593 = arith.maximumf %max3A_2592, %get3A_2320 : vector<16xf32>
        %max3A_2594 = arith.maximumf %max3A_2593, %get3A_2325 : vector<16xf32>
        %max3A_2595 = arith.maximumf %max3A_2594, %get3A_2330 : vector<16xf32>
        %broadcast_in_dim3A_2596 = vector.broadcast %scan3A_118 : f32 to vector<16xf32>
        %select_n3A_2597 = arith.select %lt3A_7, %get3A_2335, %broadcast_in_dim3A_2596 : vector<16xi1>, vector<16xf32>
        %max3A_2598 = arith.maximumf %max3A_2595, %select_n3A_2597 : vector<16xf32>
        %lt3A_2599 = arith.constant 0 : i32
        %lt3A_2600 = vector.broadcast %lt3A_2599 : i32 to vector<16xi32>
        %lt3A_2601 = arith.cmpi slt, %and3A_99, %lt3A_2600 : vector<16xi32>
        %add3A_2602 = arith.constant 16 : i32
        %add3A_2603 = vector.broadcast %add3A_2602 : i32 to vector<16xi32>
        %add3A_2604 = arith.addi %and3A_99, %add3A_2603 : vector<16xi32>
        %select_n3A_2605 = arith.select %lt3A_2601, %add3A_2604, %and3A_99 : vector<16xi1>, vector<16xi32>
        %broadcast_in_dim3A_2606 = vector.shape_cast %select_n3A_2605 : vector<16xi32> to vector<16x1xi32>
        %gather3A_2607 = vector.shape_cast %broadcast_in_dim3A_2606 : vector<16x1xi32> to vector<16xi32>
        %gather3A_2608 = tpu.dynamic_gather %max3A_2598[%gather3A_2607] in [0] : vector<16xf32>, vector<16xi32> -> vector<16xf32>
        %max3A_2609 = arith.maximumf %max3A_2598, %gather3A_2608 : vector<16xf32>
        %lt3A_2610 = arith.constant 0 : i32
        %lt3A_2611 = vector.broadcast %lt3A_2610 : i32 to vector<16xi32>
        %lt3A_2612 = arith.cmpi slt, %and3A_105, %lt3A_2611 : vector<16xi32>
        %add3A_2613 = arith.constant 16 : i32
        %add3A_2614 = vector.broadcast %add3A_2613 : i32 to vector<16xi32>
        %add3A_2615 = arith.addi %and3A_105, %add3A_2614 : vector<16xi32>
        %select_n3A_2616 = arith.select %lt3A_2612, %add3A_2615, %and3A_105 : vector<16xi1>, vector<16xi32>
        %broadcast_in_dim3A_2617 = vector.shape_cast %select_n3A_2616 : vector<16xi32> to vector<16x1xi32>
        %gather3A_2618 = vector.shape_cast %broadcast_in_dim3A_2617 : vector<16x1xi32> to vector<16xi32>
        %gather3A_2619 = tpu.dynamic_gather %max3A_2609[%gather3A_2618] in [0] : vector<16xf32>, vector<16xi32> -> vector<16xf32>
        %max3A_2620 = arith.maximumf %max3A_2609, %gather3A_2619 : vector<16xf32>
        %lt3A_2621 = arith.constant 0 : i32
        %lt3A_2622 = vector.broadcast %lt3A_2621 : i32 to vector<16xi32>
        %lt3A_2623 = arith.cmpi slt, %and3A_111, %lt3A_2622 : vector<16xi32>
        %add3A_2624 = arith.constant 16 : i32
        %add3A_2625 = vector.broadcast %add3A_2624 : i32 to vector<16xi32>
        %add3A_2626 = arith.addi %and3A_111, %add3A_2625 : vector<16xi32>
        %select_n3A_2627 = arith.select %lt3A_2623, %add3A_2626, %and3A_111 : vector<16xi1>, vector<16xi32>
        %broadcast_in_dim3A_2628 = vector.shape_cast %select_n3A_2627 : vector<16xi32> to vector<16x1xi32>
        %gather3A_2629 = vector.shape_cast %broadcast_in_dim3A_2628 : vector<16x1xi32> to vector<16xi32>
        %gather3A_2630 = tpu.dynamic_gather %max3A_2620[%gather3A_2629] in [0] : vector<16xf32>, vector<16xi32> -> vector<16xf32>
        %max3A_2631 = arith.maximumf %max3A_2620, %gather3A_2630 : vector<16xf32>
        %lt3A_2632 = arith.constant 0 : i32
        %lt3A_2633 = vector.broadcast %lt3A_2632 : i32 to vector<16xi32>
        %lt3A_2634 = arith.cmpi slt, %and3A_117, %lt3A_2633 : vector<16xi32>
        %add3A_2635 = arith.constant 16 : i32
        %add3A_2636 = vector.broadcast %add3A_2635 : i32 to vector<16xi32>
        %add3A_2637 = arith.addi %and3A_117, %add3A_2636 : vector<16xi32>
        %select_n3A_2638 = arith.select %lt3A_2634, %add3A_2637, %and3A_117 : vector<16xi1>, vector<16xi32>
        %broadcast_in_dim3A_2639 = vector.shape_cast %select_n3A_2638 : vector<16xi32> to vector<16x1xi32>
        %gather3A_2640 = vector.shape_cast %broadcast_in_dim3A_2639 : vector<16x1xi32> to vector<16xi32>
        %gather3A_2641 = tpu.dynamic_gather %max3A_2631[%gather3A_2640] in [0] : vector<16xf32>, vector<16xi32> -> vector<16xf32>
        %max3A_2642 = arith.maximumf %max3A_2631, %gather3A_2641 : vector<16xf32>
        %broadcast_in_dim3A_2643 = arith.constant 1.000000e+00 : f32
        %broadcast_in_dim3A_2644 = vector.broadcast %broadcast_in_dim3A_2643 : f32 to vector<16xf32>
        %mul3A_2645 = vector.broadcast %scan3A_118 : f32 to vector<16xf32>
        %mul3A_2646 = arith.mulf %mul3A_2645, %broadcast_in_dim3A_2644 : vector<16xf32>
        %sub3A_2647 = arith.subf %get3A_2305, %max3A_2642 : vector<16xf32>
        %exp3A_2648 = math.exp %sub3A_2647 : vector<16xf32>
        %jit3A_2649 = arith.constant 0.000000e+00 : f32
        %broadcast_in_dim3A_2650 = vector.broadcast %jit3A_2649 : f32 to vector<16xf32>
        %select_n3A_2651 = arith.select %ge3A_4, %exp3A_2648, %broadcast_in_dim3A_2650 : vector<16xi1>, vector<16xf32>
        %add3A_2652 = arith.addf %broadcast_in_dim3A_94, %select_n3A_2651 : vector<16xf32>
        %eq3A_2653 = arith.cmpi eq, %add3A_75, %add3A_2583 : vector<16xi32>
        %broadcast_in_dim3A_2654 = vector.broadcast %scan3A_118 : f32 to vector<16xf32>
        %select_n3A_2655 = arith.select %eq3A_2653, %get3A_2305, %broadcast_in_dim3A_2654 : vector<16xi1>, vector<16xf32>
        %max3A_2656 = arith.maximumf %mul3A_2646, %select_n3A_2655 : vector<16xf32>
        %sub3A_2657 = arith.subf %get3A_2310, %max3A_2642 : vector<16xf32>
        %exp3A_2658 = math.exp %sub3A_2657 : vector<16xf32>
        %add3A_2659 = arith.addf %add3A_2652, %exp3A_2658 : vector<16xf32>
        %eq3A_2660 = arith.cmpi eq, %add3A_78, %add3A_2583 : vector<16xi32>
        %broadcast_in_dim3A_2661 = vector.broadcast %scan3A_118 : f32 to vector<16xf32>
        %select_n3A_2662 = arith.select %eq3A_2660, %get3A_2310, %broadcast_in_dim3A_2661 : vector<16xi1>, vector<16xf32>
        %max3A_2663 = arith.maximumf %max3A_2656, %select_n3A_2662 : vector<16xf32>
        %sub3A_2664 = arith.subf %get3A_2315, %max3A_2642 : vector<16xf32>
        %exp3A_2665 = math.exp %sub3A_2664 : vector<16xf32>
        %add3A_2666 = arith.addf %add3A_2659, %exp3A_2665 : vector<16xf32>
        %eq3A_2667 = arith.cmpi eq, %add3A_81, %add3A_2583 : vector<16xi32>
        %broadcast_in_dim3A_2668 = vector.broadcast %scan3A_118 : f32 to vector<16xf32>
        %select_n3A_2669 = arith.select %eq3A_2667, %get3A_2315, %broadcast_in_dim3A_2668 : vector<16xi1>, vector<16xf32>
        %max3A_2670 = arith.maximumf %max3A_2663, %select_n3A_2669 : vector<16xf32>
        %sub3A_2671 = arith.subf %get3A_2320, %max3A_2642 : vector<16xf32>
        %exp3A_2672 = math.exp %sub3A_2671 : vector<16xf32>
        %add3A_2673 = arith.addf %add3A_2666, %exp3A_2672 : vector<16xf32>
        %eq3A_2674 = arith.cmpi eq, %add3A_84, %add3A_2583 : vector<16xi32>
        %broadcast_in_dim3A_2675 = vector.broadcast %scan3A_118 : f32 to vector<16xf32>
        %select_n3A_2676 = arith.select %eq3A_2674, %get3A_2320, %broadcast_in_dim3A_2675 : vector<16xi1>, vector<16xf32>
        %max3A_2677 = arith.maximumf %max3A_2670, %select_n3A_2676 : vector<16xf32>
        %sub3A_2678 = arith.subf %get3A_2325, %max3A_2642 : vector<16xf32>
        %exp3A_2679 = math.exp %sub3A_2678 : vector<16xf32>
        %add3A_2680 = arith.addf %add3A_2673, %exp3A_2679 : vector<16xf32>
        %eq3A_2681 = arith.cmpi eq, %add3A_87, %add3A_2583 : vector<16xi32>
        %broadcast_in_dim3A_2682 = vector.broadcast %scan3A_118 : f32 to vector<16xf32>
        %select_n3A_2683 = arith.select %eq3A_2681, %get3A_2325, %broadcast_in_dim3A_2682 : vector<16xi1>, vector<16xf32>
        %max3A_2684 = arith.maximumf %max3A_2677, %select_n3A_2683 : vector<16xf32>
        %sub3A_2685 = arith.subf %get3A_2330, %max3A_2642 : vector<16xf32>
        %exp3A_2686 = math.exp %sub3A_2685 : vector<16xf32>
        %add3A_2687 = arith.addf %add3A_2680, %exp3A_2686 : vector<16xf32>
        %eq3A_2688 = arith.cmpi eq, %add3A_90, %add3A_2583 : vector<16xi32>
        %broadcast_in_dim3A_2689 = vector.broadcast %scan3A_118 : f32 to vector<16xf32>
        %select_n3A_2690 = arith.select %eq3A_2688, %get3A_2330, %broadcast_in_dim3A_2689 : vector<16xi1>, vector<16xf32>
        %max3A_2691 = arith.maximumf %max3A_2684, %select_n3A_2690 : vector<16xf32>
        %sub3A_2692 = arith.subf %get3A_2335, %max3A_2642 : vector<16xf32>
        %exp3A_2693 = math.exp %sub3A_2692 : vector<16xf32>
        %jit3A_2694 = arith.constant 0.000000e+00 : f32
        %broadcast_in_dim3A_2695 = vector.broadcast %jit3A_2694 : f32 to vector<16xf32>
        %select_n3A_2696 = arith.select %lt3A_7, %exp3A_2693, %broadcast_in_dim3A_2695 : vector<16xi1>, vector<16xf32>
        %add3A_2697 = arith.addf %add3A_2687, %select_n3A_2696 : vector<16xf32>
        %eq3A_2698 = arith.cmpi eq, %add3A_93, %add3A_2583 : vector<16xi32>
        %broadcast_in_dim3A_2699 = vector.broadcast %scan3A_118 : f32 to vector<16xf32>
        %select_n3A_2700 = arith.select %eq3A_2698, %get3A_2335, %broadcast_in_dim3A_2699 : vector<16xi1>, vector<16xf32>
        %max3A_2701 = arith.maximumf %max3A_2691, %select_n3A_2700 : vector<16xf32>
        %lt3A_2702 = arith.constant 0 : i32
        %lt3A_2703 = vector.broadcast %lt3A_2702 : i32 to vector<16xi32>
        %lt3A_2704 = arith.cmpi slt, %and3A_99, %lt3A_2703 : vector<16xi32>
        %add3A_2705 = arith.constant 16 : i32
        %add3A_2706 = vector.broadcast %add3A_2705 : i32 to vector<16xi32>
        %add3A_2707 = arith.addi %and3A_99, %add3A_2706 : vector<16xi32>
        %select_n3A_2708 = arith.select %lt3A_2704, %add3A_2707, %and3A_99 : vector<16xi1>, vector<16xi32>
        %broadcast_in_dim3A_2709 = vector.shape_cast %select_n3A_2708 : vector<16xi32> to vector<16x1xi32>
        %gather3A_2710 = vector.shape_cast %broadcast_in_dim3A_2709 : vector<16x1xi32> to vector<16xi32>
        %gather3A_2711 = tpu.dynamic_gather %add3A_2697[%gather3A_2710] in [0] : vector<16xf32>, vector<16xi32> -> vector<16xf32>
        %add3A_2712 = arith.addf %add3A_2697, %gather3A_2711 : vector<16xf32>
        %lt3A_2713 = arith.constant 0 : i32
        %lt3A_2714 = vector.broadcast %lt3A_2713 : i32 to vector<16xi32>
        %lt3A_2715 = arith.cmpi slt, %and3A_105, %lt3A_2714 : vector<16xi32>
        %add3A_2716 = arith.constant 16 : i32
        %add3A_2717 = vector.broadcast %add3A_2716 : i32 to vector<16xi32>
        %add3A_2718 = arith.addi %and3A_105, %add3A_2717 : vector<16xi32>
        %select_n3A_2719 = arith.select %lt3A_2715, %add3A_2718, %and3A_105 : vector<16xi1>, vector<16xi32>
        %broadcast_in_dim3A_2720 = vector.shape_cast %select_n3A_2719 : vector<16xi32> to vector<16x1xi32>
        %gather3A_2721 = vector.shape_cast %broadcast_in_dim3A_2720 : vector<16x1xi32> to vector<16xi32>
        %gather3A_2722 = tpu.dynamic_gather %add3A_2712[%gather3A_2721] in [0] : vector<16xf32>, vector<16xi32> -> vector<16xf32>
        %add3A_2723 = arith.addf %add3A_2712, %gather3A_2722 : vector<16xf32>
        %lt3A_2724 = arith.constant 0 : i32
        %lt3A_2725 = vector.broadcast %lt3A_2724 : i32 to vector<16xi32>
        %lt3A_2726 = arith.cmpi slt, %and3A_111, %lt3A_2725 : vector<16xi32>
        %add3A_2727 = arith.constant 16 : i32
        %add3A_2728 = vector.broadcast %add3A_2727 : i32 to vector<16xi32>
        %add3A_2729 = arith.addi %and3A_111, %add3A_2728 : vector<16xi32>
        %select_n3A_2730 = arith.select %lt3A_2726, %add3A_2729, %and3A_111 : vector<16xi1>, vector<16xi32>
        %broadcast_in_dim3A_2731 = vector.shape_cast %select_n3A_2730 : vector<16xi32> to vector<16x1xi32>
        %gather3A_2732 = vector.shape_cast %broadcast_in_dim3A_2731 : vector<16x1xi32> to vector<16xi32>
        %gather3A_2733 = tpu.dynamic_gather %add3A_2723[%gather3A_2732] in [0] : vector<16xf32>, vector<16xi32> -> vector<16xf32>
        %add3A_2734 = arith.addf %add3A_2723, %gather3A_2733 : vector<16xf32>
        %lt3A_2735 = arith.constant 0 : i32
        %lt3A_2736 = vector.broadcast %lt3A_2735 : i32 to vector<16xi32>
        %lt3A_2737 = arith.cmpi slt, %and3A_117, %lt3A_2736 : vector<16xi32>
        %add3A_2738 = arith.constant 16 : i32
        %add3A_2739 = vector.broadcast %add3A_2738 : i32 to vector<16xi32>
        %add3A_2740 = arith.addi %and3A_117, %add3A_2739 : vector<16xi32>
        %select_n3A_2741 = arith.select %lt3A_2737, %add3A_2740, %and3A_117 : vector<16xi1>, vector<16xi32>
        %broadcast_in_dim3A_2742 = vector.shape_cast %select_n3A_2741 : vector<16xi32> to vector<16x1xi32>
        %gather3A_2743 = vector.shape_cast %broadcast_in_dim3A_2742 : vector<16x1xi32> to vector<16xi32>
        %gather3A_2744 = tpu.dynamic_gather %add3A_2734[%gather3A_2743] in [0] : vector<16xf32>, vector<16xi32> -> vector<16xf32>
        %add3A_2745 = arith.addf %add3A_2734, %gather3A_2744 : vector<16xf32>
        %lt3A_2746 = arith.constant 0 : i32
        %lt3A_2747 = vector.broadcast %lt3A_2746 : i32 to vector<16xi32>
        %lt3A_2748 = arith.cmpi slt, %and3A_99, %lt3A_2747 : vector<16xi32>
        %add3A_2749 = arith.constant 16 : i32
        %add3A_2750 = vector.broadcast %add3A_2749 : i32 to vector<16xi32>
        %add3A_2751 = arith.addi %and3A_99, %add3A_2750 : vector<16xi32>
        %select_n3A_2752 = arith.select %lt3A_2748, %add3A_2751, %and3A_99 : vector<16xi1>, vector<16xi32>
        %broadcast_in_dim3A_2753 = vector.shape_cast %select_n3A_2752 : vector<16xi32> to vector<16x1xi32>
        %gather3A_2754 = vector.shape_cast %broadcast_in_dim3A_2753 : vector<16x1xi32> to vector<16xi32>
        %gather3A_2755 = tpu.dynamic_gather %max3A_2701[%gather3A_2754] in [0] : vector<16xf32>, vector<16xi32> -> vector<16xf32>
        %max3A_2756 = arith.maximumf %max3A_2701, %gather3A_2755 : vector<16xf32>
        %lt3A_2757 = arith.constant 0 : i32
        %lt3A_2758 = vector.broadcast %lt3A_2757 : i32 to vector<16xi32>
        %lt3A_2759 = arith.cmpi slt, %and3A_105, %lt3A_2758 : vector<16xi32>
        %add3A_2760 = arith.constant 16 : i32
        %add3A_2761 = vector.broadcast %add3A_2760 : i32 to vector<16xi32>
        %add3A_2762 = arith.addi %and3A_105, %add3A_2761 : vector<16xi32>
        %select_n3A_2763 = arith.select %lt3A_2759, %add3A_2762, %and3A_105 : vector<16xi1>, vector<16xi32>
        %broadcast_in_dim3A_2764 = vector.shape_cast %select_n3A_2763 : vector<16xi32> to vector<16x1xi32>
        %gather3A_2765 = vector.shape_cast %broadcast_in_dim3A_2764 : vector<16x1xi32> to vector<16xi32>
        %gather3A_2766 = tpu.dynamic_gather %max3A_2756[%gather3A_2765] in [0] : vector<16xf32>, vector<16xi32> -> vector<16xf32>
        %max3A_2767 = arith.maximumf %max3A_2756, %gather3A_2766 : vector<16xf32>
        %lt3A_2768 = arith.constant 0 : i32
        %lt3A_2769 = vector.broadcast %lt3A_2768 : i32 to vector<16xi32>
        %lt3A_2770 = arith.cmpi slt, %and3A_111, %lt3A_2769 : vector<16xi32>
        %add3A_2771 = arith.constant 16 : i32
        %add3A_2772 = vector.broadcast %add3A_2771 : i32 to vector<16xi32>
        %add3A_2773 = arith.addi %and3A_111, %add3A_2772 : vector<16xi32>
        %select_n3A_2774 = arith.select %lt3A_2770, %add3A_2773, %and3A_111 : vector<16xi1>, vector<16xi32>
        %broadcast_in_dim3A_2775 = vector.shape_cast %select_n3A_2774 : vector<16xi32> to vector<16x1xi32>
        %gather3A_2776 = vector.shape_cast %broadcast_in_dim3A_2775 : vector<16x1xi32> to vector<16xi32>
        %gather3A_2777 = tpu.dynamic_gather %max3A_2767[%gather3A_2776] in [0] : vector<16xf32>, vector<16xi32> -> vector<16xf32>
        %max3A_2778 = arith.maximumf %max3A_2767, %gather3A_2777 : vector<16xf32>
        %lt3A_2779 = arith.constant 0 : i32
        %lt3A_2780 = vector.broadcast %lt3A_2779 : i32 to vector<16xi32>
        %lt3A_2781 = arith.cmpi slt, %and3A_117, %lt3A_2780 : vector<16xi32>
        %add3A_2782 = arith.constant 16 : i32
        %add3A_2783 = vector.broadcast %add3A_2782 : i32 to vector<16xi32>
        %add3A_2784 = arith.addi %and3A_117, %add3A_2783 : vector<16xi32>
        %select_n3A_2785 = arith.select %lt3A_2781, %add3A_2784, %and3A_117 : vector<16xi1>, vector<16xi32>
        %broadcast_in_dim3A_2786 = vector.shape_cast %select_n3A_2785 : vector<16xi32> to vector<16x1xi32>
        %gather3A_2787 = vector.shape_cast %broadcast_in_dim3A_2786 : vector<16x1xi32> to vector<16xi32>
        %gather3A_2788 = tpu.dynamic_gather %max3A_2778[%gather3A_2787] in [0] : vector<16xf32>, vector<16xi32> -> vector<16xf32>
        %max3A_2789 = arith.maximumf %max3A_2778, %gather3A_2788 : vector<16xf32>
        %select_n3A_2790 = arith.select %eq3A_33, %max3A_2436, %select_n3A_2260 : vector<16xi1>, vector<16xf32>
        %select_n3A_2791 = arith.select %eq3A_36, %max3A_2642, %select_n3A_2790 : vector<16xi1>, vector<16xf32>
        %select_n3A_2792 = arith.select %eq3A_33, %add3A_2536, %select_n3A_2262 : vector<16xi1>, vector<16xf32>
        %select_n3A_2793 = arith.select %eq3A_36, %add3A_2745, %select_n3A_2792 : vector<16xi1>, vector<16xf32>
        %select_n3A_2794 = arith.select %eq3A_33, %max3A_2580, %select_n3A_2264 : vector<16xi1>, vector<16xf32>
        %select_n3A_2795 = arith.select %eq3A_36, %max3A_2789, %select_n3A_2794 : vector<16xi1>, vector<16xf32>
        %mul3A_2796 = arith.constant 16 : i32
        %mul3A_2797 = arith.muli %scan3A_140, %mul3A_2796 : i32
        %mul3A_2798 = arith.constant 100 : i32
        %mul3A_2799 = arith.muli %mul3A_2797, %mul3A_2798 : i32
        %add3A_2800 = arith.constant 1000 : i32
        %add3A_2801 = arith.addi %mul3A_2799, %add3A_2800 : i32
        %add3A_2802 = arith.constant 0 : i32
        %add3A_2803 = arith.addi %add3A_2801, %add3A_2802 : i32
        %get3A_2804 = arith.index_cast %add3A_2803 : i32 to index
        %get3A_2805 = tpu.vector_load %arg6[%get3A_2804] {strides = array<i32>} : memref<40016xf32, #tpu.memory_space<vmem>>, vector<16xf32>,
        %get3A_2806 = vector.shape_cast %get3A_2805 : vector<16xf32> to vector<16xf32>
        %add3A_2807 = arith.constant 16 : i32
        %add3A_2808 = arith.addi %add3A_2801, %add3A_2807 : i32
        %get3A_2809 = arith.index_cast %add3A_2808 : i32 to index
        %get3A_2810 = tpu.vector_load %arg6[%get3A_2809] {strides = array<i32>} : memref<40016xf32, #tpu.memory_space<vmem>>, vector<16xf32>,
        %get3A_2811 = vector.shape_cast %get3A_2810 : vector<16xf32> to vector<16xf32>
        %add3A_2812 = arith.constant 32 : i32
        %add3A_2813 = arith.addi %add3A_2801, %add3A_2812 : i32
        %get3A_2814 = arith.index_cast %add3A_2813 : i32 to index
        %get3A_2815 = tpu.vector_load %arg6[%get3A_2814] {strides = array<i32>} : memref<40016xf32, #tpu.memory_space<vmem>>, vector<16xf32>,
        %get3A_2816 = vector.shape_cast %get3A_2815 : vector<16xf32> to vector<16xf32>
        %add3A_2817 = arith.constant 48 : i32
        %add3A_2818 = arith.addi %add3A_2801, %add3A_2817 : i32
        %get3A_2819 = arith.index_cast %add3A_2818 : i32 to index
        %get3A_2820 = tpu.vector_load %arg6[%get3A_2819] {strides = array<i32>} : memref<40016xf32, #tpu.memory_space<vmem>>, vector<16xf32>,
        %get3A_2821 = vector.shape_cast %get3A_2820 : vector<16xf32> to vector<16xf32>
        %add3A_2822 = arith.constant 64 : i32
        %add3A_2823 = arith.addi %add3A_2801, %add3A_2822 : i32
        %get3A_2824 = arith.index_cast %add3A_2823 : i32 to index
        %get3A_2825 = tpu.vector_load %arg6[%get3A_2824] {strides = array<i32>} : memref<40016xf32, #tpu.memory_space<vmem>>, vector<16xf32>,
        %get3A_2826 = vector.shape_cast %get3A_2825 : vector<16xf32> to vector<16xf32>
        %add3A_2827 = arith.constant 80 : i32
        %add3A_2828 = arith.addi %add3A_2801, %add3A_2827 : i32
        %get3A_2829 = arith.index_cast %add3A_2828 : i32 to index
        %get3A_2830 = tpu.vector_load %arg6[%get3A_2829] {strides = array<i32>} : memref<40016xf32, #tpu.memory_space<vmem>>, vector<16xf32>,
        %get3A_2831 = vector.shape_cast %get3A_2830 : vector<16xf32> to vector<16xf32>
        %add3A_2832 = arith.constant 96 : i32
        %add3A_2833 = arith.addi %add3A_2801, %add3A_2832 : i32
        %get3A_2834 = arith.index_cast %add3A_2833 : i32 to index
        %get3A_2835 = tpu.vector_load %arg6[%get3A_2834] {strides = array<i32>} : memref<40016xf32, #tpu.memory_space<vmem>>, vector<16xf32>,
        %get3A_2836 = vector.shape_cast %get3A_2835 : vector<16xf32> to vector<16xf32>
        %add3A_2837 = arith.constant 112 : i32
        %add3A_2838 = arith.addi %add3A_2801, %add3A_2837 : i32
        %get3A_2839 = arith.index_cast %add3A_2838 : i32 to index
        %get3A_2840 = tpu.vector_load %arg6[%get3A_2839] {strides = array<i32>} : memref<40016xf32, #tpu.memory_space<vmem>>, vector<16xf32>,
        %get3A_2841 = vector.shape_cast %get3A_2840 : vector<16xf32> to vector<16xf32>
        %add3A_2842 = arith.constant 128 : i32
        %add3A_2843 = arith.addi %add3A_2801, %add3A_2842 : i32
        %get3A_2844 = arith.index_cast %add3A_2843 : i32 to index
        %get3A_2845 = tpu.vector_load %arg6[%get3A_2844] {strides = array<i32>} : memref<40016xf32, #tpu.memory_space<vmem>>, vector<16xf32>,
        %get3A_2846 = vector.shape_cast %get3A_2845 : vector<16xf32> to vector<16xf32>
        %add3A_2847 = arith.constant 144 : i32
        %add3A_2848 = arith.addi %add3A_2801, %add3A_2847 : i32
        %get3A_2849 = arith.index_cast %add3A_2848 : i32 to index
        %get3A_2850 = tpu.vector_load %arg6[%get3A_2849] {strides = array<i32>} : memref<40016xf32, #tpu.memory_space<vmem>>, vector<16xf32>,
        %get3A_2851 = vector.shape_cast %get3A_2850 : vector<16xf32> to vector<16xf32>
        %add3A_2852 = arith.constant 160 : i32
        %add3A_2853 = arith.addi %add3A_2801, %add3A_2852 : i32
        %get3A_2854 = arith.index_cast %add3A_2853 : i32 to index
        %get3A_2855 = tpu.vector_load %arg6[%get3A_2854] {strides = array<i32>} : memref<40016xf32, #tpu.memory_space<vmem>>, vector<16xf32>,
        %get3A_2856 = vector.shape_cast %get3A_2855 : vector<16xf32> to vector<16xf32>
        %add3A_2857 = arith.constant 176 : i32
        %add3A_2858 = arith.addi %add3A_2801, %add3A_2857 : i32
        %get3A_2859 = arith.index_cast %add3A_2858 : i32 to index
        %get3A_2860 = tpu.vector_load %arg6[%get3A_2859] {strides = array<i32>} : memref<40016xf32, #tpu.memory_space<vmem>>, vector<16xf32>,
        %get3A_2861 = vector.shape_cast %get3A_2860 : vector<16xf32> to vector<16xf32>
        %add3A_2862 = arith.constant 192 : i32
        %add3A_2863 = arith.addi %add3A_2801, %add3A_2862 : i32
        %get3A_2864 = arith.index_cast %add3A_2863 : i32 to index
        %get3A_2865 = tpu.vector_load %arg6[%get3A_2864] {strides = array<i32>} : memref<40016xf32, #tpu.memory_space<vmem>>, vector<16xf32>,
        %get3A_2866 = vector.shape_cast %get3A_2865 : vector<16xf32> to vector<16xf32>
        %mul3A_2867 = arith.constant 0 : i32
        %mul3A_2868 = vector.broadcast %mul3A_2867 : i32 to vector<16xi32>
        %mul3A_2869 = arith.muli %iota3A, %mul3A_2868 : vector<16xi32>
        %add3A_2870 = arith.constant 10 : i32
        %add3A_2871 = vector.broadcast %add3A_2870 : i32 to vector<16xi32>
        %add3A_2872 = arith.addi %mul3A_2869, %add3A_2871 : vector<16xi32>
        %and3A_2873 = arith.constant 15 : i32
        %and3A_2874 = vector.broadcast %and3A_2873 : i32 to vector<16xi32>
        %and3A_2875 = arith.andi %add3A_2872, %and3A_2874 : vector<16xi32>
        %lt3A_2876 = arith.constant 0 : i32
        %lt3A_2877 = vector.broadcast %lt3A_2876 : i32 to vector<16xi32>
        %lt3A_2878 = arith.cmpi slt, %and3A_2875, %lt3A_2877 : vector<16xi32>
        %add3A_2879 = arith.constant 16 : i32
        %add3A_2880 = vector.broadcast %add3A_2879 : i32 to vector<16xi32>
        %add3A_2881 = arith.addi %and3A_2875, %add3A_2880 : vector<16xi32>
        %select_n3A_2882 = arith.select %lt3A_2878, %add3A_2881, %and3A_2875 : vector<16xi1>, vector<16xi32>
        %broadcast_in_dim3A_2883 = vector.shape_cast %select_n3A_2882 : vector<16xi32> to vector<16x1xi32>
        %gather3A_2884 = vector.shape_cast %broadcast_in_dim3A_2883 : vector<16x1xi32> to vector<16xi32>
        %gather3A_2885 = tpu.dynamic_gather %get3A_144[%gather3A_2884] in [0] : vector<16xi32>, vector<16xi32> -> vector<16xi32>
        %mul3A_2886 = arith.constant 0 : i32
        %mul3A_2887 = vector.broadcast %mul3A_2886 : i32 to vector<16xi32>
        %mul3A_2888 = arith.muli %iota3A, %mul3A_2887 : vector<16xi32>
        %add3A_2889 = arith.constant 10 : i32
        %add3A_2890 = vector.broadcast %add3A_2889 : i32 to vector<16xi32>
        %add3A_2891 = arith.addi %mul3A_2888, %add3A_2890 : vector<16xi32>
        %add3A_2892 = arith.constant 1 : i32
        %add3A_2893 = vector.broadcast %add3A_2892 : i32 to vector<16xi32>
        %add3A_2894 = arith.addi %add3A_2891, %add3A_2893 : vector<16xi32>
        %and3A_2895 = arith.constant 15 : i32
        %and3A_2896 = vector.broadcast %and3A_2895 : i32 to vector<16xi32>
        %and3A_2897 = arith.andi %add3A_2894, %and3A_2896 : vector<16xi32>
        %lt3A_2898 = arith.constant 0 : i32
        %lt3A_2899 = vector.broadcast %lt3A_2898 : i32 to vector<16xi32>
        %lt3A_2900 = arith.cmpi slt, %and3A_2897, %lt3A_2899 : vector<16xi32>
        %add3A_2901 = arith.constant 16 : i32
        %add3A_2902 = vector.broadcast %add3A_2901 : i32 to vector<16xi32>
        %add3A_2903 = arith.addi %and3A_2897, %add3A_2902 : vector<16xi32>
        %select_n3A_2904 = arith.select %lt3A_2900, %add3A_2903, %and3A_2897 : vector<16xi1>, vector<16xi32>
        %broadcast_in_dim3A_2905 = vector.shape_cast %select_n3A_2904 : vector<16xi32> to vector<16x1xi32>
        %gather3A_2906 = vector.shape_cast %broadcast_in_dim3A_2905 : vector<16x1xi32> to vector<16xi32>
        %gather3A_2907 = tpu.dynamic_gather %get3A_144[%gather3A_2906] in [0] : vector<16xi32>, vector<16xi32> -> vector<16xi32>
        %add3A_2908 = arith.constant 0 : i32
        %add3A_2909 = vector.broadcast %add3A_2908 : i32 to vector<16xi32>
        %add3A_2910 = arith.addi %gather3A_2885, %add3A_2909 : vector<16xi32>
        %broadcast_in_dim3A_2911 = arith.constant 1.000000e+00 : f32
        %broadcast_in_dim3A_2912 = vector.broadcast %broadcast_in_dim3A_2911 : f32 to vector<16xf32>
        %mul3A_2913 = vector.broadcast %scan3A_118 : f32 to vector<16xf32>
        %mul3A_2914 = arith.mulf %mul3A_2913, %broadcast_in_dim3A_2912 : vector<16xf32>
        %max3A_2915 = arith.maximumf %mul3A_2914, %get3A_2806 : vector<16xf32>
        %max3A_2916 = arith.maximumf %max3A_2915, %get3A_2811 : vector<16xf32>
        %max3A_2917 = arith.maximumf %max3A_2916, %get3A_2816 : vector<16xf32>
        %max3A_2918 = arith.maximumf %max3A_2917, %get3A_2821 : vector<16xf32>
        %max3A_2919 = arith.maximumf %max3A_2918, %get3A_2826 : vector<16xf32>
        %max3A_2920 = arith.maximumf %max3A_2919, %get3A_2831 : vector<16xf32>
        %broadcast_in_dim3A_2921 = vector.broadcast %scan3A_118 : f32 to vector<16xf32>
        %select_n3A_2922 = arith.select %lt3A_2, %get3A_2836, %broadcast_in_dim3A_2921 : vector<16xi1>, vector<16xf32>
        %max3A_2923 = arith.maximumf %max3A_2920, %select_n3A_2922 : vector<16xf32>
        %lt3A_2924 = arith.constant 0 : i32
        %lt3A_2925 = vector.broadcast %lt3A_2924 : i32 to vector<16xi32>
        %lt3A_2926 = arith.cmpi slt, %and3A_99, %lt3A_2925 : vector<16xi32>
        %add3A_2927 = arith.constant 16 : i32
        %add3A_2928 = vector.broadcast %add3A_2927 : i32 to vector<16xi32>
        %add3A_2929 = arith.addi %and3A_99, %add3A_2928 : vector<16xi32>
        %select_n3A_2930 = arith.select %lt3A_2926, %add3A_2929, %and3A_99 : vector<16xi1>, vector<16xi32>
        %broadcast_in_dim3A_2931 = vector.shape_cast %select_n3A_2930 : vector<16xi32> to vector<16x1xi32>
        %gather3A_2932 = vector.shape_cast %broadcast_in_dim3A_2931 : vector<16x1xi32> to vector<16xi32>
        %gather3A_2933 = tpu.dynamic_gather %max3A_2923[%gather3A_2932] in [0] : vector<16xf32>, vector<16xi32> -> vector<16xf32>
        %max3A_2934 = arith.maximumf %max3A_2923, %gather3A_2933 : vector<16xf32>
        %lt3A_2935 = arith.constant 0 : i32
        %lt3A_2936 = vector.broadcast %lt3A_2935 : i32 to vector<16xi32>
        %lt3A_2937 = arith.cmpi slt, %and3A_105, %lt3A_2936 : vector<16xi32>
        %add3A_2938 = arith.constant 16 : i32
        %add3A_2939 = vector.broadcast %add3A_2938 : i32 to vector<16xi32>
        %add3A_2940 = arith.addi %and3A_105, %add3A_2939 : vector<16xi32>
        %select_n3A_2941 = arith.select %lt3A_2937, %add3A_2940, %and3A_105 : vector<16xi1>, vector<16xi32>
        %broadcast_in_dim3A_2942 = vector.shape_cast %select_n3A_2941 : vector<16xi32> to vector<16x1xi32>
        %gather3A_2943 = vector.shape_cast %broadcast_in_dim3A_2942 : vector<16x1xi32> to vector<16xi32>
        %gather3A_2944 = tpu.dynamic_gather %max3A_2934[%gather3A_2943] in [0] : vector<16xf32>, vector<16xi32> -> vector<16xf32>
        %max3A_2945 = arith.maximumf %max3A_2934, %gather3A_2944 : vector<16xf32>
        %lt3A_2946 = arith.constant 0 : i32
        %lt3A_2947 = vector.broadcast %lt3A_2946 : i32 to vector<16xi32>
        %lt3A_2948 = arith.cmpi slt, %and3A_111, %lt3A_2947 : vector<16xi32>
        %add3A_2949 = arith.constant 16 : i32
        %add3A_2950 = vector.broadcast %add3A_2949 : i32 to vector<16xi32>
        %add3A_2951 = arith.addi %and3A_111, %add3A_2950 : vector<16xi32>
        %select_n3A_2952 = arith.select %lt3A_2948, %add3A_2951, %and3A_111 : vector<16xi1>, vector<16xi32>
        %broadcast_in_dim3A_2953 = vector.shape_cast %select_n3A_2952 : vector<16xi32> to vector<16x1xi32>
        %gather3A_2954 = vector.shape_cast %broadcast_in_dim3A_2953 : vector<16x1xi32> to vector<16xi32>
        %gather3A_2955 = tpu.dynamic_gather %max3A_2945[%gather3A_2954] in [0] : vector<16xf32>, vector<16xi32> -> vector<16xf32>
        %max3A_2956 = arith.maximumf %max3A_2945, %gather3A_2955 : vector<16xf32>
        %lt3A_2957 = arith.constant 0 : i32
        %lt3A_2958 = vector.broadcast %lt3A_2957 : i32 to vector<16xi32>
        %lt3A_2959 = arith.cmpi slt, %and3A_117, %lt3A_2958 : vector<16xi32>
        %add3A_2960 = arith.constant 16 : i32
        %add3A_2961 = vector.broadcast %add3A_2960 : i32 to vector<16xi32>
        %add3A_2962 = arith.addi %and3A_117, %add3A_2961 : vector<16xi32>
        %select_n3A_2963 = arith.select %lt3A_2959, %add3A_2962, %and3A_117 : vector<16xi1>, vector<16xi32>
        %broadcast_in_dim3A_2964 = vector.shape_cast %select_n3A_2963 : vector<16xi32> to vector<16x1xi32>
        %gather3A_2965 = vector.shape_cast %broadcast_in_dim3A_2964 : vector<16x1xi32> to vector<16xi32>
        %gather3A_2966 = tpu.dynamic_gather %max3A_2956[%gather3A_2965] in [0] : vector<16xf32>, vector<16xi32> -> vector<16xf32>
        %max3A_2967 = arith.maximumf %max3A_2956, %gather3A_2966 : vector<16xf32>
        %broadcast_in_dim3A_2968 = arith.constant 1.000000e+00 : f32
        %broadcast_in_dim3A_2969 = vector.broadcast %broadcast_in_dim3A_2968 : f32 to vector<16xf32>
        %mul3A_2970 = vector.broadcast %scan3A_118 : f32 to vector<16xf32>
        %mul3A_2971 = arith.mulf %mul3A_2970, %broadcast_in_dim3A_2969 : vector<16xf32>
        %sub3A_2972 = arith.subf %get3A_2806, %max3A_2967 : vector<16xf32>
        %exp3A_2973 = math.exp %sub3A_2972 : vector<16xf32>
        %add3A_2974 = arith.addf %broadcast_in_dim3A_94, %exp3A_2973 : vector<16xf32>
        %eq3A_2975 = arith.cmpi eq, %add3A_57, %add3A_2910 : vector<16xi32>
        %broadcast_in_dim3A_2976 = vector.broadcast %scan3A_118 : f32 to vector<16xf32>
        %select_n3A_2977 = arith.select %eq3A_2975, %get3A_2806, %broadcast_in_dim3A_2976 : vector<16xi1>, vector<16xf32>
        %max3A_2978 = arith.maximumf %mul3A_2971, %select_n3A_2977 : vector<16xf32>
        %sub3A_2979 = arith.subf %get3A_2811, %max3A_2967 : vector<16xf32>
        %exp3A_2980 = math.exp %sub3A_2979 : vector<16xf32>
        %add3A_2981 = arith.addf %add3A_2974, %exp3A_2980 : vector<16xf32>
        %eq3A_2982 = arith.cmpi eq, %add3A_60, %add3A_2910 : vector<16xi32>
        %broadcast_in_dim3A_2983 = vector.broadcast %scan3A_118 : f32 to vector<16xf32>
        %select_n3A_2984 = arith.select %eq3A_2982, %get3A_2811, %broadcast_in_dim3A_2983 : vector<16xi1>, vector<16xf32>
        %max3A_2985 = arith.maximumf %max3A_2978, %select_n3A_2984 : vector<16xf32>
        %sub3A_2986 = arith.subf %get3A_2816, %max3A_2967 : vector<16xf32>
        %exp3A_2987 = math.exp %sub3A_2986 : vector<16xf32>
        %add3A_2988 = arith.addf %add3A_2981, %exp3A_2987 : vector<16xf32>
        %eq3A_2989 = arith.cmpi eq, %add3A_63, %add3A_2910 : vector<16xi32>
        %broadcast_in_dim3A_2990 = vector.broadcast %scan3A_118 : f32 to vector<16xf32>
        %select_n3A_2991 = arith.select %eq3A_2989, %get3A_2816, %broadcast_in_dim3A_2990 : vector<16xi1>, vector<16xf32>
        %max3A_2992 = arith.maximumf %max3A_2985, %select_n3A_2991 : vector<16xf32>
        %sub3A_2993 = arith.subf %get3A_2821, %max3A_2967 : vector<16xf32>
        %exp3A_2994 = math.exp %sub3A_2993 : vector<16xf32>
        %add3A_2995 = arith.addf %add3A_2988, %exp3A_2994 : vector<16xf32>
        %eq3A_2996 = arith.cmpi eq, %add3A_66, %add3A_2910 : vector<16xi32>
        %broadcast_in_dim3A_2997 = vector.broadcast %scan3A_118 : f32 to vector<16xf32>
        %select_n3A_2998 = arith.select %eq3A_2996, %get3A_2821, %broadcast_in_dim3A_2997 : vector<16xi1>, vector<16xf32>
        %max3A_2999 = arith.maximumf %max3A_2992, %select_n3A_2998 : vector<16xf32>
        %sub3A_3000 = arith.subf %get3A_2826, %max3A_2967 : vector<16xf32>
        %exp3A_3001 = math.exp %sub3A_3000 : vector<16xf32>
        %add3A_3002 = arith.addf %add3A_2995, %exp3A_3001 : vector<16xf32>
        %eq3A_3003 = arith.cmpi eq, %add3A_69, %add3A_2910 : vector<16xi32>
        %broadcast_in_dim3A_3004 = vector.broadcast %scan3A_118 : f32 to vector<16xf32>
        %select_n3A_3005 = arith.select %eq3A_3003, %get3A_2826, %broadcast_in_dim3A_3004 : vector<16xi1>, vector<16xf32>
        %max3A_3006 = arith.maximumf %max3A_2999, %select_n3A_3005 : vector<16xf32>
        %sub3A_3007 = arith.subf %get3A_2831, %max3A_2967 : vector<16xf32>
        %exp3A_3008 = math.exp %sub3A_3007 : vector<16xf32>
        %add3A_3009 = arith.addf %add3A_3002, %exp3A_3008 : vector<16xf32>
        %eq3A_3010 = arith.cmpi eq, %add3A_72, %add3A_2910 : vector<16xi32>
        %broadcast_in_dim3A_3011 = vector.broadcast %scan3A_118 : f32 to vector<16xf32>
        %select_n3A_3012 = arith.select %eq3A_3010, %get3A_2831, %broadcast_in_dim3A_3011 : vector<16xi1>, vector<16xf32>
        %max3A_3013 = arith.maximumf %max3A_3006, %select_n3A_3012 : vector<16xf32>
        %sub3A_3014 = arith.subf %get3A_2836, %max3A_2967 : vector<16xf32>
        %exp3A_3015 = math.exp %sub3A_3014 : vector<16xf32>
        %jit3A_3016 = arith.constant 0.000000e+00 : f32
        %broadcast_in_dim3A_3017 = vector.broadcast %jit3A_3016 : f32 to vector<16xf32>
        %select_n3A_3018 = arith.select %lt3A_2, %exp3A_3015, %broadcast_in_dim3A_3017 : vector<16xi1>, vector<16xf32>
        %add3A_3019 = arith.addf %add3A_3009, %select_n3A_3018 : vector<16xf32>
        %eq3A_3020 = arith.cmpi eq, %add3A_75, %add3A_2910 : vector<16xi32>
        %broadcast_in_dim3A_3021 = vector.broadcast %scan3A_118 : f32 to vector<16xf32>
        %select_n3A_3022 = arith.select %eq3A_3020, %get3A_2836, %broadcast_in_dim3A_3021 : vector<16xi1>, vector<16xf32>
        %max3A_3023 = arith.maximumf %max3A_3013, %select_n3A_3022 : vector<16xf32>
        %lt3A_3024 = arith.constant 0 : i32
        %lt3A_3025 = vector.broadcast %lt3A_3024 : i32 to vector<16xi32>
        %lt3A_3026 = arith.cmpi slt, %and3A_99, %lt3A_3025 : vector<16xi32>
        %add3A_3027 = arith.constant 16 : i32
        %add3A_3028 = vector.broadcast %add3A_3027 : i32 to vector<16xi32>
        %add3A_3029 = arith.addi %and3A_99, %add3A_3028 : vector<16xi32>
        %select_n3A_3030 = arith.select %lt3A_3026, %add3A_3029, %and3A_99 : vector<16xi1>, vector<16xi32>
        %broadcast_in_dim3A_3031 = vector.shape_cast %select_n3A_3030 : vector<16xi32> to vector<16x1xi32>
        %gather3A_3032 = vector.shape_cast %broadcast_in_dim3A_3031 : vector<16x1xi32> to vector<16xi32>
        %gather3A_3033 = tpu.dynamic_gather %add3A_3019[%gather3A_3032] in [0] : vector<16xf32>, vector<16xi32> -> vector<16xf32>
        %add3A_3034 = arith.addf %add3A_3019, %gather3A_3033 : vector<16xf32>
        %lt3A_3035 = arith.constant 0 : i32
        %lt3A_3036 = vector.broadcast %lt3A_3035 : i32 to vector<16xi32>
        %lt3A_3037 = arith.cmpi slt, %and3A_105, %lt3A_3036 : vector<16xi32>
        %add3A_3038 = arith.constant 16 : i32
        %add3A_3039 = vector.broadcast %add3A_3038 : i32 to vector<16xi32>
        %add3A_3040 = arith.addi %and3A_105, %add3A_3039 : vector<16xi32>
        %select_n3A_3041 = arith.select %lt3A_3037, %add3A_3040, %and3A_105 : vector<16xi1>, vector<16xi32>
        %broadcast_in_dim3A_3042 = vector.shape_cast %select_n3A_3041 : vector<16xi32> to vector<16x1xi32>
        %gather3A_3043 = vector.shape_cast %broadcast_in_dim3A_3042 : vector<16x1xi32> to vector<16xi32>
        %gather3A_3044 = tpu.dynamic_gather %add3A_3034[%gather3A_3043] in [0] : vector<16xf32>, vector<16xi32> -> vector<16xf32>
        %add3A_3045 = arith.addf %add3A_3034, %gather3A_3044 : vector<16xf32>
        %lt3A_3046 = arith.constant 0 : i32
        %lt3A_3047 = vector.broadcast %lt3A_3046 : i32 to vector<16xi32>
        %lt3A_3048 = arith.cmpi slt, %and3A_111, %lt3A_3047 : vector<16xi32>
        %add3A_3049 = arith.constant 16 : i32
        %add3A_3050 = vector.broadcast %add3A_3049 : i32 to vector<16xi32>
        %add3A_3051 = arith.addi %and3A_111, %add3A_3050 : vector<16xi32>
        %select_n3A_3052 = arith.select %lt3A_3048, %add3A_3051, %and3A_111 : vector<16xi1>, vector<16xi32>
        %broadcast_in_dim3A_3053 = vector.shape_cast %select_n3A_3052 : vector<16xi32> to vector<16x1xi32>
        %gather3A_3054 = vector.shape_cast %broadcast_in_dim3A_3053 : vector<16x1xi32> to vector<16xi32>
        %gather3A_3055 = tpu.dynamic_gather %add3A_3045[%gather3A_3054] in [0] : vector<16xf32>, vector<16xi32> -> vector<16xf32>
        %add3A_3056 = arith.addf %add3A_3045, %gather3A_3055 : vector<16xf32>
        %lt3A_3057 = arith.constant 0 : i32
        %lt3A_3058 = vector.broadcast %lt3A_3057 : i32 to vector<16xi32>
        %lt3A_3059 = arith.cmpi slt, %and3A_117, %lt3A_3058 : vector<16xi32>
        %add3A_3060 = arith.constant 16 : i32
        %add3A_3061 = vector.broadcast %add3A_3060 : i32 to vector<16xi32>
        %add3A_3062 = arith.addi %and3A_117, %add3A_3061 : vector<16xi32>
        %select_n3A_3063 = arith.select %lt3A_3059, %add3A_3062, %and3A_117 : vector<16xi1>, vector<16xi32>
        %broadcast_in_dim3A_3064 = vector.shape_cast %select_n3A_3063 : vector<16xi32> to vector<16x1xi32>
        %gather3A_3065 = vector.shape_cast %broadcast_in_dim3A_3064 : vector<16x1xi32> to vector<16xi32>
        %gather3A_3066 = tpu.dynamic_gather %add3A_3056[%gather3A_3065] in [0] : vector<16xf32>, vector<16xi32> -> vector<16xf32>
        %add3A_3067 = arith.addf %add3A_3056, %gather3A_3066 : vector<16xf32>
        %lt3A_3068 = arith.constant 0 : i32
        %lt3A_3069 = vector.broadcast %lt3A_3068 : i32 to vector<16xi32>
        %lt3A_3070 = arith.cmpi slt, %and3A_99, %lt3A_3069 : vector<16xi32>
        %add3A_3071 = arith.constant 16 : i32
        %add3A_3072 = vector.broadcast %add3A_3071 : i32 to vector<16xi32>
        %add3A_3073 = arith.addi %and3A_99, %add3A_3072 : vector<16xi32>
        %select_n3A_3074 = arith.select %lt3A_3070, %add3A_3073, %and3A_99 : vector<16xi1>, vector<16xi32>
        %broadcast_in_dim3A_3075 = vector.shape_cast %select_n3A_3074 : vector<16xi32> to vector<16x1xi32>
        %gather3A_3076 = vector.shape_cast %broadcast_in_dim3A_3075 : vector<16x1xi32> to vector<16xi32>
        %gather3A_3077 = tpu.dynamic_gather %max3A_3023[%gather3A_3076] in [0] : vector<16xf32>, vector<16xi32> -> vector<16xf32>
        %max3A_3078 = arith.maximumf %max3A_3023, %gather3A_3077 : vector<16xf32>
        %lt3A_3079 = arith.constant 0 : i32
        %lt3A_3080 = vector.broadcast %lt3A_3079 : i32 to vector<16xi32>
        %lt3A_3081 = arith.cmpi slt, %and3A_105, %lt3A_3080 : vector<16xi32>
        %add3A_3082 = arith.constant 16 : i32
        %add3A_3083 = vector.broadcast %add3A_3082 : i32 to vector<16xi32>
        %add3A_3084 = arith.addi %and3A_105, %add3A_3083 : vector<16xi32>
        %select_n3A_3085 = arith.select %lt3A_3081, %add3A_3084, %and3A_105 : vector<16xi1>, vector<16xi32>
        %broadcast_in_dim3A_3086 = vector.shape_cast %select_n3A_3085 : vector<16xi32> to vector<16x1xi32>
        %gather3A_3087 = vector.shape_cast %broadcast_in_dim3A_3086 : vector<16x1xi32> to vector<16xi32>
        %gather3A_3088 = tpu.dynamic_gather %max3A_3078[%gather3A_3087] in [0] : vector<16xf32>, vector<16xi32> -> vector<16xf32>
        %max3A_3089 = arith.maximumf %max3A_3078, %gather3A_3088 : vector<16xf32>
        %lt3A_3090 = arith.constant 0 : i32
        %lt3A_3091 = vector.broadcast %lt3A_3090 : i32 to vector<16xi32>
        %lt3A_3092 = arith.cmpi slt, %and3A_111, %lt3A_3091 : vector<16xi32>
        %add3A_3093 = arith.constant 16 : i32
        %add3A_3094 = vector.broadcast %add3A_3093 : i32 to vector<16xi32>
        %add3A_3095 = arith.addi %and3A_111, %add3A_3094 : vector<16xi32>
        %select_n3A_3096 = arith.select %lt3A_3092, %add3A_3095, %and3A_111 : vector<16xi1>, vector<16xi32>
        %broadcast_in_dim3A_3097 = vector.shape_cast %select_n3A_3096 : vector<16xi32> to vector<16x1xi32>
        %gather3A_3098 = vector.shape_cast %broadcast_in_dim3A_3097 : vector<16x1xi32> to vector<16xi32>
        %gather3A_3099 = tpu.dynamic_gather %max3A_3089[%gather3A_3098] in [0] : vector<16xf32>, vector<16xi32> -> vector<16xf32>
        %max3A_3100 = arith.maximumf %max3A_3089, %gather3A_3099 : vector<16xf32>
        %lt3A_3101 = arith.constant 0 : i32
        %lt3A_3102 = vector.broadcast %lt3A_3101 : i32 to vector<16xi32>
        %lt3A_3103 = arith.cmpi slt, %and3A_117, %lt3A_3102 : vector<16xi32>
        %add3A_3104 = arith.constant 16 : i32
        %add3A_3105 = vector.broadcast %add3A_3104 : i32 to vector<16xi32>
        %add3A_3106 = arith.addi %and3A_117, %add3A_3105 : vector<16xi32>
        %select_n3A_3107 = arith.select %lt3A_3103, %add3A_3106, %and3A_117 : vector<16xi1>, vector<16xi32>
        %broadcast_in_dim3A_3108 = vector.shape_cast %select_n3A_3107 : vector<16xi32> to vector<16x1xi32>
        %gather3A_3109 = vector.shape_cast %broadcast_in_dim3A_3108 : vector<16x1xi32> to vector<16xi32>
        %gather3A_3110 = tpu.dynamic_gather %max3A_3100[%gather3A_3109] in [0] : vector<16xf32>, vector<16xi32> -> vector<16xf32>
        %max3A_3111 = arith.maximumf %max3A_3100, %gather3A_3110 : vector<16xf32>
        %add3A_3112 = arith.constant 100 : i32
        %add3A_3113 = vector.broadcast %add3A_3112 : i32 to vector<16xi32>
        %add3A_3114 = arith.addi %gather3A_2907, %add3A_3113 : vector<16xi32>
        %broadcast_in_dim3A_3115 = arith.constant 1.000000e+00 : f32
        %broadcast_in_dim3A_3116 = vector.broadcast %broadcast_in_dim3A_3115 : f32 to vector<16xf32>
        %mul3A_3117 = vector.broadcast %scan3A_118 : f32 to vector<16xf32>
        %mul3A_3118 = arith.mulf %mul3A_3117, %broadcast_in_dim3A_3116 : vector<16xf32>
        %broadcast_in_dim3A_3119 = vector.broadcast %scan3A_118 : f32 to vector<16xf32>
        %select_n3A_3120 = arith.select %ge3A_4, %get3A_2836, %broadcast_in_dim3A_3119 : vector<16xi1>, vector<16xf32>
        %max3A_3121 = arith.maximumf %mul3A_3118, %select_n3A_3120 : vector<16xf32>
        %max3A_3122 = arith.maximumf %max3A_3121, %get3A_2841 : vector<16xf32>
        %max3A_3123 = arith.maximumf %max3A_3122, %get3A_2846 : vector<16xf32>
        %max3A_3124 = arith.maximumf %max3A_3123, %get3A_2851 : vector<16xf32>
        %max3A_3125 = arith.maximumf %max3A_3124, %get3A_2856 : vector<16xf32>
        %max3A_3126 = arith.maximumf %max3A_3125, %get3A_2861 : vector<16xf32>
        %broadcast_in_dim3A_3127 = vector.broadcast %scan3A_118 : f32 to vector<16xf32>
        %select_n3A_3128 = arith.select %lt3A_7, %get3A_2866, %broadcast_in_dim3A_3127 : vector<16xi1>, vector<16xf32>
        %max3A_3129 = arith.maximumf %max3A_3126, %select_n3A_3128 : vector<16xf32>
        %lt3A_3130 = arith.constant 0 : i32
        %lt3A_3131 = vector.broadcast %lt3A_3130 : i32 to vector<16xi32>
        %lt3A_3132 = arith.cmpi slt, %and3A_99, %lt3A_3131 : vector<16xi32>
        %add3A_3133 = arith.constant 16 : i32
        %add3A_3134 = vector.broadcast %add3A_3133 : i32 to vector<16xi32>
        %add3A_3135 = arith.addi %and3A_99, %add3A_3134 : vector<16xi32>
        %select_n3A_3136 = arith.select %lt3A_3132, %add3A_3135, %and3A_99 : vector<16xi1>, vector<16xi32>
        %broadcast_in_dim3A_3137 = vector.shape_cast %select_n3A_3136 : vector<16xi32> to vector<16x1xi32>
        %gather3A_3138 = vector.shape_cast %broadcast_in_dim3A_3137 : vector<16x1xi32> to vector<16xi32>
        %gather3A_3139 = tpu.dynamic_gather %max3A_3129[%gather3A_3138] in [0] : vector<16xf32>, vector<16xi32> -> vector<16xf32>
        %max3A_3140 = arith.maximumf %max3A_3129, %gather3A_3139 : vector<16xf32>
        %lt3A_3141 = arith.constant 0 : i32
        %lt3A_3142 = vector.broadcast %lt3A_3141 : i32 to vector<16xi32>
        %lt3A_3143 = arith.cmpi slt, %and3A_105, %lt3A_3142 : vector<16xi32>
        %add3A_3144 = arith.constant 16 : i32
        %add3A_3145 = vector.broadcast %add3A_3144 : i32 to vector<16xi32>
        %add3A_3146 = arith.addi %and3A_105, %add3A_3145 : vector<16xi32>
        %select_n3A_3147 = arith.select %lt3A_3143, %add3A_3146, %and3A_105 : vector<16xi1>, vector<16xi32>
        %broadcast_in_dim3A_3148 = vector.shape_cast %select_n3A_3147 : vector<16xi32> to vector<16x1xi32>
        %gather3A_3149 = vector.shape_cast %broadcast_in_dim3A_3148 : vector<16x1xi32> to vector<16xi32>
        %gather3A_3150 = tpu.dynamic_gather %max3A_3140[%gather3A_3149] in [0] : vector<16xf32>, vector<16xi32> -> vector<16xf32>
        %max3A_3151 = arith.maximumf %max3A_3140, %gather3A_3150 : vector<16xf32>
        %lt3A_3152 = arith.constant 0 : i32
        %lt3A_3153 = vector.broadcast %lt3A_3152 : i32 to vector<16xi32>
        %lt3A_3154 = arith.cmpi slt, %and3A_111, %lt3A_3153 : vector<16xi32>
        %add3A_3155 = arith.constant 16 : i32
        %add3A_3156 = vector.broadcast %add3A_3155 : i32 to vector<16xi32>
        %add3A_3157 = arith.addi %and3A_111, %add3A_3156 : vector<16xi32>
        %select_n3A_3158 = arith.select %lt3A_3154, %add3A_3157, %and3A_111 : vector<16xi1>, vector<16xi32>
        %broadcast_in_dim3A_3159 = vector.shape_cast %select_n3A_3158 : vector<16xi32> to vector<16x1xi32>
        %gather3A_3160 = vector.shape_cast %broadcast_in_dim3A_3159 : vector<16x1xi32> to vector<16xi32>
        %gather3A_3161 = tpu.dynamic_gather %max3A_3151[%gather3A_3160] in [0] : vector<16xf32>, vector<16xi32> -> vector<16xf32>
        %max3A_3162 = arith.maximumf %max3A_3151, %gather3A_3161 : vector<16xf32>
        %lt3A_3163 = arith.constant 0 : i32
        %lt3A_3164 = vector.broadcast %lt3A_3163 : i32 to vector<16xi32>
        %lt3A_3165 = arith.cmpi slt, %and3A_117, %lt3A_3164 : vector<16xi32>
        %add3A_3166 = arith.constant 16 : i32
        %add3A_3167 = vector.broadcast %add3A_3166 : i32 to vector<16xi32>
        %add3A_3168 = arith.addi %and3A_117, %add3A_3167 : vector<16xi32>
        %select_n3A_3169 = arith.select %lt3A_3165, %add3A_3168, %and3A_117 : vector<16xi1>, vector<16xi32>
        %broadcast_in_dim3A_3170 = vector.shape_cast %select_n3A_3169 : vector<16xi32> to vector<16x1xi32>
        %gather3A_3171 = vector.shape_cast %broadcast_in_dim3A_3170 : vector<16x1xi32> to vector<16xi32>
        %gather3A_3172 = tpu.dynamic_gather %max3A_3162[%gather3A_3171] in [0] : vector<16xf32>, vector<16xi32> -> vector<16xf32>
        %max3A_3173 = arith.maximumf %max3A_3162, %gather3A_3172 : vector<16xf32>
        %broadcast_in_dim3A_3174 = arith.constant 1.000000e+00 : f32
        %broadcast_in_dim3A_3175 = vector.broadcast %broadcast_in_dim3A_3174 : f32 to vector<16xf32>
        %mul3A_3176 = vector.broadcast %scan3A_118 : f32 to vector<16xf32>
        %mul3A_3177 = arith.mulf %mul3A_3176, %broadcast_in_dim3A_3175 : vector<16xf32>
        %sub3A_3178 = arith.subf %get3A_2836, %max3A_3173 : vector<16xf32>
        %exp3A_3179 = math.exp %sub3A_3178 : vector<16xf32>
        %jit3A_3180 = arith.constant 0.000000e+00 : f32
        %broadcast_in_dim3A_3181 = vector.broadcast %jit3A_3180 : f32 to vector<16xf32>
        %select_n3A_3182 = arith.select %ge3A_4, %exp3A_3179, %broadcast_in_dim3A_3181 : vector<16xi1>, vector<16xf32>
        %add3A_3183 = arith.addf %broadcast_in_dim3A_94, %select_n3A_3182 : vector<16xf32>
        %eq3A_3184 = arith.cmpi eq, %add3A_75, %add3A_3114 : vector<16xi32>
        %broadcast_in_dim3A_3185 = vector.broadcast %scan3A_118 : f32 to vector<16xf32>
        %select_n3A_3186 = arith.select %eq3A_3184, %get3A_2836, %broadcast_in_dim3A_3185 : vector<16xi1>, vector<16xf32>
        %max3A_3187 = arith.maximumf %mul3A_3177, %select_n3A_3186 : vector<16xf32>
        %sub3A_3188 = arith.subf %get3A_2841, %max3A_3173 : vector<16xf32>
        %exp3A_3189 = math.exp %sub3A_3188 : vector<16xf32>
        %add3A_3190 = arith.addf %add3A_3183, %exp3A_3189 : vector<16xf32>
        %eq3A_3191 = arith.cmpi eq, %add3A_78, %add3A_3114 : vector<16xi32>
        %broadcast_in_dim3A_3192 = vector.broadcast %scan3A_118 : f32 to vector<16xf32>
        %select_n3A_3193 = arith.select %eq3A_3191, %get3A_2841, %broadcast_in_dim3A_3192 : vector<16xi1>, vector<16xf32>
        %max3A_3194 = arith.maximumf %max3A_3187, %select_n3A_3193 : vector<16xf32>
        %sub3A_3195 = arith.subf %get3A_2846, %max3A_3173 : vector<16xf32>
        %exp3A_3196 = math.exp %sub3A_3195 : vector<16xf32>
        %add3A_3197 = arith.addf %add3A_3190, %exp3A_3196 : vector<16xf32>
        %eq3A_3198 = arith.cmpi eq, %add3A_81, %add3A_3114 : vector<16xi32>
        %broadcast_in_dim3A_3199 = vector.broadcast %scan3A_118 : f32 to vector<16xf32>
        %select_n3A_3200 = arith.select %eq3A_3198, %get3A_2846, %broadcast_in_dim3A_3199 : vector<16xi1>, vector<16xf32>
        %max3A_3201 = arith.maximumf %max3A_3194, %select_n3A_3200 : vector<16xf32>
        %sub3A_3202 = arith.subf %get3A_2851, %max3A_3173 : vector<16xf32>
        %exp3A_3203 = math.exp %sub3A_3202 : vector<16xf32>
        %add3A_3204 = arith.addf %add3A_3197, %exp3A_3203 : vector<16xf32>
        %eq3A_3205 = arith.cmpi eq, %add3A_84, %add3A_3114 : vector<16xi32>
        %broadcast_in_dim3A_3206 = vector.broadcast %scan3A_118 : f32 to vector<16xf32>
        %select_n3A_3207 = arith.select %eq3A_3205, %get3A_2851, %broadcast_in_dim3A_3206 : vector<16xi1>, vector<16xf32>
        %max3A_3208 = arith.maximumf %max3A_3201, %select_n3A_3207 : vector<16xf32>
        %sub3A_3209 = arith.subf %get3A_2856, %max3A_3173 : vector<16xf32>
        %exp3A_3210 = math.exp %sub3A_3209 : vector<16xf32>
        %add3A_3211 = arith.addf %add3A_3204, %exp3A_3210 : vector<16xf32>
        %eq3A_3212 = arith.cmpi eq, %add3A_87, %add3A_3114 : vector<16xi32>
        %broadcast_in_dim3A_3213 = vector.broadcast %scan3A_118 : f32 to vector<16xf32>
        %select_n3A_3214 = arith.select %eq3A_3212, %get3A_2856, %broadcast_in_dim3A_3213 : vector<16xi1>, vector<16xf32>
        %max3A_3215 = arith.maximumf %max3A_3208, %select_n3A_3214 : vector<16xf32>
        %sub3A_3216 = arith.subf %get3A_2861, %max3A_3173 : vector<16xf32>
        %exp3A_3217 = math.exp %sub3A_3216 : vector<16xf32>
        %add3A_3218 = arith.addf %add3A_3211, %exp3A_3217 : vector<16xf32>
        %eq3A_3219 = arith.cmpi eq, %add3A_90, %add3A_3114 : vector<16xi32>
        %broadcast_in_dim3A_3220 = vector.broadcast %scan3A_118 : f32 to vector<16xf32>
        %select_n3A_3221 = arith.select %eq3A_3219, %get3A_2861, %broadcast_in_dim3A_3220 : vector<16xi1>, vector<16xf32>
        %max3A_3222 = arith.maximumf %max3A_3215, %select_n3A_3221 : vector<16xf32>
        %sub3A_3223 = arith.subf %get3A_2866, %max3A_3173 : vector<16xf32>
        %exp3A_3224 = math.exp %sub3A_3223 : vector<16xf32>
        %jit3A_3225 = arith.constant 0.000000e+00 : f32
        %broadcast_in_dim3A_3226 = vector.broadcast %jit3A_3225 : f32 to vector<16xf32>
        %select_n3A_3227 = arith.select %lt3A_7, %exp3A_3224, %broadcast_in_dim3A_3226 : vector<16xi1>, vector<16xf32>
        %add3A_3228 = arith.addf %add3A_3218, %select_n3A_3227 : vector<16xf32>
        %eq3A_3229 = arith.cmpi eq, %add3A_93, %add3A_3114 : vector<16xi32>
        %broadcast_in_dim3A_3230 = vector.broadcast %scan3A_118 : f32 to vector<16xf32>
        %select_n3A_3231 = arith.select %eq3A_3229, %get3A_2866, %broadcast_in_dim3A_3230 : vector<16xi1>, vector<16xf32>
        %max3A_3232 = arith.maximumf %max3A_3222, %select_n3A_3231 : vector<16xf32>
        %lt3A_3233 = arith.constant 0 : i32
        %lt3A_3234 = vector.broadcast %lt3A_3233 : i32 to vector<16xi32>
        %lt3A_3235 = arith.cmpi slt, %and3A_99, %lt3A_3234 : vector<16xi32>
        %add3A_3236 = arith.constant 16 : i32
        %add3A_3237 = vector.broadcast %add3A_3236 : i32 to vector<16xi32>
        %add3A_3238 = arith.addi %and3A_99, %add3A_3237 : vector<16xi32>
        %select_n3A_3239 = arith.select %lt3A_3235, %add3A_3238, %and3A_99 : vector<16xi1>, vector<16xi32>
        %broadcast_in_dim3A_3240 = vector.shape_cast %select_n3A_3239 : vector<16xi32> to vector<16x1xi32>
        %gather3A_3241 = vector.shape_cast %broadcast_in_dim3A_3240 : vector<16x1xi32> to vector<16xi32>
        %gather3A_3242 = tpu.dynamic_gather %add3A_3228[%gather3A_3241] in [0] : vector<16xf32>, vector<16xi32> -> vector<16xf32>
        %add3A_3243 = arith.addf %add3A_3228, %gather3A_3242 : vector<16xf32>
        %lt3A_3244 = arith.constant 0 : i32
        %lt3A_3245 = vector.broadcast %lt3A_3244 : i32 to vector<16xi32>
        %lt3A_3246 = arith.cmpi slt, %and3A_105, %lt3A_3245 : vector<16xi32>
        %add3A_3247 = arith.constant 16 : i32
        %add3A_3248 = vector.broadcast %add3A_3247 : i32 to vector<16xi32>
        %add3A_3249 = arith.addi %and3A_105, %add3A_3248 : vector<16xi32>
        %select_n3A_3250 = arith.select %lt3A_3246, %add3A_3249, %and3A_105 : vector<16xi1>, vector<16xi32>
        %broadcast_in_dim3A_3251 = vector.shape_cast %select_n3A_3250 : vector<16xi32> to vector<16x1xi32>
        %gather3A_3252 = vector.shape_cast %broadcast_in_dim3A_3251 : vector<16x1xi32> to vector<16xi32>
        %gather3A_3253 = tpu.dynamic_gather %add3A_3243[%gather3A_3252] in [0] : vector<16xf32>, vector<16xi32> -> vector<16xf32>
        %add3A_3254 = arith.addf %add3A_3243, %gather3A_3253 : vector<16xf32>
        %lt3A_3255 = arith.constant 0 : i32
        %lt3A_3256 = vector.broadcast %lt3A_3255 : i32 to vector<16xi32>
        %lt3A_3257 = arith.cmpi slt, %and3A_111, %lt3A_3256 : vector<16xi32>
        %add3A_3258 = arith.constant 16 : i32
        %add3A_3259 = vector.broadcast %add3A_3258 : i32 to vector<16xi32>
        %add3A_3260 = arith.addi %and3A_111, %add3A_3259 : vector<16xi32>
        %select_n3A_3261 = arith.select %lt3A_3257, %add3A_3260, %and3A_111 : vector<16xi1>, vector<16xi32>
        %broadcast_in_dim3A_3262 = vector.shape_cast %select_n3A_3261 : vector<16xi32> to vector<16x1xi32>
        %gather3A_3263 = vector.shape_cast %broadcast_in_dim3A_3262 : vector<16x1xi32> to vector<16xi32>
        %gather3A_3264 = tpu.dynamic_gather %add3A_3254[%gather3A_3263] in [0] : vector<16xf32>, vector<16xi32> -> vector<16xf32>
        %add3A_3265 = arith.addf %add3A_3254, %gather3A_3264 : vector<16xf32>
        %lt3A_3266 = arith.constant 0 : i32
        %lt3A_3267 = vector.broadcast %lt3A_3266 : i32 to vector<16xi32>
        %lt3A_3268 = arith.cmpi slt, %and3A_117, %lt3A_3267 : vector<16xi32>
        %add3A_3269 = arith.constant 16 : i32
        %add3A_3270 = vector.broadcast %add3A_3269 : i32 to vector<16xi32>
        %add3A_3271 = arith.addi %and3A_117, %add3A_3270 : vector<16xi32>
        %select_n3A_3272 = arith.select %lt3A_3268, %add3A_3271, %and3A_117 : vector<16xi1>, vector<16xi32>
        %broadcast_in_dim3A_3273 = vector.shape_cast %select_n3A_3272 : vector<16xi32> to vector<16x1xi32>
        %gather3A_3274 = vector.shape_cast %broadcast_in_dim3A_3273 : vector<16x1xi32> to vector<16xi32>
        %gather3A_3275 = tpu.dynamic_gather %add3A_3265[%gather3A_3274] in [0] : vector<16xf32>, vector<16xi32> -> vector<16xf32>
        %add3A_3276 = arith.addf %add3A_3265, %gather3A_3275 : vector<16xf32>
        %lt3A_3277 = arith.constant 0 : i32
        %lt3A_3278 = vector.broadcast %lt3A_3277 : i32 to vector<16xi32>
        %lt3A_3279 = arith.cmpi slt, %and3A_99, %lt3A_3278 : vector<16xi32>
        %add3A_3280 = arith.constant 16 : i32
        %add3A_3281 = vector.broadcast %add3A_3280 : i32 to vector<16xi32>
        %add3A_3282 = arith.addi %and3A_99, %add3A_3281 : vector<16xi32>
        %select_n3A_3283 = arith.select %lt3A_3279, %add3A_3282, %and3A_99 : vector<16xi1>, vector<16xi32>
        %broadcast_in_dim3A_3284 = vector.shape_cast %select_n3A_3283 : vector<16xi32> to vector<16x1xi32>
        %gather3A_3285 = vector.shape_cast %broadcast_in_dim3A_3284 : vector<16x1xi32> to vector<16xi32>
        %gather3A_3286 = tpu.dynamic_gather %max3A_3232[%gather3A_3285] in [0] : vector<16xf32>, vector<16xi32> -> vector<16xf32>
        %max3A_3287 = arith.maximumf %max3A_3232, %gather3A_3286 : vector<16xf32>
        %lt3A_3288 = arith.constant 0 : i32
        %lt3A_3289 = vector.broadcast %lt3A_3288 : i32 to vector<16xi32>
        %lt3A_3290 = arith.cmpi slt, %and3A_105, %lt3A_3289 : vector<16xi32>
        %add3A_3291 = arith.constant 16 : i32
        %add3A_3292 = vector.broadcast %add3A_3291 : i32 to vector<16xi32>
        %add3A_3293 = arith.addi %and3A_105, %add3A_3292 : vector<16xi32>
        %select_n3A_3294 = arith.select %lt3A_3290, %add3A_3293, %and3A_105 : vector<16xi1>, vector<16xi32>
        %broadcast_in_dim3A_3295 = vector.shape_cast %select_n3A_3294 : vector<16xi32> to vector<16x1xi32>
        %gather3A_3296 = vector.shape_cast %broadcast_in_dim3A_3295 : vector<16x1xi32> to vector<16xi32>
        %gather3A_3297 = tpu.dynamic_gather %max3A_3287[%gather3A_3296] in [0] : vector<16xf32>, vector<16xi32> -> vector<16xf32>
        %max3A_3298 = arith.maximumf %max3A_3287, %gather3A_3297 : vector<16xf32>
        %lt3A_3299 = arith.constant 0 : i32
        %lt3A_3300 = vector.broadcast %lt3A_3299 : i32 to vector<16xi32>
        %lt3A_3301 = arith.cmpi slt, %and3A_111, %lt3A_3300 : vector<16xi32>
        %add3A_3302 = arith.constant 16 : i32
        %add3A_3303 = vector.broadcast %add3A_3302 : i32 to vector<16xi32>
        %add3A_3304 = arith.addi %and3A_111, %add3A_3303 : vector<16xi32>
        %select_n3A_3305 = arith.select %lt3A_3301, %add3A_3304, %and3A_111 : vector<16xi1>, vector<16xi32>
        %broadcast_in_dim3A_3306 = vector.shape_cast %select_n3A_3305 : vector<16xi32> to vector<16x1xi32>
        %gather3A_3307 = vector.shape_cast %broadcast_in_dim3A_3306 : vector<16x1xi32> to vector<16xi32>
        %gather3A_3308 = tpu.dynamic_gather %max3A_3298[%gather3A_3307] in [0] : vector<16xf32>, vector<16xi32> -> vector<16xf32>
        %max3A_3309 = arith.maximumf %max3A_3298, %gather3A_3308 : vector<16xf32>
        %lt3A_3310 = arith.constant 0 : i32
        %lt3A_3311 = vector.broadcast %lt3A_3310 : i32 to vector<16xi32>
        %lt3A_3312 = arith.cmpi slt, %and3A_117, %lt3A_3311 : vector<16xi32>
        %add3A_3313 = arith.constant 16 : i32
        %add3A_3314 = vector.broadcast %add3A_3313 : i32 to vector<16xi32>
        %add3A_3315 = arith.addi %and3A_117, %add3A_3314 : vector<16xi32>
        %select_n3A_3316 = arith.select %lt3A_3312, %add3A_3315, %and3A_117 : vector<16xi1>, vector<16xi32>
        %broadcast_in_dim3A_3317 = vector.shape_cast %select_n3A_3316 : vector<16xi32> to vector<16x1xi32>
        %gather3A_3318 = vector.shape_cast %broadcast_in_dim3A_3317 : vector<16x1xi32> to vector<16xi32>
        %gather3A_3319 = tpu.dynamic_gather %max3A_3309[%gather3A_3318] in [0] : vector<16xf32>, vector<16xi32> -> vector<16xf32>
        %max3A_3320 = arith.maximumf %max3A_3309, %gather3A_3319 : vector<16xf32>
        %select_n3A_3321 = arith.select %eq3A_39, %max3A_2967, %select_n3A_2791 : vector<16xi1>, vector<16xf32>
        %select_n3A_3322 = arith.select %eq3A_42, %max3A_3173, %select_n3A_3321 : vector<16xi1>, vector<16xf32>
        %select_n3A_3323 = arith.select %eq3A_39, %add3A_3067, %select_n3A_2793 : vector<16xi1>, vector<16xf32>
        %select_n3A_3324 = arith.select %eq3A_42, %add3A_3276, %select_n3A_3323 : vector<16xi1>, vector<16xf32>
        %select_n3A_3325 = arith.select %eq3A_39, %max3A_3111, %select_n3A_2795 : vector<16xi1>, vector<16xf32>
        %select_n3A_3326 = arith.select %eq3A_42, %max3A_3320, %select_n3A_3325 : vector<16xi1>, vector<16xf32>
        %mul3A_3327 = arith.constant 16 : i32
        %mul3A_3328 = arith.muli %scan3A_140, %mul3A_3327 : i32
        %mul3A_3329 = arith.constant 100 : i32
        %mul3A_3330 = arith.muli %mul3A_3328, %mul3A_3329 : i32
        %add3A_3331 = arith.constant 1200 : i32
        %add3A_3332 = arith.addi %mul3A_3330, %add3A_3331 : i32
        %add3A_3333 = arith.constant 0 : i32
        %add3A_3334 = arith.addi %add3A_3332, %add3A_3333 : i32
        %get3A_3335 = arith.index_cast %add3A_3334 : i32 to index
        %get3A_3336 = tpu.vector_load %arg6[%get3A_3335] {strides = array<i32>} : memref<40016xf32, #tpu.memory_space<vmem>>, vector<16xf32>,
        %get3A_3337 = vector.shape_cast %get3A_3336 : vector<16xf32> to vector<16xf32>
        %add3A_3338 = arith.constant 16 : i32
        %add3A_3339 = arith.addi %add3A_3332, %add3A_3338 : i32
        %get3A_3340 = arith.index_cast %add3A_3339 : i32 to index
        %get3A_3341 = tpu.vector_load %arg6[%get3A_3340] {strides = array<i32>} : memref<40016xf32, #tpu.memory_space<vmem>>, vector<16xf32>,
        %get3A_3342 = vector.shape_cast %get3A_3341 : vector<16xf32> to vector<16xf32>
        %add3A_3343 = arith.constant 32 : i32
        %add3A_3344 = arith.addi %add3A_3332, %add3A_3343 : i32
        %get3A_3345 = arith.index_cast %add3A_3344 : i32 to index
        %get3A_3346 = tpu.vector_load %arg6[%get3A_3345] {strides = array<i32>} : memref<40016xf32, #tpu.memory_space<vmem>>, vector<16xf32>,
        %get3A_3347 = vector.shape_cast %get3A_3346 : vector<16xf32> to vector<16xf32>
        %add3A_3348 = arith.constant 48 : i32
        %add3A_3349 = arith.addi %add3A_3332, %add3A_3348 : i32
        %get3A_3350 = arith.index_cast %add3A_3349 : i32 to index
        %get3A_3351 = tpu.vector_load %arg6[%get3A_3350] {strides = array<i32>} : memref<40016xf32, #tpu.memory_space<vmem>>, vector<16xf32>,
        %get3A_3352 = vector.shape_cast %get3A_3351 : vector<16xf32> to vector<16xf32>
        %add3A_3353 = arith.constant 64 : i32
        %add3A_3354 = arith.addi %add3A_3332, %add3A_3353 : i32
        %get3A_3355 = arith.index_cast %add3A_3354 : i32 to index
        %get3A_3356 = tpu.vector_load %arg6[%get3A_3355] {strides = array<i32>} : memref<40016xf32, #tpu.memory_space<vmem>>, vector<16xf32>,
        %get3A_3357 = vector.shape_cast %get3A_3356 : vector<16xf32> to vector<16xf32>
        %add3A_3358 = arith.constant 80 : i32
        %add3A_3359 = arith.addi %add3A_3332, %add3A_3358 : i32
        %get3A_3360 = arith.index_cast %add3A_3359 : i32 to index
        %get3A_3361 = tpu.vector_load %arg6[%get3A_3360] {strides = array<i32>} : memref<40016xf32, #tpu.memory_space<vmem>>, vector<16xf32>,
        %get3A_3362 = vector.shape_cast %get3A_3361 : vector<16xf32> to vector<16xf32>
        %add3A_3363 = arith.constant 96 : i32
        %add3A_3364 = arith.addi %add3A_3332, %add3A_3363 : i32
        %get3A_3365 = arith.index_cast %add3A_3364 : i32 to index
        %get3A_3366 = tpu.vector_load %arg6[%get3A_3365] {strides = array<i32>} : memref<40016xf32, #tpu.memory_space<vmem>>, vector<16xf32>,
        %get3A_3367 = vector.shape_cast %get3A_3366 : vector<16xf32> to vector<16xf32>
        %add3A_3368 = arith.constant 112 : i32
        %add3A_3369 = arith.addi %add3A_3332, %add3A_3368 : i32
        %get3A_3370 = arith.index_cast %add3A_3369 : i32 to index
        %get3A_3371 = tpu.vector_load %arg6[%get3A_3370] {strides = array<i32>} : memref<40016xf32, #tpu.memory_space<vmem>>, vector<16xf32>,
        %get3A_3372 = vector.shape_cast %get3A_3371 : vector<16xf32> to vector<16xf32>
        %add3A_3373 = arith.constant 128 : i32
        %add3A_3374 = arith.addi %add3A_3332, %add3A_3373 : i32
        %get3A_3375 = arith.index_cast %add3A_3374 : i32 to index
        %get3A_3376 = tpu.vector_load %arg6[%get3A_3375] {strides = array<i32>} : memref<40016xf32, #tpu.memory_space<vmem>>, vector<16xf32>,
        %get3A_3377 = vector.shape_cast %get3A_3376 : vector<16xf32> to vector<16xf32>
        %add3A_3378 = arith.constant 144 : i32
        %add3A_3379 = arith.addi %add3A_3332, %add3A_3378 : i32
        %get3A_3380 = arith.index_cast %add3A_3379 : i32 to index
        %get3A_3381 = tpu.vector_load %arg6[%get3A_3380] {strides = array<i32>} : memref<40016xf32, #tpu.memory_space<vmem>>, vector<16xf32>,
        %get3A_3382 = vector.shape_cast %get3A_3381 : vector<16xf32> to vector<16xf32>
        %add3A_3383 = arith.constant 160 : i32
        %add3A_3384 = arith.addi %add3A_3332, %add3A_3383 : i32
        %get3A_3385 = arith.index_cast %add3A_3384 : i32 to index
        %get3A_3386 = tpu.vector_load %arg6[%get3A_3385] {strides = array<i32>} : memref<40016xf32, #tpu.memory_space<vmem>>, vector<16xf32>,
        %get3A_3387 = vector.shape_cast %get3A_3386 : vector<16xf32> to vector<16xf32>
        %add3A_3388 = arith.constant 176 : i32
        %add3A_3389 = arith.addi %add3A_3332, %add3A_3388 : i32
        %get3A_3390 = arith.index_cast %add3A_3389 : i32 to index
        %get3A_3391 = tpu.vector_load %arg6[%get3A_3390] {strides = array<i32>} : memref<40016xf32, #tpu.memory_space<vmem>>, vector<16xf32>,
        %get3A_3392 = vector.shape_cast %get3A_3391 : vector<16xf32> to vector<16xf32>
        %add3A_3393 = arith.constant 192 : i32
        %add3A_3394 = arith.addi %add3A_3332, %add3A_3393 : i32
        %get3A_3395 = arith.index_cast %add3A_3394 : i32 to index
        %get3A_3396 = tpu.vector_load %arg6[%get3A_3395] {strides = array<i32>} : memref<40016xf32, #tpu.memory_space<vmem>>, vector<16xf32>,
        %get3A_3397 = vector.shape_cast %get3A_3396 : vector<16xf32> to vector<16xf32>
        %mul3A_3398 = arith.constant 0 : i32
        %mul3A_3399 = vector.broadcast %mul3A_3398 : i32 to vector<16xi32>
        %mul3A_3400 = arith.muli %iota3A, %mul3A_3399 : vector<16xi32>
        %add3A_3401 = arith.constant 12 : i32
        %add3A_3402 = vector.broadcast %add3A_3401 : i32 to vector<16xi32>
        %add3A_3403 = arith.addi %mul3A_3400, %add3A_3402 : vector<16xi32>
        %and3A_3404 = arith.constant 15 : i32
        %and3A_3405 = vector.broadcast %and3A_3404 : i32 to vector<16xi32>
        %and3A_3406 = arith.andi %add3A_3403, %and3A_3405 : vector<16xi32>
        %lt3A_3407 = arith.constant 0 : i32
        %lt3A_3408 = vector.broadcast %lt3A_3407 : i32 to vector<16xi32>
        %lt3A_3409 = arith.cmpi slt, %and3A_3406, %lt3A_3408 : vector<16xi32>
        %add3A_3410 = arith.constant 16 : i32
        %add3A_3411 = vector.broadcast %add3A_3410 : i32 to vector<16xi32>
        %add3A_3412 = arith.addi %and3A_3406, %add3A_3411 : vector<16xi32>
        %select_n3A_3413 = arith.select %lt3A_3409, %add3A_3412, %and3A_3406 : vector<16xi1>, vector<16xi32>
        %broadcast_in_dim3A_3414 = vector.shape_cast %select_n3A_3413 : vector<16xi32> to vector<16x1xi32>
        %gather3A_3415 = vector.shape_cast %broadcast_in_dim3A_3414 : vector<16x1xi32> to vector<16xi32>
        %gather3A_3416 = tpu.dynamic_gather %get3A_144[%gather3A_3415] in [0] : vector<16xi32>, vector<16xi32> -> vector<16xi32>
        %mul3A_3417 = arith.constant 0 : i32
        %mul3A_3418 = vector.broadcast %mul3A_3417 : i32 to vector<16xi32>
        %mul3A_3419 = arith.muli %iota3A, %mul3A_3418 : vector<16xi32>
        %add3A_3420 = arith.constant 12 : i32
        %add3A_3421 = vector.broadcast %add3A_3420 : i32 to vector<16xi32>
        %add3A_3422 = arith.addi %mul3A_3419, %add3A_3421 : vector<16xi32>
        %add3A_3423 = arith.constant 1 : i32
        %add3A_3424 = vector.broadcast %add3A_3423 : i32 to vector<16xi32>
        %add3A_3425 = arith.addi %add3A_3422, %add3A_3424 : vector<16xi32>
        %and3A_3426 = arith.constant 15 : i32
        %and3A_3427 = vector.broadcast %and3A_3426 : i32 to vector<16xi32>
        %and3A_3428 = arith.andi %add3A_3425, %and3A_3427 : vector<16xi32>
        %lt3A_3429 = arith.constant 0 : i32
        %lt3A_3430 = vector.broadcast %lt3A_3429 : i32 to vector<16xi32>
        %lt3A_3431 = arith.cmpi slt, %and3A_3428, %lt3A_3430 : vector<16xi32>
        %add3A_3432 = arith.constant 16 : i32
        %add3A_3433 = vector.broadcast %add3A_3432 : i32 to vector<16xi32>
        %add3A_3434 = arith.addi %and3A_3428, %add3A_3433 : vector<16xi32>
        %select_n3A_3435 = arith.select %lt3A_3431, %add3A_3434, %and3A_3428 : vector<16xi1>, vector<16xi32>
        %broadcast_in_dim3A_3436 = vector.shape_cast %select_n3A_3435 : vector<16xi32> to vector<16x1xi32>
        %gather3A_3437 = vector.shape_cast %broadcast_in_dim3A_3436 : vector<16x1xi32> to vector<16xi32>
        %gather3A_3438 = tpu.dynamic_gather %get3A_144[%gather3A_3437] in [0] : vector<16xi32>, vector<16xi32> -> vector<16xi32>
        %add3A_3439 = arith.constant 0 : i32
        %add3A_3440 = vector.broadcast %add3A_3439 : i32 to vector<16xi32>
        %add3A_3441 = arith.addi %gather3A_3416, %add3A_3440 : vector<16xi32>
        %broadcast_in_dim3A_3442 = arith.constant 1.000000e+00 : f32
        %broadcast_in_dim3A_3443 = vector.broadcast %broadcast_in_dim3A_3442 : f32 to vector<16xf32>
        %mul3A_3444 = vector.broadcast %scan3A_118 : f32 to vector<16xf32>
        %mul3A_3445 = arith.mulf %mul3A_3444, %broadcast_in_dim3A_3443 : vector<16xf32>
        %max3A_3446 = arith.maximumf %mul3A_3445, %get3A_3337 : vector<16xf32>
        %max3A_3447 = arith.maximumf %max3A_3446, %get3A_3342 : vector<16xf32>
        %max3A_3448 = arith.maximumf %max3A_3447, %get3A_3347 : vector<16xf32>
        %max3A_3449 = arith.maximumf %max3A_3448, %get3A_3352 : vector<16xf32>
        %max3A_3450 = arith.maximumf %max3A_3449, %get3A_3357 : vector<16xf32>
        %max3A_3451 = arith.maximumf %max3A_3450, %get3A_3362 : vector<16xf32>
        %broadcast_in_dim3A_3452 = vector.broadcast %scan3A_118 : f32 to vector<16xf32>
        %select_n3A_3453 = arith.select %lt3A_2, %get3A_3367, %broadcast_in_dim3A_3452 : vector<16xi1>, vector<16xf32>
        %max3A_3454 = arith.maximumf %max3A_3451, %select_n3A_3453 : vector<16xf32>
        %lt3A_3455 = arith.constant 0 : i32
        %lt3A_3456 = vector.broadcast %lt3A_3455 : i32 to vector<16xi32>
        %lt3A_3457 = arith.cmpi slt, %and3A_99, %lt3A_3456 : vector<16xi32>
        %add3A_3458 = arith.constant 16 : i32
        %add3A_3459 = vector.broadcast %add3A_3458 : i32 to vector<16xi32>
        %add3A_3460 = arith.addi %and3A_99, %add3A_3459 : vector<16xi32>
        %select_n3A_3461 = arith.select %lt3A_3457, %add3A_3460, %and3A_99 : vector<16xi1>, vector<16xi32>
        %broadcast_in_dim3A_3462 = vector.shape_cast %select_n3A_3461 : vector<16xi32> to vector<16x1xi32>
        %gather3A_3463 = vector.shape_cast %broadcast_in_dim3A_3462 : vector<16x1xi32> to vector<16xi32>
        %gather3A_3464 = tpu.dynamic_gather %max3A_3454[%gather3A_3463] in [0] : vector<16xf32>, vector<16xi32> -> vector<16xf32>
        %max3A_3465 = arith.maximumf %max3A_3454, %gather3A_3464 : vector<16xf32>
        %lt3A_3466 = arith.constant 0 : i32
        %lt3A_3467 = vector.broadcast %lt3A_3466 : i32 to vector<16xi32>
        %lt3A_3468 = arith.cmpi slt, %and3A_105, %lt3A_3467 : vector<16xi32>
        %add3A_3469 = arith.constant 16 : i32
        %add3A_3470 = vector.broadcast %add3A_3469 : i32 to vector<16xi32>
        %add3A_3471 = arith.addi %and3A_105, %add3A_3470 : vector<16xi32>
        %select_n3A_3472 = arith.select %lt3A_3468, %add3A_3471, %and3A_105 : vector<16xi1>, vector<16xi32>
        %broadcast_in_dim3A_3473 = vector.shape_cast %select_n3A_3472 : vector<16xi32> to vector<16x1xi32>
        %gather3A_3474 = vector.shape_cast %broadcast_in_dim3A_3473 : vector<16x1xi32> to vector<16xi32>
        %gather3A_3475 = tpu.dynamic_gather %max3A_3465[%gather3A_3474] in [0] : vector<16xf32>, vector<16xi32> -> vector<16xf32>
        %max3A_3476 = arith.maximumf %max3A_3465, %gather3A_3475 : vector<16xf32>
        %lt3A_3477 = arith.constant 0 : i32
        %lt3A_3478 = vector.broadcast %lt3A_3477 : i32 to vector<16xi32>
        %lt3A_3479 = arith.cmpi slt, %and3A_111, %lt3A_3478 : vector<16xi32>
        %add3A_3480 = arith.constant 16 : i32
        %add3A_3481 = vector.broadcast %add3A_3480 : i32 to vector<16xi32>
        %add3A_3482 = arith.addi %and3A_111, %add3A_3481 : vector<16xi32>
        %select_n3A_3483 = arith.select %lt3A_3479, %add3A_3482, %and3A_111 : vector<16xi1>, vector<16xi32>
        %broadcast_in_dim3A_3484 = vector.shape_cast %select_n3A_3483 : vector<16xi32> to vector<16x1xi32>
        %gather3A_3485 = vector.shape_cast %broadcast_in_dim3A_3484 : vector<16x1xi32> to vector<16xi32>
        %gather3A_3486 = tpu.dynamic_gather %max3A_3476[%gather3A_3485] in [0] : vector<16xf32>, vector<16xi32> -> vector<16xf32>
        %max3A_3487 = arith.maximumf %max3A_3476, %gather3A_3486 : vector<16xf32>
        %lt3A_3488 = arith.constant 0 : i32
        %lt3A_3489 = vector.broadcast %lt3A_3488 : i32 to vector<16xi32>
        %lt3A_3490 = arith.cmpi slt, %and3A_117, %lt3A_3489 : vector<16xi32>
        %add3A_3491 = arith.constant 16 : i32
        %add3A_3492 = vector.broadcast %add3A_3491 : i32 to vector<16xi32>
        %add3A_3493 = arith.addi %and3A_117, %add3A_3492 : vector<16xi32>
        %select_n3A_3494 = arith.select %lt3A_3490, %add3A_3493, %and3A_117 : vector<16xi1>, vector<16xi32>
        %broadcast_in_dim3A_3495 = vector.shape_cast %select_n3A_3494 : vector<16xi32> to vector<16x1xi32>
        %gather3A_3496 = vector.shape_cast %broadcast_in_dim3A_3495 : vector<16x1xi32> to vector<16xi32>
        %gather3A_3497 = tpu.dynamic_gather %max3A_3487[%gather3A_3496] in [0] : vector<16xf32>, vector<16xi32> -> vector<16xf32>
        %max3A_3498 = arith.maximumf %max3A_3487, %gather3A_3497 : vector<16xf32>
        %broadcast_in_dim3A_3499 = arith.constant 1.000000e+00 : f32
        %broadcast_in_dim3A_3500 = vector.broadcast %broadcast_in_dim3A_3499 : f32 to vector<16xf32>
        %mul3A_3501 = vector.broadcast %scan3A_118 : f32 to vector<16xf32>
        %mul3A_3502 = arith.mulf %mul3A_3501, %broadcast_in_dim3A_3500 : vector<16xf32>
        %sub3A_3503 = arith.subf %get3A_3337, %max3A_3498 : vector<16xf32>
        %exp3A_3504 = math.exp %sub3A_3503 : vector<16xf32>
        %add3A_3505 = arith.addf %broadcast_in_dim3A_94, %exp3A_3504 : vector<16xf32>
        %eq3A_3506 = arith.cmpi eq, %add3A_57, %add3A_3441 : vector<16xi32>
        %broadcast_in_dim3A_3507 = vector.broadcast %scan3A_118 : f32 to vector<16xf32>
        %select_n3A_3508 = arith.select %eq3A_3506, %get3A_3337, %broadcast_in_dim3A_3507 : vector<16xi1>, vector<16xf32>
        %max3A_3509 = arith.maximumf %mul3A_3502, %select_n3A_3508 : vector<16xf32>
        %sub3A_3510 = arith.subf %get3A_3342, %max3A_3498 : vector<16xf32>
        %exp3A_3511 = math.exp %sub3A_3510 : vector<16xf32>
        %add3A_3512 = arith.addf %add3A_3505, %exp3A_3511 : vector<16xf32>
        %eq3A_3513 = arith.cmpi eq, %add3A_60, %add3A_3441 : vector<16xi32>
        %broadcast_in_dim3A_3514 = vector.broadcast %scan3A_118 : f32 to vector<16xf32>
        %select_n3A_3515 = arith.select %eq3A_3513, %get3A_3342, %broadcast_in_dim3A_3514 : vector<16xi1>, vector<16xf32>
        %max3A_3516 = arith.maximumf %max3A_3509, %select_n3A_3515 : vector<16xf32>
        %sub3A_3517 = arith.subf %get3A_3347, %max3A_3498 : vector<16xf32>
        %exp3A_3518 = math.exp %sub3A_3517 : vector<16xf32>
        %add3A_3519 = arith.addf %add3A_3512, %exp3A_3518 : vector<16xf32>
        %eq3A_3520 = arith.cmpi eq, %add3A_63, %add3A_3441 : vector<16xi32>
        %broadcast_in_dim3A_3521 = vector.broadcast %scan3A_118 : f32 to vector<16xf32>
        %select_n3A_3522 = arith.select %eq3A_3520, %get3A_3347, %broadcast_in_dim3A_3521 : vector<16xi1>, vector<16xf32>
        %max3A_3523 = arith.maximumf %max3A_3516, %select_n3A_3522 : vector<16xf32>
        %sub3A_3524 = arith.subf %get3A_3352, %max3A_3498 : vector<16xf32>
        %exp3A_3525 = math.exp %sub3A_3524 : vector<16xf32>
        %add3A_3526 = arith.addf %add3A_3519, %exp3A_3525 : vector<16xf32>
        %eq3A_3527 = arith.cmpi eq, %add3A_66, %add3A_3441 : vector<16xi32>
        %broadcast_in_dim3A_3528 = vector.broadcast %scan3A_118 : f32 to vector<16xf32>
        %select_n3A_3529 = arith.select %eq3A_3527, %get3A_3352, %broadcast_in_dim3A_3528 : vector<16xi1>, vector<16xf32>
        %max3A_3530 = arith.maximumf %max3A_3523, %select_n3A_3529 : vector<16xf32>
        %sub3A_3531 = arith.subf %get3A_3357, %max3A_3498 : vector<16xf32>
        %exp3A_3532 = math.exp %sub3A_3531 : vector<16xf32>
        %add3A_3533 = arith.addf %add3A_3526, %exp3A_3532 : vector<16xf32>
        %eq3A_3534 = arith.cmpi eq, %add3A_69, %add3A_3441 : vector<16xi32>
        %broadcast_in_dim3A_3535 = vector.broadcast %scan3A_118 : f32 to vector<16xf32>
        %select_n3A_3536 = arith.select %eq3A_3534, %get3A_3357, %broadcast_in_dim3A_3535 : vector<16xi1>, vector<16xf32>
        %max3A_3537 = arith.maximumf %max3A_3530, %select_n3A_3536 : vector<16xf32>
        %sub3A_3538 = arith.subf %get3A_3362, %max3A_3498 : vector<16xf32>
        %exp3A_3539 = math.exp %sub3A_3538 : vector<16xf32>
        %add3A_3540 = arith.addf %add3A_3533, %exp3A_3539 : vector<16xf32>
        %eq3A_3541 = arith.cmpi eq, %add3A_72, %add3A_3441 : vector<16xi32>
        %broadcast_in_dim3A_3542 = vector.broadcast %scan3A_118 : f32 to vector<16xf32>
        %select_n3A_3543 = arith.select %eq3A_3541, %get3A_3362, %broadcast_in_dim3A_3542 : vector<16xi1>, vector<16xf32>
        %max3A_3544 = arith.maximumf %max3A_3537, %select_n3A_3543 : vector<16xf32>
        %sub3A_3545 = arith.subf %get3A_3367, %max3A_3498 : vector<16xf32>
        %exp3A_3546 = math.exp %sub3A_3545 : vector<16xf32>
        %jit3A_3547 = arith.constant 0.000000e+00 : f32
        %broadcast_in_dim3A_3548 = vector.broadcast %jit3A_3547 : f32 to vector<16xf32>
        %select_n3A_3549 = arith.select %lt3A_2, %exp3A_3546, %broadcast_in_dim3A_3548 : vector<16xi1>, vector<16xf32>
        %add3A_3550 = arith.addf %add3A_3540, %select_n3A_3549 : vector<16xf32>
        %eq3A_3551 = arith.cmpi eq, %add3A_75, %add3A_3441 : vector<16xi32>
        %broadcast_in_dim3A_3552 = vector.broadcast %scan3A_118 : f32 to vector<16xf32>
        %select_n3A_3553 = arith.select %eq3A_3551, %get3A_3367, %broadcast_in_dim3A_3552 : vector<16xi1>, vector<16xf32>
        %max3A_3554 = arith.maximumf %max3A_3544, %select_n3A_3553 : vector<16xf32>
        %lt3A_3555 = arith.constant 0 : i32
        %lt3A_3556 = vector.broadcast %lt3A_3555 : i32 to vector<16xi32>
        %lt3A_3557 = arith.cmpi slt, %and3A_99, %lt3A_3556 : vector<16xi32>
        %add3A_3558 = arith.constant 16 : i32
        %add3A_3559 = vector.broadcast %add3A_3558 : i32 to vector<16xi32>
        %add3A_3560 = arith.addi %and3A_99, %add3A_3559 : vector<16xi32>
        %select_n3A_3561 = arith.select %lt3A_3557, %add3A_3560, %and3A_99 : vector<16xi1>, vector<16xi32>
        %broadcast_in_dim3A_3562 = vector.shape_cast %select_n3A_3561 : vector<16xi32> to vector<16x1xi32>
        %gather3A_3563 = vector.shape_cast %broadcast_in_dim3A_3562 : vector<16x1xi32> to vector<16xi32>
        %gather3A_3564 = tpu.dynamic_gather %add3A_3550[%gather3A_3563] in [0] : vector<16xf32>, vector<16xi32> -> vector<16xf32>
        %add3A_3565 = arith.addf %add3A_3550, %gather3A_3564 : vector<16xf32>
        %lt3A_3566 = arith.constant 0 : i32
        %lt3A_3567 = vector.broadcast %lt3A_3566 : i32 to vector<16xi32>
        %lt3A_3568 = arith.cmpi slt, %and3A_105, %lt3A_3567 : vector<16xi32>
        %add3A_3569 = arith.constant 16 : i32
        %add3A_3570 = vector.broadcast %add3A_3569 : i32 to vector<16xi32>
        %add3A_3571 = arith.addi %and3A_105, %add3A_3570 : vector<16xi32>
        %select_n3A_3572 = arith.select %lt3A_3568, %add3A_3571, %and3A_105 : vector<16xi1>, vector<16xi32>
        %broadcast_in_dim3A_3573 = vector.shape_cast %select_n3A_3572 : vector<16xi32> to vector<16x1xi32>
        %gather3A_3574 = vector.shape_cast %broadcast_in_dim3A_3573 : vector<16x1xi32> to vector<16xi32>
        %gather3A_3575 = tpu.dynamic_gather %add3A_3565[%gather3A_3574] in [0] : vector<16xf32>, vector<16xi32> -> vector<16xf32>
        %add3A_3576 = arith.addf %add3A_3565, %gather3A_3575 : vector<16xf32>
        %lt3A_3577 = arith.constant 0 : i32
        %lt3A_3578 = vector.broadcast %lt3A_3577 : i32 to vector<16xi32>
        %lt3A_3579 = arith.cmpi slt, %and3A_111, %lt3A_3578 : vector<16xi32>
        %add3A_3580 = arith.constant 16 : i32
        %add3A_3581 = vector.broadcast %add3A_3580 : i32 to vector<16xi32>
        %add3A_3582 = arith.addi %and3A_111, %add3A_3581 : vector<16xi32>
        %select_n3A_3583 = arith.select %lt3A_3579, %add3A_3582, %and3A_111 : vector<16xi1>, vector<16xi32>
        %broadcast_in_dim3A_3584 = vector.shape_cast %select_n3A_3583 : vector<16xi32> to vector<16x1xi32>
        %gather3A_3585 = vector.shape_cast %broadcast_in_dim3A_3584 : vector<16x1xi32> to vector<16xi32>
        %gather3A_3586 = tpu.dynamic_gather %add3A_3576[%gather3A_3585] in [0] : vector<16xf32>, vector<16xi32> -> vector<16xf32>
        %add3A_3587 = arith.addf %add3A_3576, %gather3A_3586 : vector<16xf32>
        %lt3A_3588 = arith.constant 0 : i32
        %lt3A_3589 = vector.broadcast %lt3A_3588 : i32 to vector<16xi32>
        %lt3A_3590 = arith.cmpi slt, %and3A_117, %lt3A_3589 : vector<16xi32>
        %add3A_3591 = arith.constant 16 : i32
        %add3A_3592 = vector.broadcast %add3A_3591 : i32 to vector<16xi32>
        %add3A_3593 = arith.addi %and3A_117, %add3A_3592 : vector<16xi32>
        %select_n3A_3594 = arith.select %lt3A_3590, %add3A_3593, %and3A_117 : vector<16xi1>, vector<16xi32>
        %broadcast_in_dim3A_3595 = vector.shape_cast %select_n3A_3594 : vector<16xi32> to vector<16x1xi32>
        %gather3A_3596 = vector.shape_cast %broadcast_in_dim3A_3595 : vector<16x1xi32> to vector<16xi32>
        %gather3A_3597 = tpu.dynamic_gather %add3A_3587[%gather3A_3596] in [0] : vector<16xf32>, vector<16xi32> -> vector<16xf32>
        %add3A_3598 = arith.addf %add3A_3587, %gather3A_3597 : vector<16xf32>
        %lt3A_3599 = arith.constant 0 : i32
        %lt3A_3600 = vector.broadcast %lt3A_3599 : i32 to vector<16xi32>
        %lt3A_3601 = arith.cmpi slt, %and3A_99, %lt3A_3600 : vector<16xi32>
        %add3A_3602 = arith.constant 16 : i32
        %add3A_3603 = vector.broadcast %add3A_3602 : i32 to vector<16xi32>
        %add3A_3604 = arith.addi %and3A_99, %add3A_3603 : vector<16xi32>
        %select_n3A_3605 = arith.select %lt3A_3601, %add3A_3604, %and3A_99 : vector<16xi1>, vector<16xi32>
        %broadcast_in_dim3A_3606 = vector.shape_cast %select_n3A_3605 : vector<16xi32> to vector<16x1xi32>
        %gather3A_3607 = vector.shape_cast %broadcast_in_dim3A_3606 : vector<16x1xi32> to vector<16xi32>
        %gather3A_3608 = tpu.dynamic_gather %max3A_3554[%gather3A_3607] in [0] : vector<16xf32>, vector<16xi32> -> vector<16xf32>
        %max3A_3609 = arith.maximumf %max3A_3554, %gather3A_3608 : vector<16xf32>
        %lt3A_3610 = arith.constant 0 : i32
        %lt3A_3611 = vector.broadcast %lt3A_3610 : i32 to vector<16xi32>
        %lt3A_3612 = arith.cmpi slt, %and3A_105, %lt3A_3611 : vector<16xi32>
        %add3A_3613 = arith.constant 16 : i32
        %add3A_3614 = vector.broadcast %add3A_3613 : i32 to vector<16xi32>
        %add3A_3615 = arith.addi %and3A_105, %add3A_3614 : vector<16xi32>
        %select_n3A_3616 = arith.select %lt3A_3612, %add3A_3615, %and3A_105 : vector<16xi1>, vector<16xi32>
        %broadcast_in_dim3A_3617 = vector.shape_cast %select_n3A_3616 : vector<16xi32> to vector<16x1xi32>
        %gather3A_3618 = vector.shape_cast %broadcast_in_dim3A_3617 : vector<16x1xi32> to vector<16xi32>
        %gather3A_3619 = tpu.dynamic_gather %max3A_3609[%gather3A_3618] in [0] : vector<16xf32>, vector<16xi32> -> vector<16xf32>
        %max3A_3620 = arith.maximumf %max3A_3609, %gather3A_3619 : vector<16xf32>
        %lt3A_3621 = arith.constant 0 : i32
        %lt3A_3622 = vector.broadcast %lt3A_3621 : i32 to vector<16xi32>
        %lt3A_3623 = arith.cmpi slt, %and3A_111, %lt3A_3622 : vector<16xi32>
        %add3A_3624 = arith.constant 16 : i32
        %add3A_3625 = vector.broadcast %add3A_3624 : i32 to vector<16xi32>
        %add3A_3626 = arith.addi %and3A_111, %add3A_3625 : vector<16xi32>
        %select_n3A_3627 = arith.select %lt3A_3623, %add3A_3626, %and3A_111 : vector<16xi1>, vector<16xi32>
        %broadcast_in_dim3A_3628 = vector.shape_cast %select_n3A_3627 : vector<16xi32> to vector<16x1xi32>
        %gather3A_3629 = vector.shape_cast %broadcast_in_dim3A_3628 : vector<16x1xi32> to vector<16xi32>
        %gather3A_3630 = tpu.dynamic_gather %max3A_3620[%gather3A_3629] in [0] : vector<16xf32>, vector<16xi32> -> vector<16xf32>
        %max3A_3631 = arith.maximumf %max3A_3620, %gather3A_3630 : vector<16xf32>
        %lt3A_3632 = arith.constant 0 : i32
        %lt3A_3633 = vector.broadcast %lt3A_3632 : i32 to vector<16xi32>
        %lt3A_3634 = arith.cmpi slt, %and3A_117, %lt3A_3633 : vector<16xi32>
        %add3A_3635 = arith.constant 16 : i32
        %add3A_3636 = vector.broadcast %add3A_3635 : i32 to vector<16xi32>
        %add3A_3637 = arith.addi %and3A_117, %add3A_3636 : vector<16xi32>
        %select_n3A_3638 = arith.select %lt3A_3634, %add3A_3637, %and3A_117 : vector<16xi1>, vector<16xi32>
        %broadcast_in_dim3A_3639 = vector.shape_cast %select_n3A_3638 : vector<16xi32> to vector<16x1xi32>
        %gather3A_3640 = vector.shape_cast %broadcast_in_dim3A_3639 : vector<16x1xi32> to vector<16xi32>
        %gather3A_3641 = tpu.dynamic_gather %max3A_3631[%gather3A_3640] in [0] : vector<16xf32>, vector<16xi32> -> vector<16xf32>
        %max3A_3642 = arith.maximumf %max3A_3631, %gather3A_3641 : vector<16xf32>
        %add3A_3643 = arith.constant 100 : i32
        %add3A_3644 = vector.broadcast %add3A_3643 : i32 to vector<16xi32>
        %add3A_3645 = arith.addi %gather3A_3438, %add3A_3644 : vector<16xi32>
        %broadcast_in_dim3A_3646 = arith.constant 1.000000e+00 : f32
        %broadcast_in_dim3A_3647 = vector.broadcast %broadcast_in_dim3A_3646 : f32 to vector<16xf32>
        %mul3A_3648 = vector.broadcast %scan3A_118 : f32 to vector<16xf32>
        %mul3A_3649 = arith.mulf %mul3A_3648, %broadcast_in_dim3A_3647 : vector<16xf32>
        %broadcast_in_dim3A_3650 = vector.broadcast %scan3A_118 : f32 to vector<16xf32>
        %select_n3A_3651 = arith.select %ge3A_4, %get3A_3367, %broadcast_in_dim3A_3650 : vector<16xi1>, vector<16xf32>
        %max3A_3652 = arith.maximumf %mul3A_3649, %select_n3A_3651 : vector<16xf32>
        %max3A_3653 = arith.maximumf %max3A_3652, %get3A_3372 : vector<16xf32>
        %max3A_3654 = arith.maximumf %max3A_3653, %get3A_3377 : vector<16xf32>
        %max3A_3655 = arith.maximumf %max3A_3654, %get3A_3382 : vector<16xf32>
        %max3A_3656 = arith.maximumf %max3A_3655, %get3A_3387 : vector<16xf32>
        %max3A_3657 = arith.maximumf %max3A_3656, %get3A_3392 : vector<16xf32>
        %broadcast_in_dim3A_3658 = vector.broadcast %scan3A_118 : f32 to vector<16xf32>
        %select_n3A_3659 = arith.select %lt3A_7, %get3A_3397, %broadcast_in_dim3A_3658 : vector<16xi1>, vector<16xf32>
        %max3A_3660 = arith.maximumf %max3A_3657, %select_n3A_3659 : vector<16xf32>
        %lt3A_3661 = arith.constant 0 : i32
        %lt3A_3662 = vector.broadcast %lt3A_3661 : i32 to vector<16xi32>
        %lt3A_3663 = arith.cmpi slt, %and3A_99, %lt3A_3662 : vector<16xi32>
        %add3A_3664 = arith.constant 16 : i32
        %add3A_3665 = vector.broadcast %add3A_3664 : i32 to vector<16xi32>
        %add3A_3666 = arith.addi %and3A_99, %add3A_3665 : vector<16xi32>
        %select_n3A_3667 = arith.select %lt3A_3663, %add3A_3666, %and3A_99 : vector<16xi1>, vector<16xi32>
        %broadcast_in_dim3A_3668 = vector.shape_cast %select_n3A_3667 : vector<16xi32> to vector<16x1xi32>
        %gather3A_3669 = vector.shape_cast %broadcast_in_dim3A_3668 : vector<16x1xi32> to vector<16xi32>
        %gather3A_3670 = tpu.dynamic_gather %max3A_3660[%gather3A_3669] in [0] : vector<16xf32>, vector<16xi32> -> vector<16xf32>
        %max3A_3671 = arith.maximumf %max3A_3660, %gather3A_3670 : vector<16xf32>
        %lt3A_3672 = arith.constant 0 : i32
        %lt3A_3673 = vector.broadcast %lt3A_3672 : i32 to vector<16xi32>
        %lt3A_3674 = arith.cmpi slt, %and3A_105, %lt3A_3673 : vector<16xi32>
        %add3A_3675 = arith.constant 16 : i32
        %add3A_3676 = vector.broadcast %add3A_3675 : i32 to vector<16xi32>
        %add3A_3677 = arith.addi %and3A_105, %add3A_3676 : vector<16xi32>
        %select_n3A_3678 = arith.select %lt3A_3674, %add3A_3677, %and3A_105 : vector<16xi1>, vector<16xi32>
        %broadcast_in_dim3A_3679 = vector.shape_cast %select_n3A_3678 : vector<16xi32> to vector<16x1xi32>
        %gather3A_3680 = vector.shape_cast %broadcast_in_dim3A_3679 : vector<16x1xi32> to vector<16xi32>
        %gather3A_3681 = tpu.dynamic_gather %max3A_3671[%gather3A_3680] in [0] : vector<16xf32>, vector<16xi32> -> vector<16xf32>
        %max3A_3682 = arith.maximumf %max3A_3671, %gather3A_3681 : vector<16xf32>
        %lt3A_3683 = arith.constant 0 : i32
        %lt3A_3684 = vector.broadcast %lt3A_3683 : i32 to vector<16xi32>
        %lt3A_3685 = arith.cmpi slt, %and3A_111, %lt3A_3684 : vector<16xi32>
        %add3A_3686 = arith.constant 16 : i32
        %add3A_3687 = vector.broadcast %add3A_3686 : i32 to vector<16xi32>
        %add3A_3688 = arith.addi %and3A_111, %add3A_3687 : vector<16xi32>
        %select_n3A_3689 = arith.select %lt3A_3685, %add3A_3688, %and3A_111 : vector<16xi1>, vector<16xi32>
        %broadcast_in_dim3A_3690 = vector.shape_cast %select_n3A_3689 : vector<16xi32> to vector<16x1xi32>
        %gather3A_3691 = vector.shape_cast %broadcast_in_dim3A_3690 : vector<16x1xi32> to vector<16xi32>
        %gather3A_3692 = tpu.dynamic_gather %max3A_3682[%gather3A_3691] in [0] : vector<16xf32>, vector<16xi32> -> vector<16xf32>
        %max3A_3693 = arith.maximumf %max3A_3682, %gather3A_3692 : vector<16xf32>
        %lt3A_3694 = arith.constant 0 : i32
        %lt3A_3695 = vector.broadcast %lt3A_3694 : i32 to vector<16xi32>
        %lt3A_3696 = arith.cmpi slt, %and3A_117, %lt3A_3695 : vector<16xi32>
        %add3A_3697 = arith.constant 16 : i32
        %add3A_3698 = vector.broadcast %add3A_3697 : i32 to vector<16xi32>
        %add3A_3699 = arith.addi %and3A_117, %add3A_3698 : vector<16xi32>
        %select_n3A_3700 = arith.select %lt3A_3696, %add3A_3699, %and3A_117 : vector<16xi1>, vector<16xi32>
        %broadcast_in_dim3A_3701 = vector.shape_cast %select_n3A_3700 : vector<16xi32> to vector<16x1xi32>
        %gather3A_3702 = vector.shape_cast %broadcast_in_dim3A_3701 : vector<16x1xi32> to vector<16xi32>
        %gather3A_3703 = tpu.dynamic_gather %max3A_3693[%gather3A_3702] in [0] : vector<16xf32>, vector<16xi32> -> vector<16xf32>
        %max3A_3704 = arith.maximumf %max3A_3693, %gather3A_3703 : vector<16xf32>
        %broadcast_in_dim3A_3705 = arith.constant 1.000000e+00 : f32
        %broadcast_in_dim3A_3706 = vector.broadcast %broadcast_in_dim3A_3705 : f32 to vector<16xf32>
        %mul3A_3707 = vector.broadcast %scan3A_118 : f32 to vector<16xf32>
        %mul3A_3708 = arith.mulf %mul3A_3707, %broadcast_in_dim3A_3706 : vector<16xf32>
        %sub3A_3709 = arith.subf %get3A_3367, %max3A_3704 : vector<16xf32>
        %exp3A_3710 = math.exp %sub3A_3709 : vector<16xf32>
        %jit3A_3711 = arith.constant 0.000000e+00 : f32
        %broadcast_in_dim3A_3712 = vector.broadcast %jit3A_3711 : f32 to vector<16xf32>
        %select_n3A_3713 = arith.select %ge3A_4, %exp3A_3710, %broadcast_in_dim3A_3712 : vector<16xi1>, vector<16xf32>
        %add3A_3714 = arith.addf %broadcast_in_dim3A_94, %select_n3A_3713 : vector<16xf32>
        %eq3A_3715 = arith.cmpi eq, %add3A_75, %add3A_3645 : vector<16xi32>
        %broadcast_in_dim3A_3716 = vector.broadcast %scan3A_118 : f32 to vector<16xf32>
        %select_n3A_3717 = arith.select %eq3A_3715, %get3A_3367, %broadcast_in_dim3A_3716 : vector<16xi1>, vector<16xf32>
        %max3A_3718 = arith.maximumf %mul3A_3708, %select_n3A_3717 : vector<16xf32>
        %sub3A_3719 = arith.subf %get3A_3372, %max3A_3704 : vector<16xf32>
        %exp3A_3720 = math.exp %sub3A_3719 : vector<16xf32>
        %add3A_3721 = arith.addf %add3A_3714, %exp3A_3720 : vector<16xf32>
        %eq3A_3722 = arith.cmpi eq, %add3A_78, %add3A_3645 : vector<16xi32>
        %broadcast_in_dim3A_3723 = vector.broadcast %scan3A_118 : f32 to vector<16xf32>
        %select_n3A_3724 = arith.select %eq3A_3722, %get3A_3372, %broadcast_in_dim3A_3723 : vector<16xi1>, vector<16xf32>
        %max3A_3725 = arith.maximumf %max3A_3718, %select_n3A_3724 : vector<16xf32>
        %sub3A_3726 = arith.subf %get3A_3377, %max3A_3704 : vector<16xf32>
        %exp3A_3727 = math.exp %sub3A_3726 : vector<16xf32>
        %add3A_3728 = arith.addf %add3A_3721, %exp3A_3727 : vector<16xf32>
        %eq3A_3729 = arith.cmpi eq, %add3A_81, %add3A_3645 : vector<16xi32>
        %broadcast_in_dim3A_3730 = vector.broadcast %scan3A_118 : f32 to vector<16xf32>
        %select_n3A_3731 = arith.select %eq3A_3729, %get3A_3377, %broadcast_in_dim3A_3730 : vector<16xi1>, vector<16xf32>
        %max3A_3732 = arith.maximumf %max3A_3725, %select_n3A_3731 : vector<16xf32>
        %sub3A_3733 = arith.subf %get3A_3382, %max3A_3704 : vector<16xf32>
        %exp3A_3734 = math.exp %sub3A_3733 : vector<16xf32>
        %add3A_3735 = arith.addf %add3A_3728, %exp3A_3734 : vector<16xf32>
        %eq3A_3736 = arith.cmpi eq, %add3A_84, %add3A_3645 : vector<16xi32>
        %broadcast_in_dim3A_3737 = vector.broadcast %scan3A_118 : f32 to vector<16xf32>
        %select_n3A_3738 = arith.select %eq3A_3736, %get3A_3382, %broadcast_in_dim3A_3737 : vector<16xi1>, vector<16xf32>
        %max3A_3739 = arith.maximumf %max3A_3732, %select_n3A_3738 : vector<16xf32>
        %sub3A_3740 = arith.subf %get3A_3387, %max3A_3704 : vector<16xf32>
        %exp3A_3741 = math.exp %sub3A_3740 : vector<16xf32>
        %add3A_3742 = arith.addf %add3A_3735, %exp3A_3741 : vector<16xf32>
        %eq3A_3743 = arith.cmpi eq, %add3A_87, %add3A_3645 : vector<16xi32>
        %broadcast_in_dim3A_3744 = vector.broadcast %scan3A_118 : f32 to vector<16xf32>
        %select_n3A_3745 = arith.select %eq3A_3743, %get3A_3387, %broadcast_in_dim3A_3744 : vector<16xi1>, vector<16xf32>
        %max3A_3746 = arith.maximumf %max3A_3739, %select_n3A_3745 : vector<16xf32>
        %sub3A_3747 = arith.subf %get3A_3392, %max3A_3704 : vector<16xf32>
        %exp3A_3748 = math.exp %sub3A_3747 : vector<16xf32>
        %add3A_3749 = arith.addf %add3A_3742, %exp3A_3748 : vector<16xf32>
        %eq3A_3750 = arith.cmpi eq, %add3A_90, %add3A_3645 : vector<16xi32>
        %broadcast_in_dim3A_3751 = vector.broadcast %scan3A_118 : f32 to vector<16xf32>
        %select_n3A_3752 = arith.select %eq3A_3750, %get3A_3392, %broadcast_in_dim3A_3751 : vector<16xi1>, vector<16xf32>
        %max3A_3753 = arith.maximumf %max3A_3746, %select_n3A_3752 : vector<16xf32>
        %sub3A_3754 = arith.subf %get3A_3397, %max3A_3704 : vector<16xf32>
        %exp3A_3755 = math.exp %sub3A_3754 : vector<16xf32>
        %jit3A_3756 = arith.constant 0.000000e+00 : f32
        %broadcast_in_dim3A_3757 = vector.broadcast %jit3A_3756 : f32 to vector<16xf32>
        %select_n3A_3758 = arith.select %lt3A_7, %exp3A_3755, %broadcast_in_dim3A_3757 : vector<16xi1>, vector<16xf32>
        %add3A_3759 = arith.addf %add3A_3749, %select_n3A_3758 : vector<16xf32>
        %eq3A_3760 = arith.cmpi eq, %add3A_93, %add3A_3645 : vector<16xi32>
        %broadcast_in_dim3A_3761 = vector.broadcast %scan3A_118 : f32 to vector<16xf32>
        %select_n3A_3762 = arith.select %eq3A_3760, %get3A_3397, %broadcast_in_dim3A_3761 : vector<16xi1>, vector<16xf32>
        %max3A_3763 = arith.maximumf %max3A_3753, %select_n3A_3762 : vector<16xf32>
        %lt3A_3764 = arith.constant 0 : i32
        %lt3A_3765 = vector.broadcast %lt3A_3764 : i32 to vector<16xi32>
        %lt3A_3766 = arith.cmpi slt, %and3A_99, %lt3A_3765 : vector<16xi32>
        %add3A_3767 = arith.constant 16 : i32
        %add3A_3768 = vector.broadcast %add3A_3767 : i32 to vector<16xi32>
        %add3A_3769 = arith.addi %and3A_99, %add3A_3768 : vector<16xi32>
        %select_n3A_3770 = arith.select %lt3A_3766, %add3A_3769, %and3A_99 : vector<16xi1>, vector<16xi32>
        %broadcast_in_dim3A_3771 = vector.shape_cast %select_n3A_3770 : vector<16xi32> to vector<16x1xi32>
        %gather3A_3772 = vector.shape_cast %broadcast_in_dim3A_3771 : vector<16x1xi32> to vector<16xi32>
        %gather3A_3773 = tpu.dynamic_gather %add3A_3759[%gather3A_3772] in [0] : vector<16xf32>, vector<16xi32> -> vector<16xf32>
        %add3A_3774 = arith.addf %add3A_3759, %gather3A_3773 : vector<16xf32>
        %lt3A_3775 = arith.constant 0 : i32
        %lt3A_3776 = vector.broadcast %lt3A_3775 : i32 to vector<16xi32>
        %lt3A_3777 = arith.cmpi slt, %and3A_105, %lt3A_3776 : vector<16xi32>
        %add3A_3778 = arith.constant 16 : i32
        %add3A_3779 = vector.broadcast %add3A_3778 : i32 to vector<16xi32>
        %add3A_3780 = arith.addi %and3A_105, %add3A_3779 : vector<16xi32>
        %select_n3A_3781 = arith.select %lt3A_3777, %add3A_3780, %and3A_105 : vector<16xi1>, vector<16xi32>
        %broadcast_in_dim3A_3782 = vector.shape_cast %select_n3A_3781 : vector<16xi32> to vector<16x1xi32>
        %gather3A_3783 = vector.shape_cast %broadcast_in_dim3A_3782 : vector<16x1xi32> to vector<16xi32>
        %gather3A_3784 = tpu.dynamic_gather %add3A_3774[%gather3A_3783] in [0] : vector<16xf32>, vector<16xi32> -> vector<16xf32>
        %add3A_3785 = arith.addf %add3A_3774, %gather3A_3784 : vector<16xf32>
        %lt3A_3786 = arith.constant 0 : i32
        %lt3A_3787 = vector.broadcast %lt3A_3786 : i32 to vector<16xi32>
        %lt3A_3788 = arith.cmpi slt, %and3A_111, %lt3A_3787 : vector<16xi32>
        %add3A_3789 = arith.constant 16 : i32
        %add3A_3790 = vector.broadcast %add3A_3789 : i32 to vector<16xi32>
        %add3A_3791 = arith.addi %and3A_111, %add3A_3790 : vector<16xi32>
        %select_n3A_3792 = arith.select %lt3A_3788, %add3A_3791, %and3A_111 : vector<16xi1>, vector<16xi32>
        %broadcast_in_dim3A_3793 = vector.shape_cast %select_n3A_3792 : vector<16xi32> to vector<16x1xi32>
        %gather3A_3794 = vector.shape_cast %broadcast_in_dim3A_3793 : vector<16x1xi32> to vector<16xi32>
        %gather3A_3795 = tpu.dynamic_gather %add3A_3785[%gather3A_3794] in [0] : vector<16xf32>, vector<16xi32> -> vector<16xf32>
        %add3A_3796 = arith.addf %add3A_3785, %gather3A_3795 : vector<16xf32>
        %lt3A_3797 = arith.constant 0 : i32
        %lt3A_3798 = vector.broadcast %lt3A_3797 : i32 to vector<16xi32>
        %lt3A_3799 = arith.cmpi slt, %and3A_117, %lt3A_3798 : vector<16xi32>
        %add3A_3800 = arith.constant 16 : i32
        %add3A_3801 = vector.broadcast %add3A_3800 : i32 to vector<16xi32>
        %add3A_3802 = arith.addi %and3A_117, %add3A_3801 : vector<16xi32>
        %select_n3A_3803 = arith.select %lt3A_3799, %add3A_3802, %and3A_117 : vector<16xi1>, vector<16xi32>
        %broadcast_in_dim3A_3804 = vector.shape_cast %select_n3A_3803 : vector<16xi32> to vector<16x1xi32>
        %gather3A_3805 = vector.shape_cast %broadcast_in_dim3A_3804 : vector<16x1xi32> to vector<16xi32>
        %gather3A_3806 = tpu.dynamic_gather %add3A_3796[%gather3A_3805] in [0] : vector<16xf32>, vector<16xi32> -> vector<16xf32>
        %add3A_3807 = arith.addf %add3A_3796, %gather3A_3806 : vector<16xf32>
        %lt3A_3808 = arith.constant 0 : i32
        %lt3A_3809 = vector.broadcast %lt3A_3808 : i32 to vector<16xi32>
        %lt3A_3810 = arith.cmpi slt, %and3A_99, %lt3A_3809 : vector<16xi32>
        %add3A_3811 = arith.constant 16 : i32
        %add3A_3812 = vector.broadcast %add3A_3811 : i32 to vector<16xi32>
        %add3A_3813 = arith.addi %and3A_99, %add3A_3812 : vector<16xi32>
        %select_n3A_3814 = arith.select %lt3A_3810, %add3A_3813, %and3A_99 : vector<16xi1>, vector<16xi32>
        %broadcast_in_dim3A_3815 = vector.shape_cast %select_n3A_3814 : vector<16xi32> to vector<16x1xi32>
        %gather3A_3816 = vector.shape_cast %broadcast_in_dim3A_3815 : vector<16x1xi32> to vector<16xi32>
        %gather3A_3817 = tpu.dynamic_gather %max3A_3763[%gather3A_3816] in [0] : vector<16xf32>, vector<16xi32> -> vector<16xf32>
        %max3A_3818 = arith.maximumf %max3A_3763, %gather3A_3817 : vector<16xf32>
        %lt3A_3819 = arith.constant 0 : i32
        %lt3A_3820 = vector.broadcast %lt3A_3819 : i32 to vector<16xi32>
        %lt3A_3821 = arith.cmpi slt, %and3A_105, %lt3A_3820 : vector<16xi32>
        %add3A_3822 = arith.constant 16 : i32
        %add3A_3823 = vector.broadcast %add3A_3822 : i32 to vector<16xi32>
        %add3A_3824 = arith.addi %and3A_105, %add3A_3823 : vector<16xi32>
        %select_n3A_3825 = arith.select %lt3A_3821, %add3A_3824, %and3A_105 : vector<16xi1>, vector<16xi32>
        %broadcast_in_dim3A_3826 = vector.shape_cast %select_n3A_3825 : vector<16xi32> to vector<16x1xi32>
        %gather3A_3827 = vector.shape_cast %broadcast_in_dim3A_3826 : vector<16x1xi32> to vector<16xi32>
        %gather3A_3828 = tpu.dynamic_gather %max3A_3818[%gather3A_3827] in [0] : vector<16xf32>, vector<16xi32> -> vector<16xf32>
        %max3A_3829 = arith.maximumf %max3A_3818, %gather3A_3828 : vector<16xf32>
        %lt3A_3830 = arith.constant 0 : i32
        %lt3A_3831 = vector.broadcast %lt3A_3830 : i32 to vector<16xi32>
        %lt3A_3832 = arith.cmpi slt, %and3A_111, %lt3A_3831 : vector<16xi32>
        %add3A_3833 = arith.constant 16 : i32
        %add3A_3834 = vector.broadcast %add3A_3833 : i32 to vector<16xi32>
        %add3A_3835 = arith.addi %and3A_111, %add3A_3834 : vector<16xi32>
        %select_n3A_3836 = arith.select %lt3A_3832, %add3A_3835, %and3A_111 : vector<16xi1>, vector<16xi32>
        %broadcast_in_dim3A_3837 = vector.shape_cast %select_n3A_3836 : vector<16xi32> to vector<16x1xi32>
        %gather3A_3838 = vector.shape_cast %broadcast_in_dim3A_3837 : vector<16x1xi32> to vector<16xi32>
        %gather3A_3839 = tpu.dynamic_gather %max3A_3829[%gather3A_3838] in [0] : vector<16xf32>, vector<16xi32> -> vector<16xf32>
        %max3A_3840 = arith.maximumf %max3A_3829, %gather3A_3839 : vector<16xf32>
        %lt3A_3841 = arith.constant 0 : i32
        %lt3A_3842 = vector.broadcast %lt3A_3841 : i32 to vector<16xi32>
        %lt3A_3843 = arith.cmpi slt, %and3A_117, %lt3A_3842 : vector<16xi32>
        %add3A_3844 = arith.constant 16 : i32
        %add3A_3845 = vector.broadcast %add3A_3844 : i32 to vector<16xi32>
        %add3A_3846 = arith.addi %and3A_117, %add3A_3845 : vector<16xi32>
        %select_n3A_3847 = arith.select %lt3A_3843, %add3A_3846, %and3A_117 : vector<16xi1>, vector<16xi32>
        %broadcast_in_dim3A_3848 = vector.shape_cast %select_n3A_3847 : vector<16xi32> to vector<16x1xi32>
        %gather3A_3849 = vector.shape_cast %broadcast_in_dim3A_3848 : vector<16x1xi32> to vector<16xi32>
        %gather3A_3850 = tpu.dynamic_gather %max3A_3840[%gather3A_3849] in [0] : vector<16xf32>, vector<16xi32> -> vector<16xf32>
        %max3A_3851 = arith.maximumf %max3A_3840, %gather3A_3850 : vector<16xf32>
        %select_n3A_3852 = arith.select %eq3A_45, %max3A_3498, %select_n3A_3322 : vector<16xi1>, vector<16xf32>
        %select_n3A_3853 = arith.select %eq3A_48, %max3A_3704, %select_n3A_3852 : vector<16xi1>, vector<16xf32>
        %select_n3A_3854 = arith.select %eq3A_45, %add3A_3598, %select_n3A_3324 : vector<16xi1>, vector<16xf32>
        %select_n3A_3855 = arith.select %eq3A_48, %add3A_3807, %select_n3A_3854 : vector<16xi1>, vector<16xf32>
        %select_n3A_3856 = arith.select %eq3A_45, %max3A_3642, %select_n3A_3326 : vector<16xi1>, vector<16xf32>
        %select_n3A_3857 = arith.select %eq3A_48, %max3A_3851, %select_n3A_3856 : vector<16xi1>, vector<16xf32>
        %mul3A_3858 = arith.constant 16 : i32
        %mul3A_3859 = arith.muli %scan3A_140, %mul3A_3858 : i32
        %mul3A_3860 = arith.constant 100 : i32
        %mul3A_3861 = arith.muli %mul3A_3859, %mul3A_3860 : i32
        %add3A_3862 = arith.constant 1400 : i32
        %add3A_3863 = arith.addi %mul3A_3861, %add3A_3862 : i32
        %add3A_3864 = arith.constant 0 : i32
        %add3A_3865 = arith.addi %add3A_3863, %add3A_3864 : i32
        %get3A_3866 = arith.index_cast %add3A_3865 : i32 to index
        %get3A_3867 = tpu.vector_load %arg6[%get3A_3866] {strides = array<i32>} : memref<40016xf32, #tpu.memory_space<vmem>>, vector<16xf32>,
        %get3A_3868 = vector.shape_cast %get3A_3867 : vector<16xf32> to vector<16xf32>
        %add3A_3869 = arith.constant 16 : i32
        %add3A_3870 = arith.addi %add3A_3863, %add3A_3869 : i32
        %get3A_3871 = arith.index_cast %add3A_3870 : i32 to index
        %get3A_3872 = tpu.vector_load %arg6[%get3A_3871] {strides = array<i32>} : memref<40016xf32, #tpu.memory_space<vmem>>, vector<16xf32>,
        %get3A_3873 = vector.shape_cast %get3A_3872 : vector<16xf32> to vector<16xf32>
        %add3A_3874 = arith.constant 32 : i32
        %add3A_3875 = arith.addi %add3A_3863, %add3A_3874 : i32
        %get3A_3876 = arith.index_cast %add3A_3875 : i32 to index
        %get3A_3877 = tpu.vector_load %arg6[%get3A_3876] {strides = array<i32>} : memref<40016xf32, #tpu.memory_space<vmem>>, vector<16xf32>,
        %get3A_3878 = vector.shape_cast %get3A_3877 : vector<16xf32> to vector<16xf32>
        %add3A_3879 = arith.constant 48 : i32
        %add3A_3880 = arith.addi %add3A_3863, %add3A_3879 : i32
        %get3A_3881 = arith.index_cast %add3A_3880 : i32 to index
        %get3A_3882 = tpu.vector_load %arg6[%get3A_3881] {strides = array<i32>} : memref<40016xf32, #tpu.memory_space<vmem>>, vector<16xf32>,
        %get3A_3883 = vector.shape_cast %get3A_3882 : vector<16xf32> to vector<16xf32>
        %add3A_3884 = arith.constant 64 : i32
        %add3A_3885 = arith.addi %add3A_3863, %add3A_3884 : i32
        %get3A_3886 = arith.index_cast %add3A_3885 : i32 to index
        %get3A_3887 = tpu.vector_load %arg6[%get3A_3886] {strides = array<i32>} : memref<40016xf32, #tpu.memory_space<vmem>>, vector<16xf32>,
        %get3A_3888 = vector.shape_cast %get3A_3887 : vector<16xf32> to vector<16xf32>
        %add3A_3889 = arith.constant 80 : i32
        %add3A_3890 = arith.addi %add3A_3863, %add3A_3889 : i32
        %get3A_3891 = arith.index_cast %add3A_3890 : i32 to index
        %get3A_3892 = tpu.vector_load %arg6[%get3A_3891] {strides = array<i32>} : memref<40016xf32, #tpu.memory_space<vmem>>, vector<16xf32>,
        %get3A_3893 = vector.shape_cast %get3A_3892 : vector<16xf32> to vector<16xf32>
        %add3A_3894 = arith.constant 96 : i32
        %add3A_3895 = arith.addi %add3A_3863, %add3A_3894 : i32
        %get3A_3896 = arith.index_cast %add3A_3895 : i32 to index
        %get3A_3897 = tpu.vector_load %arg6[%get3A_3896] {strides = array<i32>} : memref<40016xf32, #tpu.memory_space<vmem>>, vector<16xf32>,
        %get3A_3898 = vector.shape_cast %get3A_3897 : vector<16xf32> to vector<16xf32>
        %add3A_3899 = arith.constant 112 : i32
        %add3A_3900 = arith.addi %add3A_3863, %add3A_3899 : i32
        %get3A_3901 = arith.index_cast %add3A_3900 : i32 to index
        %get3A_3902 = tpu.vector_load %arg6[%get3A_3901] {strides = array<i32>} : memref<40016xf32, #tpu.memory_space<vmem>>, vector<16xf32>,
        %get3A_3903 = vector.shape_cast %get3A_3902 : vector<16xf32> to vector<16xf32>
        %add3A_3904 = arith.constant 128 : i32
        %add3A_3905 = arith.addi %add3A_3863, %add3A_3904 : i32
        %get3A_3906 = arith.index_cast %add3A_3905 : i32 to index
        %get3A_3907 = tpu.vector_load %arg6[%get3A_3906] {strides = array<i32>} : memref<40016xf32, #tpu.memory_space<vmem>>, vector<16xf32>,
        %get3A_3908 = vector.shape_cast %get3A_3907 : vector<16xf32> to vector<16xf32>
        %add3A_3909 = arith.constant 144 : i32
        %add3A_3910 = arith.addi %add3A_3863, %add3A_3909 : i32
        %get3A_3911 = arith.index_cast %add3A_3910 : i32 to index
        %get3A_3912 = tpu.vector_load %arg6[%get3A_3911] {strides = array<i32>} : memref<40016xf32, #tpu.memory_space<vmem>>, vector<16xf32>,
        %get3A_3913 = vector.shape_cast %get3A_3912 : vector<16xf32> to vector<16xf32>
        %add3A_3914 = arith.constant 160 : i32
        %add3A_3915 = arith.addi %add3A_3863, %add3A_3914 : i32
        %get3A_3916 = arith.index_cast %add3A_3915 : i32 to index
        %get3A_3917 = tpu.vector_load %arg6[%get3A_3916] {strides = array<i32>} : memref<40016xf32, #tpu.memory_space<vmem>>, vector<16xf32>,
        %get3A_3918 = vector.shape_cast %get3A_3917 : vector<16xf32> to vector<16xf32>
        %add3A_3919 = arith.constant 176 : i32
        %add3A_3920 = arith.addi %add3A_3863, %add3A_3919 : i32
        %get3A_3921 = arith.index_cast %add3A_3920 : i32 to index
        %get3A_3922 = tpu.vector_load %arg6[%get3A_3921] {strides = array<i32>} : memref<40016xf32, #tpu.memory_space<vmem>>, vector<16xf32>,
        %get3A_3923 = vector.shape_cast %get3A_3922 : vector<16xf32> to vector<16xf32>
        %add3A_3924 = arith.constant 192 : i32
        %add3A_3925 = arith.addi %add3A_3863, %add3A_3924 : i32
        %get3A_3926 = arith.index_cast %add3A_3925 : i32 to index
        %get3A_3927 = tpu.vector_load %arg6[%get3A_3926] {strides = array<i32>} : memref<40016xf32, #tpu.memory_space<vmem>>, vector<16xf32>,
        %get3A_3928 = vector.shape_cast %get3A_3927 : vector<16xf32> to vector<16xf32>
        %mul3A_3929 = arith.constant 0 : i32
        %mul3A_3930 = vector.broadcast %mul3A_3929 : i32 to vector<16xi32>
        %mul3A_3931 = arith.muli %iota3A, %mul3A_3930 : vector<16xi32>
        %add3A_3932 = arith.constant 14 : i32
        %add3A_3933 = vector.broadcast %add3A_3932 : i32 to vector<16xi32>
        %add3A_3934 = arith.addi %mul3A_3931, %add3A_3933 : vector<16xi32>
        %and3A_3935 = arith.constant 15 : i32
        %and3A_3936 = vector.broadcast %and3A_3935 : i32 to vector<16xi32>
        %and3A_3937 = arith.andi %add3A_3934, %and3A_3936 : vector<16xi32>
        %lt3A_3938 = arith.constant 0 : i32
        %lt3A_3939 = vector.broadcast %lt3A_3938 : i32 to vector<16xi32>
        %lt3A_3940 = arith.cmpi slt, %and3A_3937, %lt3A_3939 : vector<16xi32>
        %add3A_3941 = arith.constant 16 : i32
        %add3A_3942 = vector.broadcast %add3A_3941 : i32 to vector<16xi32>
        %add3A_3943 = arith.addi %and3A_3937, %add3A_3942 : vector<16xi32>
        %select_n3A_3944 = arith.select %lt3A_3940, %add3A_3943, %and3A_3937 : vector<16xi1>, vector<16xi32>
        %broadcast_in_dim3A_3945 = vector.shape_cast %select_n3A_3944 : vector<16xi32> to vector<16x1xi32>
        %gather3A_3946 = vector.shape_cast %broadcast_in_dim3A_3945 : vector<16x1xi32> to vector<16xi32>
        %gather3A_3947 = tpu.dynamic_gather %get3A_144[%gather3A_3946] in [0] : vector<16xi32>, vector<16xi32> -> vector<16xi32>
        %mul3A_3948 = arith.constant 0 : i32
        %mul3A_3949 = vector.broadcast %mul3A_3948 : i32 to vector<16xi32>
        %mul3A_3950 = arith.muli %iota3A, %mul3A_3949 : vector<16xi32>
        %add3A_3951 = arith.constant 14 : i32
        %add3A_3952 = vector.broadcast %add3A_3951 : i32 to vector<16xi32>
        %add3A_3953 = arith.addi %mul3A_3950, %add3A_3952 : vector<16xi32>
        %add3A_3954 = arith.constant 1 : i32
        %add3A_3955 = vector.broadcast %add3A_3954 : i32 to vector<16xi32>
        %add3A_3956 = arith.addi %add3A_3953, %add3A_3955 : vector<16xi32>
        %and3A_3957 = arith.constant 15 : i32
        %and3A_3958 = vector.broadcast %and3A_3957 : i32 to vector<16xi32>
        %and3A_3959 = arith.andi %add3A_3956, %and3A_3958 : vector<16xi32>
        %lt3A_3960 = arith.constant 0 : i32
        %lt3A_3961 = vector.broadcast %lt3A_3960 : i32 to vector<16xi32>
        %lt3A_3962 = arith.cmpi slt, %and3A_3959, %lt3A_3961 : vector<16xi32>
        %add3A_3963 = arith.constant 16 : i32
        %add3A_3964 = vector.broadcast %add3A_3963 : i32 to vector<16xi32>
        %add3A_3965 = arith.addi %and3A_3959, %add3A_3964 : vector<16xi32>
        %select_n3A_3966 = arith.select %lt3A_3962, %add3A_3965, %and3A_3959 : vector<16xi1>, vector<16xi32>
        %broadcast_in_dim3A_3967 = vector.shape_cast %select_n3A_3966 : vector<16xi32> to vector<16x1xi32>
        %gather3A_3968 = vector.shape_cast %broadcast_in_dim3A_3967 : vector<16x1xi32> to vector<16xi32>
        %gather3A_3969 = tpu.dynamic_gather %get3A_144[%gather3A_3968] in [0] : vector<16xi32>, vector<16xi32> -> vector<16xi32>
        %add3A_3970 = arith.constant 0 : i32
        %add3A_3971 = vector.broadcast %add3A_3970 : i32 to vector<16xi32>
        %add3A_3972 = arith.addi %gather3A_3947, %add3A_3971 : vector<16xi32>
        %broadcast_in_dim3A_3973 = arith.constant 1.000000e+00 : f32
        %broadcast_in_dim3A_3974 = vector.broadcast %broadcast_in_dim3A_3973 : f32 to vector<16xf32>
        %mul3A_3975 = vector.broadcast %scan3A_118 : f32 to vector<16xf32>
        %mul3A_3976 = arith.mulf %mul3A_3975, %broadcast_in_dim3A_3974 : vector<16xf32>
        %max3A_3977 = arith.maximumf %mul3A_3976, %get3A_3868 : vector<16xf32>
        %max3A_3978 = arith.maximumf %max3A_3977, %get3A_3873 : vector<16xf32>
        %max3A_3979 = arith.maximumf %max3A_3978, %get3A_3878 : vector<16xf32>
        %max3A_3980 = arith.maximumf %max3A_3979, %get3A_3883 : vector<16xf32>
        %max3A_3981 = arith.maximumf %max3A_3980, %get3A_3888 : vector<16xf32>
        %max3A_3982 = arith.maximumf %max3A_3981, %get3A_3893 : vector<16xf32>
        %broadcast_in_dim3A_3983 = vector.broadcast %scan3A_118 : f32 to vector<16xf32>
        %select_n3A_3984 = arith.select %lt3A_2, %get3A_3898, %broadcast_in_dim3A_3983 : vector<16xi1>, vector<16xf32>
        %max3A_3985 = arith.maximumf %max3A_3982, %select_n3A_3984 : vector<16xf32>
        %lt3A_3986 = arith.constant 0 : i32
        %lt3A_3987 = vector.broadcast %lt3A_3986 : i32 to vector<16xi32>
        %lt3A_3988 = arith.cmpi slt, %and3A_99, %lt3A_3987 : vector<16xi32>
        %add3A_3989 = arith.constant 16 : i32
        %add3A_3990 = vector.broadcast %add3A_3989 : i32 to vector<16xi32>
        %add3A_3991 = arith.addi %and3A_99, %add3A_3990 : vector<16xi32>
        %select_n3A_3992 = arith.select %lt3A_3988, %add3A_3991, %and3A_99 : vector<16xi1>, vector<16xi32>
        %broadcast_in_dim3A_3993 = vector.shape_cast %select_n3A_3992 : vector<16xi32> to vector<16x1xi32>
        %gather3A_3994 = vector.shape_cast %broadcast_in_dim3A_3993 : vector<16x1xi32> to vector<16xi32>
        %gather3A_3995 = tpu.dynamic_gather %max3A_3985[%gather3A_3994] in [0] : vector<16xf32>, vector<16xi32> -> vector<16xf32>
        %max3A_3996 = arith.maximumf %max3A_3985, %gather3A_3995 : vector<16xf32>
        %lt3A_3997 = arith.constant 0 : i32
        %lt3A_3998 = vector.broadcast %lt3A_3997 : i32 to vector<16xi32>
        %lt3A_3999 = arith.cmpi slt, %and3A_105, %lt3A_3998 : vector<16xi32>
        %add3A_4000 = arith.constant 16 : i32
        %add3A_4001 = vector.broadcast %add3A_4000 : i32 to vector<16xi32>
        %add3A_4002 = arith.addi %and3A_105, %add3A_4001 : vector<16xi32>
        %select_n3A_4003 = arith.select %lt3A_3999, %add3A_4002, %and3A_105 : vector<16xi1>, vector<16xi32>
        %broadcast_in_dim3A_4004 = vector.shape_cast %select_n3A_4003 : vector<16xi32> to vector<16x1xi32>
        %gather3A_4005 = vector.shape_cast %broadcast_in_dim3A_4004 : vector<16x1xi32> to vector<16xi32>
        %gather3A_4006 = tpu.dynamic_gather %max3A_3996[%gather3A_4005] in [0] : vector<16xf32>, vector<16xi32> -> vector<16xf32>
        %max3A_4007 = arith.maximumf %max3A_3996, %gather3A_4006 : vector<16xf32>
        %lt3A_4008 = arith.constant 0 : i32
        %lt3A_4009 = vector.broadcast %lt3A_4008 : i32 to vector<16xi32>
        %lt3A_4010 = arith.cmpi slt, %and3A_111, %lt3A_4009 : vector<16xi32>
        %add3A_4011 = arith.constant 16 : i32
        %add3A_4012 = vector.broadcast %add3A_4011 : i32 to vector<16xi32>
        %add3A_4013 = arith.addi %and3A_111, %add3A_4012 : vector<16xi32>
        %select_n3A_4014 = arith.select %lt3A_4010, %add3A_4013, %and3A_111 : vector<16xi1>, vector<16xi32>
        %broadcast_in_dim3A_4015 = vector.shape_cast %select_n3A_4014 : vector<16xi32> to vector<16x1xi32>
        %gather3A_4016 = vector.shape_cast %broadcast_in_dim3A_4015 : vector<16x1xi32> to vector<16xi32>
        %gather3A_4017 = tpu.dynamic_gather %max3A_4007[%gather3A_4016] in [0] : vector<16xf32>, vector<16xi32> -> vector<16xf32>
        %max3A_4018 = arith.maximumf %max3A_4007, %gather3A_4017 : vector<16xf32>
        %lt3A_4019 = arith.constant 0 : i32
        %lt3A_4020 = vector.broadcast %lt3A_4019 : i32 to vector<16xi32>
        %lt3A_4021 = arith.cmpi slt, %and3A_117, %lt3A_4020 : vector<16xi32>
        %add3A_4022 = arith.constant 16 : i32
        %add3A_4023 = vector.broadcast %add3A_4022 : i32 to vector<16xi32>
        %add3A_4024 = arith.addi %and3A_117, %add3A_4023 : vector<16xi32>
        %select_n3A_4025 = arith.select %lt3A_4021, %add3A_4024, %and3A_117 : vector<16xi1>, vector<16xi32>
        %broadcast_in_dim3A_4026 = vector.shape_cast %select_n3A_4025 : vector<16xi32> to vector<16x1xi32>
        %gather3A_4027 = vector.shape_cast %broadcast_in_dim3A_4026 : vector<16x1xi32> to vector<16xi32>
        %gather3A_4028 = tpu.dynamic_gather %max3A_4018[%gather3A_4027] in [0] : vector<16xf32>, vector<16xi32> -> vector<16xf32>
        %max3A_4029 = arith.maximumf %max3A_4018, %gather3A_4028 : vector<16xf32>
        %broadcast_in_dim3A_4030 = arith.constant 1.000000e+00 : f32
        %broadcast_in_dim3A_4031 = vector.broadcast %broadcast_in_dim3A_4030 : f32 to vector<16xf32>
        %mul3A_4032 = vector.broadcast %scan3A_118 : f32 to vector<16xf32>
        %mul3A_4033 = arith.mulf %mul3A_4032, %broadcast_in_dim3A_4031 : vector<16xf32>
        %sub3A_4034 = arith.subf %get3A_3868, %max3A_4029 : vector<16xf32>
        %exp3A_4035 = math.exp %sub3A_4034 : vector<16xf32>
        %add3A_4036 = arith.addf %broadcast_in_dim3A_94, %exp3A_4035 : vector<16xf32>
        %eq3A_4037 = arith.cmpi eq, %add3A_57, %add3A_3972 : vector<16xi32>
        %broadcast_in_dim3A_4038 = vector.broadcast %scan3A_118 : f32 to vector<16xf32>
        %select_n3A_4039 = arith.select %eq3A_4037, %get3A_3868, %broadcast_in_dim3A_4038 : vector<16xi1>, vector<16xf32>
        %max3A_4040 = arith.maximumf %mul3A_4033, %select_n3A_4039 : vector<16xf32>
        %sub3A_4041 = arith.subf %get3A_3873, %max3A_4029 : vector<16xf32>
        %exp3A_4042 = math.exp %sub3A_4041 : vector<16xf32>
        %add3A_4043 = arith.addf %add3A_4036, %exp3A_4042 : vector<16xf32>
        %eq3A_4044 = arith.cmpi eq, %add3A_60, %add3A_3972 : vector<16xi32>
        %broadcast_in_dim3A_4045 = vector.broadcast %scan3A_118 : f32 to vector<16xf32>
        %select_n3A_4046 = arith.select %eq3A_4044, %get3A_3873, %broadcast_in_dim3A_4045 : vector<16xi1>, vector<16xf32>
        %max3A_4047 = arith.maximumf %max3A_4040, %select_n3A_4046 : vector<16xf32>
        %sub3A_4048 = arith.subf %get3A_3878, %max3A_4029 : vector<16xf32>
        %exp3A_4049 = math.exp %sub3A_4048 : vector<16xf32>
        %add3A_4050 = arith.addf %add3A_4043, %exp3A_4049 : vector<16xf32>
        %eq3A_4051 = arith.cmpi eq, %add3A_63, %add3A_3972 : vector<16xi32>
        %broadcast_in_dim3A_4052 = vector.broadcast %scan3A_118 : f32 to vector<16xf32>
        %select_n3A_4053 = arith.select %eq3A_4051, %get3A_3878, %broadcast_in_dim3A_4052 : vector<16xi1>, vector<16xf32>
        %max3A_4054 = arith.maximumf %max3A_4047, %select_n3A_4053 : vector<16xf32>
        %sub3A_4055 = arith.subf %get3A_3883, %max3A_4029 : vector<16xf32>
        %exp3A_4056 = math.exp %sub3A_4055 : vector<16xf32>
        %add3A_4057 = arith.addf %add3A_4050, %exp3A_4056 : vector<16xf32>
        %eq3A_4058 = arith.cmpi eq, %add3A_66, %add3A_3972 : vector<16xi32>
        %broadcast_in_dim3A_4059 = vector.broadcast %scan3A_118 : f32 to vector<16xf32>
        %select_n3A_4060 = arith.select %eq3A_4058, %get3A_3883, %broadcast_in_dim3A_4059 : vector<16xi1>, vector<16xf32>
        %max3A_4061 = arith.maximumf %max3A_4054, %select_n3A_4060 : vector<16xf32>
        %sub3A_4062 = arith.subf %get3A_3888, %max3A_4029 : vector<16xf32>
        %exp3A_4063 = math.exp %sub3A_4062 : vector<16xf32>
        %add3A_4064 = arith.addf %add3A_4057, %exp3A_4063 : vector<16xf32>
        %eq3A_4065 = arith.cmpi eq, %add3A_69, %add3A_3972 : vector<16xi32>
        %broadcast_in_dim3A_4066 = vector.broadcast %scan3A_118 : f32 to vector<16xf32>
        %select_n3A_4067 = arith.select %eq3A_4065, %get3A_3888, %broadcast_in_dim3A_4066 : vector<16xi1>, vector<16xf32>
        %max3A_4068 = arith.maximumf %max3A_4061, %select_n3A_4067 : vector<16xf32>
        %sub3A_4069 = arith.subf %get3A_3893, %max3A_4029 : vector<16xf32>
        %exp3A_4070 = math.exp %sub3A_4069 : vector<16xf32>
        %add3A_4071 = arith.addf %add3A_4064, %exp3A_4070 : vector<16xf32>
        %eq3A_4072 = arith.cmpi eq, %add3A_72, %add3A_3972 : vector<16xi32>
        %broadcast_in_dim3A_4073 = vector.broadcast %scan3A_118 : f32 to vector<16xf32>
        %select_n3A_4074 = arith.select %eq3A_4072, %get3A_3893, %broadcast_in_dim3A_4073 : vector<16xi1>, vector<16xf32>
        %max3A_4075 = arith.maximumf %max3A_4068, %select_n3A_4074 : vector<16xf32>
        %sub3A_4076 = arith.subf %get3A_3898, %max3A_4029 : vector<16xf32>
        %exp3A_4077 = math.exp %sub3A_4076 : vector<16xf32>
        %jit3A_4078 = arith.constant 0.000000e+00 : f32
        %broadcast_in_dim3A_4079 = vector.broadcast %jit3A_4078 : f32 to vector<16xf32>
        %select_n3A_4080 = arith.select %lt3A_2, %exp3A_4077, %broadcast_in_dim3A_4079 : vector<16xi1>, vector<16xf32>
        %add3A_4081 = arith.addf %add3A_4071, %select_n3A_4080 : vector<16xf32>
        %eq3A_4082 = arith.cmpi eq, %add3A_75, %add3A_3972 : vector<16xi32>
        %broadcast_in_dim3A_4083 = vector.broadcast %scan3A_118 : f32 to vector<16xf32>
        %select_n3A_4084 = arith.select %eq3A_4082, %get3A_3898, %broadcast_in_dim3A_4083 : vector<16xi1>, vector<16xf32>
        %max3A_4085 = arith.maximumf %max3A_4075, %select_n3A_4084 : vector<16xf32>
        %lt3A_4086 = arith.constant 0 : i32
        %lt3A_4087 = vector.broadcast %lt3A_4086 : i32 to vector<16xi32>
        %lt3A_4088 = arith.cmpi slt, %and3A_99, %lt3A_4087 : vector<16xi32>
        %add3A_4089 = arith.constant 16 : i32
        %add3A_4090 = vector.broadcast %add3A_4089 : i32 to vector<16xi32>
        %add3A_4091 = arith.addi %and3A_99, %add3A_4090 : vector<16xi32>
        %select_n3A_4092 = arith.select %lt3A_4088, %add3A_4091, %and3A_99 : vector<16xi1>, vector<16xi32>
        %broadcast_in_dim3A_4093 = vector.shape_cast %select_n3A_4092 : vector<16xi32> to vector<16x1xi32>
        %gather3A_4094 = vector.shape_cast %broadcast_in_dim3A_4093 : vector<16x1xi32> to vector<16xi32>
        %gather3A_4095 = tpu.dynamic_gather %add3A_4081[%gather3A_4094] in [0] : vector<16xf32>, vector<16xi32> -> vector<16xf32>
        %add3A_4096 = arith.addf %add3A_4081, %gather3A_4095 : vector<16xf32>
        %lt3A_4097 = arith.constant 0 : i32
        %lt3A_4098 = vector.broadcast %lt3A_4097 : i32 to vector<16xi32>
        %lt3A_4099 = arith.cmpi slt, %and3A_105, %lt3A_4098 : vector<16xi32>
        %add3A_4100 = arith.constant 16 : i32
        %add3A_4101 = vector.broadcast %add3A_4100 : i32 to vector<16xi32>
        %add3A_4102 = arith.addi %and3A_105, %add3A_4101 : vector<16xi32>
        %select_n3A_4103 = arith.select %lt3A_4099, %add3A_4102, %and3A_105 : vector<16xi1>, vector<16xi32>
        %broadcast_in_dim3A_4104 = vector.shape_cast %select_n3A_4103 : vector<16xi32> to vector<16x1xi32>
        %gather3A_4105 = vector.shape_cast %broadcast_in_dim3A_4104 : vector<16x1xi32> to vector<16xi32>
        %gather3A_4106 = tpu.dynamic_gather %add3A_4096[%gather3A_4105] in [0] : vector<16xf32>, vector<16xi32> -> vector<16xf32>
        %add3A_4107 = arith.addf %add3A_4096, %gather3A_4106 : vector<16xf32>
        %lt3A_4108 = arith.constant 0 : i32
        %lt3A_4109 = vector.broadcast %lt3A_4108 : i32 to vector<16xi32>
        %lt3A_4110 = arith.cmpi slt, %and3A_111, %lt3A_4109 : vector<16xi32>
        %add3A_4111 = arith.constant 16 : i32
        %add3A_4112 = vector.broadcast %add3A_4111 : i32 to vector<16xi32>
        %add3A_4113 = arith.addi %and3A_111, %add3A_4112 : vector<16xi32>
        %select_n3A_4114 = arith.select %lt3A_4110, %add3A_4113, %and3A_111 : vector<16xi1>, vector<16xi32>
        %broadcast_in_dim3A_4115 = vector.shape_cast %select_n3A_4114 : vector<16xi32> to vector<16x1xi32>
        %gather3A_4116 = vector.shape_cast %broadcast_in_dim3A_4115 : vector<16x1xi32> to vector<16xi32>
        %gather3A_4117 = tpu.dynamic_gather %add3A_4107[%gather3A_4116] in [0] : vector<16xf32>, vector<16xi32> -> vector<16xf32>
        %add3A_4118 = arith.addf %add3A_4107, %gather3A_4117 : vector<16xf32>
        %lt3A_4119 = arith.constant 0 : i32
        %lt3A_4120 = vector.broadcast %lt3A_4119 : i32 to vector<16xi32>
        %lt3A_4121 = arith.cmpi slt, %and3A_117, %lt3A_4120 : vector<16xi32>
        %add3A_4122 = arith.constant 16 : i32
        %add3A_4123 = vector.broadcast %add3A_4122 : i32 to vector<16xi32>
        %add3A_4124 = arith.addi %and3A_117, %add3A_4123 : vector<16xi32>
        %select_n3A_4125 = arith.select %lt3A_4121, %add3A_4124, %and3A_117 : vector<16xi1>, vector<16xi32>
        %broadcast_in_dim3A_4126 = vector.shape_cast %select_n3A_4125 : vector<16xi32> to vector<16x1xi32>
        %gather3A_4127 = vector.shape_cast %broadcast_in_dim3A_4126 : vector<16x1xi32> to vector<16xi32>
        %gather3A_4128 = tpu.dynamic_gather %add3A_4118[%gather3A_4127] in [0] : vector<16xf32>, vector<16xi32> -> vector<16xf32>
        %add3A_4129 = arith.addf %add3A_4118, %gather3A_4128 : vector<16xf32>
        %lt3A_4130 = arith.constant 0 : i32
        %lt3A_4131 = vector.broadcast %lt3A_4130 : i32 to vector<16xi32>
        %lt3A_4132 = arith.cmpi slt, %and3A_99, %lt3A_4131 : vector<16xi32>
        %add3A_4133 = arith.constant 16 : i32
        %add3A_4134 = vector.broadcast %add3A_4133 : i32 to vector<16xi32>
        %add3A_4135 = arith.addi %and3A_99, %add3A_4134 : vector<16xi32>
        %select_n3A_4136 = arith.select %lt3A_4132, %add3A_4135, %and3A_99 : vector<16xi1>, vector<16xi32>
        %broadcast_in_dim3A_4137 = vector.shape_cast %select_n3A_4136 : vector<16xi32> to vector<16x1xi32>
        %gather3A_4138 = vector.shape_cast %broadcast_in_dim3A_4137 : vector<16x1xi32> to vector<16xi32>
        %gather3A_4139 = tpu.dynamic_gather %max3A_4085[%gather3A_4138] in [0] : vector<16xf32>, vector<16xi32> -> vector<16xf32>
        %max3A_4140 = arith.maximumf %max3A_4085, %gather3A_4139 : vector<16xf32>
        %lt3A_4141 = arith.constant 0 : i32
        %lt3A_4142 = vector.broadcast %lt3A_4141 : i32 to vector<16xi32>
        %lt3A_4143 = arith.cmpi slt, %and3A_105, %lt3A_4142 : vector<16xi32>
        %add3A_4144 = arith.constant 16 : i32
        %add3A_4145 = vector.broadcast %add3A_4144 : i32 to vector<16xi32>
        %add3A_4146 = arith.addi %and3A_105, %add3A_4145 : vector<16xi32>
        %select_n3A_4147 = arith.select %lt3A_4143, %add3A_4146, %and3A_105 : vector<16xi1>, vector<16xi32>
        %broadcast_in_dim3A_4148 = vector.shape_cast %select_n3A_4147 : vector<16xi32> to vector<16x1xi32>
        %gather3A_4149 = vector.shape_cast %broadcast_in_dim3A_4148 : vector<16x1xi32> to vector<16xi32>
        %gather3A_4150 = tpu.dynamic_gather %max3A_4140[%gather3A_4149] in [0] : vector<16xf32>, vector<16xi32> -> vector<16xf32>
        %max3A_4151 = arith.maximumf %max3A_4140, %gather3A_4150 : vector<16xf32>
        %lt3A_4152 = arith.constant 0 : i32
        %lt3A_4153 = vector.broadcast %lt3A_4152 : i32 to vector<16xi32>
        %lt3A_4154 = arith.cmpi slt, %and3A_111, %lt3A_4153 : vector<16xi32>
        %add3A_4155 = arith.constant 16 : i32
        %add3A_4156 = vector.broadcast %add3A_4155 : i32 to vector<16xi32>
        %add3A_4157 = arith.addi %and3A_111, %add3A_4156 : vector<16xi32>
        %select_n3A_4158 = arith.select %lt3A_4154, %add3A_4157, %and3A_111 : vector<16xi1>, vector<16xi32>
        %broadcast_in_dim3A_4159 = vector.shape_cast %select_n3A_4158 : vector<16xi32> to vector<16x1xi32>
        %gather3A_4160 = vector.shape_cast %broadcast_in_dim3A_4159 : vector<16x1xi32> to vector<16xi32>
        %gather3A_4161 = tpu.dynamic_gather %max3A_4151[%gather3A_4160] in [0] : vector<16xf32>, vector<16xi32> -> vector<16xf32>
        %max3A_4162 = arith.maximumf %max3A_4151, %gather3A_4161 : vector<16xf32>
        %lt3A_4163 = arith.constant 0 : i32
        %lt3A_4164 = vector.broadcast %lt3A_4163 : i32 to vector<16xi32>
        %lt3A_4165 = arith.cmpi slt, %and3A_117, %lt3A_4164 : vector<16xi32>
        %add3A_4166 = arith.constant 16 : i32
        %add3A_4167 = vector.broadcast %add3A_4166 : i32 to vector<16xi32>
        %add3A_4168 = arith.addi %and3A_117, %add3A_4167 : vector<16xi32>
        %select_n3A_4169 = arith.select %lt3A_4165, %add3A_4168, %and3A_117 : vector<16xi1>, vector<16xi32>
        %broadcast_in_dim3A_4170 = vector.shape_cast %select_n3A_4169 : vector<16xi32> to vector<16x1xi32>
        %gather3A_4171 = vector.shape_cast %broadcast_in_dim3A_4170 : vector<16x1xi32> to vector<16xi32>
        %gather3A_4172 = tpu.dynamic_gather %max3A_4162[%gather3A_4171] in [0] : vector<16xf32>, vector<16xi32> -> vector<16xf32>
        %max3A_4173 = arith.maximumf %max3A_4162, %gather3A_4172 : vector<16xf32>
        %add3A_4174 = arith.constant 100 : i32
        %add3A_4175 = vector.broadcast %add3A_4174 : i32 to vector<16xi32>
        %add3A_4176 = arith.addi %gather3A_3969, %add3A_4175 : vector<16xi32>
        %broadcast_in_dim3A_4177 = arith.constant 1.000000e+00 : f32
        %broadcast_in_dim3A_4178 = vector.broadcast %broadcast_in_dim3A_4177 : f32 to vector<16xf32>
        %mul3A_4179 = vector.broadcast %scan3A_118 : f32 to vector<16xf32>
        %mul3A_4180 = arith.mulf %mul3A_4179, %broadcast_in_dim3A_4178 : vector<16xf32>
        %broadcast_in_dim3A_4181 = vector.broadcast %scan3A_118 : f32 to vector<16xf32>
        %select_n3A_4182 = arith.select %ge3A_4, %get3A_3898, %broadcast_in_dim3A_4181 : vector<16xi1>, vector<16xf32>
        %max3A_4183 = arith.maximumf %mul3A_4180, %select_n3A_4182 : vector<16xf32>
        %max3A_4184 = arith.maximumf %max3A_4183, %get3A_3903 : vector<16xf32>
        %max3A_4185 = arith.maximumf %max3A_4184, %get3A_3908 : vector<16xf32>
        %max3A_4186 = arith.maximumf %max3A_4185, %get3A_3913 : vector<16xf32>
        %max3A_4187 = arith.maximumf %max3A_4186, %get3A_3918 : vector<16xf32>
        %max3A_4188 = arith.maximumf %max3A_4187, %get3A_3923 : vector<16xf32>
        %broadcast_in_dim3A_4189 = vector.broadcast %scan3A_118 : f32 to vector<16xf32>
        %select_n3A_4190 = arith.select %lt3A_7, %get3A_3928, %broadcast_in_dim3A_4189 : vector<16xi1>, vector<16xf32>
        %max3A_4191 = arith.maximumf %max3A_4188, %select_n3A_4190 : vector<16xf32>
        %lt3A_4192 = arith.constant 0 : i32
        %lt3A_4193 = vector.broadcast %lt3A_4192 : i32 to vector<16xi32>
        %lt3A_4194 = arith.cmpi slt, %and3A_99, %lt3A_4193 : vector<16xi32>
        %add3A_4195 = arith.constant 16 : i32
        %add3A_4196 = vector.broadcast %add3A_4195 : i32 to vector<16xi32>
        %add3A_4197 = arith.addi %and3A_99, %add3A_4196 : vector<16xi32>
        %select_n3A_4198 = arith.select %lt3A_4194, %add3A_4197, %and3A_99 : vector<16xi1>, vector<16xi32>
        %broadcast_in_dim3A_4199 = vector.shape_cast %select_n3A_4198 : vector<16xi32> to vector<16x1xi32>
        %gather3A_4200 = vector.shape_cast %broadcast_in_dim3A_4199 : vector<16x1xi32> to vector<16xi32>
        %gather3A_4201 = tpu.dynamic_gather %max3A_4191[%gather3A_4200] in [0] : vector<16xf32>, vector<16xi32> -> vector<16xf32>
        %max3A_4202 = arith.maximumf %max3A_4191, %gather3A_4201 : vector<16xf32>
        %lt3A_4203 = arith.constant 0 : i32
        %lt3A_4204 = vector.broadcast %lt3A_4203 : i32 to vector<16xi32>
        %lt3A_4205 = arith.cmpi slt, %and3A_105, %lt3A_4204 : vector<16xi32>
        %add3A_4206 = arith.constant 16 : i32
        %add3A_4207 = vector.broadcast %add3A_4206 : i32 to vector<16xi32>
        %add3A_4208 = arith.addi %and3A_105, %add3A_4207 : vector<16xi32>
        %select_n3A_4209 = arith.select %lt3A_4205, %add3A_4208, %and3A_105 : vector<16xi1>, vector<16xi32>
        %broadcast_in_dim3A_4210 = vector.shape_cast %select_n3A_4209 : vector<16xi32> to vector<16x1xi32>
        %gather3A_4211 = vector.shape_cast %broadcast_in_dim3A_4210 : vector<16x1xi32> to vector<16xi32>
        %gather3A_4212 = tpu.dynamic_gather %max3A_4202[%gather3A_4211] in [0] : vector<16xf32>, vector<16xi32> -> vector<16xf32>
        %max3A_4213 = arith.maximumf %max3A_4202, %gather3A_4212 : vector<16xf32>
        %lt3A_4214 = arith.constant 0 : i32
        %lt3A_4215 = vector.broadcast %lt3A_4214 : i32 to vector<16xi32>
        %lt3A_4216 = arith.cmpi slt, %and3A_111, %lt3A_4215 : vector<16xi32>
        %add3A_4217 = arith.constant 16 : i32
        %add3A_4218 = vector.broadcast %add3A_4217 : i32 to vector<16xi32>
        %add3A_4219 = arith.addi %and3A_111, %add3A_4218 : vector<16xi32>
        %select_n3A_4220 = arith.select %lt3A_4216, %add3A_4219, %and3A_111 : vector<16xi1>, vector<16xi32>
        %broadcast_in_dim3A_4221 = vector.shape_cast %select_n3A_4220 : vector<16xi32> to vector<16x1xi32>
        %gather3A_4222 = vector.shape_cast %broadcast_in_dim3A_4221 : vector<16x1xi32> to vector<16xi32>
        %gather3A_4223 = tpu.dynamic_gather %max3A_4213[%gather3A_4222] in [0] : vector<16xf32>, vector<16xi32> -> vector<16xf32>
        %max3A_4224 = arith.maximumf %max3A_4213, %gather3A_4223 : vector<16xf32>
        %lt3A_4225 = arith.constant 0 : i32
        %lt3A_4226 = vector.broadcast %lt3A_4225 : i32 to vector<16xi32>
        %lt3A_4227 = arith.cmpi slt, %and3A_117, %lt3A_4226 : vector<16xi32>
        %add3A_4228 = arith.constant 16 : i32
        %add3A_4229 = vector.broadcast %add3A_4228 : i32 to vector<16xi32>
        %add3A_4230 = arith.addi %and3A_117, %add3A_4229 : vector<16xi32>
        %select_n3A_4231 = arith.select %lt3A_4227, %add3A_4230, %and3A_117 : vector<16xi1>, vector<16xi32>
        %broadcast_in_dim3A_4232 = vector.shape_cast %select_n3A_4231 : vector<16xi32> to vector<16x1xi32>
        %gather3A_4233 = vector.shape_cast %broadcast_in_dim3A_4232 : vector<16x1xi32> to vector<16xi32>
        %gather3A_4234 = tpu.dynamic_gather %max3A_4224[%gather3A_4233] in [0] : vector<16xf32>, vector<16xi32> -> vector<16xf32>
        %max3A_4235 = arith.maximumf %max3A_4224, %gather3A_4234 : vector<16xf32>
        %broadcast_in_dim3A_4236 = arith.constant 1.000000e+00 : f32
        %broadcast_in_dim3A_4237 = vector.broadcast %broadcast_in_dim3A_4236 : f32 to vector<16xf32>
        %mul3A_4238 = vector.broadcast %scan3A_118 : f32 to vector<16xf32>
        %mul3A_4239 = arith.mulf %mul3A_4238, %broadcast_in_dim3A_4237 : vector<16xf32>
        %sub3A_4240 = arith.subf %get3A_3898, %max3A_4235 : vector<16xf32>
        %exp3A_4241 = math.exp %sub3A_4240 : vector<16xf32>
        %jit3A_4242 = arith.constant 0.000000e+00 : f32
        %broadcast_in_dim3A_4243 = vector.broadcast %jit3A_4242 : f32 to vector<16xf32>
        %select_n3A_4244 = arith.select %ge3A_4, %exp3A_4241, %broadcast_in_dim3A_4243 : vector<16xi1>, vector<16xf32>
        %add3A_4245 = arith.addf %broadcast_in_dim3A_94, %select_n3A_4244 : vector<16xf32>
        %eq3A_4246 = arith.cmpi eq, %add3A_75, %add3A_4176 : vector<16xi32>
        %broadcast_in_dim3A_4247 = vector.broadcast %scan3A_118 : f32 to vector<16xf32>
        %select_n3A_4248 = arith.select %eq3A_4246, %get3A_3898, %broadcast_in_dim3A_4247 : vector<16xi1>, vector<16xf32>
        %max3A_4249 = arith.maximumf %mul3A_4239, %select_n3A_4248 : vector<16xf32>
        %sub3A_4250 = arith.subf %get3A_3903, %max3A_4235 : vector<16xf32>
        %exp3A_4251 = math.exp %sub3A_4250 : vector<16xf32>
        %add3A_4252 = arith.addf %add3A_4245, %exp3A_4251 : vector<16xf32>
        %eq3A_4253 = arith.cmpi eq, %add3A_78, %add3A_4176 : vector<16xi32>
        %broadcast_in_dim3A_4254 = vector.broadcast %scan3A_118 : f32 to vector<16xf32>
        %select_n3A_4255 = arith.select %eq3A_4253, %get3A_3903, %broadcast_in_dim3A_4254 : vector<16xi1>, vector<16xf32>
        %max3A_4256 = arith.maximumf %max3A_4249, %select_n3A_4255 : vector<16xf32>
        %sub3A_4257 = arith.subf %get3A_3908, %max3A_4235 : vector<16xf32>
        %exp3A_4258 = math.exp %sub3A_4257 : vector<16xf32>
        %add3A_4259 = arith.addf %add3A_4252, %exp3A_4258 : vector<16xf32>
        %eq3A_4260 = arith.cmpi eq, %add3A_81, %add3A_4176 : vector<16xi32>
        %broadcast_in_dim3A_4261 = vector.broadcast %scan3A_118 : f32 to vector<16xf32>
        %select_n3A_4262 = arith.select %eq3A_4260, %get3A_3908, %broadcast_in_dim3A_4261 : vector<16xi1>, vector<16xf32>
        %max3A_4263 = arith.maximumf %max3A_4256, %select_n3A_4262 : vector<16xf32>
        %sub3A_4264 = arith.subf %get3A_3913, %max3A_4235 : vector<16xf32>
        %exp3A_4265 = math.exp %sub3A_4264 : vector<16xf32>
        %add3A_4266 = arith.addf %add3A_4259, %exp3A_4265 : vector<16xf32>
        %eq3A_4267 = arith.cmpi eq, %add3A_84, %add3A_4176 : vector<16xi32>
        %broadcast_in_dim3A_4268 = vector.broadcast %scan3A_118 : f32 to vector<16xf32>
        %select_n3A_4269 = arith.select %eq3A_4267, %get3A_3913, %broadcast_in_dim3A_4268 : vector<16xi1>, vector<16xf32>
        %max3A_4270 = arith.maximumf %max3A_4263, %select_n3A_4269 : vector<16xf32>
        %sub3A_4271 = arith.subf %get3A_3918, %max3A_4235 : vector<16xf32>
        %exp3A_4272 = math.exp %sub3A_4271 : vector<16xf32>
        %add3A_4273 = arith.addf %add3A_4266, %exp3A_4272 : vector<16xf32>
        %eq3A_4274 = arith.cmpi eq, %add3A_87, %add3A_4176 : vector<16xi32>
        %broadcast_in_dim3A_4275 = vector.broadcast %scan3A_118 : f32 to vector<16xf32>
        %select_n3A_4276 = arith.select %eq3A_4274, %get3A_3918, %broadcast_in_dim3A_4275 : vector<16xi1>, vector<16xf32>
        %max3A_4277 = arith.maximumf %max3A_4270, %select_n3A_4276 : vector<16xf32>
        %sub3A_4278 = arith.subf %get3A_3923, %max3A_4235 : vector<16xf32>
        %exp3A_4279 = math.exp %sub3A_4278 : vector<16xf32>
        %add3A_4280 = arith.addf %add3A_4273, %exp3A_4279 : vector<16xf32>
        %eq3A_4281 = arith.cmpi eq, %add3A_90, %add3A_4176 : vector<16xi32>
        %broadcast_in_dim3A_4282 = vector.broadcast %scan3A_118 : f32 to vector<16xf32>
        %select_n3A_4283 = arith.select %eq3A_4281, %get3A_3923, %broadcast_in_dim3A_4282 : vector<16xi1>, vector<16xf32>
        %max3A_4284 = arith.maximumf %max3A_4277, %select_n3A_4283 : vector<16xf32>
        %sub3A_4285 = arith.subf %get3A_3928, %max3A_4235 : vector<16xf32>
        %exp3A_4286 = math.exp %sub3A_4285 : vector<16xf32>
        %jit3A_4287 = arith.constant 0.000000e+00 : f32
        %broadcast_in_dim3A_4288 = vector.broadcast %jit3A_4287 : f32 to vector<16xf32>
        %select_n3A_4289 = arith.select %lt3A_7, %exp3A_4286, %broadcast_in_dim3A_4288 : vector<16xi1>, vector<16xf32>
        %add3A_4290 = arith.addf %add3A_4280, %select_n3A_4289 : vector<16xf32>
        %eq3A_4291 = arith.cmpi eq, %add3A_93, %add3A_4176 : vector<16xi32>
        %broadcast_in_dim3A_4292 = vector.broadcast %scan3A_118 : f32 to vector<16xf32>
        %select_n3A_4293 = arith.select %eq3A_4291, %get3A_3928, %broadcast_in_dim3A_4292 : vector<16xi1>, vector<16xf32>
        %max3A_4294 = arith.maximumf %max3A_4284, %select_n3A_4293 : vector<16xf32>
        %lt3A_4295 = arith.constant 0 : i32
        %lt3A_4296 = vector.broadcast %lt3A_4295 : i32 to vector<16xi32>
        %lt3A_4297 = arith.cmpi slt, %and3A_99, %lt3A_4296 : vector<16xi32>
        %add3A_4298 = arith.constant 16 : i32
        %add3A_4299 = vector.broadcast %add3A_4298 : i32 to vector<16xi32>
        %add3A_4300 = arith.addi %and3A_99, %add3A_4299 : vector<16xi32>
        %select_n3A_4301 = arith.select %lt3A_4297, %add3A_4300, %and3A_99 : vector<16xi1>, vector<16xi32>
        %broadcast_in_dim3A_4302 = vector.shape_cast %select_n3A_4301 : vector<16xi32> to vector<16x1xi32>
        %gather3A_4303 = vector.shape_cast %broadcast_in_dim3A_4302 : vector<16x1xi32> to vector<16xi32>
        %gather3A_4304 = tpu.dynamic_gather %add3A_4290[%gather3A_4303] in [0] : vector<16xf32>, vector<16xi32> -> vector<16xf32>
        %add3A_4305 = arith.addf %add3A_4290, %gather3A_4304 : vector<16xf32>
        %lt3A_4306 = arith.constant 0 : i32
        %lt3A_4307 = vector.broadcast %lt3A_4306 : i32 to vector<16xi32>
        %lt3A_4308 = arith.cmpi slt, %and3A_105, %lt3A_4307 : vector<16xi32>
        %add3A_4309 = arith.constant 16 : i32
        %add3A_4310 = vector.broadcast %add3A_4309 : i32 to vector<16xi32>
        %add3A_4311 = arith.addi %and3A_105, %add3A_4310 : vector<16xi32>
        %select_n3A_4312 = arith.select %lt3A_4308, %add3A_4311, %and3A_105 : vector<16xi1>, vector<16xi32>
        %broadcast_in_dim3A_4313 = vector.shape_cast %select_n3A_4312 : vector<16xi32> to vector<16x1xi32>
        %gather3A_4314 = vector.shape_cast %broadcast_in_dim3A_4313 : vector<16x1xi32> to vector<16xi32>
        %gather3A_4315 = tpu.dynamic_gather %add3A_4305[%gather3A_4314] in [0] : vector<16xf32>, vector<16xi32> -> vector<16xf32>
        %add3A_4316 = arith.addf %add3A_4305, %gather3A_4315 : vector<16xf32>
        %lt3A_4317 = arith.constant 0 : i32
        %lt3A_4318 = vector.broadcast %lt3A_4317 : i32 to vector<16xi32>
        %lt3A_4319 = arith.cmpi slt, %and3A_111, %lt3A_4318 : vector<16xi32>
        %add3A_4320 = arith.constant 16 : i32
        %add3A_4321 = vector.broadcast %add3A_4320 : i32 to vector<16xi32>
        %add3A_4322 = arith.addi %and3A_111, %add3A_4321 : vector<16xi32>
        %select_n3A_4323 = arith.select %lt3A_4319, %add3A_4322, %and3A_111 : vector<16xi1>, vector<16xi32>
        %broadcast_in_dim3A_4324 = vector.shape_cast %select_n3A_4323 : vector<16xi32> to vector<16x1xi32>
        %gather3A_4325 = vector.shape_cast %broadcast_in_dim3A_4324 : vector<16x1xi32> to vector<16xi32>
        %gather3A_4326 = tpu.dynamic_gather %add3A_4316[%gather3A_4325] in [0] : vector<16xf32>, vector<16xi32> -> vector<16xf32>
        %add3A_4327 = arith.addf %add3A_4316, %gather3A_4326 : vector<16xf32>
        %lt3A_4328 = arith.constant 0 : i32
        %lt3A_4329 = vector.broadcast %lt3A_4328 : i32 to vector<16xi32>
        %lt3A_4330 = arith.cmpi slt, %and3A_117, %lt3A_4329 : vector<16xi32>
        %add3A_4331 = arith.constant 16 : i32
        %add3A_4332 = vector.broadcast %add3A_4331 : i32 to vector<16xi32>
        %add3A_4333 = arith.addi %and3A_117, %add3A_4332 : vector<16xi32>
        %select_n3A_4334 = arith.select %lt3A_4330, %add3A_4333, %and3A_117 : vector<16xi1>, vector<16xi32>
        %broadcast_in_dim3A_4335 = vector.shape_cast %select_n3A_4334 : vector<16xi32> to vector<16x1xi32>
        %gather3A_4336 = vector.shape_cast %broadcast_in_dim3A_4335 : vector<16x1xi32> to vector<16xi32>
        %gather3A_4337 = tpu.dynamic_gather %add3A_4327[%gather3A_4336] in [0] : vector<16xf32>, vector<16xi32> -> vector<16xf32>
        %add3A_4338 = arith.addf %add3A_4327, %gather3A_4337 : vector<16xf32>
        %lt3A_4339 = arith.constant 0 : i32
        %lt3A_4340 = vector.broadcast %lt3A_4339 : i32 to vector<16xi32>
        %lt3A_4341 = arith.cmpi slt, %and3A_99, %lt3A_4340 : vector<16xi32>
        %add3A_4342 = arith.constant 16 : i32
        %add3A_4343 = vector.broadcast %add3A_4342 : i32 to vector<16xi32>
        %add3A_4344 = arith.addi %and3A_99, %add3A_4343 : vector<16xi32>
        %select_n3A_4345 = arith.select %lt3A_4341, %add3A_4344, %and3A_99 : vector<16xi1>, vector<16xi32>
        %broadcast_in_dim3A_4346 = vector.shape_cast %select_n3A_4345 : vector<16xi32> to vector<16x1xi32>
        %gather3A_4347 = vector.shape_cast %broadcast_in_dim3A_4346 : vector<16x1xi32> to vector<16xi32>
        %gather3A_4348 = tpu.dynamic_gather %max3A_4294[%gather3A_4347] in [0] : vector<16xf32>, vector<16xi32> -> vector<16xf32>
        %max3A_4349 = arith.maximumf %max3A_4294, %gather3A_4348 : vector<16xf32>
        %lt3A_4350 = arith.constant 0 : i32
        %lt3A_4351 = vector.broadcast %lt3A_4350 : i32 to vector<16xi32>
        %lt3A_4352 = arith.cmpi slt, %and3A_105, %lt3A_4351 : vector<16xi32>
        %add3A_4353 = arith.constant 16 : i32
        %add3A_4354 = vector.broadcast %add3A_4353 : i32 to vector<16xi32>
        %add3A_4355 = arith.addi %and3A_105, %add3A_4354 : vector<16xi32>
        %select_n3A_4356 = arith.select %lt3A_4352, %add3A_4355, %and3A_105 : vector<16xi1>, vector<16xi32>
        %broadcast_in_dim3A_4357 = vector.shape_cast %select_n3A_4356 : vector<16xi32> to vector<16x1xi32>
        %gather3A_4358 = vector.shape_cast %broadcast_in_dim3A_4357 : vector<16x1xi32> to vector<16xi32>
        %gather3A_4359 = tpu.dynamic_gather %max3A_4349[%gather3A_4358] in [0] : vector<16xf32>, vector<16xi32> -> vector<16xf32>
        %max3A_4360 = arith.maximumf %max3A_4349, %gather3A_4359 : vector<16xf32>
        %lt3A_4361 = arith.constant 0 : i32
        %lt3A_4362 = vector.broadcast %lt3A_4361 : i32 to vector<16xi32>
        %lt3A_4363 = arith.cmpi slt, %and3A_111, %lt3A_4362 : vector<16xi32>
        %add3A_4364 = arith.constant 16 : i32
        %add3A_4365 = vector.broadcast %add3A_4364 : i32 to vector<16xi32>
        %add3A_4366 = arith.addi %and3A_111, %add3A_4365 : vector<16xi32>
        %select_n3A_4367 = arith.select %lt3A_4363, %add3A_4366, %and3A_111 : vector<16xi1>, vector<16xi32>
        %broadcast_in_dim3A_4368 = vector.shape_cast %select_n3A_4367 : vector<16xi32> to vector<16x1xi32>
        %gather3A_4369 = vector.shape_cast %broadcast_in_dim3A_4368 : vector<16x1xi32> to vector<16xi32>
        %gather3A_4370 = tpu.dynamic_gather %max3A_4360[%gather3A_4369] in [0] : vector<16xf32>, vector<16xi32> -> vector<16xf32>
        %max3A_4371 = arith.maximumf %max3A_4360, %gather3A_4370 : vector<16xf32>
        %lt3A_4372 = arith.constant 0 : i32
        %lt3A_4373 = vector.broadcast %lt3A_4372 : i32 to vector<16xi32>
        %lt3A_4374 = arith.cmpi slt, %and3A_117, %lt3A_4373 : vector<16xi32>
        %add3A_4375 = arith.constant 16 : i32
        %add3A_4376 = vector.broadcast %add3A_4375 : i32 to vector<16xi32>
        %add3A_4377 = arith.addi %and3A_117, %add3A_4376 : vector<16xi32>
        %select_n3A_4378 = arith.select %lt3A_4374, %add3A_4377, %and3A_117 : vector<16xi1>, vector<16xi32>
        %broadcast_in_dim3A_4379 = vector.shape_cast %select_n3A_4378 : vector<16xi32> to vector<16x1xi32>
        %gather3A_4380 = vector.shape_cast %broadcast_in_dim3A_4379 : vector<16x1xi32> to vector<16xi32>
        %gather3A_4381 = tpu.dynamic_gather %max3A_4371[%gather3A_4380] in [0] : vector<16xf32>, vector<16xi32> -> vector<16xf32>
        %max3A_4382 = arith.maximumf %max3A_4371, %gather3A_4381 : vector<16xf32>
        %select_n3A_4383 = arith.select %eq3A_51, %max3A_4029, %select_n3A_3853 : vector<16xi1>, vector<16xf32>
        %select_n3A_4384 = arith.select %eq3A_54, %max3A_4235, %select_n3A_4383 : vector<16xi1>, vector<16xf32>
        %select_n3A_4385 = arith.select %eq3A_51, %add3A_4129, %select_n3A_3855 : vector<16xi1>, vector<16xf32>
        %select_n3A_4386 = arith.select %eq3A_54, %add3A_4338, %select_n3A_4385 : vector<16xi1>, vector<16xf32>
        %select_n3A_4387 = arith.select %eq3A_51, %max3A_4173, %select_n3A_3857 : vector<16xi1>, vector<16xf32>
        %select_n3A_4388 = arith.select %eq3A_54, %max3A_4382, %select_n3A_4387 : vector<16xi1>, vector<16xf32>
        %div3A = arith.constant 1.000000e+00 : f32
        %div3A_4389 = vector.broadcast %div3A : f32 to vector<16xf32>
        %div3A_4390 = arith.divf %div3A_4389, %select_n3A_4386 : vector<16xf32>
        %mul3A_4391 = arith.constant 16 : i32
        %mul3A_4392 = arith.muli %scan3A_140, %mul3A_4391 : i32
        %swap3A = arith.index_cast %mul3A_4392 : i32 to index
        %swap3A_4393 = tpu.vector_load %arg8[%swap3A] {strides = array<i32>} : memref<400xf32, #tpu.memory_space<vmem>>, vector<16xf32>,
        %swap3A_4394 = vector.shape_cast %swap3A_4393 : vector<16xf32> to vector<16xf32>
        %swap3A_4395 = vector.shape_cast %div3A_4390 : vector<16xf32> to vector<16xf32>
        tpu.vector_store %arg8[%swap3A], %swap3A_4395 {strides = array<i32>} : memref<400xf32, #tpu.memory_space<vmem>>, vector<16xf32>,
        %eq3A_4396 = arith.cmpf oeq, %select_n3A_4388, %select_n3A_4384 : vector<16xf32>
        %jit3A_4397 = arith.constant 1.000000e+00 : f32
        %jit3A_4398 = arith.constant 0.000000e+00 : f32
        %broadcast_in_dim3A_4399 = vector.broadcast %jit3A_4397 : f32 to vector<16xf32>
        %broadcast_in_dim3A_4400 = vector.broadcast %jit3A_4398 : f32 to vector<16xf32>
        %select_n3A_4401 = arith.select %eq3A_4396, %broadcast_in_dim3A_4399, %broadcast_in_dim3A_4400 : vector<16xi1>, vector<16xf32>
        %mul3A_4402 = arith.constant 16 : i32
        %mul3A_4403 = arith.muli %scan3A_140, %mul3A_4402 : i32
        %swap3A_4404 = arith.index_cast %mul3A_4403 : i32 to index
        %swap3A_4405 = tpu.vector_load %arg9[%swap3A_4404] {strides = array<i32>} : memref<400xf32, #tpu.memory_space<vmem>>, vector<16xf32>,
        %swap3A_4406 = vector.shape_cast %swap3A_4405 : vector<16xf32> to vector<16xf32>
        %swap3A_4407 = vector.shape_cast %select_n3A_4401 : vector<16xf32> to vector<16xf32>
        tpu.vector_store %arg9[%swap3A_4404], %swap3A_4407 {strides = array<i32>} : memref<400xf32, #tpu.memory_space<vmem>>, vector<16xf32>,
      }
      %scan3A_139 = arith.constant 25 : i32
      "tpu.region"() ({
        %run_scoped3A = tpu.sem_alloc : memref<!tpu.dma_semaphore, #tpu.memory_space<semaphore_mem>>
        %dma_start3A = tpu.memref_slice %arg4[%add3A_129] : memref<128000xf32, #tpu.memory_space<hbm>> -> memref<400xf32, #tpu.memory_space<hbm>>
        %dma_start3A_140 = tpu.memref_slice %arg4[%add3A_129] : memref<128000xf32, #tpu.memory_space<hbm>> -> memref<400xf32, #tpu.memory_space<hbm>>
        tpu.enqueue_dma source(%arg8 : memref<400xf32, #tpu.memory_space<vmem>>) target(%dma_start3A_140 : memref<400xf32, #tpu.memory_space<hbm>>) target_semaphore(%run_scoped3A : memref<!tpu.dma_semaphore, #tpu.memory_space<semaphore_mem>>)
        %dma_wait3A = tpu.memref_slice %arg4[%add3A_129] : memref<128000xf32, #tpu.memory_space<hbm>> -> memref<400xf32, #tpu.memory_space<hbm>>
        %dma_wait3A_141 = tpu.memref_slice %arg4[%add3A_129] : memref<128000xf32, #tpu.memory_space<hbm>> -> memref<400xf32, #tpu.memory_space<hbm>>
        tpu.wait_dma2 semaphore(%run_scoped3A : memref<!tpu.dma_semaphore, #tpu.memory_space<semaphore_mem>>) src(%arg8 : memref<400xf32, #tpu.memory_space<vmem>>) dst(%dma_wait3A_141 : memref<400xf32, #tpu.memory_space<hbm>>)
        tpu.yield
      }) : () -> ()
      "tpu.region"() ({
        %run_scoped3A = tpu.sem_alloc : memref<!tpu.dma_semaphore, #tpu.memory_space<semaphore_mem>>
        %dma_start3A = tpu.memref_slice %arg5[%add3A_129] : memref<128000xf32, #tpu.memory_space<hbm>> -> memref<400xf32, #tpu.memory_space<hbm>>
        %dma_start3A_140 = tpu.memref_slice %arg5[%add3A_129] : memref<128000xf32, #tpu.memory_space<hbm>> -> memref<400xf32, #tpu.memory_space<hbm>>
        tpu.enqueue_dma source(%arg9 : memref<400xf32, #tpu.memory_space<vmem>>) target(%dma_start3A_140 : memref<400xf32, #tpu.memory_space<hbm>>) target_semaphore(%run_scoped3A : memref<!tpu.dma_semaphore, #tpu.memory_space<semaphore_mem>>)
        %dma_wait3A = tpu.memref_slice %arg5[%add3A_129] : memref<128000xf32, #tpu.memory_space<hbm>> -> memref<400xf32, #tpu.memory_space<hbm>>
        %dma_wait3A_141 = tpu.memref_slice %arg5[%add3A_129] : memref<128000xf32, #tpu.memory_space<hbm>> -> memref<400xf32, #tpu.memory_space<hbm>>
        tpu.wait_dma2 semaphore(%run_scoped3A : memref<!tpu.dma_semaphore, #tpu.memory_space<semaphore_mem>>) src(%arg9 : memref<400xf32, #tpu.memory_space<vmem>>) dst(%dma_wait3A_141 : memref<400xf32, #tpu.memory_space<hbm>>)
        tpu.yield
      }) : () -> ()
    }
    %scan3A_123 = arith.constant 10 : i32
    return
  }
}

module attributes {stable_mosaic.version = 14 : i64} {
  func.func @_rows_kernel(%arg0: i32, %arg1: memref<12000x100xf32, #tpu.memory_space<vmem>>, %arg2: memref<1x1x12000xi32, #tpu.memory_space<vmem>>, %arg3: memref<1x1x12000xf32, #tpu.memory_space<vmem>>, %arg4: memref<1x1x12000xf32, #tpu.memory_space<vmem>>) attributes {dimension_semantics = [#tpu.dimension_semantics<arbitrary>], iteration_bounds = array<i64: 31>, scalar_prefetch = 0 : i64, scratch_operands = 0 : i64, tpu.core_type = #tpu.core_type<tc>, window_params = [{transform_indices = @transform_0, window_bounds = array<i64: 12000, 100>}, {transform_indices = @transform_1, window_bounds = array<i64: 1, 1, 12000>}, {transform_indices = @transform_2, window_bounds = array<i64: 1, 1, 12000>}, {transform_indices = @transform_3, window_bounds = array<i64: 1, 1, 12000>}]} {
    %get3A = arith.constant 0 : index
    %get3A_0 = arith.constant 0 : index
    %get3A_1 = vector.load %arg1[%get3A, %get3A_0] : memref<12000x100xf32, #tpu.memory_space<vmem>>, vector<12000x100xf32>
    %transpose3A = tpu.transpose %get3A_1, [1, 0] : vector<12000x100xf32> -> vector<100x12000xf32>
    %reduce_max3A = arith.constant dense<0xFF800000> : vector<12000xf32>
    %reduce_max3A_2 = vector.multi_reduction <maximumf>, %transpose3A, %reduce_max3A [0] : vector<100x12000xf32> to vector<12000xf32>
    %broadcast_in_dim3A = vector.shape_cast %reduce_max3A_2 : vector<12000xf32> to vector<1x12000xf32>
    %sub3A = vector.broadcast %broadcast_in_dim3A : vector<1x12000xf32> to vector<100x12000xf32>
    %sub3A_3 = arith.subf %transpose3A, %sub3A : vector<100x12000xf32>
    %exp3A = math.exp %sub3A_3 : vector<100x12000xf32>
    %reduce_sum3A = arith.constant dense<0.000000e+00> : vector<12000xf32>
    %reduce_sum3A_4 = vector.multi_reduction <add>, %exp3A, %reduce_sum3A [0] : vector<100x12000xf32> to vector<12000xf32>
    %broadcast_in_dim3A_5 = vector.shape_cast %reduce_sum3A_4 : vector<12000xf32> to vector<1x12000xf32>
    %div3A = arith.constant 1.000000e+00 : f32
    %div3A_6 = vector.broadcast %div3A : f32 to vector<1x12000xf32>
    %div3A_7 = arith.divf %div3A_6, %broadcast_in_dim3A_5 : vector<1x12000xf32>
    %swap3A = arith.constant 0 : index
    %swap3A_8 = arith.constant 0 : index
    %swap3A_9 = arith.constant 0 : index
    %swap3A_10 = vector.load %arg3[%swap3A, %swap3A_8, %swap3A_9] : memref<1x1x12000xf32, #tpu.memory_space<vmem>>, vector<1x1x12000xf32>
    %swap3A_11 = vector.shape_cast %swap3A_10 : vector<1x1x12000xf32> to vector<1x12000xf32>
    %swap3A_12 = vector.shape_cast %div3A_7 : vector<1x12000xf32> to vector<1x1x12000xf32>
    tpu.vector_store %arg3[%swap3A, %swap3A_8, %swap3A_9], %swap3A_12 {strides = array<i32>} : memref<1x1x12000xf32, #tpu.memory_space<vmem>>, vector<1x1x12000xf32>,
    %iota3A = tpu.iota {dimensions = array<i32: 0>} : vector<100x12000xi32>
    %get3A_13 = arith.constant 0 : index
    %get3A_14 = arith.constant 0 : index
    %get3A_15 = arith.constant 0 : index
    %get3A_16 = vector.load %arg2[%get3A_13, %get3A_14, %get3A_15] : memref<1x1x12000xi32, #tpu.memory_space<vmem>>, vector<1x1x12000xi32>
    %get3A_17 = vector.shape_cast %get3A_16 : vector<1x1x12000xi32> to vector<1x12000xi32>
    %eq3A = vector.broadcast %get3A_17 : vector<1x12000xi32> to vector<100x12000xi32>
    %eq3A_18 = arith.cmpi eq, %iota3A, %eq3A : vector<100x12000xi32>
    %jit3A = arith.constant 0xFF800000 : f32
    %broadcast_in_dim3A_19 = vector.broadcast %jit3A : f32 to vector<100x12000xf32>
    %select_n3A = arith.select %eq3A_18, %transpose3A, %broadcast_in_dim3A_19 : vector<100x12000xi1>, vector<100x12000xf32>
    %reduce_max3A_20 = arith.constant dense<0xFF800000> : vector<12000xf32>
    %reduce_max3A_21 = vector.multi_reduction <maximumf>, %select_n3A, %reduce_max3A_20 [0] : vector<100x12000xf32> to vector<12000xf32>
    %broadcast_in_dim3A_22 = vector.shape_cast %reduce_max3A_21 : vector<12000xf32> to vector<1x12000xf32>
    %eq3A_23 = arith.cmpf oeq, %broadcast_in_dim3A_22, %broadcast_in_dim3A : vector<1x12000xf32>
    %convert_element_type3A = arith.extui %eq3A_23 : vector<1x12000xi1> to vector<1x12000xi32>
    %convert_element_type3A_24 = arith.sitofp %convert_element_type3A : vector<1x12000xi32> to vector<1x12000xf32>
    %swap3A_25 = arith.constant 0 : index
    %swap3A_26 = arith.constant 0 : index
    %swap3A_27 = arith.constant 0 : index
    %swap3A_28 = vector.load %arg4[%swap3A_25, %swap3A_26, %swap3A_27] : memref<1x1x12000xf32, #tpu.memory_space<vmem>>, vector<1x1x12000xf32>
    %swap3A_29 = vector.shape_cast %swap3A_28 : vector<1x1x12000xf32> to vector<1x12000xf32>
    %swap3A_30 = vector.shape_cast %convert_element_type3A_24 : vector<1x12000xf32> to vector<1x1x12000xf32>
    tpu.vector_store %arg4[%swap3A_25, %swap3A_26, %swap3A_27], %swap3A_30 {strides = array<i32>} : memref<1x1x12000xf32, #tpu.memory_space<vmem>>, vector<1x1x12000xf32>,
    return
  }
  func.func @transform_0(%arg0: i32) -> (i32, i32) {
    %c0_i32 = arith.constant 0 : i32
    %c0_i32_0 = arith.constant 0 : i32
    return %arg0, %c0_i32 : i32, i32
  }
  func.func @transform_1(%arg0: i32) -> (i32, i32, i32) {
    %c0_i32 = arith.constant 0 : i32
    %c0_i32_0 = arith.constant 0 : i32
    %c0_i32_1 = arith.constant 0 : i32
    return %arg0, %c0_i32, %c0_i32_0 : i32, i32, i32
  }
  func.func @transform_2(%arg0: i32) -> (i32, i32, i32) {
    %c0_i32 = arith.constant 0 : i32
    %c0_i32_0 = arith.constant 0 : i32
    %c0_i32_1 = arith.constant 0 : i32
    return %arg0, %c0_i32, %c0_i32_0 : i32, i32, i32
  }
  func.func @transform_3(%arg0: i32) -> (i32, i32, i32) {
    %c0_i32 = arith.constant 0 : i32
    %c0_i32_0 = arith.constant 0 : i32
    %c0_i32_1 = arith.constant 0 : i32
    return %arg0, %c0_i32, %c0_i32_0 : i32, i32, i32
  }
}

module attributes {stable_mosaic.version = 14 : i64} {
  func.func @_hist_kernel(%arg0: i32, %arg1: memref<2x10xf32, #tpu.memory_space<smem>>, %arg2: memref<1000x100xf32, #tpu.memory_space<vmem>>, %arg3: memref<1000x100xf32, #tpu.memory_space<vmem>>, %arg4: memref<16x1xf32, #tpu.memory_space<vmem>>, %arg5: memref<16x100xf32, #tpu.memory_space<vmem>>, %arg6: memref<16x100xf32, #tpu.memory_space<vmem>>) attributes {dimension_semantics = [#tpu.dimension_semantics<arbitrary>], iteration_bounds = array<i64: 5>, scalar_prefetch = 0 : i64, scratch_operands = 2 : i64, tpu.core_type = #tpu.core_type<tc>, window_params = [{transform_indices = @transform_0, window_bounds = array<i64: 2, 10>}, {transform_indices = @transform_1, window_bounds = array<i64: 1000, 100>}, {transform_indices = @transform_2, window_bounds = array<i64: 1000, 100>}, {pipeline_mode = #tpu.pipeline_mode<synchronous>, transform_indices = @transform_3, window_bounds = array<i64: 16, 1>}]} {
    %eq3A = arith.constant 0 : i32
    %eq3A_0 = arith.cmpi eq, %arg0, %eq3A : i32
    %convert_element_type3A = arith.extui %eq3A_0 : i1 to i32
    %cond3A = arith.constant 0 : i32
    %cond3A_1 = arith.cmpi ne, %convert_element_type3A, %cond3A : i32
    scf.if %cond3A_1 {
      %broadcast_in_dim3A_363 = arith.constant 0.000000e+00 : f32
      %broadcast_in_dim3A_364 = vector.broadcast %broadcast_in_dim3A_363 : f32 to vector<16x100xf32>
      %swap3A_365 = arith.constant 0 : index
      %swap3A_366 = arith.constant 0 : index
      %swap3A_367 = vector.load %arg5[%swap3A_365, %swap3A_366] : memref<16x100xf32, #tpu.memory_space<vmem>>, vector<16x100xf32>
      tpu.vector_store %arg5[%swap3A_365, %swap3A_366], %broadcast_in_dim3A_364 {strides = array<i32>} : memref<16x100xf32, #tpu.memory_space<vmem>>, vector<16x100xf32>,
      %broadcast_in_dim3A_368 = arith.constant 0.000000e+00 : f32
      %broadcast_in_dim3A_369 = vector.broadcast %broadcast_in_dim3A_368 : f32 to vector<16x100xf32>
      %swap3A_370 = arith.constant 0 : index
      %swap3A_371 = arith.constant 0 : index
      %swap3A_372 = vector.load %arg6[%swap3A_370, %swap3A_371] : memref<16x100xf32, #tpu.memory_space<vmem>>, vector<16x100xf32>
      tpu.vector_store %arg6[%swap3A_370, %swap3A_371], %broadcast_in_dim3A_369 {strides = array<i32>} : memref<16x100xf32, #tpu.memory_space<vmem>>, vector<16x100xf32>,
    } else {
    }
    %get3A = arith.constant 0 : index
    %get3A_2 = arith.constant 0 : index
    %get3A_3 = vector.load %arg2[%get3A, %get3A_2] : memref<1000x100xf32, #tpu.memory_space<vmem>>, vector<1000x100xf32>
    %get3A_4 = arith.constant 0 : index
    %get3A_5 = arith.constant 0 : index
    %get3A_6 = vector.load %arg3[%get3A_4, %get3A_5] : memref<1000x100xf32, #tpu.memory_space<vmem>>, vector<1000x100xf32>
    %get3A_7 = arith.constant 0 : index
    %get3A_8 = arith.constant 0 : index
    %get3A_9 = memref.load %arg1[%get3A_7, %get3A_8] : memref<2x10xf32, #tpu.memory_space<smem>>
    %get3A_10 = arith.constant 1 : index
    %get3A_11 = arith.constant 0 : index
    %get3A_12 = memref.load %arg1[%get3A_10, %get3A_11] : memref<2x10xf32, #tpu.memory_space<smem>>
    %gt3A = vector.broadcast %get3A_9 : f32 to vector<1000x100xf32>
    %gt3A_13 = arith.cmpf ogt, %get3A_3, %gt3A : vector<1000x100xf32>
    %le3A = vector.broadcast %get3A_12 : f32 to vector<1000x100xf32>
    %le3A_14 = arith.cmpf ole, %get3A_3, %le3A : vector<1000x100xf32>
    %and3A = arith.andi %gt3A_13, %le3A_14 : vector<1000x100xi1>
    %convert_element_type3A_15 = arith.extui %and3A : vector<1000x100xi1> to vector<1000x100xi32>
    %convert_element_type3A_16 = arith.sitofp %convert_element_type3A_15 : vector<1000x100xi32> to vector<1000x100xf32>
    %get3A_17 = arith.constant 0 : index
    %get3A_18 = arith.constant 0 : index
    %get3A_19 = vector.load %arg5[%get3A_17, %get3A_18] : memref<16x100xf32, #tpu.memory_space<vmem>>, vector<1x100xf32>
    %reduce_sum3A = arith.constant dense<0.000000e+00> : vector<100xf32>
    %reduce_sum3A_20 = vector.multi_reduction <add>, %convert_element_type3A_16, %reduce_sum3A [0] : vector<1000x100xf32> to vector<100xf32>
    %broadcast_in_dim3A = vector.shape_cast %reduce_sum3A_20 : vector<100xf32> to vector<1x100xf32>
    %add3A = arith.addf %get3A_19, %broadcast_in_dim3A : vector<1x100xf32>
    %swap3A = arith.constant 0 : index
    %swap3A_21 = arith.constant 0 : index
    %swap3A_22 = vector.load %arg5[%swap3A, %swap3A_21] : memref<16x100xf32, #tpu.memory_space<vmem>>, vector<1x100xf32>
    tpu.vector_store %arg5[%swap3A, %swap3A_21], %add3A {strides = array<i32>} : memref<16x100xf32, #tpu.memory_space<vmem>>, vector<1x100xf32>,
    %get3A_23 = arith.constant 0 : index
    %get3A_24 = arith.constant 0 : index
    %get3A_25 = vector.load %arg6[%get3A_23, %get3A_24] : memref<16x100xf32, #tpu.memory_space<vmem>>, vector<1x100xf32>
    %jit3A = arith.constant 0.000000e+00 : f32
    %broadcast_in_dim3A_26 = vector.broadcast %jit3A : f32 to vector<1000x100xf32>
    %select_n3A = arith.select %and3A, %get3A_6, %broadcast_in_dim3A_26 : vector<1000x100xi1>, vector<1000x100xf32>
    %reduce_sum3A_27 = arith.constant dense<0.000000e+00> : vector<100xf32>
    %reduce_sum3A_28 = vector.multi_reduction <add>, %select_n3A, %reduce_sum3A_27 [0] : vector<1000x100xf32> to vector<100xf32>
    %broadcast_in_dim3A_29 = vector.shape_cast %reduce_sum3A_28 : vector<100xf32> to vector<1x100xf32>
    %add3A_30 = arith.addf %get3A_25, %broadcast_in_dim3A_29 : vector<1x100xf32>
    %swap3A_31 = arith.constant 0 : index
    %swap3A_32 = arith.constant 0 : index
    %swap3A_33 = vector.load %arg6[%swap3A_31, %swap3A_32] : memref<16x100xf32, #tpu.memory_space<vmem>>, vector<1x100xf32>
    tpu.vector_store %arg6[%swap3A_31, %swap3A_32], %add3A_30 {strides = array<i32>} : memref<16x100xf32, #tpu.memory_space<vmem>>, vector<1x100xf32>,
    %get3A_34 = arith.constant 0 : index
    %get3A_35 = arith.constant 1 : index
    %get3A_36 = memref.load %arg1[%get3A_34, %get3A_35] : memref<2x10xf32, #tpu.memory_space<smem>>
    %get3A_37 = arith.constant 1 : index
    %get3A_38 = arith.constant 1 : index
    %get3A_39 = memref.load %arg1[%get3A_37, %get3A_38] : memref<2x10xf32, #tpu.memory_space<smem>>
    %gt3A_40 = vector.broadcast %get3A_36 : f32 to vector<1000x100xf32>
    %gt3A_41 = arith.cmpf ogt, %get3A_3, %gt3A_40 : vector<1000x100xf32>
    %le3A_42 = vector.broadcast %get3A_39 : f32 to vector<1000x100xf32>
    %le3A_43 = arith.cmpf ole, %get3A_3, %le3A_42 : vector<1000x100xf32>
    %and3A_44 = arith.andi %gt3A_41, %le3A_43 : vector<1000x100xi1>
    %convert_element_type3A_45 = arith.extui %and3A_44 : vector<1000x100xi1> to vector<1000x100xi32>
    %convert_element_type3A_46 = arith.sitofp %convert_element_type3A_45 : vector<1000x100xi32> to vector<1000x100xf32>
    %get3A_47 = arith.constant 1 : index
    %get3A_48 = arith.constant 0 : index
    %get3A_49 = vector.load %arg5[%get3A_47, %get3A_48] : memref<16x100xf32, #tpu.memory_space<vmem>>, vector<1x100xf32>
    %reduce_sum3A_50 = arith.constant dense<0.000000e+00> : vector<100xf32>
    %reduce_sum3A_51 = vector.multi_reduction <add>, %convert_element_type3A_46, %reduce_sum3A_50 [0] : vector<1000x100xf32> to vector<100xf32>
    %broadcast_in_dim3A_52 = vector.shape_cast %reduce_sum3A_51 : vector<100xf32> to vector<1x100xf32>
    %add3A_53 = arith.addf %get3A_49, %broadcast_in_dim3A_52 : vector<1x100xf32>
    %swap3A_54 = arith.constant 1 : index
    %swap3A_55 = arith.constant 0 : index
    %swap3A_56 = vector.load %arg5[%swap3A_54, %swap3A_55] : memref<16x100xf32, #tpu.memory_space<vmem>>, vector<1x100xf32>
    tpu.vector_store %arg5[%swap3A_54, %swap3A_55], %add3A_53 {strides = array<i32>} : memref<16x100xf32, #tpu.memory_space<vmem>>, vector<1x100xf32>,
    %get3A_57 = arith.constant 1 : index
    %get3A_58 = arith.constant 0 : index
    %get3A_59 = vector.load %arg6[%get3A_57, %get3A_58] : memref<16x100xf32, #tpu.memory_space<vmem>>, vector<1x100xf32>
    %jit3A_60 = arith.constant 0.000000e+00 : f32
    %broadcast_in_dim3A_61 = vector.broadcast %jit3A_60 : f32 to vector<1000x100xf32>
    %select_n3A_62 = arith.select %and3A_44, %get3A_6, %broadcast_in_dim3A_61 : vector<1000x100xi1>, vector<1000x100xf32>
    %reduce_sum3A_63 = arith.constant dense<0.000000e+00> : vector<100xf32>
    %reduce_sum3A_64 = vector.multi_reduction <add>, %select_n3A_62, %reduce_sum3A_63 [0] : vector<1000x100xf32> to vector<100xf32>
    %broadcast_in_dim3A_65 = vector.shape_cast %reduce_sum3A_64 : vector<100xf32> to vector<1x100xf32>
    %add3A_66 = arith.addf %get3A_59, %broadcast_in_dim3A_65 : vector<1x100xf32>
    %swap3A_67 = arith.constant 1 : index
    %swap3A_68 = arith.constant 0 : index
    %swap3A_69 = vector.load %arg6[%swap3A_67, %swap3A_68] : memref<16x100xf32, #tpu.memory_space<vmem>>, vector<1x100xf32>
    tpu.vector_store %arg6[%swap3A_67, %swap3A_68], %add3A_66 {strides = array<i32>} : memref<16x100xf32, #tpu.memory_space<vmem>>, vector<1x100xf32>,
    %get3A_70 = arith.constant 0 : index
    %get3A_71 = arith.constant 2 : index
    %get3A_72 = memref.load %arg1[%get3A_70, %get3A_71] : memref<2x10xf32, #tpu.memory_space<smem>>
    %get3A_73 = arith.constant 1 : index
    %get3A_74 = arith.constant 2 : index
    %get3A_75 = memref.load %arg1[%get3A_73, %get3A_74] : memref<2x10xf32, #tpu.memory_space<smem>>
    %gt3A_76 = vector.broadcast %get3A_72 : f32 to vector<1000x100xf32>
    %gt3A_77 = arith.cmpf ogt, %get3A_3, %gt3A_76 : vector<1000x100xf32>
    %le3A_78 = vector.broadcast %get3A_75 : f32 to vector<1000x100xf32>
    %le3A_79 = arith.cmpf ole, %get3A_3, %le3A_78 : vector<1000x100xf32>
    %and3A_80 = arith.andi %gt3A_77, %le3A_79 : vector<1000x100xi1>
    %convert_element_type3A_81 = arith.extui %and3A_80 : vector<1000x100xi1> to vector<1000x100xi32>
    %convert_element_type3A_82 = arith.sitofp %convert_element_type3A_81 : vector<1000x100xi32> to vector<1000x100xf32>
    %get3A_83 = arith.constant 2 : index
    %get3A_84 = arith.constant 0 : index
    %get3A_85 = vector.load %arg5[%get3A_83, %get3A_84] : memref<16x100xf32, #tpu.memory_space<vmem>>, vector<1x100xf32>
    %reduce_sum3A_86 = arith.constant dense<0.000000e+00> : vector<100xf32>
    %reduce_sum3A_87 = vector.multi_reduction <add>, %convert_element_type3A_82, %reduce_sum3A_86 [0] : vector<1000x100xf32> to vector<100xf32>
    %broadcast_in_dim3A_88 = vector.shape_cast %reduce_sum3A_87 : vector<100xf32> to vector<1x100xf32>
    %add3A_89 = arith.addf %get3A_85, %broadcast_in_dim3A_88 : vector<1x100xf32>
    %swap3A_90 = arith.constant 2 : index
    %swap3A_91 = arith.constant 0 : index
    %swap3A_92 = vector.load %arg5[%swap3A_90, %swap3A_91] : memref<16x100xf32, #tpu.memory_space<vmem>>, vector<1x100xf32>
    tpu.vector_store %arg5[%swap3A_90, %swap3A_91], %add3A_89 {strides = array<i32>} : memref<16x100xf32, #tpu.memory_space<vmem>>, vector<1x100xf32>,
    %get3A_93 = arith.constant 2 : index
    %get3A_94 = arith.constant 0 : index
    %get3A_95 = vector.load %arg6[%get3A_93, %get3A_94] : memref<16x100xf32, #tpu.memory_space<vmem>>, vector<1x100xf32>
    %jit3A_96 = arith.constant 0.000000e+00 : f32
    %broadcast_in_dim3A_97 = vector.broadcast %jit3A_96 : f32 to vector<1000x100xf32>
    %select_n3A_98 = arith.select %and3A_80, %get3A_6, %broadcast_in_dim3A_97 : vector<1000x100xi1>, vector<1000x100xf32>
    %reduce_sum3A_99 = arith.constant dense<0.000000e+00> : vector<100xf32>
    %reduce_sum3A_100 = vector.multi_reduction <add>, %select_n3A_98, %reduce_sum3A_99 [0] : vector<1000x100xf32> to vector<100xf32>
    %broadcast_in_dim3A_101 = vector.shape_cast %reduce_sum3A_100 : vector<100xf32> to vector<1x100xf32>
    %add3A_102 = arith.addf %get3A_95, %broadcast_in_dim3A_101 : vector<1x100xf32>
    %swap3A_103 = arith.constant 2 : index
    %swap3A_104 = arith.constant 0 : index
    %swap3A_105 = vector.load %arg6[%swap3A_103, %swap3A_104] : memref<16x100xf32, #tpu.memory_space<vmem>>, vector<1x100xf32>
    tpu.vector_store %arg6[%swap3A_103, %swap3A_104], %add3A_102 {strides = array<i32>} : memref<16x100xf32, #tpu.memory_space<vmem>>, vector<1x100xf32>,
    %get3A_106 = arith.constant 0 : index
    %get3A_107 = arith.constant 3 : index
    %get3A_108 = memref.load %arg1[%get3A_106, %get3A_107] : memref<2x10xf32, #tpu.memory_space<smem>>
    %get3A_109 = arith.constant 1 : index
    %get3A_110 = arith.constant 3 : index
    %get3A_111 = memref.load %arg1[%get3A_109, %get3A_110] : memref<2x10xf32, #tpu.memory_space<smem>>
    %gt3A_112 = vector.broadcast %get3A_108 : f32 to vector<1000x100xf32>
    %gt3A_113 = arith.cmpf ogt, %get3A_3, %gt3A_112 : vector<1000x100xf32>
    %le3A_114 = vector.broadcast %get3A_111 : f32 to vector<1000x100xf32>
    %le3A_115 = arith.cmpf ole, %get3A_3, %le3A_114 : vector<1000x100xf32>
    %and3A_116 = arith.andi %gt3A_113, %le3A_115 : vector<1000x100xi1>
    %convert_element_type3A_117 = arith.extui %and3A_116 : vector<1000x100xi1> to vector<1000x100xi32>
    %convert_element_type3A_118 = arith.sitofp %convert_element_type3A_117 : vector<1000x100xi32> to vector<1000x100xf32>
    %get3A_119 = arith.constant 3 : index
    %get3A_120 = arith.constant 0 : index
    %get3A_121 = vector.load %arg5[%get3A_119, %get3A_120] : memref<16x100xf32, #tpu.memory_space<vmem>>, vector<1x100xf32>
    %reduce_sum3A_122 = arith.constant dense<0.000000e+00> : vector<100xf32>
    %reduce_sum3A_123 = vector.multi_reduction <add>, %convert_element_type3A_118, %reduce_sum3A_122 [0] : vector<1000x100xf32> to vector<100xf32>
    %broadcast_in_dim3A_124 = vector.shape_cast %reduce_sum3A_123 : vector<100xf32> to vector<1x100xf32>
    %add3A_125 = arith.addf %get3A_121, %broadcast_in_dim3A_124 : vector<1x100xf32>
    %swap3A_126 = arith.constant 3 : index
    %swap3A_127 = arith.constant 0 : index
    %swap3A_128 = vector.load %arg5[%swap3A_126, %swap3A_127] : memref<16x100xf32, #tpu.memory_space<vmem>>, vector<1x100xf32>
    tpu.vector_store %arg5[%swap3A_126, %swap3A_127], %add3A_125 {strides = array<i32>} : memref<16x100xf32, #tpu.memory_space<vmem>>, vector<1x100xf32>,
    %get3A_129 = arith.constant 3 : index
    %get3A_130 = arith.constant 0 : index
    %get3A_131 = vector.load %arg6[%get3A_129, %get3A_130] : memref<16x100xf32, #tpu.memory_space<vmem>>, vector<1x100xf32>
    %jit3A_132 = arith.constant 0.000000e+00 : f32
    %broadcast_in_dim3A_133 = vector.broadcast %jit3A_132 : f32 to vector<1000x100xf32>
    %select_n3A_134 = arith.select %and3A_116, %get3A_6, %broadcast_in_dim3A_133 : vector<1000x100xi1>, vector<1000x100xf32>
    %reduce_sum3A_135 = arith.constant dense<0.000000e+00> : vector<100xf32>
    %reduce_sum3A_136 = vector.multi_reduction <add>, %select_n3A_134, %reduce_sum3A_135 [0] : vector<1000x100xf32> to vector<100xf32>
    %broadcast_in_dim3A_137 = vector.shape_cast %reduce_sum3A_136 : vector<100xf32> to vector<1x100xf32>
    %add3A_138 = arith.addf %get3A_131, %broadcast_in_dim3A_137 : vector<1x100xf32>
    %swap3A_139 = arith.constant 3 : index
    %swap3A_140 = arith.constant 0 : index
    %swap3A_141 = vector.load %arg6[%swap3A_139, %swap3A_140] : memref<16x100xf32, #tpu.memory_space<vmem>>, vector<1x100xf32>
    tpu.vector_store %arg6[%swap3A_139, %swap3A_140], %add3A_138 {strides = array<i32>} : memref<16x100xf32, #tpu.memory_space<vmem>>, vector<1x100xf32>,
    %get3A_142 = arith.constant 0 : index
    %get3A_143 = arith.constant 4 : index
    %get3A_144 = memref.load %arg1[%get3A_142, %get3A_143] : memref<2x10xf32, #tpu.memory_space<smem>>
    %get3A_145 = arith.constant 1 : index
    %get3A_146 = arith.constant 4 : index
    %get3A_147 = memref.load %arg1[%get3A_145, %get3A_146] : memref<2x10xf32, #tpu.memory_space<smem>>
    %gt3A_148 = vector.broadcast %get3A_144 : f32 to vector<1000x100xf32>
    %gt3A_149 = arith.cmpf ogt, %get3A_3, %gt3A_148 : vector<1000x100xf32>
    %le3A_150 = vector.broadcast %get3A_147 : f32 to vector<1000x100xf32>
    %le3A_151 = arith.cmpf ole, %get3A_3, %le3A_150 : vector<1000x100xf32>
    %and3A_152 = arith.andi %gt3A_149, %le3A_151 : vector<1000x100xi1>
    %convert_element_type3A_153 = arith.extui %and3A_152 : vector<1000x100xi1> to vector<1000x100xi32>
    %convert_element_type3A_154 = arith.sitofp %convert_element_type3A_153 : vector<1000x100xi32> to vector<1000x100xf32>
    %get3A_155 = arith.constant 4 : index
    %get3A_156 = arith.constant 0 : index
    %get3A_157 = vector.load %arg5[%get3A_155, %get3A_156] : memref<16x100xf32, #tpu.memory_space<vmem>>, vector<1x100xf32>
    %reduce_sum3A_158 = arith.constant dense<0.000000e+00> : vector<100xf32>
    %reduce_sum3A_159 = vector.multi_reduction <add>, %convert_element_type3A_154, %reduce_sum3A_158 [0] : vector<1000x100xf32> to vector<100xf32>
    %broadcast_in_dim3A_160 = vector.shape_cast %reduce_sum3A_159 : vector<100xf32> to vector<1x100xf32>
    %add3A_161 = arith.addf %get3A_157, %broadcast_in_dim3A_160 : vector<1x100xf32>
    %swap3A_162 = arith.constant 4 : index
    %swap3A_163 = arith.constant 0 : index
    %swap3A_164 = vector.load %arg5[%swap3A_162, %swap3A_163] : memref<16x100xf32, #tpu.memory_space<vmem>>, vector<1x100xf32>
    tpu.vector_store %arg5[%swap3A_162, %swap3A_163], %add3A_161 {strides = array<i32>} : memref<16x100xf32, #tpu.memory_space<vmem>>, vector<1x100xf32>,
    %get3A_165 = arith.constant 4 : index
    %get3A_166 = arith.constant 0 : index
    %get3A_167 = vector.load %arg6[%get3A_165, %get3A_166] : memref<16x100xf32, #tpu.memory_space<vmem>>, vector<1x100xf32>
    %jit3A_168 = arith.constant 0.000000e+00 : f32
    %broadcast_in_dim3A_169 = vector.broadcast %jit3A_168 : f32 to vector<1000x100xf32>
    %select_n3A_170 = arith.select %and3A_152, %get3A_6, %broadcast_in_dim3A_169 : vector<1000x100xi1>, vector<1000x100xf32>
    %reduce_sum3A_171 = arith.constant dense<0.000000e+00> : vector<100xf32>
    %reduce_sum3A_172 = vector.multi_reduction <add>, %select_n3A_170, %reduce_sum3A_171 [0] : vector<1000x100xf32> to vector<100xf32>
    %broadcast_in_dim3A_173 = vector.shape_cast %reduce_sum3A_172 : vector<100xf32> to vector<1x100xf32>
    %add3A_174 = arith.addf %get3A_167, %broadcast_in_dim3A_173 : vector<1x100xf32>
    %swap3A_175 = arith.constant 4 : index
    %swap3A_176 = arith.constant 0 : index
    %swap3A_177 = vector.load %arg6[%swap3A_175, %swap3A_176] : memref<16x100xf32, #tpu.memory_space<vmem>>, vector<1x100xf32>
    tpu.vector_store %arg6[%swap3A_175, %swap3A_176], %add3A_174 {strides = array<i32>} : memref<16x100xf32, #tpu.memory_space<vmem>>, vector<1x100xf32>,
    %get3A_178 = arith.constant 0 : index
    %get3A_179 = arith.constant 5 : index
    %get3A_180 = memref.load %arg1[%get3A_178, %get3A_179] : memref<2x10xf32, #tpu.memory_space<smem>>
    %get3A_181 = arith.constant 1 : index
    %get3A_182 = arith.constant 5 : index
    %get3A_183 = memref.load %arg1[%get3A_181, %get3A_182] : memref<2x10xf32, #tpu.memory_space<smem>>
    %gt3A_184 = vector.broadcast %get3A_180 : f32 to vector<1000x100xf32>
    %gt3A_185 = arith.cmpf ogt, %get3A_3, %gt3A_184 : vector<1000x100xf32>
    %le3A_186 = vector.broadcast %get3A_183 : f32 to vector<1000x100xf32>
    %le3A_187 = arith.cmpf ole, %get3A_3, %le3A_186 : vector<1000x100xf32>
    %and3A_188 = arith.andi %gt3A_185, %le3A_187 : vector<1000x100xi1>
    %convert_element_type3A_189 = arith.extui %and3A_188 : vector<1000x100xi1> to vector<1000x100xi32>
    %convert_element_type3A_190 = arith.sitofp %convert_element_type3A_189 : vector<1000x100xi32> to vector<1000x100xf32>
    %get3A_191 = arith.constant 5 : index
    %get3A_192 = arith.constant 0 : index
    %get3A_193 = vector.load %arg5[%get3A_191, %get3A_192] : memref<16x100xf32, #tpu.memory_space<vmem>>, vector<1x100xf32>
    %reduce_sum3A_194 = arith.constant dense<0.000000e+00> : vector<100xf32>
    %reduce_sum3A_195 = vector.multi_reduction <add>, %convert_element_type3A_190, %reduce_sum3A_194 [0] : vector<1000x100xf32> to vector<100xf32>
    %broadcast_in_dim3A_196 = vector.shape_cast %reduce_sum3A_195 : vector<100xf32> to vector<1x100xf32>
    %add3A_197 = arith.addf %get3A_193, %broadcast_in_dim3A_196 : vector<1x100xf32>
    %swap3A_198 = arith.constant 5 : index
    %swap3A_199 = arith.constant 0 : index
    %swap3A_200 = vector.load %arg5[%swap3A_198, %swap3A_199] : memref<16x100xf32, #tpu.memory_space<vmem>>, vector<1x100xf32>
    tpu.vector_store %arg5[%swap3A_198, %swap3A_199], %add3A_197 {strides = array<i32>} : memref<16x100xf32, #tpu.memory_space<vmem>>, vector<1x100xf32>,
    %get3A_201 = arith.constant 5 : index
    %get3A_202 = arith.constant 0 : index
    %get3A_203 = vector.load %arg6[%get3A_201, %get3A_202] : memref<16x100xf32, #tpu.memory_space<vmem>>, vector<1x100xf32>
    %jit3A_204 = arith.constant 0.000000e+00 : f32
    %broadcast_in_dim3A_205 = vector.broadcast %jit3A_204 : f32 to vector<1000x100xf32>
    %select_n3A_206 = arith.select %and3A_188, %get3A_6, %broadcast_in_dim3A_205 : vector<1000x100xi1>, vector<1000x100xf32>
    %reduce_sum3A_207 = arith.constant dense<0.000000e+00> : vector<100xf32>
    %reduce_sum3A_208 = vector.multi_reduction <add>, %select_n3A_206, %reduce_sum3A_207 [0] : vector<1000x100xf32> to vector<100xf32>
    %broadcast_in_dim3A_209 = vector.shape_cast %reduce_sum3A_208 : vector<100xf32> to vector<1x100xf32>
    %add3A_210 = arith.addf %get3A_203, %broadcast_in_dim3A_209 : vector<1x100xf32>
    %swap3A_211 = arith.constant 5 : index
    %swap3A_212 = arith.constant 0 : index
    %swap3A_213 = vector.load %arg6[%swap3A_211, %swap3A_212] : memref<16x100xf32, #tpu.memory_space<vmem>>, vector<1x100xf32>
    tpu.vector_store %arg6[%swap3A_211, %swap3A_212], %add3A_210 {strides = array<i32>} : memref<16x100xf32, #tpu.memory_space<vmem>>, vector<1x100xf32>,
    %get3A_214 = arith.constant 0 : index
    %get3A_215 = arith.constant 6 : index
    %get3A_216 = memref.load %arg1[%get3A_214, %get3A_215] : memref<2x10xf32, #tpu.memory_space<smem>>
    %get3A_217 = arith.constant 1 : index
    %get3A_218 = arith.constant 6 : index
    %get3A_219 = memref.load %arg1[%get3A_217, %get3A_218] : memref<2x10xf32, #tpu.memory_space<smem>>
    %gt3A_220 = vector.broadcast %get3A_216 : f32 to vector<1000x100xf32>
    %gt3A_221 = arith.cmpf ogt, %get3A_3, %gt3A_220 : vector<1000x100xf32>
    %le3A_222 = vector.broadcast %get3A_219 : f32 to vector<1000x100xf32>
    %le3A_223 = arith.cmpf ole, %get3A_3, %le3A_222 : vector<1000x100xf32>
    %and3A_224 = arith.andi %gt3A_221, %le3A_223 : vector<1000x100xi1>
    %convert_element_type3A_225 = arith.extui %and3A_224 : vector<1000x100xi1> to vector<1000x100xi32>
    %convert_element_type3A_226 = arith.sitofp %convert_element_type3A_225 : vector<1000x100xi32> to vector<1000x100xf32>
    %get3A_227 = arith.constant 6 : index
    %get3A_228 = arith.constant 0 : index
    %get3A_229 = vector.load %arg5[%get3A_227, %get3A_228] : memref<16x100xf32, #tpu.memory_space<vmem>>, vector<1x100xf32>
    %reduce_sum3A_230 = arith.constant dense<0.000000e+00> : vector<100xf32>
    %reduce_sum3A_231 = vector.multi_reduction <add>, %convert_element_type3A_226, %reduce_sum3A_230 [0] : vector<1000x100xf32> to vector<100xf32>
    %broadcast_in_dim3A_232 = vector.shape_cast %reduce_sum3A_231 : vector<100xf32> to vector<1x100xf32>
    %add3A_233 = arith.addf %get3A_229, %broadcast_in_dim3A_232 : vector<1x100xf32>
    %swap3A_234 = arith.constant 6 : index
    %swap3A_235 = arith.constant 0 : index
    %swap3A_236 = vector.load %arg5[%swap3A_234, %swap3A_235] : memref<16x100xf32, #tpu.memory_space<vmem>>, vector<1x100xf32>
    tpu.vector_store %arg5[%swap3A_234, %swap3A_235], %add3A_233 {strides = array<i32>} : memref<16x100xf32, #tpu.memory_space<vmem>>, vector<1x100xf32>,
    %get3A_237 = arith.constant 6 : index
    %get3A_238 = arith.constant 0 : index
    %get3A_239 = vector.load %arg6[%get3A_237, %get3A_238] : memref<16x100xf32, #tpu.memory_space<vmem>>, vector<1x100xf32>
    %jit3A_240 = arith.constant 0.000000e+00 : f32
    %broadcast_in_dim3A_241 = vector.broadcast %jit3A_240 : f32 to vector<1000x100xf32>
    %select_n3A_242 = arith.select %and3A_224, %get3A_6, %broadcast_in_dim3A_241 : vector<1000x100xi1>, vector<1000x100xf32>
    %reduce_sum3A_243 = arith.constant dense<0.000000e+00> : vector<100xf32>
    %reduce_sum3A_244 = vector.multi_reduction <add>, %select_n3A_242, %reduce_sum3A_243 [0] : vector<1000x100xf32> to vector<100xf32>
    %broadcast_in_dim3A_245 = vector.shape_cast %reduce_sum3A_244 : vector<100xf32> to vector<1x100xf32>
    %add3A_246 = arith.addf %get3A_239, %broadcast_in_dim3A_245 : vector<1x100xf32>
    %swap3A_247 = arith.constant 6 : index
    %swap3A_248 = arith.constant 0 : index
    %swap3A_249 = vector.load %arg6[%swap3A_247, %swap3A_248] : memref<16x100xf32, #tpu.memory_space<vmem>>, vector<1x100xf32>
    tpu.vector_store %arg6[%swap3A_247, %swap3A_248], %add3A_246 {strides = array<i32>} : memref<16x100xf32, #tpu.memory_space<vmem>>, vector<1x100xf32>,
    %get3A_250 = arith.constant 0 : index
    %get3A_251 = arith.constant 7 : index
    %get3A_252 = memref.load %arg1[%get3A_250, %get3A_251] : memref<2x10xf32, #tpu.memory_space<smem>>
    %get3A_253 = arith.constant 1 : index
    %get3A_254 = arith.constant 7 : index
    %get3A_255 = memref.load %arg1[%get3A_253, %get3A_254] : memref<2x10xf32, #tpu.memory_space<smem>>
    %gt3A_256 = vector.broadcast %get3A_252 : f32 to vector<1000x100xf32>
    %gt3A_257 = arith.cmpf ogt, %get3A_3, %gt3A_256 : vector<1000x100xf32>
    %le3A_258 = vector.broadcast %get3A_255 : f32 to vector<1000x100xf32>
    %le3A_259 = arith.cmpf ole, %get3A_3, %le3A_258 : vector<1000x100xf32>
    %and3A_260 = arith.andi %gt3A_257, %le3A_259 : vector<1000x100xi1>
    %convert_element_type3A_261 = arith.extui %and3A_260 : vector<1000x100xi1> to vector<1000x100xi32>
    %convert_element_type3A_262 = arith.sitofp %convert_element_type3A_261 : vector<1000x100xi32> to vector<1000x100xf32>
    %get3A_263 = arith.constant 7 : index
    %get3A_264 = arith.constant 0 : index
    %get3A_265 = vector.load %arg5[%get3A_263, %get3A_264] : memref<16x100xf32, #tpu.memory_space<vmem>>, vector<1x100xf32>
    %reduce_sum3A_266 = arith.constant dense<0.000000e+00> : vector<100xf32>
    %reduce_sum3A_267 = vector.multi_reduction <add>, %convert_element_type3A_262, %reduce_sum3A_266 [0] : vector<1000x100xf32> to vector<100xf32>
    %broadcast_in_dim3A_268 = vector.shape_cast %reduce_sum3A_267 : vector<100xf32> to vector<1x100xf32>
    %add3A_269 = arith.addf %get3A_265, %broadcast_in_dim3A_268 : vector<1x100xf32>
    %swap3A_270 = arith.constant 7 : index
    %swap3A_271 = arith.constant 0 : index
    %swap3A_272 = vector.load %arg5[%swap3A_270, %swap3A_271] : memref<16x100xf32, #tpu.memory_space<vmem>>, vector<1x100xf32>
    tpu.vector_store %arg5[%swap3A_270, %swap3A_271], %add3A_269 {strides = array<i32>} : memref<16x100xf32, #tpu.memory_space<vmem>>, vector<1x100xf32>,
    %get3A_273 = arith.constant 7 : index
    %get3A_274 = arith.constant 0 : index
    %get3A_275 = vector.load %arg6[%get3A_273, %get3A_274] : memref<16x100xf32, #tpu.memory_space<vmem>>, vector<1x100xf32>
    %jit3A_276 = arith.constant 0.000000e+00 : f32
    %broadcast_in_dim3A_277 = vector.broadcast %jit3A_276 : f32 to vector<1000x100xf32>
    %select_n3A_278 = arith.select %and3A_260, %get3A_6, %broadcast_in_dim3A_277 : vector<1000x100xi1>, vector<1000x100xf32>
    %reduce_sum3A_279 = arith.constant dense<0.000000e+00> : vector<100xf32>
    %reduce_sum3A_280 = vector.multi_reduction <add>, %select_n3A_278, %reduce_sum3A_279 [0] : vector<1000x100xf32> to vector<100xf32>
    %broadcast_in_dim3A_281 = vector.shape_cast %reduce_sum3A_280 : vector<100xf32> to vector<1x100xf32>
    %add3A_282 = arith.addf %get3A_275, %broadcast_in_dim3A_281 : vector<1x100xf32>
    %swap3A_283 = arith.constant 7 : index
    %swap3A_284 = arith.constant 0 : index
    %swap3A_285 = vector.load %arg6[%swap3A_283, %swap3A_284] : memref<16x100xf32, #tpu.memory_space<vmem>>, vector<1x100xf32>
    tpu.vector_store %arg6[%swap3A_283, %swap3A_284], %add3A_282 {strides = array<i32>} : memref<16x100xf32, #tpu.memory_space<vmem>>, vector<1x100xf32>,
    %get3A_286 = arith.constant 0 : index
    %get3A_287 = arith.constant 8 : index
    %get3A_288 = memref.load %arg1[%get3A_286, %get3A_287] : memref<2x10xf32, #tpu.memory_space<smem>>
    %get3A_289 = arith.constant 1 : index
    %get3A_290 = arith.constant 8 : index
    %get3A_291 = memref.load %arg1[%get3A_289, %get3A_290] : memref<2x10xf32, #tpu.memory_space<smem>>
    %gt3A_292 = vector.broadcast %get3A_288 : f32 to vector<1000x100xf32>
    %gt3A_293 = arith.cmpf ogt, %get3A_3, %gt3A_292 : vector<1000x100xf32>
    %le3A_294 = vector.broadcast %get3A_291 : f32 to vector<1000x100xf32>
    %le3A_295 = arith.cmpf ole, %get3A_3, %le3A_294 : vector<1000x100xf32>
    %and3A_296 = arith.andi %gt3A_293, %le3A_295 : vector<1000x100xi1>
    %convert_element_type3A_297 = arith.extui %and3A_296 : vector<1000x100xi1> to vector<1000x100xi32>
    %convert_element_type3A_298 = arith.sitofp %convert_element_type3A_297 : vector<1000x100xi32> to vector<1000x100xf32>
    %get3A_299 = arith.constant 8 : index
    %get3A_300 = arith.constant 0 : index
    %get3A_301 = vector.load %arg5[%get3A_299, %get3A_300] : memref<16x100xf32, #tpu.memory_space<vmem>>, vector<1x100xf32>
    %reduce_sum3A_302 = arith.constant dense<0.000000e+00> : vector<100xf32>
    %reduce_sum3A_303 = vector.multi_reduction <add>, %convert_element_type3A_298, %reduce_sum3A_302 [0] : vector<1000x100xf32> to vector<100xf32>
    %broadcast_in_dim3A_304 = vector.shape_cast %reduce_sum3A_303 : vector<100xf32> to vector<1x100xf32>
    %add3A_305 = arith.addf %get3A_301, %broadcast_in_dim3A_304 : vector<1x100xf32>
    %swap3A_306 = arith.constant 8 : index
    %swap3A_307 = arith.constant 0 : index
    %swap3A_308 = vector.load %arg5[%swap3A_306, %swap3A_307] : memref<16x100xf32, #tpu.memory_space<vmem>>, vector<1x100xf32>
    tpu.vector_store %arg5[%swap3A_306, %swap3A_307], %add3A_305 {strides = array<i32>} : memref<16x100xf32, #tpu.memory_space<vmem>>, vector<1x100xf32>,
    %get3A_309 = arith.constant 8 : index
    %get3A_310 = arith.constant 0 : index
    %get3A_311 = vector.load %arg6[%get3A_309, %get3A_310] : memref<16x100xf32, #tpu.memory_space<vmem>>, vector<1x100xf32>
    %jit3A_312 = arith.constant 0.000000e+00 : f32
    %broadcast_in_dim3A_313 = vector.broadcast %jit3A_312 : f32 to vector<1000x100xf32>
    %select_n3A_314 = arith.select %and3A_296, %get3A_6, %broadcast_in_dim3A_313 : vector<1000x100xi1>, vector<1000x100xf32>
    %reduce_sum3A_315 = arith.constant dense<0.000000e+00> : vector<100xf32>
    %reduce_sum3A_316 = vector.multi_reduction <add>, %select_n3A_314, %reduce_sum3A_315 [0] : vector<1000x100xf32> to vector<100xf32>
    %broadcast_in_dim3A_317 = vector.shape_cast %reduce_sum3A_316 : vector<100xf32> to vector<1x100xf32>
    %add3A_318 = arith.addf %get3A_311, %broadcast_in_dim3A_317 : vector<1x100xf32>
    %swap3A_319 = arith.constant 8 : index
    %swap3A_320 = arith.constant 0 : index
    %swap3A_321 = vector.load %arg6[%swap3A_319, %swap3A_320] : memref<16x100xf32, #tpu.memory_space<vmem>>, vector<1x100xf32>
    tpu.vector_store %arg6[%swap3A_319, %swap3A_320], %add3A_318 {strides = array<i32>} : memref<16x100xf32, #tpu.memory_space<vmem>>, vector<1x100xf32>,
    %get3A_322 = arith.constant 0 : index
    %get3A_323 = arith.constant 9 : index
    %get3A_324 = memref.load %arg1[%get3A_322, %get3A_323] : memref<2x10xf32, #tpu.memory_space<smem>>
    %get3A_325 = arith.constant 1 : index
    %get3A_326 = arith.constant 9 : index
    %get3A_327 = memref.load %arg1[%get3A_325, %get3A_326] : memref<2x10xf32, #tpu.memory_space<smem>>
    %gt3A_328 = vector.broadcast %get3A_324 : f32 to vector<1000x100xf32>
    %gt3A_329 = arith.cmpf ogt, %get3A_3, %gt3A_328 : vector<1000x100xf32>
    %le3A_330 = vector.broadcast %get3A_327 : f32 to vector<1000x100xf32>
    %le3A_331 = arith.cmpf ole, %get3A_3, %le3A_330 : vector<1000x100xf32>
    %and3A_332 = arith.andi %gt3A_329, %le3A_331 : vector<1000x100xi1>
    %convert_element_type3A_333 = arith.extui %and3A_332 : vector<1000x100xi1> to vector<1000x100xi32>
    %convert_element_type3A_334 = arith.sitofp %convert_element_type3A_333 : vector<1000x100xi32> to vector<1000x100xf32>
    %get3A_335 = arith.constant 9 : index
    %get3A_336 = arith.constant 0 : index
    %get3A_337 = vector.load %arg5[%get3A_335, %get3A_336] : memref<16x100xf32, #tpu.memory_space<vmem>>, vector<1x100xf32>
    %reduce_sum3A_338 = arith.constant dense<0.000000e+00> : vector<100xf32>
    %reduce_sum3A_339 = vector.multi_reduction <add>, %convert_element_type3A_334, %reduce_sum3A_338 [0] : vector<1000x100xf32> to vector<100xf32>
    %broadcast_in_dim3A_340 = vector.shape_cast %reduce_sum3A_339 : vector<100xf32> to vector<1x100xf32>
    %add3A_341 = arith.addf %get3A_337, %broadcast_in_dim3A_340 : vector<1x100xf32>
    %swap3A_342 = arith.constant 9 : index
    %swap3A_343 = arith.constant 0 : index
    %swap3A_344 = vector.load %arg5[%swap3A_342, %swap3A_343] : memref<16x100xf32, #tpu.memory_space<vmem>>, vector<1x100xf32>
    tpu.vector_store %arg5[%swap3A_342, %swap3A_343], %add3A_341 {strides = array<i32>} : memref<16x100xf32, #tpu.memory_space<vmem>>, vector<1x100xf32>,
    %get3A_345 = arith.constant 9 : index
    %get3A_346 = arith.constant 0 : index
    %get3A_347 = vector.load %arg6[%get3A_345, %get3A_346] : memref<16x100xf32, #tpu.memory_space<vmem>>, vector<1x100xf32>
    %jit3A_348 = arith.constant 0.000000e+00 : f32
    %broadcast_in_dim3A_349 = vector.broadcast %jit3A_348 : f32 to vector<1000x100xf32>
    %select_n3A_350 = arith.select %and3A_332, %get3A_6, %broadcast_in_dim3A_349 : vector<1000x100xi1>, vector<1000x100xf32>
    %reduce_sum3A_351 = arith.constant dense<0.000000e+00> : vector<100xf32>
    %reduce_sum3A_352 = vector.multi_reduction <add>, %select_n3A_350, %reduce_sum3A_351 [0] : vector<1000x100xf32> to vector<100xf32>
    %broadcast_in_dim3A_353 = vector.shape_cast %reduce_sum3A_352 : vector<100xf32> to vector<1x100xf32>
    %add3A_354 = arith.addf %get3A_347, %broadcast_in_dim3A_353 : vector<1x100xf32>
    %swap3A_355 = arith.constant 9 : index
    %swap3A_356 = arith.constant 0 : index
    %swap3A_357 = vector.load %arg6[%swap3A_355, %swap3A_356] : memref<16x100xf32, #tpu.memory_space<vmem>>, vector<1x100xf32>
    tpu.vector_store %arg6[%swap3A_355, %swap3A_356], %add3A_354 {strides = array<i32>} : memref<16x100xf32, #tpu.memory_space<vmem>>, vector<1x100xf32>,
    %eq3A_358 = arith.constant 4 : i32
    %eq3A_359 = arith.cmpi eq, %arg0, %eq3A_358 : i32
    %convert_element_type3A_360 = arith.extui %eq3A_359 : i1 to i32
    %cond3A_361 = arith.constant 0 : i32
    %cond3A_362 = arith.cmpi ne, %convert_element_type3A_360, %cond3A_361 : i32
    scf.if %cond3A_362 {
      %get3A_363 = arith.constant 0 : index
      %get3A_364 = arith.constant 0 : index
      %get3A_365 = vector.load %arg5[%get3A_363, %get3A_364] : memref<16x100xf32, #tpu.memory_space<vmem>>, vector<16x100xf32>
      %reduce_sum3A_366 = arith.constant dense<0.000000e+00> : vector<16xf32>
      %reduce_sum3A_367 = vector.multi_reduction <add>, %get3A_365, %reduce_sum3A_366 [1] : vector<16x100xf32> to vector<16xf32>
      %broadcast_in_dim3A_368 = vector.shape_cast %reduce_sum3A_367 : vector<16xf32> to vector<16x1xf32>
      %get3A_369 = arith.constant 0 : index
      %get3A_370 = arith.constant 0 : index
      %get3A_371 = vector.load %arg6[%get3A_369, %get3A_370] : memref<16x100xf32, #tpu.memory_space<vmem>>, vector<16x100xf32>
      %reduce_sum3A_372 = arith.constant dense<0.000000e+00> : vector<16xf32>
      %reduce_sum3A_373 = vector.multi_reduction <add>, %get3A_371, %reduce_sum3A_372 [1] : vector<16x100xf32> to vector<16xf32>
      %broadcast_in_dim3A_374 = vector.shape_cast %reduce_sum3A_373 : vector<16xf32> to vector<16x1xf32>
      %gt3A_375 = arith.constant 0.000000e+00 : f32
      %gt3A_376 = vector.broadcast %gt3A_375 : f32 to vector<16x1xf32>
      %gt3A_377 = arith.cmpf ogt, %broadcast_in_dim3A_368, %gt3A_376 : vector<16x1xf32>
      %max3A = arith.constant 1.000000e+00 : f32
      %max3A_378 = vector.broadcast %max3A : f32 to vector<16x1xf32>
      %max3A_379 = arith.maximumf %broadcast_in_dim3A_368, %max3A_378 : vector<16x1xf32>
      %div3A = arith.divf %broadcast_in_dim3A_374, %max3A_379 : vector<16x1xf32>
      %jit3A_380 = arith.constant 0.000000e+00 : f32
      %broadcast_in_dim3A_381 = vector.broadcast %jit3A_380 : f32 to vector<16x1xf32>
      %select_n3A_382 = arith.select %gt3A_377, %div3A, %broadcast_in_dim3A_381 : vector<16x1xi1>, vector<16x1xf32>
      %swap3A_383 = arith.constant 0 : index
      %swap3A_384 = arith.constant 0 : index
      %swap3A_385 = vector.load %arg4[%swap3A_383, %swap3A_384] : memref<16x1xf32, #tpu.memory_space<vmem>>, vector<16x1xf32>
      tpu.vector_store %arg4[%swap3A_383, %swap3A_384], %select_n3A_382 {strides = array<i32>} : memref<16x1xf32, #tpu.memory_space<vmem>>, vector<16x1xf32>,
    } else {
    }
    return
  }
  func.func @transform_0(%arg0: i32) -> (i32, i32) {
    %c0_i32 = arith.constant 0 : i32
    %c0_i32_0 = arith.constant 0 : i32
    %c0_i32_1 = arith.constant 0 : i32
    return %c0_i32, %c0_i32_0 : i32, i32
  }
  func.func @transform_1(%arg0: i32) -> (i32, i32) {
    %c0_i32 = arith.constant 0 : i32
    %c0_i32_0 = arith.constant 0 : i32
    return %arg0, %c0_i32 : i32, i32
  }
  func.func @transform_2(%arg0: i32) -> (i32, i32) {
    %c0_i32 = arith.constant 0 : i32
    %c0_i32_0 = arith.constant 0 : i32
    return %arg0, %c0_i32 : i32, i32
  }
  func.func @transform_3(%arg0: i32) -> (i32, i32) {
    %c0_i32 = arith.constant 0 : i32
    %c0_i32_0 = arith.constant 0 : i32
    %c0_i32_1 = arith.constant 0 : i32
    return %c0_i32, %c0_i32_0 : i32, i32
  }
}

</mosaic_0001>

<sc_bundles>
// kernel: kernel.5.cloned.1.call-start
scs
__scs_entry_jumppad:
0x0: {  	(pc) =	sbr.rel $0x88, $3  }
0x1: {  	(tag) =	ssettag $0x0;
	lr =	simm.s32 $0x1  }
0x2: {  	[smem:$0x3F9F] =	sst lr;
	_ =	strace $0xD0000000  }
0x3: {  	_ = 	snop  }
0x4: {  	_ = 	snop  }
0x5: {  	_ = 	snop  }
0x6: {  	_ = 	snop  }
0x7: {  	_ = 	snop  }
__scs_overlays_trampoline_lowered:
0x8: {  	[smem:$0x3FAE] =	sst s0  }
0x9: {  	[smem:$0x3FAF] =	sst s1  }
0xa: {  	[smem:$0x3FB0] =	sst s2  }
0xb: {  	[smem:$0x3FB1] =	sst s3  }
0xc: {  	[smem:$0x3FB2] =	sst s4  }
0xd: {  	[smem:$0x3FB3] =	sst s5  }
0xe: {  	[smem:$0x3FB4] =	sst s6  }
0xf: {  	[smem:$0x3FB5] =	sst s7  }
0x10: {  	[smem:$0x3FB6] =	sst s8  }
0x11: {  	[smem:$0x3FB7] =	sst s9;
	s0 =	simm.s32 @!p0 $0x0  }
0x12: {  	s1 =	sld [smem:$0x3F9D];
	s0 =	simm.s32 @p0 $0x1  }
0x13: {  	[smem:$0x3FB8] =	sst s0;
	s0 =	simm.s32 @!p1 $0x0  }
0x14: {  	s2 =	sld [smem:$0x3F9C];
	s0 =	simm.s32 @p1 $0x1  }
0x15: {  	[smem:$0x3FB9] =	sst s0;
	s0 =	simm.s32 @!p2 $0x0  }
0x16: {  	s3 =	sld [smem:$0x3FDB];
	s0 =	simm.s32 @p2 $0x1  }
0x17: {  	s4 =	simm.s32 $0x1BF5;
	[smem:$0x3FBB] =	sst s0  }
0x18: {  	s0 =	sld [smem:$0x3F9E];
	_ =	swait.ge [sflag:s4], $0x0  }
0x19: {  	s7 =	sld [smem:$0x3F9F]  }
0x1a: {  	s8 =	sadd.s32 $0xFFFFE003, lr  }
0x1b: {  	s9 =	sadd.s32 $0xFFFFFEF7, lr;
	s5 =	simm.s32 $0xFFFFFFFF;
	p2 =	slt.u32 s8, $0xFFFFF086  }
0x1c: {  	p1 =	slt.u32 s9, $0xF7A;
	s5 =	simm.s32 @!p2 $0x0  }
0x1d: {  	s5 =	simm.s32 @p1 $0x1;
	p0 =	seq.s32 s7, s2  }
0x1e: {  	s7 =	smul.u32 @!p0 $0xF7A, s2;
	p2 =	seq.s32 @!p0 s5, $0x0  }
0x1f: {  	s9 =	smul.u32 $0xF7A, s1;
	s8 =	simm.s32 @!p0 $0x1BF5;
	p2 =	por !p2, p0  }
0x20: {  	[sflag:s8] =	ssyncset.s32 @!p0 $0xFFFFF086;
	s6 =	sadd.s32 @!p0 s3, s7;
	s7 =	simm.s32 @!p0 $0x108  }
0x21: {  	s3 =	sadd.s32 s3, s9;
	s6 =	sadd.s32 @!p0 $0x88, s6;
	s7 =	simm.s32 @p2 $0x1082  }
0x22: {  	[simem:s7], [sflag:s8] =	dma.local @!p0 [hbm:s6], $0xF7A  }
0x23: {  	s9 =	sor.u32 $0xD0000000, s2;
	s6 =	simm.s32 $0x108;
	_ =	swait.ge @!p0 [sflag:s8], $0x0  }
0x24: {  	s3 =	sadd.s32 $0x88, s3;
	s6 =	simm.s32 @!p1 $0x1082;
	[sflag:s4] =	ssyncset.s32 $0xFFFFF086  }
0x25: {  	[simem:s6], [sflag:s4] =	dma.local [hbm:s3], $0xF7A  }
0x26: {  	[smem:$0x3F9F] =	sst s1;
	(tag) =	ssettag s2;
	_ =	strace s9  }
0x27: {  	s1 =	sld [smem:$0x3FAF]  }
0x28: {  	s2 =	sld [smem:$0x3FB0]  }
0x29: {  	s4 =	sld [smem:$0x3FB2]  }
0x2a: {  	p0 =	seq.s32 s5, $0x0;
	s5 =	sld [smem:$0x3FB3]  }
0x2b: {  	s6 =	sld [smem:$0x3FB4]  }
0x2c: {  	s7 =	sld [smem:$0x3FB5]  }
0x2d: {  	s3 =	simm.s32 $0x108;
	s8 =	sld [smem:$0x3FB6]  }
0x2e: {  	s3 =	simm.s32 @!p0 $0x1082;
	s9 =	sld [smem:$0x3FB7]  }
0x2f: {  	lr =	sadd.s32 s0, s3;
	s0 =	sld [smem:$0x3FAE]  }
0x30: {  	s3 =	sld [smem:$0x3FB1]  }
0x31: {  	[smem:$0x3FBA] =	sst s10  }
0x32: {  	s10 =	sld [smem:$0x3FB8];
	_ =	sdelay $0x3  }
0x33: {  	p0 =	seq.s32 s10, $0x1;
	s10 =	sld [smem:$0x3FBA];
	_ =	sdelay $0x3  }
0x34: {  	[smem:$0x3FBA] =	sst s10  }
0x35: {  	s10 =	sld [smem:$0x3FB9];
	_ =	sdelay $0x3  }
0x36: {  	p1 =	seq.s32 s10, $0x1;
	s10 =	sld [smem:$0x3FBA];
	_ =	sdelay $0x3  }
0x37: {  	[smem:$0x3FBA] =	sst s10  }
0x38: {  	s10 =	sld [smem:$0x3FBB]  }
0x39: {  	_ = 	snop;
	(pc) =	sbr.ind lr, $3  }
0x3a: {  	_ = 	snop  }
0x3b: {  	_ = 	snop  }
0x3c: {  	p2 =	seq.s32 s10, $0x1;
	s10 =	sld [smem:$0x3FBA]  }
0x3d: {  	_ =	shalt  }
0x3e: {  	_ =	shalt  }
0x3f: {  	_ =	shalt  }
0x40: {  	_ =	shalt  }
0x41: {  	_ =	shalt  }
0x42: {  	_ =	shalt  }
0x43: {  	_ =	shalt  }
0x44: {  	_ =	shalt  }
0x45: {  	_ =	shalt  }
0x46: {  	_ =	shalt  }
0x47: {  	_ =	shalt  }
0x48: {  	_ =	shalt  }
0x49: {  	_ =	shalt  }
0x4a: {  	_ =	shalt  }
0x4b: {  	_ =	shalt  }
0x4c: {  	_ =	shalt  }
0x4d: {  	_ =	shalt  }
0x4e: {  	_ =	shalt  }
0x4f: {  	_ =	shalt  }
0x50: {  	_ =	shalt  }
0x51: {  	_ =	shalt  }
0x52: {  	_ =	shalt  }
0x53: {  	_ =	shalt  }
0x54: {  	_ =	shalt  }
0x55: {  	_ =	shalt  }
0x56: {  	_ =	shalt  }
0x57: {  	_ =	shalt  }
0x58: {  	_ =	shalt  }
0x59: {  	_ =	shalt  }
0x5a: {  	_ =	shalt  }
0x5b: {  	_ =	shalt  }
0x5c: {  	_ =	shalt  }
0x5d: {  	_ =	shalt  }
0x5e: {  	_ =	shalt  }
0x5f: {  	_ =	shalt  }
0x60: {  	_ =	shalt  }
0x61: {  	_ =	shalt  }
0x62: {  	_ =	shalt  }
0x63: {  	_ =	shalt  }
0x64: {  	_ =	shalt  }
0x65: {  	_ =	shalt  }
0x66: {  	_ =	shalt  }
0x67: {  	_ =	shalt  }
0x68: {  	_ =	shalt  }
0x69: {  	_ =	shalt  }
0x6a: {  	_ =	shalt  }
0x6b: {  	_ =	shalt  }
0x6c: {  	_ =	shalt  }
0x6d: {  	_ =	shalt  }
0x6e: {  	_ =	shalt  }
0x6f: {  	_ =	shalt  }
0x70: {  	_ =	shalt  }
0x71: {  	_ =	shalt  }
0x72: {  	_ =	shalt  }
0x73: {  	_ =	shalt  }
0x74: {  	_ =	shalt  }
0x75: {  	_ =	shalt  }
0x76: {  	_ =	shalt  }
0x77: {  	_ =	shalt  }
0x78: {  	_ =	shalt  }
0x79: {  	_ =	shalt  }
0x7a: {  	_ =	shalt  }
0x7b: {  	_ =	shalt  }
0x7c: {  	_ =	shalt  }
0x7d: {  	_ =	shalt  }
0x7e: {  	_ =	shalt  }
0x7f: {  	_ =	shalt  }
0x80: {  	_ =	shalt  }
0x81: {  	_ =	shalt  }
0x82: {  	_ =	shalt  }
0x83: {  	_ =	shalt  }
0x84: {  	_ =	shalt  }
0x85: {  	_ =	shalt  }
0x86: {  	_ =	shalt  }
0x87: {  	_ =	shalt  }
.Lfunc_end0:
.L_simem_size_0:
called_computation_lowered:
.L_overlay_start_0:
0x88: {  	s2 =	sld [smem:$0x3FD9]  }
0x89: {  	s3 =	sld [smem:$0x3FFE];
	_ =	sdelay $0x1  }
0x8a: {  	s1 =	srdreg.scid  }
0x8b: {  	s0 =	sand.u32 $0x1, s1  }
0x8c: {  	s17 =	sshll.u32 s0, $0xA;
	s2 =	sadd.s32 s3, s2  }
0x8d: {  	s2 =	sadd.s32 s2, s17  }
0x8e: {  	[smem:$0x3FC6] =	sst s2  }
0x8f: {  	_ = 	snop  }
0x90: {  	s2 =	sld [smem:$0x3FC8];
	(tm) =	ssettm $0x1  }
0x91: {  	s18 =	sld [smem:$0x3FFB];
	_ =	sdelay $0x3  }
0x92: {  	_ =	strace s18  }
0x93: {  	s3 =	sld [smem:$0x3FFC];
	_ =	sdelay $0x3  }
0x94: {  	_ =	strace s3  }
0x95: {  	s3 =	sld [smem:$0x3FFD];
	_ =	sdelay $0x3  }
0x96: {  	_ =	strace s3  }
0x97: {  	_ =	strace $0x8FFFFFFF  }
0x98: {  	s19 =	sld [smem:$0x3FDB];
	_ =	sdelay $0x1  }
0x99: {  	s4 =	simm.s32 $_scs_section_size  }
0x9a: {  	s5 =	simm.s32 $_size__tile_overlayer_lowered;
	s6 =	simm.s32 $_tile_overlayer_lowered  }
0x9b: {  	s22 =	simm.s32 $0x1BFF;
	s21 =	sshll.u32 s6, $0x1;
	s3 =	sadd.s32 s4, s19  }
0x9c: {  	s7 =	simm.s32 $0x0;
	s20 =	sshll.u32 s5, $0x1;
	s5 =	sadd.s32 s21, s3  }
0x9d: {  	[timem:s7], [sflag:s22] =	dma.local [hbm:s5], s20  }
0x9e: {  	_ =	swait.ge [sflag:s22], s20  }
0x9f: {  	s4 =	ssub.s32 $0x0, s20;
	[sflag:s22] =	ssyncset.done $0x0  }
0xa0: {  	[sflag:s22] =	ssyncadd.s32 s4;
	_ =	sdelay $0x1  }
0xa1: {  	s23 =	simm.s32 $0x1B8B  }
0xa2: {  	_ =	swait.ge [sflag:s23], $0x1  }
0xa3: {  	[sflag:s23] =	ssyncset.done $0x0  }
0xa4: {  	s25 =	simm.s32 $0x1B8E;
	s24 =	sld [smem:$0x3FFE];
	[sflag:s23] =	ssyncadd.s32 $0xFFFFFFFF  }
0xa5: {  	s26 =	simm.s32 $execute0_lowered;
	[smem:$0x3FD2] =	sst s25  }
0xa6: {  	s5 =	sshll.u32 s26, $0x1;
	_ =	strace $0x80000046;
	[dreg:$0x1] =	wrdreg $0xFFFFFFFF  }
0xa7: {  	s28 =	simm.s32 $_size_execute0_lowered;
	s3 =	sadd.s32 s3, s5;
	[dreg:$0x0] =	wrdreg $0x0  }
0xa8: {  	s5 =	sshll.u32 s28, $0x1;
	[dreg:$0x2] =	wrdreg s3  }
0xa9: {  	[dreg:$0x3] =	wrdreg s5  }
0xaa: {  	[dreg:$0x4] =	wrdreg $0xC0  }
0xab: {  	_ =	task [dreg:s7], $0x5FFFF  }
0xac: {  	[dreg:$0x1] =	wrdreg $0xFFFFFFFF  }
0xad: {  	[dreg:$0x0] =	wrdreg $0x60  }
0xae: {  	[dreg:$0x2] =	wrdreg s24  }
0xaf: {  	[dreg:$0x3] =	wrdreg s2  }
0xb0: {  	[dreg:$0x4] =	wrdreg $0x9  }
0xb1: {  	_ =	task.clear_ibuf [dreg:s7], $0x5FFFF;
	_ =	strace $0x90000046  }
0xb2: {  	s29 =	simm.s32 $0x9;
	_ =	strace $0x80000048  }
0xb3: {  	_ =	swait.ge [sflag:s29], $0x1  }
0xb4: {  	[sflag:s29] =	ssyncadd.s32 $0xFFFFFFFF  }
0xb5: {  	_ =	strace $0x90000048  }
0xb6: {  	_ =	sfence  }
0xb7: {  	s30 =	sld [smem:$0x0];
	_ =	sdelay $0x2  }
0xb8: {  	s31 =	sshll.u32 s1, $0xD;
	s1 =	sshrl.u32 s1, $0x2  }
0xb9: {  	s3 =	sand.u32 $0x4000, s31;
	s1 =	sadd.s32 s1, s30  }
0xba: {  	s0 =	sor.u32 s3, s0;
	s1 =	sshll.u32 s1, $0x11  }
0xbb: {  	s0 =	sor.u32 s1, s0  }
0xbc: {  	s0 =	sadd.s32 $0x8F2B, s0  }
0xbd: {  	[sflag:s0] =	ssyncadd.remote.s32 $0x1  }
0xbe: {  	_ =	sfence.sel $0xFFFF  }
0xbf: {  	[dreg:$0x0] =	wrdreg $0xFFFFFFFF;
	(pc) =	sbr.abs _section_cstart, $3  }
0xc0: {  	[dreg:$0x1] =	wrdreg $0xFFFFFFFF  }
0xc1: {  	_ =	task.clear_ibuf [dreg:s7], $0x2FFFF;
	_ =	strace $0x9FFFFFFF  }
0xc2: {  	(tm) =	ssettm $0x7FFFFFFF  }
0xc3: {  	_ =	shalt  }
tec
execute0_lowered:
.L_overlay_start_1:
0x0: {  	(tag) =	ssettag $0x1  }
0x1: {  	v0 =	vimm.s32 $0xFEDCBA9  }
0x2: {  	v1 =	vimm.s32 $0x1;
	v3 =	vimm.s32 $0x87654321;
	v4 =	vimm.s32 $0x10FEDCBA  }
0x3: {  	v5 =	vimm.s32 $0x98765432;
	v6 =	vimm.s32 $0x3210FEDC;
	v7 =	vimm.s32 $0xBA987654  }
0x4: {  	v8 =	vimm.s32 $0xFEDCBA98;
	v9 =	vimm.s32 $0x76543210;
	vm0 =	vmmov $0xf  }
0x5: {  	vm1 =	vmmov $0xff;
	vm2 =	vmmov $0x1;
	v18 =	vimm.s32 $0x2  }
0x6: {  	v20 =	vimm.s32 $0x3;
	vm3 =	vmmov $0x3;
	vm4 =	vmmov $0x7  }
0x7: {  	v21 =	vimm.s32 $0x4;
	v22 =	vimm.s32 $0x5;
	vm5 =	vmmov $0x1f  }
0x8: {  	v23 =	vimm.s32 $0x6;
	v25 =	vimm.s32 $0x7;
	vm6 =	vmmov $0x3f  }
0x9: {  	vm7 =	vmmov $0x7f;
	v26 =	vimm.s32 $0x8;
	v27 =	vimm.s32 $0x9  }
0xa: {  	vm8 =	vmmov $0x1ff;
	v28 =	vimm.s32 $0xA;
	v29 =	vimm.s32 $0xB  }
0xb: {  	vm9 =	vmmov $0x3ff;
	vm10 =	vmmov $0x7ff;
	v30 =	vimm.s32 $0xC  }
0xc: {  	v31 =	vimm.s32 $0xD;
	vm11 =	vmmov $0xfff;
	vm12 =	vmmov $0x1fff  }
0xd: {  	v32 =	vimm.s32 $0xE;
	v33 =	vimm.s32 $0xF;
	vm13 =	vmmov $0x3fff  }
0xe: {  	v2 =	vunpack.c.l.s4.s8 v0;
	v3 =	vunpack.c.l.s4.s8 v3;
	v4 =	vunpack.c.l.s4.s8 v4  }
0xf: {  	v5 =	vunpack.c.l.s4.s8 v5;
	v6 =	vunpack.c.l.s4.s8 v6;
	v7 =	vunpack.c.l.s4.s8 v7  }
0x10: {  	v2 =	vunpack.c.0.s8.s32 v2;
	v3 =	vunpack.c.0.s8.s32 v3;
	v4 =	vunpack.c.0.s8.s32 v4  }
0x11: {  	v5 =	vunpack.c.0.s8.s32 v5;
	v6 =	vunpack.c.0.s8.s32 v6;
	v7 =	vunpack.c.0.s8.s32 v7  }
0x12: {  	s6 =	rddreg [dreg:$0x0];
	vm14 =	vmmov $0x7fff;
	v8 =	vunpack.c.l.s4.s8 v8;
	v2 =	vcombine.low v3, v2  }
0x13: {  	s1 =	rddreg [dreg:$0x1];
	v3 =	vcombine.low v5, v4;
	v4 =	vunpack.c.l.s4.s8 v9;
	v5 =	vcombine.low v7, v6  }
0x14: {  	s0 =	rddreg [dreg:$0x2];
	s2 =	simm.s32 $0x0;
	s3 =	srdreg.scid;
	v0 =	vimm.s32 $0x0;
	v6 =	vunpack.c.0.s8.s32 v8;
	v2 =	vand.u32 $0xF, v2  }
0x15: {  	s11 =	simm.s32 $0xA080;
	s12 =	simm.s32 $0x0;
	[smem:$0x7FF] =	sst s2;
	v7 =	vunpack.c.0.s8.s32 v4;
	v4 =	vand.u32 $0xF, v5;
	v5 =	vlaneseq.u32  }
0x16: {  	s7 =	sand.u32 $0x1, s3;
	s4 =	sadd.s32 $0x7A1600, s6;
	s5 =	sadd.s32 $0xD97600, s6;
	v3 =	vand.u32 $0xF, v3;
	v6 =	vand.u32 $0xF, v6;
	v8 =	vor.u32 $0x20, v5  }
0x17: {  	s3 =	stileid.u32;
	s6 =	sadd.s32 $0xD9B600, s6;
	s8 =	ssub.s32 $0x2, s7;
	v9 =	vor.u32 $0x30, v5;
	v10 =	vor.u32 $0x40, v5;
	v11 =	vor.u32 $0x50, v5  }
0x18: {  	_ =	strace $0x80000047;
	s10 =	sshll.u32 s3, $0x1;
	s9 =	sshrl.u32 s8, $0x1;
	v12 =	vor.u32 $0x60, v5;
	v13 =	vor.u32 $0x70, v5;
	v14 =	vor.u32 $0x80, v5  }
0x19: {  	s7 =	sor.u32 s7, s10;
	s10 =	simm.s32 $0x9E80;
	s8 =	ssub.s32 s8, s9;
	v15 =	vor.u32 $0x90, v5;
	v16 =	vor.u32 $0xA0, v5;
	v17 =	vor.u32 $0xB0, v5  }
0x1a: {  	s7 =	smul.u32 $0xFA0, s7;
	s9 =	simm.s32 $0x1;
	s8 =	smax.u32 s8, $0x1;
	v19 =	vor.u32 $0xC0, v5;
	v6 =	vcombine.low v6, v7;
	v7 =	vor.u32 $0x10, v5  }
.LBB2_1:
0x1b: {  	s13 =	simm.s32 $0x0  }
.LBB2_2:
0x1c: {  	s14 =	smul.u32 $0x190, s13;
	_ =	sdelay $0x1  }
0x1d: {  	s14 =	sadd.s32 s7, s14  }
0x1e: {  	s16 =	sadd.s32 $0x5AD20, s14  }
0x1f: {  	s15 =	smul.u32 $0x64, s16;
	_ =	sdelay $0x1  }
0x20: {  	s15 =	sshrl.u32 s15, $0x3  }
0x21: {  	s17 =	sadd.s32 s4, s15;
	s15 =	simm.s32 $0x0  }
0x22: {  	[tilespmem:s15], [sflag:$0x1] =	stream.linear.gather [hbm4b:s17+s15], $0x9C40, $0x38;
	[tilespmem:$0xA280] =	vst v63  }
0x23: {  	_ =	swait.ge [sflag:s9], $0x9C40  }
0x24: {  	s16 =	sshrl.u32 s16, $0x3;
	[sflag:s9] =	ssyncset.done $0x0  }
0x25: {  	s31 =	sadd.s32 s1, s16;
	s16 =	simm.s32 $0x9C80;
	[sflag:s9] =	ssyncadd.s32 $0xFFFF63C0  }
0x26: {  	[tilespmem:s16], [sflag:$0x1] =	stream.linear.gather [hbm4b:s31+s15], $0x190, $0x38;
	[tilespmem:$0xA280] =	vst v63  }
0x27: {  	_ =	swait.ge [sflag:s9], $0x190  }
0x28: {  	s18 =	simm.s32 $0x9E80;
	[sflag:s9] =	ssyncset.done $0x0  }
0x29: {  	s19 =	simm.s32 $0x320;
	s17 =	simm.s32 $0xA080;
	[sflag:s9] =	ssyncadd.s32 $0xFFFFFE70  }
.LBB2_3:
0x2a: {  	v37 =	vld [tilespmem:s19+$0xFFFFFCE0]  }
0x2b: {  	v38 =	vld [tilespmem:s19+$0xFFFFFCF0]  }
0x2c: {  	v41 =	vld [tilespmem:s19+$0xFFFFFD00]  }
0x2d: {  	v43 =	vld [tilespmem:s19+$0xFFFFFD10]  }
0x2e: {  	v47 =	vld [tilespmem:s19+$0xFFFFFD20]  }
0x2f: {  	v48 =	vld [tilespmem:s19+$0xFFFFFD30]  }
0x30: {  	v40 =	vld [tilespmem:s19+$0xFFFFFD40]  }
0x31: {  	v34 =	vmax.f32 v37, v38  }
0x32: {  	v34 =	vmax.f32 v34, v41  }
0x33: {  	v34 =	vmax.f32 v34, v43  }
0x34: {  	v34 =	vmax.f32 v34, v47  }
0x35: {  	v35 =	vnsel vm0, $0xFF800000, v40;
	v34 =	vmax.f32 v34, v48  }
0x36: {  	v34 =	vmax.f32 v34, v35  }
0x37: {  	v35 =	vperm.xlane v34, v2;
	_ =	sdelay $0x1  }
0x38: {  	v34 =	vmax.f32 v34, v35  }
0x39: {  	v35 =	vperm.xlane v34, v3;
	_ =	sdelay $0x1  }
0x3a: {  	v34 =	vmax.f32 v34, v35  }
0x3b: {  	v35 =	vperm.xlane v34, v4;
	_ =	sdelay $0x1  }
0x3c: {  	v34 =	vmax.f32 v34, v35  }
0x3d: {  	v35 =	vperm.xlane v34, v6;
	_ =	sdelay $0x1  }
0x3e: {  	v46 =	vld [tilespmem:s19+$0xFFFFFD50];
	v35 =	vmax.f32 v34, v35  }
0x3f: {  	s20 =	sand.u32 $0xFFC0, s15;
	v44 =	vld [tilespmem:s19+$0xFFFFFD70];
	v34 =	vsub.f32 v37, v35  }
0x40: {  	v45 =	vld [tilespmem:s20+$0x80];
	v36 =	vsub.f32 v38, v35  }
0x41: {  	v42 =	vld [tilespmem:s19+$0xFFFFFD80];
	v39 =	vsub.f32 v41, v35;
	v34 =	vmul.f32 $1.442695020e+00, v34  }
0x42: {  	v51 =	vsel vm0, $0xFF800000, v40;
	v62 =	vmul.f32 $1.442695020e+00, v36;
	v36 =	vld [tilespmem:s19+$0xFFFFFD90]  }
0x43: {  	v49 =	vsub.f32 v43, v35;
	v63 =	vmul.f32 $1.442695020e+00, v39;
	v39 =	vld [tilespmem:s19+$0xFFFFFDA0];
	(erf) = vpow2.f32 v34  }
0x44: {  	v54 =	vmax.f32 v51, v46  }
0x45: {  	v53 =	vmul.f32 $1.442695020e+00, v49;
	v49 =	vmax.f32 v54, v45;
	(erf) = vpow2.f32 v62  }
0x46: {  	v50 =	vsub.f32 v47, v35;
	v49 =	vmax.f32 v49, v44  }
0x47: {  	v55 =	vsub.f32 v48, v35;
	v49 =	vmax.f32 v49, v42;
	(erf) = vpow2.f32 v63  }
0x48: {  	v56 =	vsub.f32 v40, v35;
	v49 =	vmax.f32 v49, v36;
	v52 =	vnsel vm1, $0xFF800000, v39  }
0x49: {  	v50 =	vmul.f32 $1.442695020e+00, v50;
	(erf) = vpow2.f32 v53;
	v49 =	vmax.f32 v49, v52  }
0x4a: {  	v57 =	vmul.f32 $1.442695020e+00, v55;
	v34 =	vld [tilespmem:s16+$0x0];
	v59 =	vperm.xlane v49, v2  }
0x4b: {  	(erf) = vpow2.f32 v50;
	v50 =	vmul.f32 $1.442695020e+00, v56  }
0x4c: {  	(erf) = vpow2.f32 v57;
	v49 =	vmax.f32 v49, v59;
	v53 =	vpop (erf)  }
0x4d: {  	(erf) = vpow2.f32 v50;
	v63 =	vperm.xlane v49, v3;
	v58 =	vadd.f32 $0.0e+00, v53  }
0x4e: {  	v60 =	vpop (erf)  }
0x4f: {  	v53 =	vperm.xlane v34, v0;
	v49 =	vmax.f32 v49, v63;
	v61 =	vadd.f32 v58, v60  }
0x50: {  	v62 =	vpop (erf);
	v57 =	vperm.xlane v49, v4  }
0x51: {  	vm15 =	veq.s32 v53, v7;
	v50 =	vadd.f32 v61, v62  }
0x52: {  	v56 =	vpop (erf);
	v38 =	vnsel vm15, $0xFF800000, v38;
	vm15 =	veq.s32 v53, v5;
	v49 =	vmax.f32 v49, v57  }
0x53: {  	v37 =	vsel vm15, v37, v38;
	v51 =	vperm.xlane v49, v6;
	v50 =	vadd.f32 v50, v56  }
0x54: {  	v58 =	vpop (erf);
	vm15 =	veq.s32 v53, v8;
	v41 =	vmax.f32 v37, v41  }
0x55: {  	v60 =	vpop (erf);
	v41 =	vsel vm15, v41, v37;
	v37 =	vmax.f32 v49, v51;
	v59 =	vadd.f32 v50, v58  }
0x56: {  	v61 =	vpop (erf);
	v49 =	vsub.f32 v40, v37  }
0x57: {  	vm15 =	veq.s32 v53, v9;
	v62 =	vnsel vm0, $0x0, v61;
	v38 =	vadd.f32 v59, v60  }
0x58: {  	v43 =	vmax.f32 v41, v43;
	v51 =	vsub.f32 v46, v37;
	v49 =	vmul.f32 $1.442695020e+00, v49  }
0x59: {  	v54 =	vsub.f32 v45, v37;
	v41 =	vsel vm15, v43, v41;
	v38 =	vadd.f32 v38, v62  }
0x5a: {  	vm15 =	veq.s32 v53, v10;
	v43 =	vmax.f32 v41, v47;
	(erf) = vpow2.f32 v49  }
0x5b: {  	v41 =	vsel vm15, v43, v41;
	v43 =	vmul.f32 $1.442695020e+00, v51;
	v63 =	vperm.xlane v38, v2  }
0x5c: {  	v57 =	vsub.f32 v44, v37;
	v56 =	vmul.f32 $1.442695020e+00, v54;
	v54 =	vsub.f32 v36, v37  }
0x5d: {  	vm15 =	veq.s32 v53, v11;
	(erf) = vpow2.f32 v43;
	v38 =	vadd.f32 v38, v63  }
0x5e: {  	v59 =	vmul.f32 $1.442695020e+00, v57;
	v60 =	vsub.f32 v42, v37;
	v52 =	vmax.f32 v41, v48  }
0x5f: {  	v50 =	vld [tilespmem:s19+$0xFFFFFDA8];
	v41 =	vsel vm15, v52, v41;
	(erf) = vpow2.f32 v56;
	v55 =	vperm.xlane v38, v3  }
0x60: {  	v49 =	vld [tilespmem:s19+$0xFFFFFDD8];
	vm15 =	veq.s32 v53, v12;
	v47 =	vmul.f32 $1.442695020e+00, v60;
	v58 =	vmax.f32 v41, v40  }
0x61: {  	v53 =	vld [tilespmem:s19+$0xFFFFFDB8];
	v48 =	vsel vm15, v58, v41;
	(erf) = vpow2.f32 v59;
	v38 =	vadd.f32 v38, v55  }
0x62: {  	v57 =	vsub.f32 v39, v37;
	v52 =	vld [tilespmem:s19+$0xFFFFFDC8];
	v62 =	vmul.f32 $1.442695020e+00, v54;
	v56 =	vperm.xlane v48, v2  }
0x63: {  	v43 =	vld [tilespmem:s19+$0xFFFFFDE8];
	(erf) = vpow2.f32 v47;
	v58 =	vpop (erf);
	v61 =	vperm.xlane v38, v4  }
0x64: {  	v57 =	vmul.f32 $1.442695020e+00, v57;
	v41 =	vld [tilespmem:s19+$0xFFFFFDF8];
	(erf) = vpow2.f32 v62;
	v63 =	vsel vm0, $0x0, v58  }
0x65: {  	v48 =	vmax.f32 v48, v56;
	v54 =	vadd.f32 $0.0e+00, v63;
	v51 =	vadd.f32 v38, v61;
	v38 =	vld [tilespmem:s19+$0xFFFFFE08]  }
0x66: {  	v60 =	vmax.f32 v50, v53;
	(erf) = vpow2.f32 v57;
	v56 =	vperm.xlane v48, v3;
	v59 =	vpop (erf)  }
0x67: {  	v55 =	vperm.xlane v34, v1;
	v61 =	vmax.f32 v60, v52;
	v54 =	vadd.f32 v54, v59  }
0x68: {  	v48 =	vmax.f32 v48, v56;
	v57 =	vpop (erf);
	v47 =	vmax.f32 v61, v49  }
0x69: {  	v60 =	vadd.s32 $0x64, v55;
	v47 =	vmax.f32 v47, v43;
	v54 =	vadd.f32 v54, v57  }
0x6a: {  	v62 =	vpop (erf);
	vm15 =	veq.s32 v60, v13;
	v47 =	vmax.f32 v47, v41;
	v59 =	vnsel vm0, $0xFF800000, v38  }
0x6b: {  	v58 =	vperm.xlane v51, v6;
	v54 =	vadd.f32 v54, v62;
	v47 =	vmax.f32 v47, v59  }
0x6c: {  	v46 =	vnsel vm15, $0xFF800000, v46;
	vm15 =	veq.s32 v60, v12;
	v57 =	vpop (erf);
	v63 =	vperm.xlane v47, v2  }
0x6d: {  	v40 =	vsel vm15, v40, v46;
	vm15 =	veq.s32 v60, v14;
	v46 =	vadd.f32 v54, v57  }
0x6e: {  	v61 =	vpop (erf);
	v45 =	vmax.f32 v40, v45;
	v55 =	vadd.f32 v51, v58;
	v47 =	vmax.f32 v47, v63  }
0x6f: {  	v62 =	vpop (erf);
	v40 =	vsel vm15, v45, v40;
	v45 =	vadd.f32 v46, v61;
	v59 =	vperm.xlane v47, v3  }
0x70: {  	v51 =	vperm.xlane v48, v4;
	vm15 =	veq.s32 v60, v15;
	v46 =	vnsel vm1, $0x0, v62  }
0x71: {  	v44 =	vmax.f32 v40, v44;
	v46 =	vadd.f32 v45, v46;
	v54 =	vmax.f32 v47, v59  }
0x72: {  	v51 =	vmax.f32 v48, v51;
	v40 =	vsel vm15, v44, v40;
	v63 =	vperm.xlane v54, v4  }
0x73: {  	v48 =	vld [tilespmem:s19+$0xFFFFFE18];
	vm15 =	veq.s32 v60, v16;
	v42 =	vmax.f32 v40, v42;
	v61 =	vperm.xlane v46, v2  }
0x74: {  	v40 =	vsel vm15, v42, v40;
	vm15 =	veq.s32 v60, v17;
	v45 =	vld [tilespmem:s19+$0xFFFFFE38];
	v54 =	vmax.f32 v54, v63  }
0x75: {  	v36 =	vmax.f32 v40, v36;
	v47 =	vld [tilespmem:s19+$0xFFFFFE28];
	v46 =	vadd.f32 v46, v61;
	v56 =	vperm.xlane v54, v6  }
0x76: {  	v58 =	vsel vm15, v36, v40;
	v40 =	vld [tilespmem:s19+$0xFFFFFE68]  }
0x77: {  	v44 =	vld [tilespmem:s19+$0xFFFFFE48];
	v62 =	vsel vm0, $0xFF800000, v38;
	v59 =	vperm.xlane v46, v3;
	v36 =	vmax.f32 v54, v56  }
0x78: {  	v42 =	vld [tilespmem:s19+$0xFFFFFE58];
	vm15 =	veq.s32 v60, v19;
	v39 =	vmax.f32 v58, v39;
	v54 =	vsub.f32 v50, v36  }
0x79: {  	v39 =	vsel vm15, v39, v58;
	v56 =	vmax.f32 v62, v48;
	v46 =	vadd.f32 v46, v59  }
0x7a: {  	v60 =	vsub.f32 v53, v36;
	v56 =	vmax.f32 v56, v47;
	v54 =	vmul.f32 $1.442695020e+00, v54  }
0x7b: {  	v59 =	vnsel vm1, $0xFF800000, v40;
	v58 =	vsub.f32 v52, v36;
	v56 =	vmax.f32 v56, v45  }
0x7c: {  	v56 =	vmax.f32 v56, v44;
	(erf) = vpow2.f32 v54;
	v54 =	vmul.f32 $1.442695020e+00, v60  }
0x7d: {  	v63 =	vsub.f32 v38, v36;
	v56 =	vmax.f32 v56, v42;
	v60 =	vperm.xlane v39, v2  }
0x7e: {  	(erf) = vpow2.f32 v54;
	v54 =	vmax.f32 v56, v59;
	v56 =	vmul.f32 $1.442695020e+00, v58  }
0x7f: {  	v58 =	vsub.f32 v49, v36;
	v39 =	vmax.f32 v39, v60;
	v59 =	vperm.xlane v54, v2  }
0x80: {  	v61 =	vperm.xlane v46, v4;
	v60 =	vsub.f32 v43, v36;
	v62 =	vperm.xlane v39, v3  }
0x81: {  	(erf) = vpow2.f32 v56;
	v56 =	vmul.f32 $1.442695020e+00, v58;
	v54 =	vmax.f32 v54, v59  }
0x82: {  	v58 =	vmul.f32 $1.442695020e+00, v60;
	v59 =	vsub.f32 v41, v36;
	v60 =	vperm.xlane v54, v3  }
0x83: {  	(erf) = vpow2.f32 v56;
	v56 =	vmul.f32 $1.442695020e+00, v63  }
0x84: {  	(erf) = vpow2.f32 v58;
	v58 =	vmul.f32 $1.442695020e+00, v59;
	v54 =	vmax.f32 v54, v60  }
0x85: {  	v57 =	vperm.xlane v51, v6;
	v39 =	vmax.f32 v39, v62;
	v59 =	vperm.xlane v54, v4  }
0x86: {  	v60 =	vadd.f32 v46, v61;
	v61 =	vperm.xlane v39, v4;
	v62 =	vpop (erf);
	(erf) = vpow2.f32 v58  }
0x87: {  	v58 =	vadd.f32 $0.0e+00, v62;
	(erf) = vpow2.f32 v56;
	v54 =	vmax.f32 v54, v59  }
0x88: {  	v46 =	vmax.f32 v51, v57;
	v51 =	vperm.xlane v60, v6;
	v56 =	vpop (erf);
	v57 =	vperm.xlane v54, v6  }
0x89: {  	v59 =	vmax.f32 v39, v61;
	v61 =	vperm.xlane v34, v18;
	v56 =	vadd.f32 v58, v56  }
0x8a: {  	v58 =	vadd.f32 v60, v51;
	v60 =	vpop (erf);
	v39 =	vmax.f32 v54, v57  }
0x8b: {  	vm15 =	veq.s32 v61, v7;
	v63 =	vadd.f32 v56, v60;
	v60 =	vsub.f32 v38, v39  }
0x8c: {  	v51 =	vperm.xlane v59, v6;
	v53 =	vnsel vm15, $0xFF800000, v53;
	vm15 =	veq.s32 v61, v5;
	v62 =	vpop (erf)  }
0x8d: {  	v50 =	vsel vm15, v50, v53;
	v53 =	vadd.f32 v63, v62  }
0x8e: {  	v51 =	vmax.f32 v59, v51;
	v63 =	vmul.f32 $1.442695020e+00, v60  }
0x8f: {  	vm15 =	veq.s32 v61, v8;
	v52 =	vmax.f32 v50, v52;
	v62 =	vsub.f32 v48, v39;
	v60 =	vpop (erf)  }
0x90: {  	v59 =	vsub.f32 v42, v39;
	v50 =	vsel vm15, v52, v50;
	v52 =	vadd.f32 v53, v60  }
0x91: {  	(erf) = vpow2.f32 v63;
	v53 =	vpop (erf);
	v60 =	vmul.f32 $1.442695020e+00, v62;
	v62 =	vsub.f32 v47, v39  }
0x92: {  	vm15 =	veq.s32 v61, v9;
	v49 =	vmax.f32 v50, v49;
	v63 =	vpop (erf);
	v52 =	vadd.f32 v52, v53  }
0x93: {  	v54 =	vnsel vm0, $0x0, v63;
	(erf) = vpow2.f32 v60;
	v56 =	vmul.f32 $1.442695020e+00, v62  }
0x94: {  	v63 =	vsub.f32 v45, v39;
	v53 =	vsel vm2, v35, v37;
	v60 =	vsel vm15, v49, v50  }
0x95: {  	vm15 =	veq.s32 v61, v10;
	v43 =	vmax.f32 v60, v43;
	v62 =	vadd.f32 v52, v54  }
0x96: {  	(erf) = vpow2.f32 v56;
	v63 =	vmul.f32 $1.442695020e+00, v63;
	v56 =	vsub.f32 v44, v39  }
0x97: {  	v35 =	vsel vm15, v43, v60;
	v43 =	vsub.f32 v40, v39;
	vm15 =	veq.s32 v61, v11  }
0x98: {  	v41 =	vmax.f32 v35, v41;
	v52 =	vperm.xlane v62, v2;
	(erf) = vpow2.f32 v63  }
0x99: {  	v57 =	vmul.f32 $1.442695020e+00, v56;
	v43 =	vmul.f32 $1.442695020e+00, v43;
	v35 =	vsel vm15, v41, v35  }
0x9a: {  	v50 =	vld [tilespmem:s19+$0xFFFFFEB0];
	vm15 =	veq.s32 v61, v12;
	v37 =	vadd.f32 v62, v52;
	v60 =	vpop (erf);
	v62 =	vmul.f32 $1.442695020e+00, v59  }
0x9b: {  	v54 =	vld [tilespmem:s19+$0xFFFFFE70];
	(erf) = vpow2.f32 v57;
	v52 =	vsel vm0, $0x0, v60;
	v60 =	vmax.f32 v35, v38  }
0x9c: {  	v57 =	vld [tilespmem:s19+$0xFFFFFE80];
	v63 =	vperm.xlane v37, v3;
	v59 =	vadd.f32 $0.0e+00, v52;
	(erf) = vpow2.f32 v62  }
0x9d: {  	v56 =	vld [tilespmem:s19+$0xFFFFFE90];
	v35 =	vsel vm15, v60, v35;
	v41 =	vpop (erf);
	(erf) = vpow2.f32 v43  }
0x9e: {  	v52 =	vld [tilespmem:s19+$0xFFFFFEA0];
	v60 =	vperm.xlane v35, v2;
	v49 =	vadd.f32 v37, v63;
	v59 =	vadd.f32 v59, v41  }
0x9f: {  	v43 =	vld [tilespmem:s19+$0xFFFFFEC0];
	v41 =	vsel vm2, v55, v58;
	v58 =	vpop (erf)  }
0xa0: {  	v37 =	vld [tilespmem:s19+$0xFFFFFED0];
	v35 =	vmax.f32 v35, v60;
	v55 =	vperm.xlane v49, v4;
	v58 =	vadd.f32 v59, v58  }
0xa1: {  	v61 =	vperm.xlane v34, v20;
	v59 =	vmax.f32 v54, v57;
	v60 =	vperm.xlane v35, v3;
	v62 =	vpop (erf)  }
0xa2: {  	v59 =	vmax.f32 v59, v56;
	v55 =	vadd.f32 v49, v55;
	v49 =	vadd.f32 v58, v62  }
0xa3: {  	v58 =	vmax.f32 v59, v52;
	v35 =	vmax.f32 v35, v60;
	v60 =	vadd.s32 $0x64, v61  }
0xa4: {  	v46 =	vsel vm2, v46, v51;
	v62 =	vpop (erf);
	v58 =	vmax.f32 v58, v50;
	vm15 =	veq.s32 v60, v13  }
0xa5: {  	v49 =	vadd.f32 v49, v62;
	v58 =	vmax.f32 v58, v43;
	v62 =	vnsel vm0, $0xFF800000, v37  }
0xa6: {  	v1 =	vsel vm0, $0xFF800000, v37;
	v48 =	vnsel vm15, $0xFF800000, v48;
	v61 =	vpop (erf);
	v58 =	vmax.f32 v58, v62  }
0xa7: {  	vm15 =	veq.s32 v60, v12;
	v49 =	vadd.f32 v49, v61;
	v61 =	vpop (erf);
	v62 =	vperm.xlane v58, v2  }
0xa8: {  	v38 =	vsel vm15, v38, v48;
	vm15 =	veq.s32 v60, v14;
	v61 =	vnsel vm1, $0x0, v61  }
0xa9: {  	v47 =	vmax.f32 v38, v47;
	v48 =	vadd.f32 v49, v61;
	v49 =	vmax.f32 v58, v62  }
0xaa: {  	v38 =	vsel vm15, v47, v38;
	vm15 =	veq.s32 v60, v15;
	v58 =	vperm.xlane v49, v3  }
0xab: {  	v61 =	vperm.xlane v35, v4;
	v45 =	vmax.f32 v38, v45;
	v63 =	vperm.xlane v48, v2  }
0xac: {  	v38 =	vsel vm15, v45, v38;
	vm15 =	veq.s32 v60, v16;
	v58 =	vmax.f32 v49, v58  }
0xad: {  	v49 =	vmax.f32 v38, v44;
	v45 =	vadd.f32 v48, v63;
	v47 =	vperm.xlane v58, v4  }
0xae: {  	v61 =	vmax.f32 v35, v61;
	v35 =	vsel vm15, v49, v38;
	v49 =	vld [tilespmem:s20+$0x200];
	vm15 =	veq.s32 v60, v17  }
0xaf: {  	v48 =	vld [tilespmem:s19+$0xFFFFFEF0];
	v42 =	vmax.f32 v35, v42;
	v38 =	vperm.xlane v45, v3;
	v44 =	vmax.f32 v58, v47  }
0xb0: {  	v59 =	vperm.xlane v55, v6;
	v42 =	vsel vm15, v42, v35;
	v47 =	vld [tilespmem:s19+$0xFFFFFF00];
	v58 =	vperm.xlane v44, v6  }
0xb1: {  	vm15 =	veq.s32 v60, v19;
	v40 =	vmax.f32 v42, v40;
	v38 =	vadd.f32 v45, v38;
	v45 =	vld [tilespmem:s19+$0xFFFFFF10]  }
0xb2: {  	v51 =	vadd.f32 v55, v59;
	v40 =	vsel vm15, v40, v42;
	v42 =	vld [tilespmem:s19+$0xFFFFFF30];
	v35 =	vmax.f32 v44, v58  }
0xb3: {  	v44 =	vld [tilespmem:s19+$0xFFFFFF20];
	v63 =	vperm.xlane v40, v2;
	v1 =	vmax.f32 v1, v49;
	v60 =	vsub.f32 v54, v35  }
0xb4: {  	v58 =	vperm.xlane v38, v4;
	v0 =	vsub.f32 v57, v35;
	v1 =	vmax.f32 v1, v48  }
0xb5: {  	v40 =	vmax.f32 v40, v63;
	v63 =	vsub.f32 v56, v35;
	v60 =	vmul.f32 $1.442695020e+00, v60  }
0xb6: {  	v1 =	vmax.f32 v1, v47;
	v38 =	vadd.f32 v38, v58;
	v0 =	vmul.f32 $1.442695020e+00, v0  }
0xb7: {  	v1 =	vmax.f32 v1, v45;
	v58 =	vmul.f32 $1.442695020e+00, v63;
	(erf) = vpow2.f32 v60  }
0xb8: {  	v63 =	vperm.xlane v40, v3;
	v1 =	vmax.f32 v1, v44;
	v60 =	vnsel vm1, $0xFF800000, v42  }
0xb9: {  	(erf) = vpow2.f32 v0;
	v0 =	vsub.f32 v52, v35;
	v1 =	vmax.f32 v1, v60  }
0xba: {  	v59 =	vperm.xlane v34, v21;
	v40 =	vmax.f32 v40, v63;
	v60 =	vperm.xlane v1, v2  }
0xbb: {  	(erf) = vpow2.f32 v58;
	v58 =	vsub.f32 v50, v35;
	v0 =	vmul.f32 $1.442695020e+00, v0  }
0xbc: {  	v62 =	vperm.xlane v61, v6;
	v1 =	vmax.f32 v1, v60;
	v60 =	vperm.xlane v40, v4  }
0xbd: {  	(erf) = vpow2.f32 v0;
	v0 =	vmul.f32 $1.442695020e+00, v58;
	v58 =	vsub.f32 v43, v35  }
0xbe: {  	v18 =	vperm.xlane v38, v6;
	v63 =	vsub.f32 v37, v35;
	v20 =	vperm.xlane v1, v3  }
0xbf: {  	v36 =	vsel vm3, v53, v36;
	(erf) = vpow2.f32 v0;
	v0 =	vmul.f32 $1.442695020e+00, v58  }
0xc0: {  	v40 =	vmax.f32 v40, v60;
	v58 =	vmul.f32 $1.442695020e+00, v63;
	v1 =	vmax.f32 v1, v20;
	v60 =	vpop (erf)  }
0xc1: {  	(erf) = vpow2.f32 v0;
	v0 =	vperm.xlane v1, v4;
	v20 =	vadd.f32 $0.0e+00, v60  }
0xc2: {  	v39 =	vsel vm4, v36, v39;
	v63 =	vperm.xlane v40, v6;
	v60 =	vpop (erf);
	(erf) = vpow2.f32 v58  }
0xc3: {  	v58 =	vmax.f32 v61, v62;
	v0 =	vmax.f32 v1, v0;
	v20 =	vadd.f32 v20, v60  }
0xc4: {  	v1 =	vadd.f32 v38, v18;
	v18 =	vmax.f32 v40, v63;
	v62 =	vpop (erf);
	v63 =	vperm.xlane v0, v6  }
0xc5: {  	v53 =	vsel vm3, v41, v51;
	vm15 =	veq.s32 v59, v7;
	v20 =	vadd.f32 v20, v62  }
0xc6: {  	v41 =	vsel vm4, v53, v1;
	v1 =	vnsel vm15, $0xFF800000, v57;
	v55 =	vpop (erf);
	v40 =	vmax.f32 v0, v63  }
0xc7: {  	vm15 =	veq.s32 v59, v5;
	v0 =	vadd.f32 v20, v55;
	v20 =	vsub.f32 v37, v40  }
0xc8: {  	v38 =	vsel vm3, v46, v58;
	v1 =	vsel vm15, v54, v1;
	vm15 =	veq.s32 v59, v8;
	v60 =	vpop (erf)  }
0xc9: {  	v61 =	vmax.f32 v1, v56;
	v0 =	vadd.f32 v0, v60;
	v20 =	vmul.f32 $1.442695020e+00, v20  }
0xca: {  	v63 =	vsub.f32 v49, v40;
	v57 =	vsub.f32 v47, v40;
	v1 =	vsel vm15, v61, v1;
	v62 =	vpop (erf)  }
0xcb: {  	v55 =	vsub.f32 v48, v40;
	v53 =	vpop (erf);
	v0 =	vadd.f32 v0, v62;
	(erf) = vpow2.f32 v20  }
0xcc: {  	vm15 =	veq.s32 v59, v9;
	v54 =	vmul.f32 $1.442695020e+00, v63;
	v20 =	vnsel vm0, $0x0, v53  }
0xcd: {  	v61 =	vsub.f32 v44, v40;
	v56 =	vmax.f32 v1, v52;
	v0 =	vadd.f32 v0, v20  }
0xce: {  	v1 =	vsel vm15, v56, v1;
	(erf) = vpow2.f32 v54;
	v20 =	vmul.f32 $1.442695020e+00, v55  }
0xcf: {  	v60 =	vsub.f32 v45, v40;
	vm15 =	veq.s32 v59, v10;
	v58 =	vperm.xlane v0, v2  }
0xd0: {  	v50 =	vmax.f32 v1, v50;
	(erf) = vpow2.f32 v20;
	v20 =	vmul.f32 $1.442695020e+00, v57  }
0xd1: {  	v1 =	vsel vm15, v50, v1;
	v62 =	vsub.f32 v42, v40;
	v0 =	vadd.f32 v0, v58  }
0xd2: {  	v51 =	vld [tilespmem:s19+$0xFFFFFF78];
	vm15 =	veq.s32 v59, v11;
	(erf) = vpow2.f32 v20;
	v20 =	vmul.f32 $1.442695020e+00, v60  }
0xd3: {  	v52 =	vld [tilespmem:s19+$0xFFFFFF38];
	v43 =	vmax.f32 v1, v43;
	v54 =	vsel vm4, v38, v18;
	v46 =	vperm.xlane v0, v3  }
0xd4: {  	v56 =	vld [tilespmem:s19+$0xFFFFFF48];
	v1 =	vsel vm15, v43, v1;
	(erf) = vpow2.f32 v20;
	v20 =	vmul.f32 $1.442695020e+00, v61;
	v63 =	vpop (erf)  }
0xd5: {  	v55 =	vld [tilespmem:s19+$0xFFFFFF58];
	v60 =	vmul.f32 $1.442695020e+00, v62;
	v0 =	vadd.f32 v0, v46;
	v58 =	vsel vm0, $0x0, v63  }
0xd6: {  	v53 =	vld [tilespmem:s19+$0xFFFFFF68];
	vm15 =	veq.s32 v59, v12;
	(erf) = vpow2.f32 v20;
	v36 =	vadd.f32 $0.0e+00, v58  }
0xd7: {  	v38 =	vld [tilespmem:s19+$0xFFFFFF98];
	v62 =	vmax.f32 v1, v37;
	v61 =	vpop (erf);
	(erf) = vpow2.f32 v60;
	v20 =	vperm.xlane v0, v4  }
0xd8: {  	v43 =	vld [tilespmem:s19+$0xFFFFFF88];
	v1 =	vsel vm15, v62, v1;
	v36 =	vadd.f32 v36, v61  }
0xd9: {  	v63 =	vmax.f32 v52, v56;
	v18 =	vpop (erf);
	v0 =	vadd.f32 v0, v20;
	v20 =	vperm.xlane v1, v2  }
0xda: {  	v60 =	vperm.xlane v34, v22;
	v18 =	vadd.f32 v36, v18;
	v36 =	vmax.f32 v63, v55  }
0xdb: {  	v62 =	vpop (erf);
	v61 =	vperm.xlane v0, v6;
	v1 =	vmax.f32 v1, v20;
	v20 =	vmax.f32 v36, v53  }
0xdc: {  	v36 =	vadd.s32 $0x64, v60;
	v18 =	vadd.f32 v18, v62;
	v20 =	vmax.f32 v20, v51  }
0xdd: {  	v58 =	vnsel vm0, $0xFF800000, v38;
	v57 =	vpop (erf);
	vm15 =	veq.s32 v36, v13;
	v20 =	vmax.f32 v20, v43  }
0xde: {  	v0 =	vadd.f32 v0, v61;
	v18 =	vadd.f32 v18, v57;
	v20 =	vmax.f32 v20, v58  }
0xdf: {  	v49 =	vnsel vm15, $0xFF800000, v49;
	vm15 =	veq.s32 v36, v12;
	v59 =	vpop (erf);
	v50 =	vperm.xlane v20, v2  }
0xe0: {  	v37 =	vsel vm15, v37, v49;
	vm15 =	veq.s32 v36, v14;
	v60 =	vpop (erf);
	v18 =	vadd.f32 v18, v59  }
0xe1: {  	v61 =	vmax.f32 v37, v48;
	v46 =	vnsel vm1, $0x0, v60;
	v20 =	vmax.f32 v20, v50  }
0xe2: {  	v37 =	vsel vm15, v61, v37;
	v18 =	vadd.f32 v18, v46;
	v62 =	vperm.xlane v20, v3  }
0xe3: {  	v63 =	vperm.xlane v1, v3;
	vm15 =	veq.s32 v36, v15;
	v47 =	vmax.f32 v37, v47  }
0xe4: {  	v37 =	vsel vm15, v47, v37;
	v57 =	vperm.xlane v18, v2;
	v20 =	vmax.f32 v20, v62  }
0xe5: {  	vm15 =	veq.s32 v36, v16;
	v45 =	vmax.f32 v37, v45;
	v58 =	vperm.xlane v20, v4  }
0xe6: {  	v1 =	vmax.f32 v1, v63;
	v37 =	vsel vm15, v45, v37;
	v18 =	vadd.f32 v18, v57  }
0xe7: {  	vm15 =	veq.s32 v36, v17;
	v44 =	vmax.f32 v37, v44;
	v20 =	vmax.f32 v20, v58  }
0xe8: {  	v48 =	vld [tilespmem:s19+$0xFFFFFFB8];
	v37 =	vsel vm15, v44, v37;
	v59 =	vperm.xlane v18, v3;
	v60 =	vperm.xlane v20, v6  }
0xe9: {  	v63 =	vperm.xlane v1, v4;
	v50 =	vld [tilespmem:s19+$0xFFFFFFA8];
	vm15 =	veq.s32 v36, v19;
	v42 =	vmax.f32 v37, v42  }
0xea: {  	v46 =	vld [tilespmem:s19+$0xFFFFFFC8];
	v18 =	vadd.f32 v18, v59;
	v36 =	vmax.f32 v20, v60;
	v20 =	vsel vm15, v42, v37  }
0xeb: {  	v1 =	vmax.f32 v1, v63;
	v45 =	vld [tilespmem:s19+$0xFFFFFFD8];
	v47 =	vsub.f32 v52, v36;
	v57 =	vperm.xlane v20, v2  }
0xec: {  	v63 =	vsel vm0, $0xFF800000, v38;
	v44 =	vld [tilespmem:s19+$0xFFFFFFE8];
	v62 =	vsub.f32 v56, v36;
	v61 =	vperm.xlane v18, v4  }
0xed: {  	v49 =	vperm.xlane v1, v6;
	v42 =	vld [tilespmem:s19+$0xFFFFFFF8];
	v60 =	vmul.f32 $1.442695020e+00, v47;
	v20 =	vmax.f32 v20, v57  }
0xee: {  	v62 =	vmul.f32 $1.442695020e+00, v62;
	v18 =	vadd.f32 v18, v61;
	v61 =	vmax.f32 v63, v50  }
0xef: {  	v63 =	vsub.f32 v55, v36;
	v47 =	vmax.f32 v61, v48;
	(erf) = vpow2.f32 v60  }
0xf0: {  	v59 =	vperm.xlane v20, v3;
	v60 =	vsub.f32 v53, v36;
	v47 =	vmax.f32 v47, v46  }
0xf1: {  	(erf) = vpow2.f32 v62;
	v37 =	vmul.f32 $1.442695020e+00, v63;
	v47 =	vmax.f32 v47, v45  }
0xf2: {  	v61 =	vnsel vm1, $0xFF800000, v42;
	v57 =	vmul.f32 $1.442695020e+00, v60;
	v47 =	vmax.f32 v47, v44  }
0xf3: {  	(erf) = vpow2.f32 v37;
	v37 =	vsub.f32 v51, v36;
	v47 =	vmax.f32 v47, v61  }
0xf4: {  	(erf) = vpow2.f32 v57;
	v57 =	vsub.f32 v43, v36;
	v58 =	vperm.xlane v47, v2  }
0xf5: {  	v20 =	vmax.f32 v20, v59;
	v59 =	vsub.f32 v38, v36;
	v37 =	vmul.f32 $1.442695020e+00, v37  }
0xf6: {  	v60 =	vperm.xlane v18, v6;
	v62 =	vmul.f32 $1.442695020e+00, v57;
	v47 =	vmax.f32 v47, v58  }
0xf7: {  	(erf) = vpow2.f32 v37;
	v61 =	vperm.xlane v47, v3  }
0xf8: {  	v1 =	vmax.f32 v1, v49;
	v57 =	vmul.f32 $1.442695020e+00, v59;
	v58 =	vperm.xlane v20, v4;
	v63 =	vpop (erf)  }
0xf9: {  	(erf) = vpow2.f32 v62;
	v47 =	vmax.f32 v47, v61;
	v49 =	vadd.f32 $0.0e+00, v63  }
0xfa: {  	v35 =	vsel vm0, v39, v35;
	(erf) = vpow2.f32 v57;
	v63 =	vpop (erf);
	v62 =	vperm.xlane v47, v4  }
0xfb: {  	v40 =	vsel vm5, v35, v40;
	v0 =	vsel vm0, v41, v0;
	v49 =	vadd.f32 v49, v63  }
0xfc: {  	v18 =	vadd.f32 v18, v60;
	v20 =	vmax.f32 v20, v58;
	v60 =	vpop (erf);
	v37 =	vmax.f32 v47, v62  }
0xfd: {  	v57 =	vperm.xlane v34, v23;
	v47 =	vperm.xlane v37, v6;
	v61 =	vadd.f32 v49, v60  }
0xfe: {  	v1 =	vsel vm0, v54, v1;
	v41 =	vsel vm5, v0, v18;
	v58 =	vperm.xlane v20, v6;
	v63 =	vpop (erf)  }
0xff: {  	vm15 =	veq.s32 v57, v7;
	v39 =	vmax.f32 v37, v47;
	v35 =	vadd.f32 v61, v63  }
0x100: {  	v62 =	vnsel vm15, $0xFF800000, v56;
	vm15 =	veq.s32 v57, v5;
	v18 =	vpop (erf);
	v37 =	vsub.f32 v38, v39  }
0x101: {  	v20 =	vmax.f32 v20, v58;
	v0 =	vsel vm15, v52, v62;
	v18 =	vadd.f32 v35, v18  }
0x102: {  	vm15 =	veq.s32 v57, v8;
	v56 =	vmax.f32 v0, v55;
	v59 =	vpop (erf);
	v58 =	vmul.f32 $1.442695020e+00, v37  }
0x103: {  	v0 =	vsel vm15, v56, v0;
	vm15 =	veq.s32 v57, v9;
	v62 =	vpop (erf);
	v18 =	vadd.f32 v18, v59  }
0x104: {  	v60 =	vsub.f32 v50, v39;
	v63 =	vnsel vm0, $0x0, v62;
	(erf) = vpow2.f32 v58  }
0x105: {  	v61 =	vmax.f32 v0, v53;
	v53 =	vsub.f32 v48, v39;
	v18 =	vadd.f32 v18, v63  }
0x106: {  	v56 =	vsub.f32 v46, v39;
	v0 =	vsel vm15, v61, v0;
	v52 =	vmul.f32 $1.442695020e+00, v60  }
0x107: {  	v61 =	vsub.f32 v45, v39;
	v55 =	vmul.f32 $1.442695020e+00, v53;
	v59 =	vperm.xlane v18, v2  }
0x108: {  	vm15 =	veq.s32 v57, v10;
	v60 =	vmul.f32 $1.442695020e+00, v56;
	(erf) = vpow2.f32 v52  }
0x109: {  	v62 =	vmul.f32 $1.442695020e+00, v61;
	v58 =	vmax.f32 v0, v51;
	v18 =	vadd.f32 v18, v59  }
0x10a: {  	v0 =	vsel vm15, v58, v0;
	vm15 =	veq.s32 v57, v11;
	(erf) = vpow2.f32 v55  }
0x10b: {  	v63 =	vsub.f32 v44, v39;
	v43 =	vmax.f32 v0, v43;
	v56 =	vperm.xlane v18, v3  }
0x10c: {  	v49 =	vld [tilespmem:s19+$0x30];
	v58 =	vsub.f32 v42, v39;
	(erf) = vpow2.f32 v60;
	v0 =	vsel vm15, v43, v0  }
0x10d: {  	v53 =	vld [tilespmem:s19+$0x10];
	v60 =	vmul.f32 $1.442695020e+00, v63;
	vm15 =	veq.s32 v57, v12;
	v59 =	vpop (erf);
	v18 =	vadd.f32 v18, v56  }
0x10e: {  	v51 =	vld [tilespmem:s19+$0x0];
	(erf) = vpow2.f32 v62;
	v62 =	vmul.f32 $1.442695020e+00, v58;
	v61 =	vsel vm0, $0x0, v59  }
0x10f: {  	v52 =	vld [tilespmem:s19+$0x20];
	v63 =	vmax.f32 v0, v38;
	(erf) = vpow2.f32 v60;
	v60 =	vperm.xlane v18, v4  }
0x110: {  	v54 =	vsel vm5, v1, v20;
	v47 =	vld [tilespmem:s19+$0x40];
	v0 =	vsel vm15, v63, v0;
	v37 =	vadd.f32 $0.0e+00, v61  }
0x111: {  	v43 =	vld [tilespmem:s19+$0x50];
	(erf) = vpow2.f32 v62;
	v20 =	vperm.xlane v0, v2;
	v61 =	vpop (erf);
	v18 =	vadd.f32 v18, v60  }
0x112: {  	v36 =	vsel vm6, v40, v36;
	v1 =	vadd.f32 v37, v61;
	v37 =	vld [tilespmem:s20+$0x380]  }
0x113: {  	v63 =	vmax.f32 v51, v53;
	v0 =	vmax.f32 v0, v20;
	v62 =	vpop (erf);
	v55 =	vperm.xlane v18, v6  }
0x114: {  	v60 =	vperm.xlane v34, v25;
	v61 =	vmax.f32 v63, v52;
	v1 =	vadd.f32 v1, v62  }
0x115: {  	v20 =	vpop (erf);
	v35 =	vmax.f32 v61, v49;
	v62 =	vperm.xlane v0, v3;
	v18 =	vadd.f32 v18, v55  }
0x116: {  	v1 =	vadd.f32 v1, v20;
	v20 =	vmax.f32 v35, v47;
	v35 =	vadd.s32 $0x64, v60  }
0x117: {  	v63 =	vpop (erf);
	v0 =	vmax.f32 v0, v62;
	v20 =	vmax.f32 v20, v43;
	v60 =	vnsel vm0, $0xFF800000, v37  }
0x118: {  	vm15 =	veq.s32 v35, v13;
	v1 =	vadd.f32 v1, v63;
	v20 =	vmax.f32 v20, v60  }
0x119: {  	v61 =	vpop (erf);
	v50 =	vnsel vm15, $0xFF800000, v50;
	vm15 =	veq.s32 v35, v12;
	v58 =	vperm.xlane v20, v2  }
0x11a: {  	v62 =	vpop (erf);
	v38 =	vsel vm15, v38, v50;
	vm15 =	veq.s32 v35, v14;
	v1 =	vadd.f32 v1, v61  }
0x11b: {  	v50 =	vnsel vm1, $0x0, v62;
	v48 =	vmax.f32 v38, v48;
	v20 =	vmax.f32 v20, v58  }
0x11c: {  	v38 =	vsel vm15, v48, v38;
	v1 =	vadd.f32 v1, v50;
	v63 =	vperm.xlane v20, v3  }
0x11d: {  	v60 =	vperm.xlane v0, v4;
	vm15 =	veq.s32 v35, v15;
	v46 =	vmax.f32 v38, v46  }
0x11e: {  	v38 =	vsel vm15, v46, v38;
	v61 =	vperm.xlane v1, v2;
	v20 =	vmax.f32 v20, v63  }
0x11f: {  	vm15 =	veq.s32 v35, v16;
	v45 =	vmax.f32 v38, v45;
	v50 =	vperm.xlane v20, v4  }
0x120: {  	v0 =	vmax.f32 v0, v60;
	v48 =	vld [tilespmem:s19+$0x70];
	v38 =	vsel vm15, v45, v38;
	v1 =	vadd.f32 v1, v61  }
0x121: {  	v46 =	vld [tilespmem:s19+$0x80];
	vm15 =	veq.s32 v35, v17;
	v44 =	vmax.f32 v38, v44;
	v20 =	vmax.f32 v20, v50  }
0x122: {  	v45 =	vld [tilespmem:s19+$0x90];
	v38 =	vsel vm15, v44, v38;
	v62 =	vperm.xlane v1, v3;
	v63 =	vperm.xlane v20, v6  }
0x123: {  	v57 =	vperm.xlane v0, v6;
	vm15 =	veq.s32 v35, v19;
	v44 =	vld [tilespmem:s19+$0xA0];
	v60 =	vmax.f32 v38, v42  }
0x124: {  	v42 =	vld [tilespmem:s19+$0xB0];
	v1 =	vadd.f32 v1, v62;
	v35 =	vmax.f32 v20, v63;
	v62 =	vsel vm0, $0xFF800000, v37  }
0x125: {  	v20 =	vsel vm15, v60, v38;
	v38 =	vld [tilespmem:s19+$0xC0];
	v61 =	vsub.f32 v51, v35;
	v56 =	vmax.f32 v62, v48  }
0x126: {  	v59 =	vperm.xlane v20, v2;
	v58 =	vperm.xlane v1, v4;
	v56 =	vmax.f32 v56, v46  }
0x127: {  	v60 =	vsub.f32 v53, v35;
	v50 =	vmul.f32 $1.442695020e+00, v61;
	v56 =	vmax.f32 v56, v45  }
0x128: {  	v20 =	vmax.f32 v20, v59;
	v1 =	vadd.f32 v1, v58;
	v56 =	vmax.f32 v56, v44  }
0x129: {  	v58 =	vsub.f32 v52, v35;
	(erf) = vpow2.f32 v50;
	v50 =	vmul.f32 $1.442695020e+00, v60  }
0x12a: {  	v56 =	vmax.f32 v56, v42;
	v59 =	vnsel vm1, $0xFF800000, v38;
	v60 =	vperm.xlane v20, v3  }
0x12b: {  	(erf) = vpow2.f32 v50;
	v50 =	vmax.f32 v56, v59;
	v56 =	vmul.f32 $1.442695020e+00, v58  }
0x12c: {  	v58 =	vsub.f32 v49, v35;
	v20 =	vmax.f32 v20, v60;
	v59 =	vperm.xlane v50, v2  }
0x12d: {  	v61 =	vperm.xlane v1, v6;
	v60 =	vsub.f32 v47, v35;
	v62 =	vperm.xlane v20, v4  }
0x12e: {  	(erf) = vpow2.f32 v56;
	v56 =	vmul.f32 $1.442695020e+00, v58;
	v50 =	vmax.f32 v50, v59  }
0x12f: {  	v63 =	vsub.f32 v37, v35;
	v58 =	vmul.f32 $1.442695020e+00, v60;
	v60 =	vperm.xlane v50, v3  }
0x130: {  	v59 =	vsub.f32 v43, v35;
	v20 =	vmax.f32 v20, v62;
	(erf) = vpow2.f32 v56  }
0x131: {  	v55 =	vperm.xlane v20, v6;
	(erf) = vpow2.f32 v58;
	v50 =	vmax.f32 v50, v60  }
0x132: {  	v0 =	vmax.f32 v0, v57;
	v58 =	vmul.f32 $1.442695020e+00, v59;
	v59 =	vperm.xlane v50, v4  }
0x133: {  	v56 =	vmul.f32 $1.442695020e+00, v63;
	v57 =	vmax.f32 v20, v55;
	v20 =	vperm.xlane v34, v26;
	v60 =	vpop (erf)  }
0x134: {  	(erf) = vpow2.f32 v58;
	v60 =	vadd.f32 $0.0e+00, v60;
	v50 =	vmax.f32 v50, v59  }
0x135: {  	v1 =	vadd.f32 v1, v61;
	(erf) = vpow2.f32 v56;
	v62 =	vpop (erf);
	v59 =	vperm.xlane v50, v6  }
0x136: {  	v18 =	vsel vm6, v41, v18;
	vm15 =	veq.s32 v20, v7;
	v63 =	vadd.f32 v60, v62  }
0x137: {  	v41 =	vsel vm7, v18, v1;
	v1 =	vnsel vm15, $0xFF800000, v53;
	v58 =	vpop (erf);
	v40 =	vmax.f32 v50, v59  }
0x138: {  	vm15 =	veq.s32 v20, v5;
	v59 =	vadd.f32 v63, v58;
	v60 =	vsub.f32 v37, v40  }
0x139: {  	v0 =	vsel vm6, v54, v0;
	v1 =	vsel vm15, v51, v1;
	vm15 =	veq.s32 v20, v8;
	v18 =	vpop (erf)  }
0x13a: {  	v58 =	vmax.f32 v1, v52;
	v18 =	vadd.f32 v59, v18;
	v61 =	vmul.f32 $1.442695020e+00, v60  }
0x13b: {  	v63 =	vsub.f32 v48, v40;
	v55 =	vsub.f32 v44, v40;
	v62 =	vpop (erf);
	v1 =	vsel vm15, v58, v1  }
0x13c: {  	vm15 =	veq.s32 v20, v9;
	v18 =	vadd.f32 v18, v62;
	(erf) = vpow2.f32 v61  }
0x13d: {  	v51 =	vmul.f32 $1.442695020e+00, v63;
	v60 =	vsub.f32 v46, v40;
	v63 =	vsub.f32 v45, v40;
	v56 =	vpop (erf)  }
0x13e: {  	v49 =	vmax.f32 v1, v49;
	v58 =	vmul.f32 $1.442695020e+00, v55;
	v59 =	vpop (erf);
	v18 =	vadd.f32 v18, v56  }
0x13f: {  	v62 =	vmul.f32 $1.442695020e+00, v60;
	v61 =	vnsel vm0, $0x0, v59;
	(erf) = vpow2.f32 v51  }
0x140: {  	v1 =	vsel vm15, v49, v1;
	vm15 =	veq.s32 v20, v10;
	v18 =	vadd.f32 v18, v61  }
0x141: {  	v54 =	vmul.f32 $1.442695020e+00, v63;
	v47 =	vmax.f32 v1, v47;
	(erf) = vpow2.f32 v62  }
0x142: {  	v60 =	vsub.f32 v38, v40;
	v59 =	vsub.f32 v42, v40;
	v56 =	vperm.xlane v18, v2  }
0x143: {  	v1 =	vsel vm15, v47, v1;
	vm15 =	veq.s32 v20, v11;
	(erf) = vpow2.f32 v54  }
0x144: {  	v49 =	vmul.f32 $1.442695020e+00, v60;
	v52 =	vmax.f32 v1, v43;
	v18 =	vadd.f32 v18, v56  }
0x145: {  	v60 =	vperm.xlane v34, v27;
	v62 =	vmul.f32 $1.442695020e+00, v59;
	v1 =	vsel vm15, v52, v1;
	v61 =	vpop (erf)  }
0x146: {  	(erf) = vpow2.f32 v58;
	v63 =	vperm.xlane v18, v3;
	v47 =	vsel vm0, $0x0, v61  }
0x147: {  	v50 =	vld [tilespmem:s19+$0xC8];
	vm15 =	veq.s32 v20, v12;
	v20 =	vmax.f32 v1, v37;
	v47 =	vadd.f32 $0.0e+00, v47  }
0x148: {  	v55 =	vld [tilespmem:s19+$0xE8];
	(erf) = vpow2.f32 v62;
	v1 =	vsel vm15, v20, v1;
	v53 =	vpop (erf)  }
0x149: {  	v20 =	vadd.s32 $0x64, v60;
	(erf) = vpow2.f32 v49;
	v56 =	vld [tilespmem:s19+$0xD8];
	v61 =	vadd.f32 v47, v53  }
0x14a: {  	v39 =	vsel vm7, v36, v39;
	v52 =	vld [tilespmem:s19+$0x108];
	vm15 =	veq.s32 v20, v13;
	v18 =	vadd.f32 v18, v63;
	v63 =	vpop (erf)  }
0x14b: {  	v48 =	vnsel vm15, $0xFF800000, v48;
	vm15 =	veq.s32 v20, v12;
	v53 =	vld [tilespmem:s19+$0xF8];
	v36 =	vadd.f32 v61, v63  }
0x14c: {  	v58 =	vperm.xlane v1, v2;
	v49 =	vld [tilespmem:s19+$0x118];
	v37 =	vsel vm15, v37, v48;
	vm15 =	veq.s32 v20, v14;
	v59 =	vpop (erf)  }
0x14d: {  	v46 =	vmax.f32 v37, v46;
	v62 =	vperm.xlane v18, v4;
	v47 =	vadd.f32 v36, v59;
	v36 =	vld [tilespmem:s19+$0x128]  }
0x14e: {  	v1 =	vmax.f32 v1, v58;
	v37 =	vsel vm15, v46, v37;
	v61 =	vmax.f32 v50, v56  }
0x14f: {  	vm15 =	veq.s32 v20, v15;
	v18 =	vadd.f32 v18, v62;
	v60 =	vpop (erf);
	v62 =	vmax.f32 v61, v55  }
0x150: {  	v45 =	vmax.f32 v37, v45;
	v48 =	vmax.f32 v62, v53;
	v47 =	vadd.f32 v47, v60  }
0x151: {  	v58 =	vperm.xlane v1, v3;
	v37 =	vsel vm15, v45, v37;
	v63 =	vpop (erf);
	v46 =	vmax.f32 v48, v52  }
0x152: {  	v51 =	vpop (erf);
	v46 =	vmax.f32 v46, v49;
	v43 =	vadd.f32 v47, v63;
	v54 =	vnsel vm0, $0xFF800000, v36  }
0x153: {  	vm15 =	veq.s32 v20, v16;
	v47 =	vnsel vm1, $0x0, v51;
	v46 =	vmax.f32 v46, v54  }
0x154: {  	v44 =	vmax.f32 v37, v44;
	v43 =	vadd.f32 v43, v47;
	v59 =	vperm.xlane v46, v2  }
0x155: {  	v1 =	vmax.f32 v1, v58;
	v37 =	vsel vm15, v44, v37;
	vm15 =	veq.s32 v20, v17  }
0x156: {  	v42 =	vmax.f32 v37, v42;
	v60 =	vperm.xlane v43, v2;
	v61 =	vmax.f32 v46, v59  }
0x157: {  	v37 =	vsel vm15, v42, v37;
	vm15 =	veq.s32 v20, v19;
	v45 =	vperm.xlane v61, v3  }
0x158: {  	v20 =	vmax.f32 v37, v38;
	v48 =	vperm.xlane v1, v4;
	v43 =	vadd.f32 v43, v60  }
0x159: {  	v35 =	vsel vm1, v39, v35;
	v20 =	vsel vm15, v20, v37;
	v37 =	vld [tilespmem:s19+$0x188];
	v63 =	vmax.f32 v61, v45  }
0x15a: {  	v51 =	vld [tilespmem:s19+$0x138];
	v1 =	vmax.f32 v1, v48;
	v62 =	vperm.xlane v43, v3;
	v58 =	vperm.xlane v63, v4  }
0x15b: {  	v47 =	vld [tilespmem:s19+$0x148];
	v54 =	vsel vm7, v0, v57;
	v57 =	vperm.xlane v1, v6;
	v59 =	vperm.xlane v20, v2  }
0x15c: {  	v39 =	vsel vm8, v35, v40;
	v46 =	vld [tilespmem:s19+$0x158];
	v0 =	vadd.f32 v43, v62;
	v42 =	vmax.f32 v63, v58  }
0x15d: {  	v44 =	vld [tilespmem:s19+$0x168];
	v1 =	vmax.f32 v1, v57;
	v20 =	vmax.f32 v20, v59;
	v61 =	vperm.xlane v42, v6  }
0x15e: {  	v45 =	vperm.xlane v18, v6;
	v43 =	vld [tilespmem:s19+$0x178];
	v63 =	vsel vm0, $0xFF800000, v36;
	v60 =	vperm.xlane v0, v4  }
0x15f: {  	v62 =	vperm.xlane v20, v3;
	v59 =	vmax.f32 v63, v51;
	v38 =	vmax.f32 v42, v61  }
0x160: {  	v0 =	vadd.f32 v0, v60;
	v42 =	vmax.f32 v59, v47;
	v60 =	vsub.f32 v50, v38  }
0x161: {  	v20 =	vmax.f32 v20, v62;
	v62 =	vnsel vm1, $0xFF800000, v37;
	v42 =	vmax.f32 v42, v46  }
0x162: {  	v59 =	vperm.xlane v20, v4;
	v42 =	vmax.f32 v42, v44;
	v48 =	vmul.f32 $1.442695020e+00, v60  }
0x163: {  	v61 =	vsub.f32 v55, v38;
	v60 =	vsub.f32 v56, v38;
	v42 =	vmax.f32 v42, v43  }
0x164: {  	v58 =	vperm.xlane v0, v6;
	v42 =	vmax.f32 v42, v62;
	(erf) = vpow2.f32 v48  }
0x165: {  	v18 =	vadd.f32 v18, v45;
	v48 =	vmul.f32 $1.442695020e+00, v60;
	v60 =	vperm.xlane v42, v2  }
0x166: {  	v20 =	vmax.f32 v20, v59;
	v45 =	vmul.f32 $1.442695020e+00, v61;
	v61 =	vsub.f32 v53, v38  }
0x167: {  	v59 =	vperm.xlane v20, v6;
	(erf) = vpow2.f32 v48;
	v42 =	vmax.f32 v42, v60  }
0x168: {  	v18 =	vsel vm1, v41, v18;
	v62 =	vmul.f32 $1.442695020e+00, v61;
	v63 =	vperm.xlane v42, v3  }
0x169: {  	v0 =	vadd.f32 v0, v58;
	v60 =	vsub.f32 v52, v38;
	(erf) = vpow2.f32 v45  }
0x16a: {  	v61 =	vsub.f32 v49, v38;
	(erf) = vpow2.f32 v62;
	v42 =	vmax.f32 v42, v63  }
0x16b: {  	v48 =	vmul.f32 $1.442695020e+00, v60;
	v62 =	vsub.f32 v36, v38;
	v63 =	vperm.xlane v42, v4  }
0x16c: {  	v20 =	vmax.f32 v20, v59;
	v59 =	vperm.xlane v34, v28;
	v60 =	vmul.f32 $1.442695020e+00, v61  }
0x16d: {  	(erf) = vpow2.f32 v48;
	v62 =	vmul.f32 $1.442695020e+00, v62;
	v42 =	vmax.f32 v42, v63  }
0x16e: {  	v41 =	vsel vm8, v18, v0;
	(erf) = vpow2.f32 v60;
	v61 =	vpop (erf);
	v63 =	vperm.xlane v42, v6  }
0x16f: {  	vm15 =	veq.s32 v59, v7;
	(erf) = vpow2.f32 v62;
	v45 =	vadd.f32 $0.0e+00, v61  }
0x170: {  	v61 =	vnsel vm15, $0xFF800000, v56;
	vm15 =	veq.s32 v59, v5;
	v60 =	vpop (erf);
	v40 =	vmax.f32 v42, v63  }
0x171: {  	v0 =	vsel vm15, v50, v61;
	v35 =	vadd.f32 v45, v60;
	v63 =	vsub.f32 v36, v40  }
0x172: {  	vm15 =	veq.s32 v59, v8;
	v62 =	vpop (erf);
	v56 =	vmax.f32 v0, v55;
	v60 =	vsub.f32 v51, v40  }
0x173: {  	v0 =	vsel vm15, v56, v0;
	v18 =	vadd.f32 v35, v62;
	v58 =	vmul.f32 $1.442695020e+00, v63  }
0x174: {  	v1 =	vsel vm1, v54, v1;
	v57 =	vpop (erf);
	vm15 =	veq.s32 v59, v9;
	v61 =	vmax.f32 v0, v53  }
0x175: {  	v35 =	vmul.f32 $1.442695020e+00, v60;
	v18 =	vadd.f32 v18, v57;
	(erf) = vpow2.f32 v58  }
0x176: {  	v63 =	vsub.f32 v47, v40;
	v0 =	vsel vm15, v61, v0;
	v62 =	vpop (erf);
	vm15 =	veq.s32 v59, v10  }
0x177: {  	v61 =	vsub.f32 v46, v40;
	v56 =	vmax.f32 v0, v52;
	v18 =	vadd.f32 v18, v62  }
0x178: {  	v48 =	vld [tilespmem:s19+$0x190];
	v57 =	vpop (erf);
	v60 =	vmul.f32 $1.442695020e+00, v63;
	(erf) = vpow2.f32 v35;
	v0 =	vsel vm15, v56, v0  }
0x179: {  	v53 =	vld [tilespmem:s19+$0x1A0];
	v63 =	vmul.f32 $1.442695020e+00, v61;
	vm15 =	veq.s32 v59, v11;
	v58 =	vpop (erf);
	v18 =	vadd.f32 v18, v57  }
0x17a: {  	v52 =	vld [tilespmem:s19+$0x1B0];
	v61 =	vsub.f32 v43, v40;
	v62 =	vnsel vm0, $0x0, v58;
	v57 =	vsub.f32 v44, v40  }
0x17b: {  	v50 =	vld [tilespmem:s19+$0x1C0];
	(erf) = vpow2.f32 v60;
	v58 =	vmax.f32 v0, v49;
	v18 =	vadd.f32 v18, v62  }
0x17c: {  	v42 =	vld [tilespmem:s19+$0x1F0];
	(erf) = vpow2.f32 v63;
	v0 =	vsel vm15, v58, v0;
	v60 =	vmul.f32 $1.442695020e+00, v57  }
0x17d: {  	v49 =	vld [tilespmem:s19+$0x1D0];
	vm15 =	veq.s32 v59, v12;
	v62 =	vsub.f32 v37, v40;
	v55 =	vperm.xlane v18, v2  }
0x17e: {  	v45 =	vld [tilespmem:s20+$0x500];
	(erf) = vpow2.f32 v60;
	v60 =	vmul.f32 $1.442695020e+00, v61;
	v61 =	vmax.f32 v48, v53;
	v63 =	vpop (erf)  }
0x17f: {  	v56 =	vmul.f32 $1.442695020e+00, v62;
	v62 =	vmax.f32 v61, v52;
	v57 =	vsel vm0, $0x0, v63  }
0x180: {  	(erf) = vpow2.f32 v60;
	v63 =	vmax.f32 v0, v36;
	v35 =	vmax.f32 v62, v50  }
0x181: {  	v18 =	vadd.f32 v18, v55;
	v57 =	vadd.f32 $0.0e+00, v57;
	(erf) = vpow2.f32 v56  }
0x182: {  	v35 =	vmax.f32 v35, v49;
	v0 =	vsel vm15, v63, v0;
	v63 =	vnsel vm0, $0xFF800000, v42;
	v60 =	vpop (erf)  }
0x183: {  	v35 =	vmax.f32 v35, v45;
	v61 =	vadd.f32 v57, v60;
	v60 =	vperm.xlane v18, v3  }
0x184: {  	v62 =	vpop (erf);
	v56 =	vmax.f32 v35, v63;
	v35 =	vsel vm8, v1, v20;
	v1 =	vperm.xlane v34, v29  }
0x185: {  	v55 =	vadd.f32 v61, v62  }
0x186: {  	v63 =	vperm.xlane v56, v2;
	v61 =	vperm.xlane v0, v2;
	v62 =	vpop (erf);
	v1 =	vadd.s32 $0x64, v1  }
0x187: {  	v18 =	vadd.f32 v18, v60;
	vm15 =	veq.s32 v1, v13;
	v20 =	vadd.f32 v55, v62  }
0x188: {  	v0 =	vmax.f32 v0, v61;
	v60 =	vpop (erf);
	v61 =	vmax.f32 v56, v63;
	v51 =	vnsel vm15, $0xFF800000, v51  }
0x189: {  	vm15 =	veq.s32 v1, v12;
	v62 =	vperm.xlane v61, v3;
	v20 =	vadd.f32 v20, v60  }
0x18a: {  	v56 =	vperm.xlane v18, v4;
	v57 =	vperm.xlane v0, v3;
	v36 =	vsel vm15, v36, v51;
	v63 =	vpop (erf)  }
0x18b: {  	vm15 =	veq.s32 v1, v14;
	v60 =	vpop (erf);
	v54 =	vmax.f32 v61, v62;
	v20 =	vadd.f32 v20, v63  }
0x18c: {  	v47 =	vmax.f32 v36, v47;
	v61 =	vnsel vm1, $0x0, v60;
	v62 =	vperm.xlane v54, v4  }
0x18d: {  	v18 =	vadd.f32 v18, v56;
	v0 =	vmax.f32 v0, v57;
	v20 =	vadd.f32 v20, v61  }
0x18e: {  	v36 =	vsel vm15, v47, v36;
	vm15 =	veq.s32 v1, v15;
	v63 =	vmax.f32 v54, v62  }
0x18f: {  	v46 =	vmax.f32 v36, v46;
	v54 =	vperm.xlane v63, v6;
	v57 =	vperm.xlane v20, v2  }
0x190: {  	v55 =	vperm.xlane v0, v4;
	v46 =	vsel vm15, v46, v36;
	vm15 =	veq.s32 v1, v16  }
0x191: {  	v44 =	vmax.f32 v46, v44;
	v36 =	vmax.f32 v63, v54;
	v20 =	vadd.f32 v20, v57  }
0x192: {  	v44 =	vsel vm15, v44, v46;
	vm15 =	veq.s32 v1, v17;
	v58 =	vsub.f32 v48, v36  }
0x193: {  	v43 =	vmax.f32 v44, v43;
	v51 =	vsub.f32 v53, v36;
	v59 =	vperm.xlane v20, v3  }
0x194: {  	v61 =	vld [tilespmem:s19+$0x210];
	v43 =	vsel vm15, v43, v44;
	vm15 =	veq.s32 v1, v19;
	v47 =	vmul.f32 $1.442695020e+00, v58  }
0x195: {  	v46 =	vld [tilespmem:s19+$0x200];
	v60 =	vsub.f32 v52, v36;
	v1 =	vadd.f32 v20, v59;
	v20 =	vmul.f32 $1.442695020e+00, v51  }
0x196: {  	v44 =	vld [tilespmem:s19+$0x240];
	v37 =	vmax.f32 v43, v37;
	v54 =	vsub.f32 v50, v36;
	(erf) = vpow2.f32 v47  }
0x197: {  	v57 =	vld [tilespmem:s19+$0x220];
	v37 =	vsel vm15, v37, v43;
	(erf) = vpow2.f32 v20;
	v20 =	vmul.f32 $1.442695020e+00, v60  }
0x198: {  	v0 =	vmax.f32 v0, v55;
	v63 =	vsel vm0, $0xFF800000, v42;
	v62 =	vperm.xlane v37, v2;
	v51 =	vld [tilespmem:s19+$0x230]  }
0x199: {  	v43 =	vld [tilespmem:s19+$0x250];
	v54 =	vmul.f32 $1.442695020e+00, v54;
	(erf) = vpow2.f32 v20;
	v20 =	vsub.f32 v49, v36  }
0x19a: {  	v37 =	vmax.f32 v37, v62;
	v62 =	vsub.f32 v45, v36;
	v60 =	vmax.f32 v63, v46  }
0x19b: {  	(erf) = vpow2.f32 v54;
	v54 =	vmax.f32 v60, v61;
	v20 =	vmul.f32 $1.442695020e+00, v20  }
0x19c: {  	v58 =	vperm.xlane v37, v3;
	v63 =	vsub.f32 v42, v36;
	v54 =	vmax.f32 v54, v57  }
0x19d: {  	v54 =	vmax.f32 v54, v51;
	(erf) = vpow2.f32 v20;
	v20 =	vmul.f32 $1.442695020e+00, v62  }
0x19e: {  	v47 =	vperm.xlane v1, v4;
	v60 =	vnsel vm1, $0xFF800000, v43;
	v54 =	vmax.f32 v54, v44  }
0x19f: {  	v59 =	vmul.f32 $1.442695020e+00, v63;
	v56 =	vpop (erf);
	(erf) = vpow2.f32 v20;
	v20 =	vmax.f32 v54, v60  }
0x1a0: {  	v1 =	vadd.f32 v1, v47;
	v56 =	vadd.f32 $0.0e+00, v56;
	v55 =	vperm.xlane v20, v2  }
0x1a1: {  	v47 =	vmax.f32 v37, v58;
	v60 =	vperm.xlane v0, v6;
	v54 =	vpop (erf);
	(erf) = vpow2.f32 v59  }
0x1a2: {  	v54 =	vadd.f32 v56, v54;
	v20 =	vmax.f32 v20, v55;
	v55 =	vperm.xlane v47, v4  }
0x1a3: {  	v37 =	vmax.f32 v0, v60;
	v0 =	vperm.xlane v1, v6;
	v58 =	vpop (erf)  }
0x1a4: {  	v54 =	vadd.f32 v54, v58;
	v47 =	vmax.f32 v47, v55  }
0x1a5: {  	v62 =	vperm.xlane v20, v3;
	v63 =	vpop (erf);
	v0 =	vadd.f32 v1, v0;
	v1 =	vperm.xlane v47, v6  }
0x1a6: {  	v59 =	vperm.xlane v18, v6;
	v54 =	vadd.f32 v54, v63  }
0x1a7: {  	v38 =	vsel vm9, v39, v38;
	v60 =	vperm.xlane v34, v30;
	v20 =	vmax.f32 v20, v62;
	v55 =	vpop (erf)  }
0x1a8: {  	v38 =	vsel vm10, v38, v40;
	v56 =	vperm.xlane v20, v4;
	v54 =	vadd.f32 v54, v55  }
0x1a9: {  	v18 =	vadd.f32 v18, v59;
	vm15 =	veq.s32 v60, v7;
	v39 =	vmax.f32 v47, v1;
	v1 =	vpop (erf)  }
0x1aa: {  	v53 =	vnsel vm15, $0xFF800000, v53;
	v20 =	vmax.f32 v20, v56;
	v1 =	vadd.f32 v54, v1;
	v59 =	vpop (erf)  }
0x1ab: {  	vm15 =	veq.s32 v60, v5;
	v62 =	vperm.xlane v20, v6;
	v40 =	vnsel vm0, $0x0, v59  }
0x1ac: {  	v18 =	vsel vm9, v41, v18;
	v48 =	vsel vm15, v48, v53;
	v1 =	vadd.f32 v1, v40  }
0x1ad: {  	vm15 =	veq.s32 v60, v8;
	v40 =	vmax.f32 v20, v62;
	v20 =	vmax.f32 v48, v52  }
0x1ae: {  	v47 =	vsub.f32 v42, v40;
	v20 =	vsel vm15, v20, v48;
	v63 =	vperm.xlane v1, v2  }
0x1af: {  	v41 =	vsel vm10, v18, v0;
	vm15 =	veq.s32 v60, v9;
	v48 =	vmax.f32 v20, v50  }
0x1b0: {  	v47 =	vmul.f32 $1.442695020e+00, v47;
	v20 =	vsel vm15, v48, v20;
	v1 =	vadd.f32 v1, v63  }
0x1b1: {  	v58 =	vld [tilespmem:s19+$0x278];
	vm15 =	veq.s32 v60, v10;
	v48 =	vmax.f32 v20, v49;
	v49 =	vsub.f32 v46, v40  }
0x1b2: {  	v55 =	vld [tilespmem:s19+$0x258];
	(erf) = vpow2.f32 v47;
	v0 =	vsel vm15, v48, v20;
	v18 =	vperm.xlane v1, v3  }
0x1b3: {  	v59 =	vld [tilespmem:s19+$0x268];
	vm15 =	veq.s32 v60, v11;
	v20 =	vmax.f32 v0, v45  }
0x1b4: {  	v56 =	vld [tilespmem:s19+$0x288];
	v50 =	vmul.f32 $1.442695020e+00, v49;
	v0 =	vsel vm15, v20, v0;
	v1 =	vadd.f32 v1, v18  }
0x1b5: {  	v54 =	vld [tilespmem:s19+$0x298];
	vm15 =	veq.s32 v60, v12;
	v18 =	vsub.f32 v61, v40;
	v20 =	vmax.f32 v0, v42  }
0x1b6: {  	v45 =	vld [tilespmem:s19+$0x2B8];
	(erf) = vpow2.f32 v50;
	v0 =	vsel vm15, v20, v0;
	v20 =	vperm.xlane v1, v4  }
0x1b7: {  	v53 =	vld [tilespmem:s19+$0x2A8];
	v52 =	vsub.f32 v57, v40;
	v18 =	vmul.f32 $1.442695020e+00, v18  }
0x1b8: {  	v47 =	vperm.xlane v34, v31;
	v60 =	vadd.f32 v1, v20;
	v1 =	vmax.f32 v55, v59  }
0x1b9: {  	v48 =	vperm.xlane v0, v2;
	(erf) = vpow2.f32 v18;
	v1 =	vmax.f32 v1, v58  }
0x1ba: {  	v63 =	vadd.s32 $0x64, v47;
	v18 =	vmul.f32 $1.442695020e+00, v52;
	v1 =	vmax.f32 v1, v56  }
0x1bb: {  	v62 =	vnsel vm0, $0xFF800000, v45;
	v0 =	vmax.f32 v0, v48;
	v52 =	vpop (erf);
	v1 =	vmax.f32 v1, v54  }
0x1bc: {  	(erf) = vpow2.f32 v18;
	v47 =	vsel vm0, $0x0, v52;
	v52 =	vld [tilespmem:s19+$0x2C8];
	v1 =	vmax.f32 v1, v53  }
0x1bd: {  	v21 =	vsub.f32 v51, v40;
	v50 =	vld [tilespmem:s19+$0x2D8];
	v20 =	vperm.xlane v0, v3;
	v1 =	vmax.f32 v1, v62  }
0x1be: {  	v49 =	vld [tilespmem:s19+$0x2E8];
	vm15 =	veq.s32 v63, v13;
	v18 =	vadd.f32 $0.0e+00, v47;
	v22 =	vperm.xlane v1, v2  }
0x1bf: {  	v48 =	vld [tilespmem:s19+$0x2F8];
	v62 =	vmax.f32 v0, v20;
	v0 =	vpop (erf);
	v20 =	vnsel vm15, $0xFF800000, v46  }
0x1c0: {  	v47 =	vld [tilespmem:s19+$0x308];
	v0 =	vadd.f32 v18, v0;
	v18 =	vmul.f32 $1.442695020e+00, v21;
	v21 =	vsel vm0, $0xFF800000, v45  }
0x1c1: {  	vm15 =	veq.s32 v63, v12;
	v46 =	vld [tilespmem:s19+$0x318];
	v1 =	vmax.f32 v1, v22;
	v21 =	vmax.f32 v21, v52  }
0x1c2: {  	(erf) = vpow2.f32 v18;
	v18 =	vperm.xlane v1, v3;
	v21 =	vmax.f32 v21, v50;
	v22 =	vpop (erf)  }
0x1c3: {  	v20 =	vsel vm15, v42, v20;
	vm15 =	veq.s32 v63, v14;
	v0 =	vadd.f32 v0, v22  }
0x1c4: {  	v22 =	vmax.f32 v20, v61;
	v1 =	vmax.f32 v1, v18;
	v18 =	vmax.f32 v21, v49  }
0x1c5: {  	v20 =	vsel vm15, v22, v20;
	v21 =	vpop (erf);
	v22 =	vperm.xlane v1, v4;
	v18 =	vmax.f32 v18, v48  }
0x1c6: {  	v0 =	vadd.f32 v0, v21;
	v18 =	vmax.f32 v18, v47;
	v21 =	vnsel vm1, $0xFF800000, v46  }
0x1c7: {  	v42 =	vsub.f32 v44, v40;
	v1 =	vmax.f32 v1, v22;
	v18 =	vmax.f32 v18, v21  }
0x1c8: {  	v21 =	vsub.f32 v43, v40;
	v22 =	vperm.xlane v1, v6;
	v61 =	vperm.xlane v18, v2  }
0x1c9: {  	v23 =	vmul.f32 $1.442695020e+00, v42  }
0x1ca: {  	v21 =	vmul.f32 $1.442695020e+00, v21;
	v42 =	vmax.f32 v1, v22;
	v1 =	vmax.f32 v18, v61  }
0x1cb: {  	(erf) = vpow2.f32 v23;
	v18 =	vpop (erf);
	v22 =	vsub.f32 v55, v42;
	v23 =	vperm.xlane v1, v3  }
0x1cc: {  	vm15 =	veq.s32 v63, v15;
	v0 =	vadd.f32 v0, v18;
	(erf) = vpow2.f32 v21  }
0x1cd: {  	v21 =	vsub.f32 v59, v42;
	v18 =	vmul.f32 $1.442695020e+00, v22;
	v1 =	vmax.f32 v1, v23  }
0x1ce: {  	v57 =	vmax.f32 v20, v57;
	v22 =	vsub.f32 v58, v42;
	v23 =	vperm.xlane v1, v4  }
0x1cf: {  	v20 =	vsel vm15, v57, v20;
	(erf) = vpow2.f32 v18;
	v18 =	vmul.f32 $1.442695020e+00, v21  }
0x1d0: {  	v21 =	vmul.f32 $1.442695020e+00, v22;
	v22 =	vsub.f32 v56, v42;
	v1 =	vmax.f32 v1, v23  }
0x1d1: {  	(erf) = vpow2.f32 v18;
	v18 =	vsub.f32 v54, v42;
	v23 =	vperm.xlane v1, v6  }
0x1d2: {  	(erf) = vpow2.f32 v21;
	v21 =	vmul.f32 $1.442695020e+00, v22;
	v22 =	vsub.f32 v53, v42  }
0x1d3: {  	vm15 =	veq.s32 v63, v16;
	v57 =	vmax.f32 v20, v51  }
0x1d4: {  	v61 =	vsub.f32 v45, v42;
	v18 =	vmul.f32 $1.442695020e+00, v18;
	v51 =	vmax.f32 v1, v23  }
0x1d5: {  	(erf) = vpow2.f32 v21;
	v1 =	vmul.f32 $1.442695020e+00, v22;
	v21 =	vsub.f32 v45, v51  }
0x1d6: {  	v20 =	vsel vm15, v57, v20;
	(erf) = vpow2.f32 v18;
	v18 =	vmul.f32 $1.442695020e+00, v61;
	v22 =	vpop (erf)  }
0x1d7: {  	(erf) = vpow2.f32 v1;
	v1 =	vmul.f32 $1.442695020e+00, v21;
	v0 =	vadd.f32 v0, v22;
	v22 =	vpop (erf)  }
0x1d8: {  	(erf) = vpow2.f32 v18;
	v18 =	vsub.f32 v52, v51;
	v21 =	vnsel vm1, $0x0, v22  }
0x1d9: {  	vm15 =	veq.s32 v63, v17;
	(erf) = vpow2.f32 v1;
	v0 =	vadd.f32 v0, v21  }
0x1da: {  	v1 =	vmax.f32 v20, v44;
	v18 =	vmul.f32 $1.442695020e+00, v18;
	v21 =	vsub.f32 v50, v51  }
0x1db: {  	v1 =	vsel vm15, v1, v20;
	v20 =	vperm.xlane v0, v2  }
0x1dc: {  	v22 =	vpop (erf);
	(erf) = vpow2.f32 v18;
	v18 =	vmul.f32 $1.442695020e+00, v21;
	v21 =	vsub.f32 v49, v51  }
0x1dd: {  	v22 =	vadd.f32 $0.0e+00, v22;
	v23 =	vpop (erf);
	v0 =	vadd.f32 v0, v20  }
0x1de: {  	v44 =	vpop (erf);
	v20 =	vsub.f32 v48, v51;
	(erf) = vpow2.f32 v18;
	v18 =	vmul.f32 $1.442695020e+00, v21  }
0x1df: {  	vm15 =	veq.s32 v63, v19;
	v43 =	vmax.f32 v1, v43;
	v57 =	vpop (erf);
	v21 =	vsub.f32 v47, v51  }
0x1e0: {  	v22 =	vadd.f32 v22, v23;
	v61 =	vpop (erf);
	v20 =	vmul.f32 $1.442695020e+00, v20;
	(erf) = vpow2.f32 v18  }
0x1e1: {  	v1 =	vsel vm15, v43, v1;
	v63 =	vpop (erf);
	v18 =	vmul.f32 $1.442695020e+00, v21;
	v21 =	vperm.xlane v34, v32  }
0x1e2: {  	v22 =	vadd.f32 v22, v44;
	v24 =	vpop (erf);
	(erf) = vpow2.f32 v20;
	v20 =	vsub.f32 v46, v51  }
0x1e3: {  	v44 =	vperm.xlane v60, v6;
	v43 =	vperm.xlane v0, v3;
	v23 =	vpop (erf);
	vm15 =	veq.s32 v21, v7  }
0x1e4: {  	(erf) = vpow2.f32 v18;
	v18 =	vsel vm0, $0x0, v23;
	v20 =	vmul.f32 $1.442695020e+00, v20  }
0x1e5: {  	v23 =	vnsel vm15, $0xFF800000, v59;
	vm15 =	veq.s32 v21, v5;
	v18 =	vadd.f32 $0.0e+00, v18  }
0x1e6: {  	v44 =	vadd.f32 v60, v44;
	v23 =	vsel vm15, v55, v23;
	v55 =	vpop (erf);
	(erf) = vpow2.f32 v20  }
0x1e7: {  	v22 =	vadd.f32 v22, v57;
	v18 =	vadd.f32 v18, v55  }
0x1e8: {  	v34 =	vperm.xlane v34, v33;
	v0 =	vadd.f32 v0, v43;
	v20 =	vmax.f32 v23, v58;
	v58 =	vpop (erf)  }
0x1e9: {  	v22 =	vadd.f32 v22, v61;
	v18 =	vadd.f32 v18, v58  }
0x1ea: {  	v24 =	vnsel vm0, $0x0, v24;
	v34 =	vadd.s32 $0x64, v34;
	vm15 =	veq.s32 v21, v8;
	v58 =	vpop (erf)  }
0x1eb: {  	v41 =	vsel vm11, v41, v44;
	v20 =	vsel vm15, v20, v23;
	v18 =	vadd.f32 v18, v58  }
0x1ec: {  	v23 =	vperm.xlane v62, v4;
	vm15 =	veq.s32 v21, v9;
	v59 =	vmax.f32 v20, v56;
	v60 =	vpop (erf)  }
0x1ed: {  	v22 =	vadd.f32 v22, v63;
	v20 =	vsel vm15, v59, v20;
	v18 =	vadd.f32 v18, v60  }
0x1ee: {  	v23 =	vmax.f32 v62, v23;
	vm15 =	veq.s32 v21, v10;
	v54 =	vmax.f32 v20, v54;
	v62 =	vpop (erf)  }
0x1ef: {  	v22 =	vadd.f32 v22, v24;
	v20 =	vsel vm15, v54, v20;
	v18 =	vadd.f32 v18, v62;
	v63 =	vpop (erf)  }
0x1f0: {  	vm15 =	veq.s32 v21, v11;
	v53 =	vmax.f32 v20, v53;
	v24 =	vnsel vm1, $0x0, v63  }
0x1f1: {  	v55 =	vperm.xlane v1, v2;
	v20 =	vsel vm15, v53, v20;
	v18 =	vadd.f32 v18, v24  }
0x1f2: {  	vm15 =	veq.s32 v21, v12;
	v21 =	vmax.f32 v20, v45;
	v24 =	vperm.xlane v22, v2  }
0x1f3: {  	v20 =	vsel vm15, v21, v20;
	vm15 =	veq.s32 v34, v13;
	v21 =	vperm.xlane v18, v2  }
0x1f4: {  	v22 =	vadd.f32 v22, v24;
	v24 =	vnsel vm15, $0xFF800000, v52;
	vm15 =	veq.s32 v34, v12  }
0x1f5: {  	v1 =	vmax.f32 v1, v55;
	v24 =	vsel vm15, v45, v24;
	vm15 =	veq.s32 v34, v14  }
0x1f6: {  	v18 =	vadd.f32 v18, v21;
	v21 =	vperm.xlane v22, v3;
	v54 =	vmax.f32 v24, v50  }
0x1f7: {  	v59 =	vperm.xlane v0, v4;
	v24 =	vsel vm15, v54, v24;
	vm15 =	veq.s32 v34, v15  }
0x1f8: {  	v56 =	vperm.xlane v18, v3;
	v21 =	vadd.f32 v22, v21;
	v22 =	vmax.f32 v24, v49  }
0x1f9: {  	v58 =	vperm.xlane v1, v3;
	v22 =	vsel vm15, v22, v24;
	vm15 =	veq.s32 v34, v16  }
0x1fa: {  	v18 =	vadd.f32 v18, v56;
	v24 =	vperm.xlane v21, v4;
	v57 =	vmax.f32 v22, v48  }
0x1fb: {  	v0 =	vadd.f32 v0, v59;
	v22 =	vsel vm15, v57, v22;
	vm15 =	veq.s32 v34, v17  }
0x1fc: {  	v45 =	vperm.xlane v18, v4;
	v21 =	vadd.f32 v21, v24;
	v24 =	vmax.f32 v22, v47  }
0x1fd: {  	v53 =	vperm.xlane v0, v6;
	v22 =	vsel vm15, v24, v22;
	vm15 =	veq.s32 v34, v19  }
0x1fe: {  	v18 =	vadd.f32 v18, v45;
	v24 =	vperm.xlane v21, v6;
	v59 =	vmax.f32 v22, v46  }
0x1ff: {  	v0 =	vadd.f32 v0, v53;
	v60 =	vperm.xlane v20, v2;
	v22 =	vsel vm15, v59, v22  }
0x200: {  	v61 =	vperm.xlane v18, v6;
	v21 =	vadd.f32 v21, v24;
	v24 =	vperm.xlane v22, v2  }
0x201: {  	v1 =	vmax.f32 v1, v58;
	v0 =	vsel vm12, v41, v0;
	v20 =	vmax.f32 v20, v60  }
0x202: {  	v62 =	vperm.xlane v20, v3;
	v18 =	vadd.f32 v18, v61;
	v22 =	vmax.f32 v22, v24  }
0x203: {  	v0 =	vsel vm13, v0, v21;
	v21 =	vperm.xlane v1, v4;
	v24 =	vperm.xlane v22, v3  }
0x204: {  	v20 =	vmax.f32 v20, v62;
	v0 =	vsel vm14, v0, v18;
	v18 =	vperm.xlane v23, v6  }
0x205: {  	(erf) = vrcp.f32 v0;
	v0 =	vmax.f32 v1, v21;
	v21 =	vmax.f32 v22, v24  }
0x206: {  	v1 =	vperm.xlane v20, v4;
	v22 =	vsel vm9, v35, v37;
	v63 =	vperm.xlane v21, v4  }
0x207: {  	v24 =	vperm.xlane v0, v6;
	v22 =	vsel vm10, v22, v39;
	v18 =	vmax.f32 v23, v18  }
0x208: {  	v23 =	vsel vm11, v38, v36;
	v1 =	vmax.f32 v20, v1;
	v21 =	vmax.f32 v21, v63  }
0x209: {  	v18 =	vsel vm11, v22, v18;
	v20 =	vperm.xlane v1, v6;
	v22 =	vperm.xlane v21, v6  }
0x20a: {  	v23 =	vsel vm12, v23, v40;
	v0 =	vmax.f32 v0, v24  }
0x20b: {  	p0 =	sne.s32 s15, $0x9600;
	v0 =	vsel vm12, v18, v0;
	v1 =	vmax.f32 v1, v20;
	v18 =	vmax.f32 v21, v22  }
.Ltmp0:
0x20c: {  	v20 =	vsel vm13, v23, v42;
	v0 =	vsel vm13, v0, v1;
	(pc) =	sbr.rel @p0 .LBB2_3-.Ltmp0, $4  }
0x20d: {  	v23 =	vimm.s32 $0x6;
	v1 =	vsel vm14, v20, v51;
	v0 =	vsel vm14, v0, v18  }
0x20e: {  	v22 =	vimm.s32 $0x5;
	v20 =	vimm.f32 $0.0e+00;
	vm15 =	veq.f32 v0, v1;
	v18 =	vpop (erf)  }
0x20f: {  	s15 =	sadd.s32 $0x640, s15;
	s16 =	sadd.s32 $0x10, s16;
	v21 =	vimm.s32 $0x4;
	v1 =	vimm.s32 $0x1;
	v0 =	vsel vm15, $0x3F800000, v20;
	[tilespmem:s18+$0x0] =	vst v18  }
0x210: {  	s19 =	sadd.s32 $0x640, s19;
	v20 =	vimm.s32 $0x3;
	v18 =	vimm.s32 $0x2;
	s18 =	sadd.s32 $0x10, s18;
	[tilespmem:s17+$0x0] =	vst v0;
	v0 =	vimm.s32 $0x0;
	s17 =	sadd.s32 $0x10, s17  }
0x211: {  	s14 =	sshrl.u32 s14, $0x3  }
0x212: {  	s15 =	sadd.s32 s5, s14  }
0x213: {  	[hbm4b:s15+s2] =	stream.linear.scatter [tilespmem:s10], [sflag:$0x1], $0x190, $0x38;
	[tilespmem:$0xA280] =	vst v63  }
0x214: {  	s13 =	sadd.s32 $0x1, s13;
	_ =	swait.ge [sflag:s9], $0x190  }
0x215: {  	p0 =	sne.s32 s13, $0xA;
	[sflag:s9] =	ssyncset.done $0x0  }
.Ltmp1:
0x216: {  	s14 =	sadd.s32 s6, s14;
	[sflag:s9] =	ssyncadd.s32 $0xFFFFFE70;
	(pc) =	sbr.rel @p0 .LBB2_2-.Ltmp1, $4  }
0x217: {  	[hbm4b:s14+s2] =	stream.linear.scatter [tilespmem:s11], [sflag:$0x1], $0x190, $0x38;
	[tilespmem:$0xA280] =	vst v63  }
0x218: {  	_ =	swait.ge [sflag:s9], $0x190  }
0x219: {  	[sflag:s9] =	ssyncset.done $0x0  }
0x21a: {  	[sflag:s9] =	ssyncadd.s32 $0xFFFFFE70  }
0x21b: {  	s12 =	sadd.s32 $0x1, s12  }
0x21c: {  	p0 =	sne.s32 s12, s8  }
.Ltmp2:
0x21d: {  	_ = 	snop;
	(pc) =	sbr.rel @p0 .LBB2_1-.Ltmp2, $1  }
0x21e: {  	_ =	sdelay $0x3  }
0x21f: {  	_ =	sfence.sel $0x180000  }
0x220: {  	[bflag:$0x0] =	sbarrier.arrive $0xFFFF  }
0x221: {  	p0 =	sne.s32 s3, $0x0;
	_ =	strace $0x90000047  }
0x222: {  	s0 =	sadd.s32 @!p0 $0x100000, s0;
	[bflag:$0x2] =	sbarrier.arrive $0xFFFF  }
0x223: {  	[sflag:s0] =	ssyncadd.tile.s32 @!p0 $0x1;
	_ =	shalt  }
.Lfunc_end2:
_tile_overlayer_lowered:
.L_overlay_start_2:
0x224: {  	(tag) =	ssettag $0x2  }
0x225: {  	s0 =	rddreg [dreg:$0x0];
	s2 =	stileid.u32  }
0x226: {  	s1 =	rddreg [dreg:$0x1];
	p0 =	sne.s32 s2, $0x0  }
0x227: {  	s3 =	rddreg [dreg:$0x2];
	[bflag:$0x3] =	sbarrier.arrive $0xFFFF;
	s2 =	simm.s32 @!p0 $0x1C01  }
0x228: {  	[timem:s3], [sflag:s2] =	dma.local @!p0 [hbm:s0], s1  }
0x229: {  	s0 =	simm.s32 @!p0 $0x1  }
0x22a: {  	_ =	swait.ge @!p0 [sflag:s0], s1  }
0x22b: {  	s1 =	ssub.s32 @!p0 $0x0, s1;
	[sflag:s0] =	ssyncset.done @!p0 $0x0  }
0x22c: {  	[sflag:s0] =	ssyncadd.s32 @!p0 s1  }
0x22d: {  	[bflag:$0x3] =	sbarrier.arrive $0xFFFF  }
0x22e: {  	_ =	shalt  }

</sc_bundles>
